<compile_context>
chip_gen: v7x
topology: tpu7x:2x2x1
jax: 0.10.2.dev20260603
libtpu: 0.0.44.dev20260713+nightly
codegen_flags: <defaults>
</compile_context>

<pallas_src>
import functools

import jax
import jax.numpy as jnp
from jax import lax
from jax.experimental import pallas as pl
from jax.experimental.pallas import tpu as pltpu
from jax.experimental.pallas import tpu_sc as plsc

G = 64
NPAD = 10240
NC = 2
NS = 16


def _matmul_call(a, b, BN, bias=None):
    NA, K = a.shape
    KO = b.shape[1]
    NB = NA // BN

    def body(*refs):
        if bias is None:
            a_ref, b_ref, o_ref = refs
            o_ref[...] = jnp.dot(a_ref[...], b_ref[...],
                                 preferred_element_type=jnp.float32)
        else:
            a_ref, b_ref, c_ref, o_ref = refs
            o_ref[...] = jnp.dot(a_ref[...], b_ref[...],
                                 preferred_element_type=jnp.float32) + c_ref[...]

    in_specs = [pl.BlockSpec((BN, K), lambda i: (i, 0)),
                pl.BlockSpec((K, KO), lambda i: (0, 0))]
    args = [a, b]
    if bias is not None:
        in_specs.append(pl.BlockSpec((1, KO), lambda i: (0, 0)))
        args.append(bias)
    return pl.pallas_call(
        body,
        grid=(NB,),
        in_specs=in_specs,
        out_specs=pl.BlockSpec((BN, KO), lambda i: (i, 0)),
        out_shape=jax.ShapeDtypeStruct((NA, KO), jnp.float32),
    )(*args)


def _y2_zero_call(x, W2, BN):
    N, D = x.shape
    H = W2.shape[1]
    NB = N // BN
    BZ = NPAD // 2 // NB

    def body(x_ref, w_ref, y2_ref, z_ref):
        yv = jnp.dot(x_ref[...], w_ref[...],
                     preferred_element_type=jnp.float32)
        y2_ref[...] = jnp.concatenate([yv, yv], axis=1)
        z_ref[...] = jnp.zeros_like(z_ref)

    return pl.pallas_call(
        body,
        grid=(NB,),
        in_specs=[pl.BlockSpec((BN, D), lambda i: (i, 0)),
                  pl.BlockSpec((D, H), lambda i: (0, 0))],
        out_specs=[pl.BlockSpec((BN, 2 * H), lambda i: (i, 0)),
                   pl.BlockSpec((BZ, 2 * H), lambda i: (i, 0))],
        out_shape=[jax.ShapeDtypeStruct((N, 2 * H), jnp.float32),
                   jax.ShapeDtypeStruct((NPAD // 2, 2 * H), jnp.float32)],
    )(x, W2)


@functools.lru_cache(maxsize=None)
def _make_sc_scatter(NCHUNK, H, CH):
    NW = NC * NS
    CPW = NCHUNK // NW
    REM = NCHUNK - CPW * NW
    GL = 6
    LA = 4
    NGL = CPW // GL
    TROWS = NPAD // NS

    mesh = plsc.VectorSubcoreMesh(core_axis_name="c", subcore_axis_name="s")

    @functools.partial(
        pl.kernel,
        mesh=mesh,
        compiler_params=pltpu.CompilerParams(use_tc_tiling_on_sc=False),
        out_type=jax.ShapeDtypeStruct((NC, NPAD, H), jnp.float32),
        scratch_types=[
            pltpu.VMEM((2, GL, CH), jnp.int32),
            pltpu.VMEM((2, GL, CH), jnp.int32),
            pltpu.VMEM((GL, CH, H), jnp.float32),
            pltpu.VMEM_SHARED((NPAD, H), jnp.float32),
            pltpu.SemaphoreType.DMA,
        ],
    )
    def sc_fn(y_hbm, ei_hbm, zero_hbm, out_hbm,
              src_v, dst_v, rows_v, acc_sh, sem_g):
        c = lax.axis_index("c")
        s = lax.axis_index("s")
        tstart = s * TROWS
        pltpu.sync_copy(zero_hbm.at[pl.ds(tstart, TROWS)],
                        acc_sh.at[pl.ds(tstart, TROWS)])
        plsc.subcore_barrier()

        wid = c * NS + s
        row0 = CPW * wid + jnp.minimum(wid, REM)

        def fetch_group(g, ib):
            start = row0 + g * GL
            pltpu.sync_copy(ei_hbm.at[0, pl.ds(start, GL)], src_v.at[ib])
            pltpu.sync_copy(ei_hbm.at[1, pl.ds(start, GL)], dst_v.at[ib])
            for p in range(GL):
                for k in range(CH // 16):
                    sl = pl.ds(k * 16, 16)
                    src_v[ib, p, sl] = src_v[ib, p, sl] * 2

        def fire_gather(slot, ib, pos):
            pltpu.async_copy(y_hbm.at[src_v.at[ib, pos]],
                             rows_v.at[slot], sem_g)

        def wait_gather(slot, ib, pos):
            pltpu.make_async_copy(y_hbm.at[src_v.at[ib, pos]],
                                  rows_v.at[slot], sem_g).wait()

        def scatter_sync(slot, ib, pos):
            pltpu.sync_copy(rows_v.at[slot], acc_sh.at[dst_v.at[ib, pos]],
                            add=True)

        fetch_group(0, 0)
        for b in range(LA):
            fire_gather(b, 0, b)

        def body(g, carry):
            ib = lax.rem(g, 2)
            ibn = 1 - ib
            fetch_group(g + 1, ibn)
            for b in range(GL):
                if b + LA < GL:
                    fire_gather(b + LA, ib, b + LA)
                else:
                    fire_gather(b + LA - GL, ibn, b + LA - GL)
                wait_gather(b, ib, b)
                scatter_sync(b, ib, b)
            return carry

        lax.fori_loop(0, NGL - 1, body, 0)
        ibl = (NGL - 1) % 2
        for b in range(GL):
            if b + LA < GL:
                fire_gather(b + LA, ibl, b + LA)
            wait_gather(b, ibl, b)
            scatter_sync(b, ibl, b)

        @pl.when(wid < REM)
        def _tail():
            start = row0 + CPW
            pltpu.sync_copy(ei_hbm.at[0, start], src_v.at[0, 0])
            pltpu.sync_copy(ei_hbm.at[1, start], dst_v.at[0, 0])
            for k in range(CH // 16):
                sl = pl.ds(k * 16, 16)
                src_v[0, 0, sl] = src_v[0, 0, sl] * 2
            pltpu.async_copy(y_hbm.at[src_v.at[0, 0]], rows_v.at[0],
                             sem_g).wait()
            pltpu.sync_copy(rows_v.at[0], acc_sh.at[dst_v.at[0, 0]], add=True)

        plsc.subcore_barrier()
        pltpu.sync_copy(acc_sh.at[pl.ds(tstart, TROWS)],
                        out_hbm.at[c, pl.ds(tstart, TROWS)])

    return sc_fn


def _head_call(xw1b, msgp, batch_e, batch_o, Wout, bout,
               D1W, D1b, D2W, D2b, D3W, D3b, BP):
    NP = xw1b.shape[0]
    H = Wout.shape[0]
    M = Wout.shape[1]
    HN = D1W.shape[1]
    T = D3W.shape[1]
    NB = NP // BP

    def body(xw1b_ref, msg_ref, be_ref, bo_ref, wout_ref, bout_ref,
             d1w_ref, d1b_ref, d2w_ref, d2b_ref, d3w_ref, d3b_ref,
             out_ref, acc_ref, cnt_ref):
        i = pl.program_id(0)

        @pl.when(i == 0)
        def _init():
            acc_ref[...] = jnp.zeros_like(acc_ref)
            cnt_ref[...] = jnp.zeros_like(cnt_ref)

        h = jnp.tanh(xw1b_ref[...] + msg_ref[0] + msg_ref[1])
        oh_e = (be_ref[0] == lax.broadcasted_iota(jnp.int32, (G, BP), 0)
                ).astype(jnp.float32)
        oh_o = (bo_ref[0] == lax.broadcasted_iota(jnp.int32, (G, BP), 0)
                ).astype(jnp.float32)
        acc_ref[...] += (
            jnp.dot(oh_e, h[:, :H], preferred_element_type=jnp.float32)
            + jnp.dot(oh_o, h[:, H:], preferred_element_type=jnp.float32))
        cnt_ref[...] += (jnp.sum(oh_e, axis=1, keepdims=True)
                         + jnp.sum(oh_o, axis=1, keepdims=True))

        @pl.when(i == NB - 1)
        def _final():
            pooled = acc_ref[...] / jnp.maximum(cnt_ref[...], 1.0)
            psi = jnp.dot(pooled, wout_ref[...],
                          preferred_element_type=jnp.float32) + bout_ref[...]
            h1 = jnp.dot(jax.nn.relu(psi), d1w_ref[...],
                         preferred_element_type=jnp.float32) + d1b_ref[...]
            h2 = jnp.dot(jax.nn.relu(h1), d2w_ref[...],
                         preferred_element_type=jnp.float32) + d2b_ref[...]
            out_ref[...] = jnp.dot(jax.nn.relu(h2), d3w_ref[...],
                                   preferred_element_type=jnp.float32) + d3b_ref[...]

    full = lambda shape: pl.BlockSpec(shape, lambda i: tuple(0 for _ in shape))
    return pl.pallas_call(
        body,
        grid=(NB,),
        in_specs=[
            pl.BlockSpec((BP, 2 * H), lambda i: (i, 0)),
            pl.BlockSpec((NC, BP, 2 * H), lambda i: (0, i, 0)),
            pl.BlockSpec((1, 1, BP), lambda i: (i, 0, 0)),
            pl.BlockSpec((1, 1, BP), lambda i: (i, 0, 0)),
            full((H, M)), full((1, M)),
            full((M, HN)), full((1, HN)), full((HN, HN)), full((1, HN)),
            full((HN, T)), full((1, T)),
        ],
        out_specs=pl.BlockSpec((G, T), lambda i: (0, 0)),
        out_shape=jax.ShapeDtypeStruct((G, T), jnp.float32),
        scratch_shapes=[pltpu.VMEM((G, H), jnp.float32),
                        pltpu.VMEM((G, H), jnp.float32)],
    )(xw1b, msgp, batch_e, batch_o, Wout, bout,
      D1W, D1b, D2W, D2b, D3W, D3b)


def kernel(x, edge_index, batch, W1, b1, W2, Wout, bout,
           D1W, D1b, D2W, D2b, D3W, D3b):
    N, D = x.shape
    H = W1.shape[1]
    E = edge_index.shape[1]
    CH = 128

    y2, zpair = _y2_zero_call(x, W2, 1000)
    yv = y2.reshape(2 * N, H)
    zero = zpair.reshape(NPAD, H)

    ei3 = edge_index.reshape(2, E // CH, CH)
    msg = _make_sc_scatter(E // CH, H, CH)(yv, ei3, zero)
    msgp = msg.reshape(NC, NPAD // 2, 2 * H)

    x2 = x.reshape(N // 2, 2 * D)
    W1blk = jnp.concatenate(
        [jnp.concatenate([W1, jnp.zeros_like(W1)], axis=1),
         jnp.concatenate([jnp.zeros_like(W1), W1], axis=1)], axis=0)
    b1c = jnp.concatenate([b1, b1]).reshape(1, 2 * H)
    xw1b = _matmul_call(x2, W1blk, 1000, bias=b1c)

    b2 = batch.reshape(N // 2, 2)
    NBP = N // 2 // 1000
    batch_e = b2[:, 0].reshape(NBP, 1, 1000)
    batch_o = b2[:, 1].reshape(NBP, 1, 1000)
    return _head_call(xw1b, msgp, batch_e, batch_o, Wout,
                      bout.reshape(1, -1), D1W, D1b.reshape(1, -1),
                      D2W, D2b.reshape(1, -1), D3W, D3b.reshape(1, -1), 1000)

# --- scband reference (transcript-rebuilt; emitter-appended) ---
"""Pipeline reference for scband-grnf-13211319402617 (READ-ONLY COPY).

The authoritative reference and input builder live on the scoring server;
editing this copy changes nothing except your own understanding.
"""

import jax, jax.numpy as jnp
import numpy as np

N = 10000   # nodes
E = 320000  # edges
D = 128     # dim_features
H = 64      # num_hidden_features
M = 512     # num_random_features
HN = 256    # num_hidden_neurons
T = 10      # dim_target
G = 64      # graphs in batch


def setup_inputs(seed: int = 0) -> dict:
    key = jax.random.key(seed)
    ks = jax.random.split(key, 16)
    x = jax.random.normal(ks[0], (N, D), dtype=jnp.float32)
    edge_index = jax.random.randint(ks[1], (2, E), 0, N, dtype=jnp.int32)
    batch = jnp.sort(jax.random.randint(ks[2], (N,), 0, G, dtype=jnp.int32))
    # GRNF2_layer random (frozen) message-passing parameters
    W1 = jax.random.normal(ks[3], (D, H), dtype=jnp.float32) / np.sqrt(D)
    W2 = jax.random.normal(ks[4], (D, H), dtype=jnp.float32) / np.sqrt(D)
    b1 = jax.random.normal(ks[5], (H,), dtype=jnp.float32) * 0.1
    Wout = jax.random.normal(ks[6], (H, M), dtype=jnp.float32) / np.sqrt(H)
    bout = jax.random.normal(ks[7], (M,), dtype=jnp.float32) * 0.1
    # dense head: Linear(512->256), Linear(256->256), Linear(256->10)
    D1W = jax.random.normal(ks[8], (M, HN), dtype=jnp.float32) / np.sqrt(M)
    D1b = jnp.zeros((HN,), dtype=jnp.float32)
    D2W = jax.random.normal(ks[9], (HN, HN), dtype=jnp.float32) / np.sqrt(HN)
    D2b = jnp.zeros((HN,), dtype=jnp.float32)
    D3W = jax.random.normal(ks[10], (HN, T), dtype=jnp.float32) / np.sqrt(HN)
    D3b = jnp.zeros((T,), dtype=jnp.float32)
    return {"x": x, "edge_index": edge_index, "batch": batch,
            "W1": W1, "b1": b1, "W2": W2, "Wout": Wout, "bout": bout,
            "D1W": D1W, "D1b": D1b, "D2W": D2W, "D2b": D2b, "D3W": D3W, "D3b": D3b}


def _grnf_layer(x, edge_index, batch, W1, b1, W2, Wout, bout):
    src = edge_index[0]
    dst = edge_index[1]
    # message passing: aggregate neighbor features by sum at dst
    msg = jax.ops.segment_sum(x[src], dst, num_segments=N)
    h = jnp.tanh(x @ W1 + msg @ W2 + b1)
    # per-graph mean readout
    pooled = jax.ops.segment_sum(h, batch, num_segments=G)
    counts = jax.ops.segment_sum(jnp.ones((N,), dtype=jnp.float32), batch, num_segments=G)
    pooled = pooled / jnp.maximum(counts, 1.0)[:, None]
    psi = pooled @ Wout + bout  # [G, M] graph random neural features
    return psi


def reference(x, edge_index, batch, W1, b1, W2, Wout, bout, D1W, D1b, D2W, D2b, D3W, D3b):
    psi = _grnf_layer(x, edge_index, batch, W1, b1, W2, Wout, bout)
    h = psi
    # forward applies relu before each dense layer
    h = jax.nn.relu(h) @ D1W + D1b
    h = jax.nn.relu(h) @ D2W + D2b
    h = jax.nn.relu(h) @ D3W + D3b
    return h

if __name__ == "__main__":
    import jax
    _d = setup_inputs()
    print(jax.jit(kernel)(*tuple(_d.values())))

</pallas_src>

<mosaic_0001>
#map = affine_map<(d0, d1) -> (0, 0)>
#map1 = affine_map<(d0, d1) -> (0, 0, 0)>
module attributes {stable_mosaic.version = 14 : i64} {
  func.func @sc_fn(%arg0: i32, %arg1: i32, %arg2: memref<20000x64xf32, #tpu.memory_space<hbm>>, %arg3: memref<2x2500x128xi32, #tpu.memory_space<hbm>>, %arg4: memref<10240x64xf32, #tpu.memory_space<hbm>>, %arg5: memref<2x10240x64xf32, #tpu.memory_space<hbm>>, %arg6: memref<2x6x128xi32, #tpu.memory_space<vmem>>, %arg7: memref<2x6x128xi32, #tpu.memory_space<vmem>>, %arg8: memref<6x128x64xf32, #tpu.memory_space<vmem>>, %arg9: memref<10240x64xf32, #tpu.memory_space<vmem_shared>>, %arg10: memref<!tpu.dma_semaphore, #tpu.memory_space<semaphore_mem>>) attributes {dimension_semantics = [#tpu.dimension_semantics<core_parallel>, #tpu.dimension_semantics<subcore_parallel>], iteration_bounds = array<i64: 2, 16>, scalar_prefetch = 0 : i64, scratch_operands = 5 : i64, tpu.core_type = #tpu.core_type<sc_vector_subcore>, window_params = [{transform_indices = #map}, {transform_indices = #map1}, {transform_indices = #map}, {transform_indices = #map1}]} {
    %mul3A = arith.constant 640 : i32
    %mul3A_0 = arith.muli %arg1, %mul3A : i32
    "tpu.region"() ({
      %run_scoped3A_1054 = tpu.sem_alloc : memref<!tpu.dma_semaphore, #tpu.memory_space<semaphore_mem>>
      %dma_start3A_1055 = arith.constant 0 : i32
      %dma_start3A_1056 = tpu.memref_slice %arg9[%mul3A_0, %dma_start3A_1055] : memref<10240x64xf32, #tpu.memory_space<vmem_shared>> -> memref<640x64xf32, #tpu.memory_space<vmem_shared>>
      %dma_start3A_1057 = arith.constant 0 : i32
      %dma_start3A_1058 = tpu.memref_slice %arg4[%mul3A_0, %dma_start3A_1057] : memref<10240x64xf32, #tpu.memory_space<hbm>> -> memref<640x64xf32, #tpu.memory_space<hbm>>
      tpu.enqueue_dma source(%dma_start3A_1058 : memref<640x64xf32, #tpu.memory_space<hbm>>) target(%dma_start3A_1056 : memref<640x64xf32, #tpu.memory_space<vmem_shared>>) target_semaphore(%run_scoped3A_1054 : memref<!tpu.dma_semaphore, #tpu.memory_space<semaphore_mem>>)
      %dma_wait3A_1059 = arith.constant 0 : i32
      %dma_wait3A_1060 = tpu.memref_slice %arg9[%mul3A_0, %dma_wait3A_1059] : memref<10240x64xf32, #tpu.memory_space<vmem_shared>> -> memref<640x64xf32, #tpu.memory_space<vmem_shared>>
      %dma_wait3A_1061 = arith.constant 0 : i32
      %dma_wait3A_1062 = tpu.memref_slice %arg4[%mul3A_0, %dma_wait3A_1061] : memref<10240x64xf32, #tpu.memory_space<hbm>> -> memref<640x64xf32, #tpu.memory_space<hbm>>
      tpu.wait_dma2 semaphore(%run_scoped3A_1054 : memref<!tpu.dma_semaphore, #tpu.memory_space<semaphore_mem>>) src(%dma_wait3A_1062 : memref<640x64xf32, #tpu.memory_space<hbm>>) dst(%dma_wait3A_1060 : memref<640x64xf32, #tpu.memory_space<vmem_shared>>)
      tpu.yield
    }) : () -> ()
    %barrier3A = arith.constant 0 : index
    tpu.barrier barrier_id(%barrier3A)
    %mul3A_1 = arith.constant 16 : i32
    %mul3A_2 = arith.muli %arg0, %mul3A_1 : i32
    %add3A = arith.addi %mul3A_2, %arg1 : i32
    %mul3A_3 = arith.constant 78 : i32
    %mul3A_4 = arith.muli %mul3A_3, %add3A : i32
    %min3A = arith.constant 4 : i32
    %min3A_5 = arith.minsi %add3A, %min3A : i32
    %add3A_6 = arith.addi %mul3A_4, %min3A_5 : i32
    %add3A_7 = arith.constant 0 : i32
    %add3A_8 = arith.addi %add3A_6, %add3A_7 : i32
    %run_scoped3A = arith.constant 0 : i32
    %run_scoped3A_9 = arith.constant 0 : i32
    "tpu.region"() ({
      %run_scoped3A_1054 = tpu.sem_alloc : memref<!tpu.dma_semaphore, #tpu.memory_space<semaphore_mem>>
      %dma_start3A_1055 = arith.constant 0 : i32
      %dma_start3A_1056 = arith.constant 0 : i32
      %dma_start3A_1057 = tpu.memref_slice %arg6[%run_scoped3A_9, %dma_start3A_1055, %dma_start3A_1056] : memref<2x6x128xi32, #tpu.memory_space<vmem>> -> memref<1x6x128xi32, #tpu.memory_space<vmem>>
      %dma_start3A_1058 = tpu.memref_squeeze %dma_start3A_1057 : memref<1x6x128xi32, #tpu.memory_space<vmem>> -> memref<6x128xi32, #tpu.memory_space<vmem>>
      %dma_start3A_1059 = arith.constant 0 : i32
      %dma_start3A_1060 = tpu.memref_slice %arg3[%run_scoped3A, %add3A_8, %dma_start3A_1059] : memref<2x2500x128xi32, #tpu.memory_space<hbm>> -> memref<1x6x128xi32, #tpu.memory_space<hbm>>
      %dma_start3A_1061 = tpu.memref_squeeze %dma_start3A_1060 : memref<1x6x128xi32, #tpu.memory_space<hbm>> -> memref<6x128xi32, #tpu.memory_space<hbm>>
      %dma_start3A_1062 = arith.constant 0 : i32
      %dma_start3A_1063 = arith.constant 0 : i32
      %dma_start3A_1064 = tpu.memref_slice %arg6[%run_scoped3A_9, %dma_start3A_1062, %dma_start3A_1063] : memref<2x6x128xi32, #tpu.memory_space<vmem>> -> memref<1x6x128xi32, #tpu.memory_space<vmem>>
      %dma_start3A_1065 = tpu.memref_squeeze %dma_start3A_1064 : memref<1x6x128xi32, #tpu.memory_space<vmem>> -> memref<6x128xi32, #tpu.memory_space<vmem>>
      %dma_start3A_1066 = arith.constant 0 : i32
      %dma_start3A_1067 = tpu.memref_slice %arg3[%run_scoped3A, %add3A_8, %dma_start3A_1066] : memref<2x2500x128xi32, #tpu.memory_space<hbm>> -> memref<1x6x128xi32, #tpu.memory_space<hbm>>
      %dma_start3A_1068 = tpu.memref_squeeze %dma_start3A_1067 : memref<1x6x128xi32, #tpu.memory_space<hbm>> -> memref<6x128xi32, #tpu.memory_space<hbm>>
      tpu.enqueue_dma source(%dma_start3A_1068 : memref<6x128xi32, #tpu.memory_space<hbm>>) target(%dma_start3A_1065 : memref<6x128xi32, #tpu.memory_space<vmem>>) target_semaphore(%run_scoped3A_1054 : memref<!tpu.dma_semaphore, #tpu.memory_space<semaphore_mem>>)
      %dma_wait3A_1069 = arith.constant 0 : i32
      %dma_wait3A_1070 = arith.constant 0 : i32
      %dma_wait3A_1071 = tpu.memref_slice %arg6[%run_scoped3A_9, %dma_wait3A_1069, %dma_wait3A_1070] : memref<2x6x128xi32, #tpu.memory_space<vmem>> -> memref<1x6x128xi32, #tpu.memory_space<vmem>>
      %dma_wait3A_1072 = tpu.memref_squeeze %dma_wait3A_1071 : memref<1x6x128xi32, #tpu.memory_space<vmem>> -> memref<6x128xi32, #tpu.memory_space<vmem>>
      %dma_wait3A_1073 = arith.constant 0 : i32
      %dma_wait3A_1074 = tpu.memref_slice %arg3[%run_scoped3A, %add3A_8, %dma_wait3A_1073] : memref<2x2500x128xi32, #tpu.memory_space<hbm>> -> memref<1x6x128xi32, #tpu.memory_space<hbm>>
      %dma_wait3A_1075 = tpu.memref_squeeze %dma_wait3A_1074 : memref<1x6x128xi32, #tpu.memory_space<hbm>> -> memref<6x128xi32, #tpu.memory_space<hbm>>
      %dma_wait3A_1076 = arith.constant 0 : i32
      %dma_wait3A_1077 = arith.constant 0 : i32
      %dma_wait3A_1078 = tpu.memref_slice %arg6[%run_scoped3A_9, %dma_wait3A_1076, %dma_wait3A_1077] : memref<2x6x128xi32, #tpu.memory_space<vmem>> -> memref<1x6x128xi32, #tpu.memory_space<vmem>>
      %dma_wait3A_1079 = tpu.memref_squeeze %dma_wait3A_1078 : memref<1x6x128xi32, #tpu.memory_space<vmem>> -> memref<6x128xi32, #tpu.memory_space<vmem>>
      %dma_wait3A_1080 = arith.constant 0 : i32
      %dma_wait3A_1081 = tpu.memref_slice %arg3[%run_scoped3A, %add3A_8, %dma_wait3A_1080] : memref<2x2500x128xi32, #tpu.memory_space<hbm>> -> memref<1x6x128xi32, #tpu.memory_space<hbm>>
      %dma_wait3A_1082 = tpu.memref_squeeze %dma_wait3A_1081 : memref<1x6x128xi32, #tpu.memory_space<hbm>> -> memref<6x128xi32, #tpu.memory_space<hbm>>
      tpu.wait_dma2 semaphore(%run_scoped3A_1054 : memref<!tpu.dma_semaphore, #tpu.memory_space<semaphore_mem>>) src(%dma_wait3A_1082 : memref<6x128xi32, #tpu.memory_space<hbm>>) dst(%dma_wait3A_1079 : memref<6x128xi32, #tpu.memory_space<vmem>>)
      tpu.yield
    }) : () -> ()
    %run_scoped3A_10 = arith.constant 1 : i32
    %run_scoped3A_11 = arith.constant 0 : i32
    "tpu.region"() ({
      %run_scoped3A_1054 = tpu.sem_alloc : memref<!tpu.dma_semaphore, #tpu.memory_space<semaphore_mem>>
      %dma_start3A_1055 = arith.constant 0 : i32
      %dma_start3A_1056 = arith.constant 0 : i32
      %dma_start3A_1057 = tpu.memref_slice %arg7[%run_scoped3A_11, %dma_start3A_1055, %dma_start3A_1056] : memref<2x6x128xi32, #tpu.memory_space<vmem>> -> memref<1x6x128xi32, #tpu.memory_space<vmem>>
      %dma_start3A_1058 = tpu.memref_squeeze %dma_start3A_1057 : memref<1x6x128xi32, #tpu.memory_space<vmem>> -> memref<6x128xi32, #tpu.memory_space<vmem>>
      %dma_start3A_1059 = arith.constant 0 : i32
      %dma_start3A_1060 = tpu.memref_slice %arg3[%run_scoped3A_10, %add3A_8, %dma_start3A_1059] : memref<2x2500x128xi32, #tpu.memory_space<hbm>> -> memref<1x6x128xi32, #tpu.memory_space<hbm>>
      %dma_start3A_1061 = tpu.memref_squeeze %dma_start3A_1060 : memref<1x6x128xi32, #tpu.memory_space<hbm>> -> memref<6x128xi32, #tpu.memory_space<hbm>>
      %dma_start3A_1062 = arith.constant 0 : i32
      %dma_start3A_1063 = arith.constant 0 : i32
      %dma_start3A_1064 = tpu.memref_slice %arg7[%run_scoped3A_11, %dma_start3A_1062, %dma_start3A_1063] : memref<2x6x128xi32, #tpu.memory_space<vmem>> -> memref<1x6x128xi32, #tpu.memory_space<vmem>>
      %dma_start3A_1065 = tpu.memref_squeeze %dma_start3A_1064 : memref<1x6x128xi32, #tpu.memory_space<vmem>> -> memref<6x128xi32, #tpu.memory_space<vmem>>
      %dma_start3A_1066 = arith.constant 0 : i32
      %dma_start3A_1067 = tpu.memref_slice %arg3[%run_scoped3A_10, %add3A_8, %dma_start3A_1066] : memref<2x2500x128xi32, #tpu.memory_space<hbm>> -> memref<1x6x128xi32, #tpu.memory_space<hbm>>
      %dma_start3A_1068 = tpu.memref_squeeze %dma_start3A_1067 : memref<1x6x128xi32, #tpu.memory_space<hbm>> -> memref<6x128xi32, #tpu.memory_space<hbm>>
      tpu.enqueue_dma source(%dma_start3A_1068 : memref<6x128xi32, #tpu.memory_space<hbm>>) target(%dma_start3A_1065 : memref<6x128xi32, #tpu.memory_space<vmem>>) target_semaphore(%run_scoped3A_1054 : memref<!tpu.dma_semaphore, #tpu.memory_space<semaphore_mem>>)
      %dma_wait3A_1069 = arith.constant 0 : i32
      %dma_wait3A_1070 = arith.constant 0 : i32
      %dma_wait3A_1071 = tpu.memref_slice %arg7[%run_scoped3A_11, %dma_wait3A_1069, %dma_wait3A_1070] : memref<2x6x128xi32, #tpu.memory_space<vmem>> -> memref<1x6x128xi32, #tpu.memory_space<vmem>>
      %dma_wait3A_1072 = tpu.memref_squeeze %dma_wait3A_1071 : memref<1x6x128xi32, #tpu.memory_space<vmem>> -> memref<6x128xi32, #tpu.memory_space<vmem>>
      %dma_wait3A_1073 = arith.constant 0 : i32
      %dma_wait3A_1074 = tpu.memref_slice %arg3[%run_scoped3A_10, %add3A_8, %dma_wait3A_1073] : memref<2x2500x128xi32, #tpu.memory_space<hbm>> -> memref<1x6x128xi32, #tpu.memory_space<hbm>>
      %dma_wait3A_1075 = tpu.memref_squeeze %dma_wait3A_1074 : memref<1x6x128xi32, #tpu.memory_space<hbm>> -> memref<6x128xi32, #tpu.memory_space<hbm>>
      %dma_wait3A_1076 = arith.constant 0 : i32
      %dma_wait3A_1077 = arith.constant 0 : i32
      %dma_wait3A_1078 = tpu.memref_slice %arg7[%run_scoped3A_11, %dma_wait3A_1076, %dma_wait3A_1077] : memref<2x6x128xi32, #tpu.memory_space<vmem>> -> memref<1x6x128xi32, #tpu.memory_space<vmem>>
      %dma_wait3A_1079 = tpu.memref_squeeze %dma_wait3A_1078 : memref<1x6x128xi32, #tpu.memory_space<vmem>> -> memref<6x128xi32, #tpu.memory_space<vmem>>
      %dma_wait3A_1080 = arith.constant 0 : i32
      %dma_wait3A_1081 = tpu.memref_slice %arg3[%run_scoped3A_10, %add3A_8, %dma_wait3A_1080] : memref<2x2500x128xi32, #tpu.memory_space<hbm>> -> memref<1x6x128xi32, #tpu.memory_space<hbm>>
      %dma_wait3A_1082 = tpu.memref_squeeze %dma_wait3A_1081 : memref<1x6x128xi32, #tpu.memory_space<hbm>> -> memref<6x128xi32, #tpu.memory_space<hbm>>
      tpu.wait_dma2 semaphore(%run_scoped3A_1054 : memref<!tpu.dma_semaphore, #tpu.memory_space<semaphore_mem>>) src(%dma_wait3A_1082 : memref<6x128xi32, #tpu.memory_space<hbm>>) dst(%dma_wait3A_1079 : memref<6x128xi32, #tpu.memory_space<vmem>>)
      tpu.yield
    }) : () -> ()
    %get3A = arith.constant 0 : i32
    %get3A_12 = arith.constant 0 : i32
    %get3A_13 = arith.index_cast %get3A : i32 to index
    %get3A_14 = arith.index_cast %get3A_12 : i32 to index
    %get3A_15 = arith.constant 0 : index
    %get3A_16 = tpu.vector_load %arg6[%get3A_13, %get3A_14, %get3A_15] {strides = array<i32>} : memref<2x6x128xi32, #tpu.memory_space<vmem>>, vector<1x1x16xi32>,
    %get3A_17 = vector.shape_cast %get3A_16 : vector<1x1x16xi32> to vector<16xi32>
    %mul3A_18 = arith.constant 2 : i32
    %mul3A_19 = vector.broadcast %mul3A_18 : i32 to vector<16xi32>
    %mul3A_20 = arith.muli %get3A_17, %mul3A_19 : vector<16xi32>
    %swap3A = arith.constant 0 : i32
    %swap3A_21 = arith.constant 0 : i32
    %swap3A_22 = arith.index_cast %swap3A : i32 to index
    %swap3A_23 = arith.index_cast %swap3A_21 : i32 to index
    %swap3A_24 = arith.constant 0 : index
    %swap3A_25 = tpu.vector_load %arg6[%swap3A_22, %swap3A_23, %swap3A_24] {strides = array<i32>} : memref<2x6x128xi32, #tpu.memory_space<vmem>>, vector<1x1x16xi32>,
    %swap3A_26 = vector.shape_cast %swap3A_25 : vector<1x1x16xi32> to vector<16xi32>
    %swap3A_27 = vector.shape_cast %mul3A_20 : vector<16xi32> to vector<1x1x16xi32>
    tpu.vector_store %arg6[%swap3A_22, %swap3A_23, %swap3A_24], %swap3A_27 {strides = array<i32>} : memref<2x6x128xi32, #tpu.memory_space<vmem>>, vector<1x1x16xi32>,
    %get3A_28 = arith.constant 0 : i32
    %get3A_29 = arith.constant 0 : i32
    %get3A_30 = arith.index_cast %get3A_28 : i32 to index
    %get3A_31 = arith.index_cast %get3A_29 : i32 to index
    %get3A_32 = arith.constant 16 : index
    %get3A_33 = tpu.vector_load %arg6[%get3A_30, %get3A_31, %get3A_32] {strides = array<i32>} : memref<2x6x128xi32, #tpu.memory_space<vmem>>, vector<1x1x16xi32>,
    %get3A_34 = vector.shape_cast %get3A_33 : vector<1x1x16xi32> to vector<16xi32>
    %mul3A_35 = arith.constant 2 : i32
    %mul3A_36 = vector.broadcast %mul3A_35 : i32 to vector<16xi32>
    %mul3A_37 = arith.muli %get3A_34, %mul3A_36 : vector<16xi32>
    %swap3A_38 = arith.constant 0 : i32
    %swap3A_39 = arith.constant 0 : i32
    %swap3A_40 = arith.index_cast %swap3A_38 : i32 to index
    %swap3A_41 = arith.index_cast %swap3A_39 : i32 to index
    %swap3A_42 = arith.constant 16 : index
    %swap3A_43 = tpu.vector_load %arg6[%swap3A_40, %swap3A_41, %swap3A_42] {strides = array<i32>} : memref<2x6x128xi32, #tpu.memory_space<vmem>>, vector<1x1x16xi32>,
    %swap3A_44 = vector.shape_cast %swap3A_43 : vector<1x1x16xi32> to vector<16xi32>
    %swap3A_45 = vector.shape_cast %mul3A_37 : vector<16xi32> to vector<1x1x16xi32>
    tpu.vector_store %arg6[%swap3A_40, %swap3A_41, %swap3A_42], %swap3A_45 {strides = array<i32>} : memref<2x6x128xi32, #tpu.memory_space<vmem>>, vector<1x1x16xi32>,
    %get3A_46 = arith.constant 0 : i32
    %get3A_47 = arith.constant 0 : i32
    %get3A_48 = arith.index_cast %get3A_46 : i32 to index
    %get3A_49 = arith.index_cast %get3A_47 : i32 to index
    %get3A_50 = arith.constant 32 : index
    %get3A_51 = tpu.vector_load %arg6[%get3A_48, %get3A_49, %get3A_50] {strides = array<i32>} : memref<2x6x128xi32, #tpu.memory_space<vmem>>, vector<1x1x16xi32>,
    %get3A_52 = vector.shape_cast %get3A_51 : vector<1x1x16xi32> to vector<16xi32>
    %mul3A_53 = arith.constant 2 : i32
    %mul3A_54 = vector.broadcast %mul3A_53 : i32 to vector<16xi32>
    %mul3A_55 = arith.muli %get3A_52, %mul3A_54 : vector<16xi32>
    %swap3A_56 = arith.constant 0 : i32
    %swap3A_57 = arith.constant 0 : i32
    %swap3A_58 = arith.index_cast %swap3A_56 : i32 to index
    %swap3A_59 = arith.index_cast %swap3A_57 : i32 to index
    %swap3A_60 = arith.constant 32 : index
    %swap3A_61 = tpu.vector_load %arg6[%swap3A_58, %swap3A_59, %swap3A_60] {strides = array<i32>} : memref<2x6x128xi32, #tpu.memory_space<vmem>>, vector<1x1x16xi32>,
    %swap3A_62 = vector.shape_cast %swap3A_61 : vector<1x1x16xi32> to vector<16xi32>
    %swap3A_63 = vector.shape_cast %mul3A_55 : vector<16xi32> to vector<1x1x16xi32>
    tpu.vector_store %arg6[%swap3A_58, %swap3A_59, %swap3A_60], %swap3A_63 {strides = array<i32>} : memref<2x6x128xi32, #tpu.memory_space<vmem>>, vector<1x1x16xi32>,
    %get3A_64 = arith.constant 0 : i32
    %get3A_65 = arith.constant 0 : i32
    %get3A_66 = arith.index_cast %get3A_64 : i32 to index
    %get3A_67 = arith.index_cast %get3A_65 : i32 to index
    %get3A_68 = arith.constant 48 : index
    %get3A_69 = tpu.vector_load %arg6[%get3A_66, %get3A_67, %get3A_68] {strides = array<i32>} : memref<2x6x128xi32, #tpu.memory_space<vmem>>, vector<1x1x16xi32>,
    %get3A_70 = vector.shape_cast %get3A_69 : vector<1x1x16xi32> to vector<16xi32>
    %mul3A_71 = arith.constant 2 : i32
    %mul3A_72 = vector.broadcast %mul3A_71 : i32 to vector<16xi32>
    %mul3A_73 = arith.muli %get3A_70, %mul3A_72 : vector<16xi32>
    %swap3A_74 = arith.constant 0 : i32
    %swap3A_75 = arith.constant 0 : i32
    %swap3A_76 = arith.index_cast %swap3A_74 : i32 to index
    %swap3A_77 = arith.index_cast %swap3A_75 : i32 to index
    %swap3A_78 = arith.constant 48 : index
    %swap3A_79 = tpu.vector_load %arg6[%swap3A_76, %swap3A_77, %swap3A_78] {strides = array<i32>} : memref<2x6x128xi32, #tpu.memory_space<vmem>>, vector<1x1x16xi32>,
    %swap3A_80 = vector.shape_cast %swap3A_79 : vector<1x1x16xi32> to vector<16xi32>
    %swap3A_81 = vector.shape_cast %mul3A_73 : vector<16xi32> to vector<1x1x16xi32>
    tpu.vector_store %arg6[%swap3A_76, %swap3A_77, %swap3A_78], %swap3A_81 {strides = array<i32>} : memref<2x6x128xi32, #tpu.memory_space<vmem>>, vector<1x1x16xi32>,
    %get3A_82 = arith.constant 0 : i32
    %get3A_83 = arith.constant 0 : i32
    %get3A_84 = arith.index_cast %get3A_82 : i32 to index
    %get3A_85 = arith.index_cast %get3A_83 : i32 to index
    %get3A_86 = arith.constant 64 : index
    %get3A_87 = tpu.vector_load %arg6[%get3A_84, %get3A_85, %get3A_86] {strides = array<i32>} : memref<2x6x128xi32, #tpu.memory_space<vmem>>, vector<1x1x16xi32>,
    %get3A_88 = vector.shape_cast %get3A_87 : vector<1x1x16xi32> to vector<16xi32>
    %mul3A_89 = arith.constant 2 : i32
    %mul3A_90 = vector.broadcast %mul3A_89 : i32 to vector<16xi32>
    %mul3A_91 = arith.muli %get3A_88, %mul3A_90 : vector<16xi32>
    %swap3A_92 = arith.constant 0 : i32
    %swap3A_93 = arith.constant 0 : i32
    %swap3A_94 = arith.index_cast %swap3A_92 : i32 to index
    %swap3A_95 = arith.index_cast %swap3A_93 : i32 to index
    %swap3A_96 = arith.constant 64 : index
    %swap3A_97 = tpu.vector_load %arg6[%swap3A_94, %swap3A_95, %swap3A_96] {strides = array<i32>} : memref<2x6x128xi32, #tpu.memory_space<vmem>>, vector<1x1x16xi32>,
    %swap3A_98 = vector.shape_cast %swap3A_97 : vector<1x1x16xi32> to vector<16xi32>
    %swap3A_99 = vector.shape_cast %mul3A_91 : vector<16xi32> to vector<1x1x16xi32>
    tpu.vector_store %arg6[%swap3A_94, %swap3A_95, %swap3A_96], %swap3A_99 {strides = array<i32>} : memref<2x6x128xi32, #tpu.memory_space<vmem>>, vector<1x1x16xi32>,
    %get3A_100 = arith.constant 0 : i32
    %get3A_101 = arith.constant 0 : i32
    %get3A_102 = arith.index_cast %get3A_100 : i32 to index
    %get3A_103 = arith.index_cast %get3A_101 : i32 to index
    %get3A_104 = arith.constant 80 : index
    %get3A_105 = tpu.vector_load %arg6[%get3A_102, %get3A_103, %get3A_104] {strides = array<i32>} : memref<2x6x128xi32, #tpu.memory_space<vmem>>, vector<1x1x16xi32>,
    %get3A_106 = vector.shape_cast %get3A_105 : vector<1x1x16xi32> to vector<16xi32>
    %mul3A_107 = arith.constant 2 : i32
    %mul3A_108 = vector.broadcast %mul3A_107 : i32 to vector<16xi32>
    %mul3A_109 = arith.muli %get3A_106, %mul3A_108 : vector<16xi32>
    %swap3A_110 = arith.constant 0 : i32
    %swap3A_111 = arith.constant 0 : i32
    %swap3A_112 = arith.index_cast %swap3A_110 : i32 to index
    %swap3A_113 = arith.index_cast %swap3A_111 : i32 to index
    %swap3A_114 = arith.constant 80 : index
    %swap3A_115 = tpu.vector_load %arg6[%swap3A_112, %swap3A_113, %swap3A_114] {strides = array<i32>} : memref<2x6x128xi32, #tpu.memory_space<vmem>>, vector<1x1x16xi32>,
    %swap3A_116 = vector.shape_cast %swap3A_115 : vector<1x1x16xi32> to vector<16xi32>
    %swap3A_117 = vector.shape_cast %mul3A_109 : vector<16xi32> to vector<1x1x16xi32>
    tpu.vector_store %arg6[%swap3A_112, %swap3A_113, %swap3A_114], %swap3A_117 {strides = array<i32>} : memref<2x6x128xi32, #tpu.memory_space<vmem>>, vector<1x1x16xi32>,
    %get3A_118 = arith.constant 0 : i32
    %get3A_119 = arith.constant 0 : i32
    %get3A_120 = arith.index_cast %get3A_118 : i32 to index
    %get3A_121 = arith.index_cast %get3A_119 : i32 to index
    %get3A_122 = arith.constant 96 : index
    %get3A_123 = tpu.vector_load %arg6[%get3A_120, %get3A_121, %get3A_122] {strides = array<i32>} : memref<2x6x128xi32, #tpu.memory_space<vmem>>, vector<1x1x16xi32>,
    %get3A_124 = vector.shape_cast %get3A_123 : vector<1x1x16xi32> to vector<16xi32>
    %mul3A_125 = arith.constant 2 : i32
    %mul3A_126 = vector.broadcast %mul3A_125 : i32 to vector<16xi32>
    %mul3A_127 = arith.muli %get3A_124, %mul3A_126 : vector<16xi32>
    %swap3A_128 = arith.constant 0 : i32
    %swap3A_129 = arith.constant 0 : i32
    %swap3A_130 = arith.index_cast %swap3A_128 : i32 to index
    %swap3A_131 = arith.index_cast %swap3A_129 : i32 to index
    %swap3A_132 = arith.constant 96 : index
    %swap3A_133 = tpu.vector_load %arg6[%swap3A_130, %swap3A_131, %swap3A_132] {strides = array<i32>} : memref<2x6x128xi32, #tpu.memory_space<vmem>>, vector<1x1x16xi32>,
    %swap3A_134 = vector.shape_cast %swap3A_133 : vector<1x1x16xi32> to vector<16xi32>
    %swap3A_135 = vector.shape_cast %mul3A_127 : vector<16xi32> to vector<1x1x16xi32>
    tpu.vector_store %arg6[%swap3A_130, %swap3A_131, %swap3A_132], %swap3A_135 {strides = array<i32>} : memref<2x6x128xi32, #tpu.memory_space<vmem>>, vector<1x1x16xi32>,
    %get3A_136 = arith.constant 0 : i32
    %get3A_137 = arith.constant 0 : i32
    %get3A_138 = arith.index_cast %get3A_136 : i32 to index
    %get3A_139 = arith.index_cast %get3A_137 : i32 to index
    %get3A_140 = arith.constant 112 : index
    %get3A_141 = tpu.vector_load %arg6[%get3A_138, %get3A_139, %get3A_140] {strides = array<i32>} : memref<2x6x128xi32, #tpu.memory_space<vmem>>, vector<1x1x16xi32>,
    %get3A_142 = vector.shape_cast %get3A_141 : vector<1x1x16xi32> to vector<16xi32>
    %mul3A_143 = arith.constant 2 : i32
    %mul3A_144 = vector.broadcast %mul3A_143 : i32 to vector<16xi32>
    %mul3A_145 = arith.muli %get3A_142, %mul3A_144 : vector<16xi32>
    %swap3A_146 = arith.constant 0 : i32
    %swap3A_147 = arith.constant 0 : i32
    %swap3A_148 = arith.index_cast %swap3A_146 : i32 to index
    %swap3A_149 = arith.index_cast %swap3A_147 : i32 to index
    %swap3A_150 = arith.constant 112 : index
    %swap3A_151 = tpu.vector_load %arg6[%swap3A_148, %swap3A_149, %swap3A_150] {strides = array<i32>} : memref<2x6x128xi32, #tpu.memory_space<vmem>>, vector<1x1x16xi32>,
    %swap3A_152 = vector.shape_cast %swap3A_151 : vector<1x1x16xi32> to vector<16xi32>
    %swap3A_153 = vector.shape_cast %mul3A_145 : vector<16xi32> to vector<1x1x16xi32>
    tpu.vector_store %arg6[%swap3A_148, %swap3A_149, %swap3A_150], %swap3A_153 {strides = array<i32>} : memref<2x6x128xi32, #tpu.memory_space<vmem>>, vector<1x1x16xi32>,
    %get3A_154 = arith.constant 0 : i32
    %get3A_155 = arith.constant 1 : i32
    %get3A_156 = arith.index_cast %get3A_154 : i32 to index
    %get3A_157 = arith.index_cast %get3A_155 : i32 to index
    %get3A_158 = arith.constant 0 : index
    %get3A_159 = tpu.vector_load %arg6[%get3A_156, %get3A_157, %get3A_158] {strides = array<i32>} : memref<2x6x128xi32, #tpu.memory_space<vmem>>, vector<1x1x16xi32>,
    %get3A_160 = vector.shape_cast %get3A_159 : vector<1x1x16xi32> to vector<16xi32>
    %mul3A_161 = arith.constant 2 : i32
    %mul3A_162 = vector.broadcast %mul3A_161 : i32 to vector<16xi32>
    %mul3A_163 = arith.muli %get3A_160, %mul3A_162 : vector<16xi32>
    %swap3A_164 = arith.constant 0 : i32
    %swap3A_165 = arith.constant 1 : i32
    %swap3A_166 = arith.index_cast %swap3A_164 : i32 to index
    %swap3A_167 = arith.index_cast %swap3A_165 : i32 to index
    %swap3A_168 = arith.constant 0 : index
    %swap3A_169 = tpu.vector_load %arg6[%swap3A_166, %swap3A_167, %swap3A_168] {strides = array<i32>} : memref<2x6x128xi32, #tpu.memory_space<vmem>>, vector<1x1x16xi32>,
    %swap3A_170 = vector.shape_cast %swap3A_169 : vector<1x1x16xi32> to vector<16xi32>
    %swap3A_171 = vector.shape_cast %mul3A_163 : vector<16xi32> to vector<1x1x16xi32>
    tpu.vector_store %arg6[%swap3A_166, %swap3A_167, %swap3A_168], %swap3A_171 {strides = array<i32>} : memref<2x6x128xi32, #tpu.memory_space<vmem>>, vector<1x1x16xi32>,
    %get3A_172 = arith.constant 0 : i32
    %get3A_173 = arith.constant 1 : i32
    %get3A_174 = arith.index_cast %get3A_172 : i32 to index
    %get3A_175 = arith.index_cast %get3A_173 : i32 to index
    %get3A_176 = arith.constant 16 : index
    %get3A_177 = tpu.vector_load %arg6[%get3A_174, %get3A_175, %get3A_176] {strides = array<i32>} : memref<2x6x128xi32, #tpu.memory_space<vmem>>, vector<1x1x16xi32>,
    %get3A_178 = vector.shape_cast %get3A_177 : vector<1x1x16xi32> to vector<16xi32>
    %mul3A_179 = arith.constant 2 : i32
    %mul3A_180 = vector.broadcast %mul3A_179 : i32 to vector<16xi32>
    %mul3A_181 = arith.muli %get3A_178, %mul3A_180 : vector<16xi32>
    %swap3A_182 = arith.constant 0 : i32
    %swap3A_183 = arith.constant 1 : i32
    %swap3A_184 = arith.index_cast %swap3A_182 : i32 to index
    %swap3A_185 = arith.index_cast %swap3A_183 : i32 to index
    %swap3A_186 = arith.constant 16 : index
    %swap3A_187 = tpu.vector_load %arg6[%swap3A_184, %swap3A_185, %swap3A_186] {strides = array<i32>} : memref<2x6x128xi32, #tpu.memory_space<vmem>>, vector<1x1x16xi32>,
    %swap3A_188 = vector.shape_cast %swap3A_187 : vector<1x1x16xi32> to vector<16xi32>
    %swap3A_189 = vector.shape_cast %mul3A_181 : vector<16xi32> to vector<1x1x16xi32>
    tpu.vector_store %arg6[%swap3A_184, %swap3A_185, %swap3A_186], %swap3A_189 {strides = array<i32>} : memref<2x6x128xi32, #tpu.memory_space<vmem>>, vector<1x1x16xi32>,
    %get3A_190 = arith.constant 0 : i32
    %get3A_191 = arith.constant 1 : i32
    %get3A_192 = arith.index_cast %get3A_190 : i32 to index
    %get3A_193 = arith.index_cast %get3A_191 : i32 to index
    %get3A_194 = arith.constant 32 : index
    %get3A_195 = tpu.vector_load %arg6[%get3A_192, %get3A_193, %get3A_194] {strides = array<i32>} : memref<2x6x128xi32, #tpu.memory_space<vmem>>, vector<1x1x16xi32>,
    %get3A_196 = vector.shape_cast %get3A_195 : vector<1x1x16xi32> to vector<16xi32>
    %mul3A_197 = arith.constant 2 : i32
    %mul3A_198 = vector.broadcast %mul3A_197 : i32 to vector<16xi32>
    %mul3A_199 = arith.muli %get3A_196, %mul3A_198 : vector<16xi32>
    %swap3A_200 = arith.constant 0 : i32
    %swap3A_201 = arith.constant 1 : i32
    %swap3A_202 = arith.index_cast %swap3A_200 : i32 to index
    %swap3A_203 = arith.index_cast %swap3A_201 : i32 to index
    %swap3A_204 = arith.constant 32 : index
    %swap3A_205 = tpu.vector_load %arg6[%swap3A_202, %swap3A_203, %swap3A_204] {strides = array<i32>} : memref<2x6x128xi32, #tpu.memory_space<vmem>>, vector<1x1x16xi32>,
    %swap3A_206 = vector.shape_cast %swap3A_205 : vector<1x1x16xi32> to vector<16xi32>
    %swap3A_207 = vector.shape_cast %mul3A_199 : vector<16xi32> to vector<1x1x16xi32>
    tpu.vector_store %arg6[%swap3A_202, %swap3A_203, %swap3A_204], %swap3A_207 {strides = array<i32>} : memref<2x6x128xi32, #tpu.memory_space<vmem>>, vector<1x1x16xi32>,
    %get3A_208 = arith.constant 0 : i32
    %get3A_209 = arith.constant 1 : i32
    %get3A_210 = arith.index_cast %get3A_208 : i32 to index
    %get3A_211 = arith.index_cast %get3A_209 : i32 to index
    %get3A_212 = arith.constant 48 : index
    %get3A_213 = tpu.vector_load %arg6[%get3A_210, %get3A_211, %get3A_212] {strides = array<i32>} : memref<2x6x128xi32, #tpu.memory_space<vmem>>, vector<1x1x16xi32>,
    %get3A_214 = vector.shape_cast %get3A_213 : vector<1x1x16xi32> to vector<16xi32>
    %mul3A_215 = arith.constant 2 : i32
    %mul3A_216 = vector.broadcast %mul3A_215 : i32 to vector<16xi32>
    %mul3A_217 = arith.muli %get3A_214, %mul3A_216 : vector<16xi32>
    %swap3A_218 = arith.constant 0 : i32
    %swap3A_219 = arith.constant 1 : i32
    %swap3A_220 = arith.index_cast %swap3A_218 : i32 to index
    %swap3A_221 = arith.index_cast %swap3A_219 : i32 to index
    %swap3A_222 = arith.constant 48 : index
    %swap3A_223 = tpu.vector_load %arg6[%swap3A_220, %swap3A_221, %swap3A_222] {strides = array<i32>} : memref<2x6x128xi32, #tpu.memory_space<vmem>>, vector<1x1x16xi32>,
    %swap3A_224 = vector.shape_cast %swap3A_223 : vector<1x1x16xi32> to vector<16xi32>
    %swap3A_225 = vector.shape_cast %mul3A_217 : vector<16xi32> to vector<1x1x16xi32>
    tpu.vector_store %arg6[%swap3A_220, %swap3A_221, %swap3A_222], %swap3A_225 {strides = array<i32>} : memref<2x6x128xi32, #tpu.memory_space<vmem>>, vector<1x1x16xi32>,
    %get3A_226 = arith.constant 0 : i32
    %get3A_227 = arith.constant 1 : i32
    %get3A_228 = arith.index_cast %get3A_226 : i32 to index
    %get3A_229 = arith.index_cast %get3A_227 : i32 to index
    %get3A_230 = arith.constant 64 : index
    %get3A_231 = tpu.vector_load %arg6[%get3A_228, %get3A_229, %get3A_230] {strides = array<i32>} : memref<2x6x128xi32, #tpu.memory_space<vmem>>, vector<1x1x16xi32>,
    %get3A_232 = vector.shape_cast %get3A_231 : vector<1x1x16xi32> to vector<16xi32>
    %mul3A_233 = arith.constant 2 : i32
    %mul3A_234 = vector.broadcast %mul3A_233 : i32 to vector<16xi32>
    %mul3A_235 = arith.muli %get3A_232, %mul3A_234 : vector<16xi32>
    %swap3A_236 = arith.constant 0 : i32
    %swap3A_237 = arith.constant 1 : i32
    %swap3A_238 = arith.index_cast %swap3A_236 : i32 to index
    %swap3A_239 = arith.index_cast %swap3A_237 : i32 to index
    %swap3A_240 = arith.constant 64 : index
    %swap3A_241 = tpu.vector_load %arg6[%swap3A_238, %swap3A_239, %swap3A_240] {strides = array<i32>} : memref<2x6x128xi32, #tpu.memory_space<vmem>>, vector<1x1x16xi32>,
    %swap3A_242 = vector.shape_cast %swap3A_241 : vector<1x1x16xi32> to vector<16xi32>
    %swap3A_243 = vector.shape_cast %mul3A_235 : vector<16xi32> to vector<1x1x16xi32>
    tpu.vector_store %arg6[%swap3A_238, %swap3A_239, %swap3A_240], %swap3A_243 {strides = array<i32>} : memref<2x6x128xi32, #tpu.memory_space<vmem>>, vector<1x1x16xi32>,
    %get3A_244 = arith.constant 0 : i32
    %get3A_245 = arith.constant 1 : i32
    %get3A_246 = arith.index_cast %get3A_244 : i32 to index
    %get3A_247 = arith.index_cast %get3A_245 : i32 to index
    %get3A_248 = arith.constant 80 : index
    %get3A_249 = tpu.vector_load %arg6[%get3A_246, %get3A_247, %get3A_248] {strides = array<i32>} : memref<2x6x128xi32, #tpu.memory_space<vmem>>, vector<1x1x16xi32>,
    %get3A_250 = vector.shape_cast %get3A_249 : vector<1x1x16xi32> to vector<16xi32>
    %mul3A_251 = arith.constant 2 : i32
    %mul3A_252 = vector.broadcast %mul3A_251 : i32 to vector<16xi32>
    %mul3A_253 = arith.muli %get3A_250, %mul3A_252 : vector<16xi32>
    %swap3A_254 = arith.constant 0 : i32
    %swap3A_255 = arith.constant 1 : i32
    %swap3A_256 = arith.index_cast %swap3A_254 : i32 to index
    %swap3A_257 = arith.index_cast %swap3A_255 : i32 to index
    %swap3A_258 = arith.constant 80 : index
    %swap3A_259 = tpu.vector_load %arg6[%swap3A_256, %swap3A_257, %swap3A_258] {strides = array<i32>} : memref<2x6x128xi32, #tpu.memory_space<vmem>>, vector<1x1x16xi32>,
    %swap3A_260 = vector.shape_cast %swap3A_259 : vector<1x1x16xi32> to vector<16xi32>
    %swap3A_261 = vector.shape_cast %mul3A_253 : vector<16xi32> to vector<1x1x16xi32>
    tpu.vector_store %arg6[%swap3A_256, %swap3A_257, %swap3A_258], %swap3A_261 {strides = array<i32>} : memref<2x6x128xi32, #tpu.memory_space<vmem>>, vector<1x1x16xi32>,
    %get3A_262 = arith.constant 0 : i32
    %get3A_263 = arith.constant 1 : i32
    %get3A_264 = arith.index_cast %get3A_262 : i32 to index
    %get3A_265 = arith.index_cast %get3A_263 : i32 to index
    %get3A_266 = arith.constant 96 : index
    %get3A_267 = tpu.vector_load %arg6[%get3A_264, %get3A_265, %get3A_266] {strides = array<i32>} : memref<2x6x128xi32, #tpu.memory_space<vmem>>, vector<1x1x16xi32>,
    %get3A_268 = vector.shape_cast %get3A_267 : vector<1x1x16xi32> to vector<16xi32>
    %mul3A_269 = arith.constant 2 : i32
    %mul3A_270 = vector.broadcast %mul3A_269 : i32 to vector<16xi32>
    %mul3A_271 = arith.muli %get3A_268, %mul3A_270 : vector<16xi32>
    %swap3A_272 = arith.constant 0 : i32
    %swap3A_273 = arith.constant 1 : i32
    %swap3A_274 = arith.index_cast %swap3A_272 : i32 to index
    %swap3A_275 = arith.index_cast %swap3A_273 : i32 to index
    %swap3A_276 = arith.constant 96 : index
    %swap3A_277 = tpu.vector_load %arg6[%swap3A_274, %swap3A_275, %swap3A_276] {strides = array<i32>} : memref<2x6x128xi32, #tpu.memory_space<vmem>>, vector<1x1x16xi32>,
    %swap3A_278 = vector.shape_cast %swap3A_277 : vector<1x1x16xi32> to vector<16xi32>
    %swap3A_279 = vector.shape_cast %mul3A_271 : vector<16xi32> to vector<1x1x16xi32>
    tpu.vector_store %arg6[%swap3A_274, %swap3A_275, %swap3A_276], %swap3A_279 {strides = array<i32>} : memref<2x6x128xi32, #tpu.memory_space<vmem>>, vector<1x1x16xi32>,
    %get3A_280 = arith.constant 0 : i32
    %get3A_281 = arith.constant 1 : i32
    %get3A_282 = arith.index_cast %get3A_280 : i32 to index
    %get3A_283 = arith.index_cast %get3A_281 : i32 to index
    %get3A_284 = arith.constant 112 : index
    %get3A_285 = tpu.vector_load %arg6[%get3A_282, %get3A_283, %get3A_284] {strides = array<i32>} : memref<2x6x128xi32, #tpu.memory_space<vmem>>, vector<1x1x16xi32>,
    %get3A_286 = vector.shape_cast %get3A_285 : vector<1x1x16xi32> to vector<16xi32>
    %mul3A_287 = arith.constant 2 : i32
    %mul3A_288 = vector.broadcast %mul3A_287 : i32 to vector<16xi32>
    %mul3A_289 = arith.muli %get3A_286, %mul3A_288 : vector<16xi32>
    %swap3A_290 = arith.constant 0 : i32
    %swap3A_291 = arith.constant 1 : i32
    %swap3A_292 = arith.index_cast %swap3A_290 : i32 to index
    %swap3A_293 = arith.index_cast %swap3A_291 : i32 to index
    %swap3A_294 = arith.constant 112 : index
    %swap3A_295 = tpu.vector_load %arg6[%swap3A_292, %swap3A_293, %swap3A_294] {strides = array<i32>} : memref<2x6x128xi32, #tpu.memory_space<vmem>>, vector<1x1x16xi32>,
    %swap3A_296 = vector.shape_cast %swap3A_295 : vector<1x1x16xi32> to vector<16xi32>
    %swap3A_297 = vector.shape_cast %mul3A_289 : vector<16xi32> to vector<1x1x16xi32>
    tpu.vector_store %arg6[%swap3A_292, %swap3A_293, %swap3A_294], %swap3A_297 {strides = array<i32>} : memref<2x6x128xi32, #tpu.memory_space<vmem>>, vector<1x1x16xi32>,
    %get3A_298 = arith.constant 0 : i32
    %get3A_299 = arith.constant 2 : i32
    %get3A_300 = arith.index_cast %get3A_298 : i32 to index
    %get3A_301 = arith.index_cast %get3A_299 : i32 to index
    %get3A_302 = arith.constant 0 : index
    %get3A_303 = tpu.vector_load %arg6[%get3A_300, %get3A_301, %get3A_302] {strides = array<i32>} : memref<2x6x128xi32, #tpu.memory_space<vmem>>, vector<1x1x16xi32>,
    %get3A_304 = vector.shape_cast %get3A_303 : vector<1x1x16xi32> to vector<16xi32>
    %mul3A_305 = arith.constant 2 : i32
    %mul3A_306 = vector.broadcast %mul3A_305 : i32 to vector<16xi32>
    %mul3A_307 = arith.muli %get3A_304, %mul3A_306 : vector<16xi32>
    %swap3A_308 = arith.constant 0 : i32
    %swap3A_309 = arith.constant 2 : i32
    %swap3A_310 = arith.index_cast %swap3A_308 : i32 to index
    %swap3A_311 = arith.index_cast %swap3A_309 : i32 to index
    %swap3A_312 = arith.constant 0 : index
    %swap3A_313 = tpu.vector_load %arg6[%swap3A_310, %swap3A_311, %swap3A_312] {strides = array<i32>} : memref<2x6x128xi32, #tpu.memory_space<vmem>>, vector<1x1x16xi32>,
    %swap3A_314 = vector.shape_cast %swap3A_313 : vector<1x1x16xi32> to vector<16xi32>
    %swap3A_315 = vector.shape_cast %mul3A_307 : vector<16xi32> to vector<1x1x16xi32>
    tpu.vector_store %arg6[%swap3A_310, %swap3A_311, %swap3A_312], %swap3A_315 {strides = array<i32>} : memref<2x6x128xi32, #tpu.memory_space<vmem>>, vector<1x1x16xi32>,
    %get3A_316 = arith.constant 0 : i32
    %get3A_317 = arith.constant 2 : i32
    %get3A_318 = arith.index_cast %get3A_316 : i32 to index
    %get3A_319 = arith.index_cast %get3A_317 : i32 to index
    %get3A_320 = arith.constant 16 : index
    %get3A_321 = tpu.vector_load %arg6[%get3A_318, %get3A_319, %get3A_320] {strides = array<i32>} : memref<2x6x128xi32, #tpu.memory_space<vmem>>, vector<1x1x16xi32>,
    %get3A_322 = vector.shape_cast %get3A_321 : vector<1x1x16xi32> to vector<16xi32>
    %mul3A_323 = arith.constant 2 : i32
    %mul3A_324 = vector.broadcast %mul3A_323 : i32 to vector<16xi32>
    %mul3A_325 = arith.muli %get3A_322, %mul3A_324 : vector<16xi32>
    %swap3A_326 = arith.constant 0 : i32
    %swap3A_327 = arith.constant 2 : i32
    %swap3A_328 = arith.index_cast %swap3A_326 : i32 to index
    %swap3A_329 = arith.index_cast %swap3A_327 : i32 to index
    %swap3A_330 = arith.constant 16 : index
    %swap3A_331 = tpu.vector_load %arg6[%swap3A_328, %swap3A_329, %swap3A_330] {strides = array<i32>} : memref<2x6x128xi32, #tpu.memory_space<vmem>>, vector<1x1x16xi32>,
    %swap3A_332 = vector.shape_cast %swap3A_331 : vector<1x1x16xi32> to vector<16xi32>
    %swap3A_333 = vector.shape_cast %mul3A_325 : vector<16xi32> to vector<1x1x16xi32>
    tpu.vector_store %arg6[%swap3A_328, %swap3A_329, %swap3A_330], %swap3A_333 {strides = array<i32>} : memref<2x6x128xi32, #tpu.memory_space<vmem>>, vector<1x1x16xi32>,
    %get3A_334 = arith.constant 0 : i32
    %get3A_335 = arith.constant 2 : i32
    %get3A_336 = arith.index_cast %get3A_334 : i32 to index
    %get3A_337 = arith.index_cast %get3A_335 : i32 to index
    %get3A_338 = arith.constant 32 : index
    %get3A_339 = tpu.vector_load %arg6[%get3A_336, %get3A_337, %get3A_338] {strides = array<i32>} : memref<2x6x128xi32, #tpu.memory_space<vmem>>, vector<1x1x16xi32>,
    %get3A_340 = vector.shape_cast %get3A_339 : vector<1x1x16xi32> to vector<16xi32>
    %mul3A_341 = arith.constant 2 : i32
    %mul3A_342 = vector.broadcast %mul3A_341 : i32 to vector<16xi32>
    %mul3A_343 = arith.muli %get3A_340, %mul3A_342 : vector<16xi32>
    %swap3A_344 = arith.constant 0 : i32
    %swap3A_345 = arith.constant 2 : i32
    %swap3A_346 = arith.index_cast %swap3A_344 : i32 to index
    %swap3A_347 = arith.index_cast %swap3A_345 : i32 to index
    %swap3A_348 = arith.constant 32 : index
    %swap3A_349 = tpu.vector_load %arg6[%swap3A_346, %swap3A_347, %swap3A_348] {strides = array<i32>} : memref<2x6x128xi32, #tpu.memory_space<vmem>>, vector<1x1x16xi32>,
    %swap3A_350 = vector.shape_cast %swap3A_349 : vector<1x1x16xi32> to vector<16xi32>
    %swap3A_351 = vector.shape_cast %mul3A_343 : vector<16xi32> to vector<1x1x16xi32>
    tpu.vector_store %arg6[%swap3A_346, %swap3A_347, %swap3A_348], %swap3A_351 {strides = array<i32>} : memref<2x6x128xi32, #tpu.memory_space<vmem>>, vector<1x1x16xi32>,
    %get3A_352 = arith.constant 0 : i32
    %get3A_353 = arith.constant 2 : i32
    %get3A_354 = arith.index_cast %get3A_352 : i32 to index
    %get3A_355 = arith.index_cast %get3A_353 : i32 to index
    %get3A_356 = arith.constant 48 : index
    %get3A_357 = tpu.vector_load %arg6[%get3A_354, %get3A_355, %get3A_356] {strides = array<i32>} : memref<2x6x128xi32, #tpu.memory_space<vmem>>, vector<1x1x16xi32>,
    %get3A_358 = vector.shape_cast %get3A_357 : vector<1x1x16xi32> to vector<16xi32>
    %mul3A_359 = arith.constant 2 : i32
    %mul3A_360 = vector.broadcast %mul3A_359 : i32 to vector<16xi32>
    %mul3A_361 = arith.muli %get3A_358, %mul3A_360 : vector<16xi32>
    %swap3A_362 = arith.constant 0 : i32
    %swap3A_363 = arith.constant 2 : i32
    %swap3A_364 = arith.index_cast %swap3A_362 : i32 to index
    %swap3A_365 = arith.index_cast %swap3A_363 : i32 to index
    %swap3A_366 = arith.constant 48 : index
    %swap3A_367 = tpu.vector_load %arg6[%swap3A_364, %swap3A_365, %swap3A_366] {strides = array<i32>} : memref<2x6x128xi32, #tpu.memory_space<vmem>>, vector<1x1x16xi32>,
    %swap3A_368 = vector.shape_cast %swap3A_367 : vector<1x1x16xi32> to vector<16xi32>
    %swap3A_369 = vector.shape_cast %mul3A_361 : vector<16xi32> to vector<1x1x16xi32>
    tpu.vector_store %arg6[%swap3A_364, %swap3A_365, %swap3A_366], %swap3A_369 {strides = array<i32>} : memref<2x6x128xi32, #tpu.memory_space<vmem>>, vector<1x1x16xi32>,
    %get3A_370 = arith.constant 0 : i32
    %get3A_371 = arith.constant 2 : i32
    %get3A_372 = arith.index_cast %get3A_370 : i32 to index
    %get3A_373 = arith.index_cast %get3A_371 : i32 to index
    %get3A_374 = arith.constant 64 : index
    %get3A_375 = tpu.vector_load %arg6[%get3A_372, %get3A_373, %get3A_374] {strides = array<i32>} : memref<2x6x128xi32, #tpu.memory_space<vmem>>, vector<1x1x16xi32>,
    %get3A_376 = vector.shape_cast %get3A_375 : vector<1x1x16xi32> to vector<16xi32>
    %mul3A_377 = arith.constant 2 : i32
    %mul3A_378 = vector.broadcast %mul3A_377 : i32 to vector<16xi32>
    %mul3A_379 = arith.muli %get3A_376, %mul3A_378 : vector<16xi32>
    %swap3A_380 = arith.constant 0 : i32
    %swap3A_381 = arith.constant 2 : i32
    %swap3A_382 = arith.index_cast %swap3A_380 : i32 to index
    %swap3A_383 = arith.index_cast %swap3A_381 : i32 to index
    %swap3A_384 = arith.constant 64 : index
    %swap3A_385 = tpu.vector_load %arg6[%swap3A_382, %swap3A_383, %swap3A_384] {strides = array<i32>} : memref<2x6x128xi32, #tpu.memory_space<vmem>>, vector<1x1x16xi32>,
    %swap3A_386 = vector.shape_cast %swap3A_385 : vector<1x1x16xi32> to vector<16xi32>
    %swap3A_387 = vector.shape_cast %mul3A_379 : vector<16xi32> to vector<1x1x16xi32>
    tpu.vector_store %arg6[%swap3A_382, %swap3A_383, %swap3A_384], %swap3A_387 {strides = array<i32>} : memref<2x6x128xi32, #tpu.memory_space<vmem>>, vector<1x1x16xi32>,
    %get3A_388 = arith.constant 0 : i32
    %get3A_389 = arith.constant 2 : i32
    %get3A_390 = arith.index_cast %get3A_388 : i32 to index
    %get3A_391 = arith.index_cast %get3A_389 : i32 to index
    %get3A_392 = arith.constant 80 : index
    %get3A_393 = tpu.vector_load %arg6[%get3A_390, %get3A_391, %get3A_392] {strides = array<i32>} : memref<2x6x128xi32, #tpu.memory_space<vmem>>, vector<1x1x16xi32>,
    %get3A_394 = vector.shape_cast %get3A_393 : vector<1x1x16xi32> to vector<16xi32>
    %mul3A_395 = arith.constant 2 : i32
    %mul3A_396 = vector.broadcast %mul3A_395 : i32 to vector<16xi32>
    %mul3A_397 = arith.muli %get3A_394, %mul3A_396 : vector<16xi32>
    %swap3A_398 = arith.constant 0 : i32
    %swap3A_399 = arith.constant 2 : i32
    %swap3A_400 = arith.index_cast %swap3A_398 : i32 to index
    %swap3A_401 = arith.index_cast %swap3A_399 : i32 to index
    %swap3A_402 = arith.constant 80 : index
    %swap3A_403 = tpu.vector_load %arg6[%swap3A_400, %swap3A_401, %swap3A_402] {strides = array<i32>} : memref<2x6x128xi32, #tpu.memory_space<vmem>>, vector<1x1x16xi32>,
    %swap3A_404 = vector.shape_cast %swap3A_403 : vector<1x1x16xi32> to vector<16xi32>
    %swap3A_405 = vector.shape_cast %mul3A_397 : vector<16xi32> to vector<1x1x16xi32>
    tpu.vector_store %arg6[%swap3A_400, %swap3A_401, %swap3A_402], %swap3A_405 {strides = array<i32>} : memref<2x6x128xi32, #tpu.memory_space<vmem>>, vector<1x1x16xi32>,
    %get3A_406 = arith.constant 0 : i32
    %get3A_407 = arith.constant 2 : i32
    %get3A_408 = arith.index_cast %get3A_406 : i32 to index
    %get3A_409 = arith.index_cast %get3A_407 : i32 to index
    %get3A_410 = arith.constant 96 : index
    %get3A_411 = tpu.vector_load %arg6[%get3A_408, %get3A_409, %get3A_410] {strides = array<i32>} : memref<2x6x128xi32, #tpu.memory_space<vmem>>, vector<1x1x16xi32>,
    %get3A_412 = vector.shape_cast %get3A_411 : vector<1x1x16xi32> to vector<16xi32>
    %mul3A_413 = arith.constant 2 : i32
    %mul3A_414 = vector.broadcast %mul3A_413 : i32 to vector<16xi32>
    %mul3A_415 = arith.muli %get3A_412, %mul3A_414 : vector<16xi32>
    %swap3A_416 = arith.constant 0 : i32
    %swap3A_417 = arith.constant 2 : i32
    %swap3A_418 = arith.index_cast %swap3A_416 : i32 to index
    %swap3A_419 = arith.index_cast %swap3A_417 : i32 to index
    %swap3A_420 = arith.constant 96 : index
    %swap3A_421 = tpu.vector_load %arg6[%swap3A_418, %swap3A_419, %swap3A_420] {strides = array<i32>} : memref<2x6x128xi32, #tpu.memory_space<vmem>>, vector<1x1x16xi32>,
    %swap3A_422 = vector.shape_cast %swap3A_421 : vector<1x1x16xi32> to vector<16xi32>
    %swap3A_423 = vector.shape_cast %mul3A_415 : vector<16xi32> to vector<1x1x16xi32>
    tpu.vector_store %arg6[%swap3A_418, %swap3A_419, %swap3A_420], %swap3A_423 {strides = array<i32>} : memref<2x6x128xi32, #tpu.memory_space<vmem>>, vector<1x1x16xi32>,
    %get3A_424 = arith.constant 0 : i32
    %get3A_425 = arith.constant 2 : i32
    %get3A_426 = arith.index_cast %get3A_424 : i32 to index
    %get3A_427 = arith.index_cast %get3A_425 : i32 to index
    %get3A_428 = arith.constant 112 : index
    %get3A_429 = tpu.vector_load %arg6[%get3A_426, %get3A_427, %get3A_428] {strides = array<i32>} : memref<2x6x128xi32, #tpu.memory_space<vmem>>, vector<1x1x16xi32>,
    %get3A_430 = vector.shape_cast %get3A_429 : vector<1x1x16xi32> to vector<16xi32>
    %mul3A_431 = arith.constant 2 : i32
    %mul3A_432 = vector.broadcast %mul3A_431 : i32 to vector<16xi32>
    %mul3A_433 = arith.muli %get3A_430, %mul3A_432 : vector<16xi32>
    %swap3A_434 = arith.constant 0 : i32
    %swap3A_435 = arith.constant 2 : i32
    %swap3A_436 = arith.index_cast %swap3A_434 : i32 to index
    %swap3A_437 = arith.index_cast %swap3A_435 : i32 to index
    %swap3A_438 = arith.constant 112 : index
    %swap3A_439 = tpu.vector_load %arg6[%swap3A_436, %swap3A_437, %swap3A_438] {strides = array<i32>} : memref<2x6x128xi32, #tpu.memory_space<vmem>>, vector<1x1x16xi32>,
    %swap3A_440 = vector.shape_cast %swap3A_439 : vector<1x1x16xi32> to vector<16xi32>
    %swap3A_441 = vector.shape_cast %mul3A_433 : vector<16xi32> to vector<1x1x16xi32>
    tpu.vector_store %arg6[%swap3A_436, %swap3A_437, %swap3A_438], %swap3A_441 {strides = array<i32>} : memref<2x6x128xi32, #tpu.memory_space<vmem>>, vector<1x1x16xi32>,
    %get3A_442 = arith.constant 0 : i32
    %get3A_443 = arith.constant 3 : i32
    %get3A_444 = arith.index_cast %get3A_442 : i32 to index
    %get3A_445 = arith.index_cast %get3A_443 : i32 to index
    %get3A_446 = arith.constant 0 : index
    %get3A_447 = tpu.vector_load %arg6[%get3A_444, %get3A_445, %get3A_446] {strides = array<i32>} : memref<2x6x128xi32, #tpu.memory_space<vmem>>, vector<1x1x16xi32>,
    %get3A_448 = vector.shape_cast %get3A_447 : vector<1x1x16xi32> to vector<16xi32>
    %mul3A_449 = arith.constant 2 : i32
    %mul3A_450 = vector.broadcast %mul3A_449 : i32 to vector<16xi32>
    %mul3A_451 = arith.muli %get3A_448, %mul3A_450 : vector<16xi32>
    %swap3A_452 = arith.constant 0 : i32
    %swap3A_453 = arith.constant 3 : i32
    %swap3A_454 = arith.index_cast %swap3A_452 : i32 to index
    %swap3A_455 = arith.index_cast %swap3A_453 : i32 to index
    %swap3A_456 = arith.constant 0 : index
    %swap3A_457 = tpu.vector_load %arg6[%swap3A_454, %swap3A_455, %swap3A_456] {strides = array<i32>} : memref<2x6x128xi32, #tpu.memory_space<vmem>>, vector<1x1x16xi32>,
    %swap3A_458 = vector.shape_cast %swap3A_457 : vector<1x1x16xi32> to vector<16xi32>
    %swap3A_459 = vector.shape_cast %mul3A_451 : vector<16xi32> to vector<1x1x16xi32>
    tpu.vector_store %arg6[%swap3A_454, %swap3A_455, %swap3A_456], %swap3A_459 {strides = array<i32>} : memref<2x6x128xi32, #tpu.memory_space<vmem>>, vector<1x1x16xi32>,
    %get3A_460 = arith.constant 0 : i32
    %get3A_461 = arith.constant 3 : i32
    %get3A_462 = arith.index_cast %get3A_460 : i32 to index
    %get3A_463 = arith.index_cast %get3A_461 : i32 to index
    %get3A_464 = arith.constant 16 : index
    %get3A_465 = tpu.vector_load %arg6[%get3A_462, %get3A_463, %get3A_464] {strides = array<i32>} : memref<2x6x128xi32, #tpu.memory_space<vmem>>, vector<1x1x16xi32>,
    %get3A_466 = vector.shape_cast %get3A_465 : vector<1x1x16xi32> to vector<16xi32>
    %mul3A_467 = arith.constant 2 : i32
    %mul3A_468 = vector.broadcast %mul3A_467 : i32 to vector<16xi32>
    %mul3A_469 = arith.muli %get3A_466, %mul3A_468 : vector<16xi32>
    %swap3A_470 = arith.constant 0 : i32
    %swap3A_471 = arith.constant 3 : i32
    %swap3A_472 = arith.index_cast %swap3A_470 : i32 to index
    %swap3A_473 = arith.index_cast %swap3A_471 : i32 to index
    %swap3A_474 = arith.constant 16 : index
    %swap3A_475 = tpu.vector_load %arg6[%swap3A_472, %swap3A_473, %swap3A_474] {strides = array<i32>} : memref<2x6x128xi32, #tpu.memory_space<vmem>>, vector<1x1x16xi32>,
    %swap3A_476 = vector.shape_cast %swap3A_475 : vector<1x1x16xi32> to vector<16xi32>
    %swap3A_477 = vector.shape_cast %mul3A_469 : vector<16xi32> to vector<1x1x16xi32>
    tpu.vector_store %arg6[%swap3A_472, %swap3A_473, %swap3A_474], %swap3A_477 {strides = array<i32>} : memref<2x6x128xi32, #tpu.memory_space<vmem>>, vector<1x1x16xi32>,
    %get3A_478 = arith.constant 0 : i32
    %get3A_479 = arith.constant 3 : i32
    %get3A_480 = arith.index_cast %get3A_478 : i32 to index
    %get3A_481 = arith.index_cast %get3A_479 : i32 to index
    %get3A_482 = arith.constant 32 : index
    %get3A_483 = tpu.vector_load %arg6[%get3A_480, %get3A_481, %get3A_482] {strides = array<i32>} : memref<2x6x128xi32, #tpu.memory_space<vmem>>, vector<1x1x16xi32>,
    %get3A_484 = vector.shape_cast %get3A_483 : vector<1x1x16xi32> to vector<16xi32>
    %mul3A_485 = arith.constant 2 : i32
    %mul3A_486 = vector.broadcast %mul3A_485 : i32 to vector<16xi32>
    %mul3A_487 = arith.muli %get3A_484, %mul3A_486 : vector<16xi32>
    %swap3A_488 = arith.constant 0 : i32
    %swap3A_489 = arith.constant 3 : i32
    %swap3A_490 = arith.index_cast %swap3A_488 : i32 to index
    %swap3A_491 = arith.index_cast %swap3A_489 : i32 to index
    %swap3A_492 = arith.constant 32 : index
    %swap3A_493 = tpu.vector_load %arg6[%swap3A_490, %swap3A_491, %swap3A_492] {strides = array<i32>} : memref<2x6x128xi32, #tpu.memory_space<vmem>>, vector<1x1x16xi32>,
    %swap3A_494 = vector.shape_cast %swap3A_493 : vector<1x1x16xi32> to vector<16xi32>
    %swap3A_495 = vector.shape_cast %mul3A_487 : vector<16xi32> to vector<1x1x16xi32>
    tpu.vector_store %arg6[%swap3A_490, %swap3A_491, %swap3A_492], %swap3A_495 {strides = array<i32>} : memref<2x6x128xi32, #tpu.memory_space<vmem>>, vector<1x1x16xi32>,
    %get3A_496 = arith.constant 0 : i32
    %get3A_497 = arith.constant 3 : i32
    %get3A_498 = arith.index_cast %get3A_496 : i32 to index
    %get3A_499 = arith.index_cast %get3A_497 : i32 to index
    %get3A_500 = arith.constant 48 : index
    %get3A_501 = tpu.vector_load %arg6[%get3A_498, %get3A_499, %get3A_500] {strides = array<i32>} : memref<2x6x128xi32, #tpu.memory_space<vmem>>, vector<1x1x16xi32>,
    %get3A_502 = vector.shape_cast %get3A_501 : vector<1x1x16xi32> to vector<16xi32>
    %mul3A_503 = arith.constant 2 : i32
    %mul3A_504 = vector.broadcast %mul3A_503 : i32 to vector<16xi32>
    %mul3A_505 = arith.muli %get3A_502, %mul3A_504 : vector<16xi32>
    %swap3A_506 = arith.constant 0 : i32
    %swap3A_507 = arith.constant 3 : i32
    %swap3A_508 = arith.index_cast %swap3A_506 : i32 to index
    %swap3A_509 = arith.index_cast %swap3A_507 : i32 to index
    %swap3A_510 = arith.constant 48 : index
    %swap3A_511 = tpu.vector_load %arg6[%swap3A_508, %swap3A_509, %swap3A_510] {strides = array<i32>} : memref<2x6x128xi32, #tpu.memory_space<vmem>>, vector<1x1x16xi32>,
    %swap3A_512 = vector.shape_cast %swap3A_511 : vector<1x1x16xi32> to vector<16xi32>
    %swap3A_513 = vector.shape_cast %mul3A_505 : vector<16xi32> to vector<1x1x16xi32>
    tpu.vector_store %arg6[%swap3A_508, %swap3A_509, %swap3A_510], %swap3A_513 {strides = array<i32>} : memref<2x6x128xi32, #tpu.memory_space<vmem>>, vector<1x1x16xi32>,
    %get3A_514 = arith.constant 0 : i32
    %get3A_515 = arith.constant 3 : i32
    %get3A_516 = arith.index_cast %get3A_514 : i32 to index
    %get3A_517 = arith.index_cast %get3A_515 : i32 to index
    %get3A_518 = arith.constant 64 : index
    %get3A_519 = tpu.vector_load %arg6[%get3A_516, %get3A_517, %get3A_518] {strides = array<i32>} : memref<2x6x128xi32, #tpu.memory_space<vmem>>, vector<1x1x16xi32>,
    %get3A_520 = vector.shape_cast %get3A_519 : vector<1x1x16xi32> to vector<16xi32>
    %mul3A_521 = arith.constant 2 : i32
    %mul3A_522 = vector.broadcast %mul3A_521 : i32 to vector<16xi32>
    %mul3A_523 = arith.muli %get3A_520, %mul3A_522 : vector<16xi32>
    %swap3A_524 = arith.constant 0 : i32
    %swap3A_525 = arith.constant 3 : i32
    %swap3A_526 = arith.index_cast %swap3A_524 : i32 to index
    %swap3A_527 = arith.index_cast %swap3A_525 : i32 to index
    %swap3A_528 = arith.constant 64 : index
    %swap3A_529 = tpu.vector_load %arg6[%swap3A_526, %swap3A_527, %swap3A_528] {strides = array<i32>} : memref<2x6x128xi32, #tpu.memory_space<vmem>>, vector<1x1x16xi32>,
    %swap3A_530 = vector.shape_cast %swap3A_529 : vector<1x1x16xi32> to vector<16xi32>
    %swap3A_531 = vector.shape_cast %mul3A_523 : vector<16xi32> to vector<1x1x16xi32>
    tpu.vector_store %arg6[%swap3A_526, %swap3A_527, %swap3A_528], %swap3A_531 {strides = array<i32>} : memref<2x6x128xi32, #tpu.memory_space<vmem>>, vector<1x1x16xi32>,
    %get3A_532 = arith.constant 0 : i32
    %get3A_533 = arith.constant 3 : i32
    %get3A_534 = arith.index_cast %get3A_532 : i32 to index
    %get3A_535 = arith.index_cast %get3A_533 : i32 to index
    %get3A_536 = arith.constant 80 : index
    %get3A_537 = tpu.vector_load %arg6[%get3A_534, %get3A_535, %get3A_536] {strides = array<i32>} : memref<2x6x128xi32, #tpu.memory_space<vmem>>, vector<1x1x16xi32>,
    %get3A_538 = vector.shape_cast %get3A_537 : vector<1x1x16xi32> to vector<16xi32>
    %mul3A_539 = arith.constant 2 : i32
    %mul3A_540 = vector.broadcast %mul3A_539 : i32 to vector<16xi32>
    %mul3A_541 = arith.muli %get3A_538, %mul3A_540 : vector<16xi32>
    %swap3A_542 = arith.constant 0 : i32
    %swap3A_543 = arith.constant 3 : i32
    %swap3A_544 = arith.index_cast %swap3A_542 : i32 to index
    %swap3A_545 = arith.index_cast %swap3A_543 : i32 to index
    %swap3A_546 = arith.constant 80 : index
    %swap3A_547 = tpu.vector_load %arg6[%swap3A_544, %swap3A_545, %swap3A_546] {strides = array<i32>} : memref<2x6x128xi32, #tpu.memory_space<vmem>>, vector<1x1x16xi32>,
    %swap3A_548 = vector.shape_cast %swap3A_547 : vector<1x1x16xi32> to vector<16xi32>
    %swap3A_549 = vector.shape_cast %mul3A_541 : vector<16xi32> to vector<1x1x16xi32>
    tpu.vector_store %arg6[%swap3A_544, %swap3A_545, %swap3A_546], %swap3A_549 {strides = array<i32>} : memref<2x6x128xi32, #tpu.memory_space<vmem>>, vector<1x1x16xi32>,
    %get3A_550 = arith.constant 0 : i32
    %get3A_551 = arith.constant 3 : i32
    %get3A_552 = arith.index_cast %get3A_550 : i32 to index
    %get3A_553 = arith.index_cast %get3A_551 : i32 to index
    %get3A_554 = arith.constant 96 : index
    %get3A_555 = tpu.vector_load %arg6[%get3A_552, %get3A_553, %get3A_554] {strides = array<i32>} : memref<2x6x128xi32, #tpu.memory_space<vmem>>, vector<1x1x16xi32>,
    %get3A_556 = vector.shape_cast %get3A_555 : vector<1x1x16xi32> to vector<16xi32>
    %mul3A_557 = arith.constant 2 : i32
    %mul3A_558 = vector.broadcast %mul3A_557 : i32 to vector<16xi32>
    %mul3A_559 = arith.muli %get3A_556, %mul3A_558 : vector<16xi32>
    %swap3A_560 = arith.constant 0 : i32
    %swap3A_561 = arith.constant 3 : i32
    %swap3A_562 = arith.index_cast %swap3A_560 : i32 to index
    %swap3A_563 = arith.index_cast %swap3A_561 : i32 to index
    %swap3A_564 = arith.constant 96 : index
    %swap3A_565 = tpu.vector_load %arg6[%swap3A_562, %swap3A_563, %swap3A_564] {strides = array<i32>} : memref<2x6x128xi32, #tpu.memory_space<vmem>>, vector<1x1x16xi32>,
    %swap3A_566 = vector.shape_cast %swap3A_565 : vector<1x1x16xi32> to vector<16xi32>
    %swap3A_567 = vector.shape_cast %mul3A_559 : vector<16xi32> to vector<1x1x16xi32>
    tpu.vector_store %arg6[%swap3A_562, %swap3A_563, %swap3A_564], %swap3A_567 {strides = array<i32>} : memref<2x6x128xi32, #tpu.memory_space<vmem>>, vector<1x1x16xi32>,
    %get3A_568 = arith.constant 0 : i32
    %get3A_569 = arith.constant 3 : i32
    %get3A_570 = arith.index_cast %get3A_568 : i32 to index
    %get3A_571 = arith.index_cast %get3A_569 : i32 to index
    %get3A_572 = arith.constant 112 : index
    %get3A_573 = tpu.vector_load %arg6[%get3A_570, %get3A_571, %get3A_572] {strides = array<i32>} : memref<2x6x128xi32, #tpu.memory_space<vmem>>, vector<1x1x16xi32>,
    %get3A_574 = vector.shape_cast %get3A_573 : vector<1x1x16xi32> to vector<16xi32>
    %mul3A_575 = arith.constant 2 : i32
    %mul3A_576 = vector.broadcast %mul3A_575 : i32 to vector<16xi32>
    %mul3A_577 = arith.muli %get3A_574, %mul3A_576 : vector<16xi32>
    %swap3A_578 = arith.constant 0 : i32
    %swap3A_579 = arith.constant 3 : i32
    %swap3A_580 = arith.index_cast %swap3A_578 : i32 to index
    %swap3A_581 = arith.index_cast %swap3A_579 : i32 to index
    %swap3A_582 = arith.constant 112 : index
    %swap3A_583 = tpu.vector_load %arg6[%swap3A_580, %swap3A_581, %swap3A_582] {strides = array<i32>} : memref<2x6x128xi32, #tpu.memory_space<vmem>>, vector<1x1x16xi32>,
    %swap3A_584 = vector.shape_cast %swap3A_583 : vector<1x1x16xi32> to vector<16xi32>
    %swap3A_585 = vector.shape_cast %mul3A_577 : vector<16xi32> to vector<1x1x16xi32>
    tpu.vector_store %arg6[%swap3A_580, %swap3A_581, %swap3A_582], %swap3A_585 {strides = array<i32>} : memref<2x6x128xi32, #tpu.memory_space<vmem>>, vector<1x1x16xi32>,
    %get3A_586 = arith.constant 0 : i32
    %get3A_587 = arith.constant 4 : i32
    %get3A_588 = arith.index_cast %get3A_586 : i32 to index
    %get3A_589 = arith.index_cast %get3A_587 : i32 to index
    %get3A_590 = arith.constant 0 : index
    %get3A_591 = tpu.vector_load %arg6[%get3A_588, %get3A_589, %get3A_590] {strides = array<i32>} : memref<2x6x128xi32, #tpu.memory_space<vmem>>, vector<1x1x16xi32>,
    %get3A_592 = vector.shape_cast %get3A_591 : vector<1x1x16xi32> to vector<16xi32>
    %mul3A_593 = arith.constant 2 : i32
    %mul3A_594 = vector.broadcast %mul3A_593 : i32 to vector<16xi32>
    %mul3A_595 = arith.muli %get3A_592, %mul3A_594 : vector<16xi32>
    %swap3A_596 = arith.constant 0 : i32
    %swap3A_597 = arith.constant 4 : i32
    %swap3A_598 = arith.index_cast %swap3A_596 : i32 to index
    %swap3A_599 = arith.index_cast %swap3A_597 : i32 to index
    %swap3A_600 = arith.constant 0 : index
    %swap3A_601 = tpu.vector_load %arg6[%swap3A_598, %swap3A_599, %swap3A_600] {strides = array<i32>} : memref<2x6x128xi32, #tpu.memory_space<vmem>>, vector<1x1x16xi32>,
    %swap3A_602 = vector.shape_cast %swap3A_601 : vector<1x1x16xi32> to vector<16xi32>
    %swap3A_603 = vector.shape_cast %mul3A_595 : vector<16xi32> to vector<1x1x16xi32>
    tpu.vector_store %arg6[%swap3A_598, %swap3A_599, %swap3A_600], %swap3A_603 {strides = array<i32>} : memref<2x6x128xi32, #tpu.memory_space<vmem>>, vector<1x1x16xi32>,
    %get3A_604 = arith.constant 0 : i32
    %get3A_605 = arith.constant 4 : i32
    %get3A_606 = arith.index_cast %get3A_604 : i32 to index
    %get3A_607 = arith.index_cast %get3A_605 : i32 to index
    %get3A_608 = arith.constant 16 : index
    %get3A_609 = tpu.vector_load %arg6[%get3A_606, %get3A_607, %get3A_608] {strides = array<i32>} : memref<2x6x128xi32, #tpu.memory_space<vmem>>, vector<1x1x16xi32>,
    %get3A_610 = vector.shape_cast %get3A_609 : vector<1x1x16xi32> to vector<16xi32>
    %mul3A_611 = arith.constant 2 : i32
    %mul3A_612 = vector.broadcast %mul3A_611 : i32 to vector<16xi32>
    %mul3A_613 = arith.muli %get3A_610, %mul3A_612 : vector<16xi32>
    %swap3A_614 = arith.constant 0 : i32
    %swap3A_615 = arith.constant 4 : i32
    %swap3A_616 = arith.index_cast %swap3A_614 : i32 to index
    %swap3A_617 = arith.index_cast %swap3A_615 : i32 to index
    %swap3A_618 = arith.constant 16 : index
    %swap3A_619 = tpu.vector_load %arg6[%swap3A_616, %swap3A_617, %swap3A_618] {strides = array<i32>} : memref<2x6x128xi32, #tpu.memory_space<vmem>>, vector<1x1x16xi32>,
    %swap3A_620 = vector.shape_cast %swap3A_619 : vector<1x1x16xi32> to vector<16xi32>
    %swap3A_621 = vector.shape_cast %mul3A_613 : vector<16xi32> to vector<1x1x16xi32>
    tpu.vector_store %arg6[%swap3A_616, %swap3A_617, %swap3A_618], %swap3A_621 {strides = array<i32>} : memref<2x6x128xi32, #tpu.memory_space<vmem>>, vector<1x1x16xi32>,
    %get3A_622 = arith.constant 0 : i32
    %get3A_623 = arith.constant 4 : i32
    %get3A_624 = arith.index_cast %get3A_622 : i32 to index
    %get3A_625 = arith.index_cast %get3A_623 : i32 to index
    %get3A_626 = arith.constant 32 : index
    %get3A_627 = tpu.vector_load %arg6[%get3A_624, %get3A_625, %get3A_626] {strides = array<i32>} : memref<2x6x128xi32, #tpu.memory_space<vmem>>, vector<1x1x16xi32>,
    %get3A_628 = vector.shape_cast %get3A_627 : vector<1x1x16xi32> to vector<16xi32>
    %mul3A_629 = arith.constant 2 : i32
    %mul3A_630 = vector.broadcast %mul3A_629 : i32 to vector<16xi32>
    %mul3A_631 = arith.muli %get3A_628, %mul3A_630 : vector<16xi32>
    %swap3A_632 = arith.constant 0 : i32
    %swap3A_633 = arith.constant 4 : i32
    %swap3A_634 = arith.index_cast %swap3A_632 : i32 to index
    %swap3A_635 = arith.index_cast %swap3A_633 : i32 to index
    %swap3A_636 = arith.constant 32 : index
    %swap3A_637 = tpu.vector_load %arg6[%swap3A_634, %swap3A_635, %swap3A_636] {strides = array<i32>} : memref<2x6x128xi32, #tpu.memory_space<vmem>>, vector<1x1x16xi32>,
    %swap3A_638 = vector.shape_cast %swap3A_637 : vector<1x1x16xi32> to vector<16xi32>
    %swap3A_639 = vector.shape_cast %mul3A_631 : vector<16xi32> to vector<1x1x16xi32>
    tpu.vector_store %arg6[%swap3A_634, %swap3A_635, %swap3A_636], %swap3A_639 {strides = array<i32>} : memref<2x6x128xi32, #tpu.memory_space<vmem>>, vector<1x1x16xi32>,
    %get3A_640 = arith.constant 0 : i32
    %get3A_641 = arith.constant 4 : i32
    %get3A_642 = arith.index_cast %get3A_640 : i32 to index
    %get3A_643 = arith.index_cast %get3A_641 : i32 to index
    %get3A_644 = arith.constant 48 : index
    %get3A_645 = tpu.vector_load %arg6[%get3A_642, %get3A_643, %get3A_644] {strides = array<i32>} : memref<2x6x128xi32, #tpu.memory_space<vmem>>, vector<1x1x16xi32>,
    %get3A_646 = vector.shape_cast %get3A_645 : vector<1x1x16xi32> to vector<16xi32>
    %mul3A_647 = arith.constant 2 : i32
    %mul3A_648 = vector.broadcast %mul3A_647 : i32 to vector<16xi32>
    %mul3A_649 = arith.muli %get3A_646, %mul3A_648 : vector<16xi32>
    %swap3A_650 = arith.constant 0 : i32
    %swap3A_651 = arith.constant 4 : i32
    %swap3A_652 = arith.index_cast %swap3A_650 : i32 to index
    %swap3A_653 = arith.index_cast %swap3A_651 : i32 to index
    %swap3A_654 = arith.constant 48 : index
    %swap3A_655 = tpu.vector_load %arg6[%swap3A_652, %swap3A_653, %swap3A_654] {strides = array<i32>} : memref<2x6x128xi32, #tpu.memory_space<vmem>>, vector<1x1x16xi32>,
    %swap3A_656 = vector.shape_cast %swap3A_655 : vector<1x1x16xi32> to vector<16xi32>
    %swap3A_657 = vector.shape_cast %mul3A_649 : vector<16xi32> to vector<1x1x16xi32>
    tpu.vector_store %arg6[%swap3A_652, %swap3A_653, %swap3A_654], %swap3A_657 {strides = array<i32>} : memref<2x6x128xi32, #tpu.memory_space<vmem>>, vector<1x1x16xi32>,
    %get3A_658 = arith.constant 0 : i32
    %get3A_659 = arith.constant 4 : i32
    %get3A_660 = arith.index_cast %get3A_658 : i32 to index
    %get3A_661 = arith.index_cast %get3A_659 : i32 to index
    %get3A_662 = arith.constant 64 : index
    %get3A_663 = tpu.vector_load %arg6[%get3A_660, %get3A_661, %get3A_662] {strides = array<i32>} : memref<2x6x128xi32, #tpu.memory_space<vmem>>, vector<1x1x16xi32>,
    %get3A_664 = vector.shape_cast %get3A_663 : vector<1x1x16xi32> to vector<16xi32>
    %mul3A_665 = arith.constant 2 : i32
    %mul3A_666 = vector.broadcast %mul3A_665 : i32 to vector<16xi32>
    %mul3A_667 = arith.muli %get3A_664, %mul3A_666 : vector<16xi32>
    %swap3A_668 = arith.constant 0 : i32
    %swap3A_669 = arith.constant 4 : i32
    %swap3A_670 = arith.index_cast %swap3A_668 : i32 to index
    %swap3A_671 = arith.index_cast %swap3A_669 : i32 to index
    %swap3A_672 = arith.constant 64 : index
    %swap3A_673 = tpu.vector_load %arg6[%swap3A_670, %swap3A_671, %swap3A_672] {strides = array<i32>} : memref<2x6x128xi32, #tpu.memory_space<vmem>>, vector<1x1x16xi32>,
    %swap3A_674 = vector.shape_cast %swap3A_673 : vector<1x1x16xi32> to vector<16xi32>
    %swap3A_675 = vector.shape_cast %mul3A_667 : vector<16xi32> to vector<1x1x16xi32>
    tpu.vector_store %arg6[%swap3A_670, %swap3A_671, %swap3A_672], %swap3A_675 {strides = array<i32>} : memref<2x6x128xi32, #tpu.memory_space<vmem>>, vector<1x1x16xi32>,
    %get3A_676 = arith.constant 0 : i32
    %get3A_677 = arith.constant 4 : i32
    %get3A_678 = arith.index_cast %get3A_676 : i32 to index
    %get3A_679 = arith.index_cast %get3A_677 : i32 to index
    %get3A_680 = arith.constant 80 : index
    %get3A_681 = tpu.vector_load %arg6[%get3A_678, %get3A_679, %get3A_680] {strides = array<i32>} : memref<2x6x128xi32, #tpu.memory_space<vmem>>, vector<1x1x16xi32>,
    %get3A_682 = vector.shape_cast %get3A_681 : vector<1x1x16xi32> to vector<16xi32>
    %mul3A_683 = arith.constant 2 : i32
    %mul3A_684 = vector.broadcast %mul3A_683 : i32 to vector<16xi32>
    %mul3A_685 = arith.muli %get3A_682, %mul3A_684 : vector<16xi32>
    %swap3A_686 = arith.constant 0 : i32
    %swap3A_687 = arith.constant 4 : i32
    %swap3A_688 = arith.index_cast %swap3A_686 : i32 to index
    %swap3A_689 = arith.index_cast %swap3A_687 : i32 to index
    %swap3A_690 = arith.constant 80 : index
    %swap3A_691 = tpu.vector_load %arg6[%swap3A_688, %swap3A_689, %swap3A_690] {strides = array<i32>} : memref<2x6x128xi32, #tpu.memory_space<vmem>>, vector<1x1x16xi32>,
    %swap3A_692 = vector.shape_cast %swap3A_691 : vector<1x1x16xi32> to vector<16xi32>
    %swap3A_693 = vector.shape_cast %mul3A_685 : vector<16xi32> to vector<1x1x16xi32>
    tpu.vector_store %arg6[%swap3A_688, %swap3A_689, %swap3A_690], %swap3A_693 {strides = array<i32>} : memref<2x6x128xi32, #tpu.memory_space<vmem>>, vector<1x1x16xi32>,
    %get3A_694 = arith.constant 0 : i32
    %get3A_695 = arith.constant 4 : i32
    %get3A_696 = arith.index_cast %get3A_694 : i32 to index
    %get3A_697 = arith.index_cast %get3A_695 : i32 to index
    %get3A_698 = arith.constant 96 : index
    %get3A_699 = tpu.vector_load %arg6[%get3A_696, %get3A_697, %get3A_698] {strides = array<i32>} : memref<2x6x128xi32, #tpu.memory_space<vmem>>, vector<1x1x16xi32>,
    %get3A_700 = vector.shape_cast %get3A_699 : vector<1x1x16xi32> to vector<16xi32>
    %mul3A_701 = arith.constant 2 : i32
    %mul3A_702 = vector.broadcast %mul3A_701 : i32 to vector<16xi32>
    %mul3A_703 = arith.muli %get3A_700, %mul3A_702 : vector<16xi32>
    %swap3A_704 = arith.constant 0 : i32
    %swap3A_705 = arith.constant 4 : i32
    %swap3A_706 = arith.index_cast %swap3A_704 : i32 to index
    %swap3A_707 = arith.index_cast %swap3A_705 : i32 to index
    %swap3A_708 = arith.constant 96 : index
    %swap3A_709 = tpu.vector_load %arg6[%swap3A_706, %swap3A_707, %swap3A_708] {strides = array<i32>} : memref<2x6x128xi32, #tpu.memory_space<vmem>>, vector<1x1x16xi32>,
    %swap3A_710 = vector.shape_cast %swap3A_709 : vector<1x1x16xi32> to vector<16xi32>
    %swap3A_711 = vector.shape_cast %mul3A_703 : vector<16xi32> to vector<1x1x16xi32>
    tpu.vector_store %arg6[%swap3A_706, %swap3A_707, %swap3A_708], %swap3A_711 {strides = array<i32>} : memref<2x6x128xi32, #tpu.memory_space<vmem>>, vector<1x1x16xi32>,
    %get3A_712 = arith.constant 0 : i32
    %get3A_713 = arith.constant 4 : i32
    %get3A_714 = arith.index_cast %get3A_712 : i32 to index
    %get3A_715 = arith.index_cast %get3A_713 : i32 to index
    %get3A_716 = arith.constant 112 : index
    %get3A_717 = tpu.vector_load %arg6[%get3A_714, %get3A_715, %get3A_716] {strides = array<i32>} : memref<2x6x128xi32, #tpu.memory_space<vmem>>, vector<1x1x16xi32>,
    %get3A_718 = vector.shape_cast %get3A_717 : vector<1x1x16xi32> to vector<16xi32>
    %mul3A_719 = arith.constant 2 : i32
    %mul3A_720 = vector.broadcast %mul3A_719 : i32 to vector<16xi32>
    %mul3A_721 = arith.muli %get3A_718, %mul3A_720 : vector<16xi32>
    %swap3A_722 = arith.constant 0 : i32
    %swap3A_723 = arith.constant 4 : i32
    %swap3A_724 = arith.index_cast %swap3A_722 : i32 to index
    %swap3A_725 = arith.index_cast %swap3A_723 : i32 to index
    %swap3A_726 = arith.constant 112 : index
    %swap3A_727 = tpu.vector_load %arg6[%swap3A_724, %swap3A_725, %swap3A_726] {strides = array<i32>} : memref<2x6x128xi32, #tpu.memory_space<vmem>>, vector<1x1x16xi32>,
    %swap3A_728 = vector.shape_cast %swap3A_727 : vector<1x1x16xi32> to vector<16xi32>
    %swap3A_729 = vector.shape_cast %mul3A_721 : vector<16xi32> to vector<1x1x16xi32>
    tpu.vector_store %arg6[%swap3A_724, %swap3A_725, %swap3A_726], %swap3A_729 {strides = array<i32>} : memref<2x6x128xi32, #tpu.memory_space<vmem>>, vector<1x1x16xi32>,
    %get3A_730 = arith.constant 0 : i32
    %get3A_731 = arith.constant 5 : i32
    %get3A_732 = arith.index_cast %get3A_730 : i32 to index
    %get3A_733 = arith.index_cast %get3A_731 : i32 to index
    %get3A_734 = arith.constant 0 : index
    %get3A_735 = tpu.vector_load %arg6[%get3A_732, %get3A_733, %get3A_734] {strides = array<i32>} : memref<2x6x128xi32, #tpu.memory_space<vmem>>, vector<1x1x16xi32>,
    %get3A_736 = vector.shape_cast %get3A_735 : vector<1x1x16xi32> to vector<16xi32>
    %mul3A_737 = arith.constant 2 : i32
    %mul3A_738 = vector.broadcast %mul3A_737 : i32 to vector<16xi32>
    %mul3A_739 = arith.muli %get3A_736, %mul3A_738 : vector<16xi32>
    %swap3A_740 = arith.constant 0 : i32
    %swap3A_741 = arith.constant 5 : i32
    %swap3A_742 = arith.index_cast %swap3A_740 : i32 to index
    %swap3A_743 = arith.index_cast %swap3A_741 : i32 to index
    %swap3A_744 = arith.constant 0 : index
    %swap3A_745 = tpu.vector_load %arg6[%swap3A_742, %swap3A_743, %swap3A_744] {strides = array<i32>} : memref<2x6x128xi32, #tpu.memory_space<vmem>>, vector<1x1x16xi32>,
    %swap3A_746 = vector.shape_cast %swap3A_745 : vector<1x1x16xi32> to vector<16xi32>
    %swap3A_747 = vector.shape_cast %mul3A_739 : vector<16xi32> to vector<1x1x16xi32>
    tpu.vector_store %arg6[%swap3A_742, %swap3A_743, %swap3A_744], %swap3A_747 {strides = array<i32>} : memref<2x6x128xi32, #tpu.memory_space<vmem>>, vector<1x1x16xi32>,
    %get3A_748 = arith.constant 0 : i32
    %get3A_749 = arith.constant 5 : i32
    %get3A_750 = arith.index_cast %get3A_748 : i32 to index
    %get3A_751 = arith.index_cast %get3A_749 : i32 to index
    %get3A_752 = arith.constant 16 : index
    %get3A_753 = tpu.vector_load %arg6[%get3A_750, %get3A_751, %get3A_752] {strides = array<i32>} : memref<2x6x128xi32, #tpu.memory_space<vmem>>, vector<1x1x16xi32>,
    %get3A_754 = vector.shape_cast %get3A_753 : vector<1x1x16xi32> to vector<16xi32>
    %mul3A_755 = arith.constant 2 : i32
    %mul3A_756 = vector.broadcast %mul3A_755 : i32 to vector<16xi32>
    %mul3A_757 = arith.muli %get3A_754, %mul3A_756 : vector<16xi32>
    %swap3A_758 = arith.constant 0 : i32
    %swap3A_759 = arith.constant 5 : i32
    %swap3A_760 = arith.index_cast %swap3A_758 : i32 to index
    %swap3A_761 = arith.index_cast %swap3A_759 : i32 to index
    %swap3A_762 = arith.constant 16 : index
    %swap3A_763 = tpu.vector_load %arg6[%swap3A_760, %swap3A_761, %swap3A_762] {strides = array<i32>} : memref<2x6x128xi32, #tpu.memory_space<vmem>>, vector<1x1x16xi32>,
    %swap3A_764 = vector.shape_cast %swap3A_763 : vector<1x1x16xi32> to vector<16xi32>
    %swap3A_765 = vector.shape_cast %mul3A_757 : vector<16xi32> to vector<1x1x16xi32>
    tpu.vector_store %arg6[%swap3A_760, %swap3A_761, %swap3A_762], %swap3A_765 {strides = array<i32>} : memref<2x6x128xi32, #tpu.memory_space<vmem>>, vector<1x1x16xi32>,
    %get3A_766 = arith.constant 0 : i32
    %get3A_767 = arith.constant 5 : i32
    %get3A_768 = arith.index_cast %get3A_766 : i32 to index
    %get3A_769 = arith.index_cast %get3A_767 : i32 to index
    %get3A_770 = arith.constant 32 : index
    %get3A_771 = tpu.vector_load %arg6[%get3A_768, %get3A_769, %get3A_770] {strides = array<i32>} : memref<2x6x128xi32, #tpu.memory_space<vmem>>, vector<1x1x16xi32>,
    %get3A_772 = vector.shape_cast %get3A_771 : vector<1x1x16xi32> to vector<16xi32>
    %mul3A_773 = arith.constant 2 : i32
    %mul3A_774 = vector.broadcast %mul3A_773 : i32 to vector<16xi32>
    %mul3A_775 = arith.muli %get3A_772, %mul3A_774 : vector<16xi32>
    %swap3A_776 = arith.constant 0 : i32
    %swap3A_777 = arith.constant 5 : i32
    %swap3A_778 = arith.index_cast %swap3A_776 : i32 to index
    %swap3A_779 = arith.index_cast %swap3A_777 : i32 to index
    %swap3A_780 = arith.constant 32 : index
    %swap3A_781 = tpu.vector_load %arg6[%swap3A_778, %swap3A_779, %swap3A_780] {strides = array<i32>} : memref<2x6x128xi32, #tpu.memory_space<vmem>>, vector<1x1x16xi32>,
    %swap3A_782 = vector.shape_cast %swap3A_781 : vector<1x1x16xi32> to vector<16xi32>
    %swap3A_783 = vector.shape_cast %mul3A_775 : vector<16xi32> to vector<1x1x16xi32>
    tpu.vector_store %arg6[%swap3A_778, %swap3A_779, %swap3A_780], %swap3A_783 {strides = array<i32>} : memref<2x6x128xi32, #tpu.memory_space<vmem>>, vector<1x1x16xi32>,
    %get3A_784 = arith.constant 0 : i32
    %get3A_785 = arith.constant 5 : i32
    %get3A_786 = arith.index_cast %get3A_784 : i32 to index
    %get3A_787 = arith.index_cast %get3A_785 : i32 to index
    %get3A_788 = arith.constant 48 : index
    %get3A_789 = tpu.vector_load %arg6[%get3A_786, %get3A_787, %get3A_788] {strides = array<i32>} : memref<2x6x128xi32, #tpu.memory_space<vmem>>, vector<1x1x16xi32>,
    %get3A_790 = vector.shape_cast %get3A_789 : vector<1x1x16xi32> to vector<16xi32>
    %mul3A_791 = arith.constant 2 : i32
    %mul3A_792 = vector.broadcast %mul3A_791 : i32 to vector<16xi32>
    %mul3A_793 = arith.muli %get3A_790, %mul3A_792 : vector<16xi32>
    %swap3A_794 = arith.constant 0 : i32
    %swap3A_795 = arith.constant 5 : i32
    %swap3A_796 = arith.index_cast %swap3A_794 : i32 to index
    %swap3A_797 = arith.index_cast %swap3A_795 : i32 to index
    %swap3A_798 = arith.constant 48 : index
    %swap3A_799 = tpu.vector_load %arg6[%swap3A_796, %swap3A_797, %swap3A_798] {strides = array<i32>} : memref<2x6x128xi32, #tpu.memory_space<vmem>>, vector<1x1x16xi32>,
    %swap3A_800 = vector.shape_cast %swap3A_799 : vector<1x1x16xi32> to vector<16xi32>
    %swap3A_801 = vector.shape_cast %mul3A_793 : vector<16xi32> to vector<1x1x16xi32>
    tpu.vector_store %arg6[%swap3A_796, %swap3A_797, %swap3A_798], %swap3A_801 {strides = array<i32>} : memref<2x6x128xi32, #tpu.memory_space<vmem>>, vector<1x1x16xi32>,
    %get3A_802 = arith.constant 0 : i32
    %get3A_803 = arith.constant 5 : i32
    %get3A_804 = arith.index_cast %get3A_802 : i32 to index
    %get3A_805 = arith.index_cast %get3A_803 : i32 to index
    %get3A_806 = arith.constant 64 : index
    %get3A_807 = tpu.vector_load %arg6[%get3A_804, %get3A_805, %get3A_806] {strides = array<i32>} : memref<2x6x128xi32, #tpu.memory_space<vmem>>, vector<1x1x16xi32>,
    %get3A_808 = vector.shape_cast %get3A_807 : vector<1x1x16xi32> to vector<16xi32>
    %mul3A_809 = arith.constant 2 : i32
    %mul3A_810 = vector.broadcast %mul3A_809 : i32 to vector<16xi32>
    %mul3A_811 = arith.muli %get3A_808, %mul3A_810 : vector<16xi32>
    %swap3A_812 = arith.constant 0 : i32
    %swap3A_813 = arith.constant 5 : i32
    %swap3A_814 = arith.index_cast %swap3A_812 : i32 to index
    %swap3A_815 = arith.index_cast %swap3A_813 : i32 to index
    %swap3A_816 = arith.constant 64 : index
    %swap3A_817 = tpu.vector_load %arg6[%swap3A_814, %swap3A_815, %swap3A_816] {strides = array<i32>} : memref<2x6x128xi32, #tpu.memory_space<vmem>>, vector<1x1x16xi32>,
    %swap3A_818 = vector.shape_cast %swap3A_817 : vector<1x1x16xi32> to vector<16xi32>
    %swap3A_819 = vector.shape_cast %mul3A_811 : vector<16xi32> to vector<1x1x16xi32>
    tpu.vector_store %arg6[%swap3A_814, %swap3A_815, %swap3A_816], %swap3A_819 {strides = array<i32>} : memref<2x6x128xi32, #tpu.memory_space<vmem>>, vector<1x1x16xi32>,
    %get3A_820 = arith.constant 0 : i32
    %get3A_821 = arith.constant 5 : i32
    %get3A_822 = arith.index_cast %get3A_820 : i32 to index
    %get3A_823 = arith.index_cast %get3A_821 : i32 to index
    %get3A_824 = arith.constant 80 : index
    %get3A_825 = tpu.vector_load %arg6[%get3A_822, %get3A_823, %get3A_824] {strides = array<i32>} : memref<2x6x128xi32, #tpu.memory_space<vmem>>, vector<1x1x16xi32>,
    %get3A_826 = vector.shape_cast %get3A_825 : vector<1x1x16xi32> to vector<16xi32>
    %mul3A_827 = arith.constant 2 : i32
    %mul3A_828 = vector.broadcast %mul3A_827 : i32 to vector<16xi32>
    %mul3A_829 = arith.muli %get3A_826, %mul3A_828 : vector<16xi32>
    %swap3A_830 = arith.constant 0 : i32
    %swap3A_831 = arith.constant 5 : i32
    %swap3A_832 = arith.index_cast %swap3A_830 : i32 to index
    %swap3A_833 = arith.index_cast %swap3A_831 : i32 to index
    %swap3A_834 = arith.constant 80 : index
    %swap3A_835 = tpu.vector_load %arg6[%swap3A_832, %swap3A_833, %swap3A_834] {strides = array<i32>} : memref<2x6x128xi32, #tpu.memory_space<vmem>>, vector<1x1x16xi32>,
    %swap3A_836 = vector.shape_cast %swap3A_835 : vector<1x1x16xi32> to vector<16xi32>
    %swap3A_837 = vector.shape_cast %mul3A_829 : vector<16xi32> to vector<1x1x16xi32>
    tpu.vector_store %arg6[%swap3A_832, %swap3A_833, %swap3A_834], %swap3A_837 {strides = array<i32>} : memref<2x6x128xi32, #tpu.memory_space<vmem>>, vector<1x1x16xi32>,
    %get3A_838 = arith.constant 0 : i32
    %get3A_839 = arith.constant 5 : i32
    %get3A_840 = arith.index_cast %get3A_838 : i32 to index
    %get3A_841 = arith.index_cast %get3A_839 : i32 to index
    %get3A_842 = arith.constant 96 : index
    %get3A_843 = tpu.vector_load %arg6[%get3A_840, %get3A_841, %get3A_842] {strides = array<i32>} : memref<2x6x128xi32, #tpu.memory_space<vmem>>, vector<1x1x16xi32>,
    %get3A_844 = vector.shape_cast %get3A_843 : vector<1x1x16xi32> to vector<16xi32>
    %mul3A_845 = arith.constant 2 : i32
    %mul3A_846 = vector.broadcast %mul3A_845 : i32 to vector<16xi32>
    %mul3A_847 = arith.muli %get3A_844, %mul3A_846 : vector<16xi32>
    %swap3A_848 = arith.constant 0 : i32
    %swap3A_849 = arith.constant 5 : i32
    %swap3A_850 = arith.index_cast %swap3A_848 : i32 to index
    %swap3A_851 = arith.index_cast %swap3A_849 : i32 to index
    %swap3A_852 = arith.constant 96 : index
    %swap3A_853 = tpu.vector_load %arg6[%swap3A_850, %swap3A_851, %swap3A_852] {strides = array<i32>} : memref<2x6x128xi32, #tpu.memory_space<vmem>>, vector<1x1x16xi32>,
    %swap3A_854 = vector.shape_cast %swap3A_853 : vector<1x1x16xi32> to vector<16xi32>
    %swap3A_855 = vector.shape_cast %mul3A_847 : vector<16xi32> to vector<1x1x16xi32>
    tpu.vector_store %arg6[%swap3A_850, %swap3A_851, %swap3A_852], %swap3A_855 {strides = array<i32>} : memref<2x6x128xi32, #tpu.memory_space<vmem>>, vector<1x1x16xi32>,
    %get3A_856 = arith.constant 0 : i32
    %get3A_857 = arith.constant 5 : i32
    %get3A_858 = arith.index_cast %get3A_856 : i32 to index
    %get3A_859 = arith.index_cast %get3A_857 : i32 to index
    %get3A_860 = arith.constant 112 : index
    %get3A_861 = tpu.vector_load %arg6[%get3A_858, %get3A_859, %get3A_860] {strides = array<i32>} : memref<2x6x128xi32, #tpu.memory_space<vmem>>, vector<1x1x16xi32>,
    %get3A_862 = vector.shape_cast %get3A_861 : vector<1x1x16xi32> to vector<16xi32>
    %mul3A_863 = arith.constant 2 : i32
    %mul3A_864 = vector.broadcast %mul3A_863 : i32 to vector<16xi32>
    %mul3A_865 = arith.muli %get3A_862, %mul3A_864 : vector<16xi32>
    %swap3A_866 = arith.constant 0 : i32
    %swap3A_867 = arith.constant 5 : i32
    %swap3A_868 = arith.index_cast %swap3A_866 : i32 to index
    %swap3A_869 = arith.index_cast %swap3A_867 : i32 to index
    %swap3A_870 = arith.constant 112 : index
    %swap3A_871 = tpu.vector_load %arg6[%swap3A_868, %swap3A_869, %swap3A_870] {strides = array<i32>} : memref<2x6x128xi32, #tpu.memory_space<vmem>>, vector<1x1x16xi32>,
    %swap3A_872 = vector.shape_cast %swap3A_871 : vector<1x1x16xi32> to vector<16xi32>
    %swap3A_873 = vector.shape_cast %mul3A_865 : vector<16xi32> to vector<1x1x16xi32>
    tpu.vector_store %arg6[%swap3A_868, %swap3A_869, %swap3A_870], %swap3A_873 {strides = array<i32>} : memref<2x6x128xi32, #tpu.memory_space<vmem>>, vector<1x1x16xi32>,
    %dma_start3A = arith.constant 0 : i32
    %dma_start3A_874 = arith.constant 0 : i32
    %dma_start3A_875 = arith.constant 0 : i32
    %dma_start3A_876 = arith.constant 0 : i32
    %dma_start3A_877 = arith.constant 0 : i32
    %dma_start3A_878 = tpu.memref_slice %arg8[%dma_start3A_875, %dma_start3A_876, %dma_start3A_877] : memref<6x128x64xf32, #tpu.memory_space<vmem>> -> memref<1x128x64xf32, #tpu.memory_space<vmem>>
    %dma_start3A_879 = tpu.memref_squeeze %dma_start3A_878 : memref<1x128x64xf32, #tpu.memory_space<vmem>> -> memref<128x64xf32, #tpu.memory_space<vmem>>
    %dma_start3A_880 = arith.constant 0 : i32
    %dma_start3A_881 = tpu.memref_slice %arg6[%dma_start3A, %dma_start3A_874, %dma_start3A_880] : memref<2x6x128xi32, #tpu.memory_space<vmem>> -> memref<1x1x128xi32, #tpu.memory_space<vmem>>
    %dma_start3A_882 = tpu.memref_squeeze %dma_start3A_881 : memref<1x1x128xi32, #tpu.memory_space<vmem>> -> memref<128xi32, #tpu.memory_space<vmem>>
    %dma_start3A_883 = arith.constant 0 : i32
    %dma_start3A_884 = arith.constant 0 : i32
    %dma_start3A_885 = tpu.memref_slice %arg2[%dma_start3A_883, %dma_start3A_884] : memref<20000x64xf32, #tpu.memory_space<hbm>> -> memref<20000x64xf32, #tpu.memory_space<hbm>>
    tpu.enqueue_indirect_dma source(%dma_start3A_885 : memref<20000x64xf32, #tpu.memory_space<hbm>>) target(%dma_start3A_879 : memref<128x64xf32, #tpu.memory_space<vmem>>) offsets(%dma_start3A_882 : memref<128xi32, #tpu.memory_space<vmem>>) semaphore(%arg10 : memref<!tpu.dma_semaphore, #tpu.memory_space<semaphore_mem>>)
    %dma_start3A_886 = arith.constant 0 : i32
    %dma_start3A_887 = arith.constant 1 : i32
    %dma_start3A_888 = arith.constant 1 : i32
    %dma_start3A_889 = arith.constant 0 : i32
    %dma_start3A_890 = arith.constant 0 : i32
    %dma_start3A_891 = tpu.memref_slice %arg8[%dma_start3A_888, %dma_start3A_889, %dma_start3A_890] : memref<6x128x64xf32, #tpu.memory_space<vmem>> -> memref<1x128x64xf32, #tpu.memory_space<vmem>>
    %dma_start3A_892 = tpu.memref_squeeze %dma_start3A_891 : memref<1x128x64xf32, #tpu.memory_space<vmem>> -> memref<128x64xf32, #tpu.memory_space<vmem>>
    %dma_start3A_893 = arith.constant 0 : i32
    %dma_start3A_894 = tpu.memref_slice %arg6[%dma_start3A_886, %dma_start3A_887, %dma_start3A_893] : memref<2x6x128xi32, #tpu.memory_space<vmem>> -> memref<1x1x128xi32, #tpu.memory_space<vmem>>
    %dma_start3A_895 = tpu.memref_squeeze %dma_start3A_894 : memref<1x1x128xi32, #tpu.memory_space<vmem>> -> memref<128xi32, #tpu.memory_space<vmem>>
    %dma_start3A_896 = arith.constant 0 : i32
    %dma_start3A_897 = arith.constant 0 : i32
    %dma_start3A_898 = tpu.memref_slice %arg2[%dma_start3A_896, %dma_start3A_897] : memref<20000x64xf32, #tpu.memory_space<hbm>> -> memref<20000x64xf32, #tpu.memory_space<hbm>>
    tpu.enqueue_indirect_dma source(%dma_start3A_898 : memref<20000x64xf32, #tpu.memory_space<hbm>>) target(%dma_start3A_892 : memref<128x64xf32, #tpu.memory_space<vmem>>) offsets(%dma_start3A_895 : memref<128xi32, #tpu.memory_space<vmem>>) semaphore(%arg10 : memref<!tpu.dma_semaphore, #tpu.memory_space<semaphore_mem>>)
    %dma_start3A_899 = arith.constant 0 : i32
    %dma_start3A_900 = arith.constant 2 : i32
    %dma_start3A_901 = arith.constant 2 : i32
    %dma_start3A_902 = arith.constant 0 : i32
    %dma_start3A_903 = arith.constant 0 : i32
    %dma_start3A_904 = tpu.memref_slice %arg8[%dma_start3A_901, %dma_start3A_902, %dma_start3A_903] : memref<6x128x64xf32, #tpu.memory_space<vmem>> -> memref<1x128x64xf32, #tpu.memory_space<vmem>>
    %dma_start3A_905 = tpu.memref_squeeze %dma_start3A_904 : memref<1x128x64xf32, #tpu.memory_space<vmem>> -> memref<128x64xf32, #tpu.memory_space<vmem>>
    %dma_start3A_906 = arith.constant 0 : i32
    %dma_start3A_907 = tpu.memref_slice %arg6[%dma_start3A_899, %dma_start3A_900, %dma_start3A_906] : memref<2x6x128xi32, #tpu.memory_space<vmem>> -> memref<1x1x128xi32, #tpu.memory_space<vmem>>
    %dma_start3A_908 = tpu.memref_squeeze %dma_start3A_907 : memref<1x1x128xi32, #tpu.memory_space<vmem>> -> memref<128xi32, #tpu.memory_space<vmem>>
    %dma_start3A_909 = arith.constant 0 : i32
    %dma_start3A_910 = arith.constant 0 : i32
    %dma_start3A_911 = tpu.memref_slice %arg2[%dma_start3A_909, %dma_start3A_910] : memref<20000x64xf32, #tpu.memory_space<hbm>> -> memref<20000x64xf32, #tpu.memory_space<hbm>>
    tpu.enqueue_indirect_dma source(%dma_start3A_911 : memref<20000x64xf32, #tpu.memory_space<hbm>>) target(%dma_start3A_905 : memref<128x64xf32, #tpu.memory_space<vmem>>) offsets(%dma_start3A_908 : memref<128xi32, #tpu.memory_space<vmem>>) semaphore(%arg10 : memref<!tpu.dma_semaphore, #tpu.memory_space<semaphore_mem>>)
    %dma_start3A_912 = arith.constant 0 : i32
    %dma_start3A_913 = arith.constant 3 : i32
    %dma_start3A_914 = arith.constant 3 : i32
    %dma_start3A_915 = arith.constant 0 : i32
    %dma_start3A_916 = arith.constant 0 : i32
    %dma_start3A_917 = tpu.memref_slice %arg8[%dma_start3A_914, %dma_start3A_915, %dma_start3A_916] : memref<6x128x64xf32, #tpu.memory_space<vmem>> -> memref<1x128x64xf32, #tpu.memory_space<vmem>>
    %dma_start3A_918 = tpu.memref_squeeze %dma_start3A_917 : memref<1x128x64xf32, #tpu.memory_space<vmem>> -> memref<128x64xf32, #tpu.memory_space<vmem>>
    %dma_start3A_919 = arith.constant 0 : i32
    %dma_start3A_920 = tpu.memref_slice %arg6[%dma_start3A_912, %dma_start3A_913, %dma_start3A_919] : memref<2x6x128xi32, #tpu.memory_space<vmem>> -> memref<1x1x128xi32, #tpu.memory_space<vmem>>
    %dma_start3A_921 = tpu.memref_squeeze %dma_start3A_920 : memref<1x1x128xi32, #tpu.memory_space<vmem>> -> memref<128xi32, #tpu.memory_space<vmem>>
    %dma_start3A_922 = arith.constant 0 : i32
    %dma_start3A_923 = arith.constant 0 : i32
    %dma_start3A_924 = tpu.memref_slice %arg2[%dma_start3A_922, %dma_start3A_923] : memref<20000x64xf32, #tpu.memory_space<hbm>> -> memref<20000x64xf32, #tpu.memory_space<hbm>>
    tpu.enqueue_indirect_dma source(%dma_start3A_924 : memref<20000x64xf32, #tpu.memory_space<hbm>>) target(%dma_start3A_918 : memref<128x64xf32, #tpu.memory_space<vmem>>) offsets(%dma_start3A_921 : memref<128xi32, #tpu.memory_space<vmem>>) semaphore(%arg10 : memref<!tpu.dma_semaphore, #tpu.memory_space<semaphore_mem>>)
    %scan3A = arith.constant 0 : i32
    %scan3A_925 = arith.constant 0 : i32
    %scan3A_926 = arith.constant 12 : i32
    %scan3A_927 = arith.addi %scan3A_925, %scan3A_926 : i32
    %scan3A_928 = arith.constant 1 : i32
    scf.for %scan3A_1054 = %scan3A_925 to %scan3A_927 step %scan3A_928  : i32 {
      %rem3A = arith.constant 2 : i32
      %rem3A_1055 = arith.remsi %scan3A_1054, %rem3A : i32
      %sub3A = arith.constant 1 : i32
      %sub3A_1056 = arith.subi %sub3A, %rem3A_1055 : i32
      %add3A_1057 = arith.constant 1 : i32
      %add3A_1058 = arith.addi %scan3A_1054, %add3A_1057 : i32
      %mul3A_1059 = arith.constant 6 : i32
      %mul3A_1060 = arith.muli %add3A_1058, %mul3A_1059 : i32
      %add3A_1061 = arith.addi %add3A_6, %mul3A_1060 : i32
      %run_scoped3A_1062 = arith.constant 0 : i32
      "tpu.region"() ({
        %run_scoped3A_1988 = tpu.sem_alloc : memref<!tpu.dma_semaphore, #tpu.memory_space<semaphore_mem>>
        %dma_start3A_1989 = arith.constant 0 : i32
        %dma_start3A_1990 = arith.constant 0 : i32
        %dma_start3A_1991 = tpu.memref_slice %arg6[%sub3A_1056, %dma_start3A_1989, %dma_start3A_1990] : memref<2x6x128xi32, #tpu.memory_space<vmem>> -> memref<1x6x128xi32, #tpu.memory_space<vmem>>
        %dma_start3A_1992 = tpu.memref_squeeze %dma_start3A_1991 : memref<1x6x128xi32, #tpu.memory_space<vmem>> -> memref<6x128xi32, #tpu.memory_space<vmem>>
        %dma_start3A_1993 = arith.constant 0 : i32
        %dma_start3A_1994 = tpu.memref_slice %arg3[%run_scoped3A_1062, %add3A_1061, %dma_start3A_1993] : memref<2x2500x128xi32, #tpu.memory_space<hbm>> -> memref<1x6x128xi32, #tpu.memory_space<hbm>>
        %dma_start3A_1995 = tpu.memref_squeeze %dma_start3A_1994 : memref<1x6x128xi32, #tpu.memory_space<hbm>> -> memref<6x128xi32, #tpu.memory_space<hbm>>
        %dma_start3A_1996 = arith.constant 0 : i32
        %dma_start3A_1997 = arith.constant 0 : i32
        %dma_start3A_1998 = tpu.memref_slice %arg6[%sub3A_1056, %dma_start3A_1996, %dma_start3A_1997] : memref<2x6x128xi32, #tpu.memory_space<vmem>> -> memref<1x6x128xi32, #tpu.memory_space<vmem>>
        %dma_start3A_1999 = tpu.memref_squeeze %dma_start3A_1998 : memref<1x6x128xi32, #tpu.memory_space<vmem>> -> memref<6x128xi32, #tpu.memory_space<vmem>>
        %dma_start3A_2000 = arith.constant 0 : i32
        %dma_start3A_2001 = tpu.memref_slice %arg3[%run_scoped3A_1062, %add3A_1061, %dma_start3A_2000] : memref<2x2500x128xi32, #tpu.memory_space<hbm>> -> memref<1x6x128xi32, #tpu.memory_space<hbm>>
        %dma_start3A_2002 = tpu.memref_squeeze %dma_start3A_2001 : memref<1x6x128xi32, #tpu.memory_space<hbm>> -> memref<6x128xi32, #tpu.memory_space<hbm>>
        tpu.enqueue_dma source(%dma_start3A_2002 : memref<6x128xi32, #tpu.memory_space<hbm>>) target(%dma_start3A_1999 : memref<6x128xi32, #tpu.memory_space<vmem>>) target_semaphore(%run_scoped3A_1988 : memref<!tpu.dma_semaphore, #tpu.memory_space<semaphore_mem>>)
        %dma_wait3A_2003 = arith.constant 0 : i32
        %dma_wait3A_2004 = arith.constant 0 : i32
        %dma_wait3A_2005 = tpu.memref_slice %arg6[%sub3A_1056, %dma_wait3A_2003, %dma_wait3A_2004] : memref<2x6x128xi32, #tpu.memory_space<vmem>> -> memref<1x6x128xi32, #tpu.memory_space<vmem>>
        %dma_wait3A_2006 = tpu.memref_squeeze %dma_wait3A_2005 : memref<1x6x128xi32, #tpu.memory_space<vmem>> -> memref<6x128xi32, #tpu.memory_space<vmem>>
        %dma_wait3A_2007 = arith.constant 0 : i32
        %dma_wait3A_2008 = tpu.memref_slice %arg3[%run_scoped3A_1062, %add3A_1061, %dma_wait3A_2007] : memref<2x2500x128xi32, #tpu.memory_space<hbm>> -> memref<1x6x128xi32, #tpu.memory_space<hbm>>
        %dma_wait3A_2009 = tpu.memref_squeeze %dma_wait3A_2008 : memref<1x6x128xi32, #tpu.memory_space<hbm>> -> memref<6x128xi32, #tpu.memory_space<hbm>>
        %dma_wait3A_2010 = arith.constant 0 : i32
        %dma_wait3A_2011 = arith.constant 0 : i32
        %dma_wait3A_2012 = tpu.memref_slice %arg6[%sub3A_1056, %dma_wait3A_2010, %dma_wait3A_2011] : memref<2x6x128xi32, #tpu.memory_space<vmem>> -> memref<1x6x128xi32, #tpu.memory_space<vmem>>
        %dma_wait3A_2013 = tpu.memref_squeeze %dma_wait3A_2012 : memref<1x6x128xi32, #tpu.memory_space<vmem>> -> memref<6x128xi32, #tpu.memory_space<vmem>>
        %dma_wait3A_2014 = arith.constant 0 : i32
        %dma_wait3A_2015 = tpu.memref_slice %arg3[%run_scoped3A_1062, %add3A_1061, %dma_wait3A_2014] : memref<2x2500x128xi32, #tpu.memory_space<hbm>> -> memref<1x6x128xi32, #tpu.memory_space<hbm>>
        %dma_wait3A_2016 = tpu.memref_squeeze %dma_wait3A_2015 : memref<1x6x128xi32, #tpu.memory_space<hbm>> -> memref<6x128xi32, #tpu.memory_space<hbm>>
        tpu.wait_dma2 semaphore(%run_scoped3A_1988 : memref<!tpu.dma_semaphore, #tpu.memory_space<semaphore_mem>>) src(%dma_wait3A_2016 : memref<6x128xi32, #tpu.memory_space<hbm>>) dst(%dma_wait3A_2013 : memref<6x128xi32, #tpu.memory_space<vmem>>)
        tpu.yield
      }) : () -> ()
      %run_scoped3A_1063 = arith.constant 1 : i32
      "tpu.region"() ({
        %run_scoped3A_1988 = tpu.sem_alloc : memref<!tpu.dma_semaphore, #tpu.memory_space<semaphore_mem>>
        %dma_start3A_1989 = arith.constant 0 : i32
        %dma_start3A_1990 = arith.constant 0 : i32
        %dma_start3A_1991 = tpu.memref_slice %arg7[%sub3A_1056, %dma_start3A_1989, %dma_start3A_1990] : memref<2x6x128xi32, #tpu.memory_space<vmem>> -> memref<1x6x128xi32, #tpu.memory_space<vmem>>
        %dma_start3A_1992 = tpu.memref_squeeze %dma_start3A_1991 : memref<1x6x128xi32, #tpu.memory_space<vmem>> -> memref<6x128xi32, #tpu.memory_space<vmem>>
        %dma_start3A_1993 = arith.constant 0 : i32
        %dma_start3A_1994 = tpu.memref_slice %arg3[%run_scoped3A_1063, %add3A_1061, %dma_start3A_1993] : memref<2x2500x128xi32, #tpu.memory_space<hbm>> -> memref<1x6x128xi32, #tpu.memory_space<hbm>>
        %dma_start3A_1995 = tpu.memref_squeeze %dma_start3A_1994 : memref<1x6x128xi32, #tpu.memory_space<hbm>> -> memref<6x128xi32, #tpu.memory_space<hbm>>
        %dma_start3A_1996 = arith.constant 0 : i32
        %dma_start3A_1997 = arith.constant 0 : i32
        %dma_start3A_1998 = tpu.memref_slice %arg7[%sub3A_1056, %dma_start3A_1996, %dma_start3A_1997] : memref<2x6x128xi32, #tpu.memory_space<vmem>> -> memref<1x6x128xi32, #tpu.memory_space<vmem>>
        %dma_start3A_1999 = tpu.memref_squeeze %dma_start3A_1998 : memref<1x6x128xi32, #tpu.memory_space<vmem>> -> memref<6x128xi32, #tpu.memory_space<vmem>>
        %dma_start3A_2000 = arith.constant 0 : i32
        %dma_start3A_2001 = tpu.memref_slice %arg3[%run_scoped3A_1063, %add3A_1061, %dma_start3A_2000] : memref<2x2500x128xi32, #tpu.memory_space<hbm>> -> memref<1x6x128xi32, #tpu.memory_space<hbm>>
        %dma_start3A_2002 = tpu.memref_squeeze %dma_start3A_2001 : memref<1x6x128xi32, #tpu.memory_space<hbm>> -> memref<6x128xi32, #tpu.memory_space<hbm>>
        tpu.enqueue_dma source(%dma_start3A_2002 : memref<6x128xi32, #tpu.memory_space<hbm>>) target(%dma_start3A_1999 : memref<6x128xi32, #tpu.memory_space<vmem>>) target_semaphore(%run_scoped3A_1988 : memref<!tpu.dma_semaphore, #tpu.memory_space<semaphore_mem>>)
        %dma_wait3A_2003 = arith.constant 0 : i32
        %dma_wait3A_2004 = arith.constant 0 : i32
        %dma_wait3A_2005 = tpu.memref_slice %arg7[%sub3A_1056, %dma_wait3A_2003, %dma_wait3A_2004] : memref<2x6x128xi32, #tpu.memory_space<vmem>> -> memref<1x6x128xi32, #tpu.memory_space<vmem>>
        %dma_wait3A_2006 = tpu.memref_squeeze %dma_wait3A_2005 : memref<1x6x128xi32, #tpu.memory_space<vmem>> -> memref<6x128xi32, #tpu.memory_space<vmem>>
        %dma_wait3A_2007 = arith.constant 0 : i32
        %dma_wait3A_2008 = tpu.memref_slice %arg3[%run_scoped3A_1063, %add3A_1061, %dma_wait3A_2007] : memref<2x2500x128xi32, #tpu.memory_space<hbm>> -> memref<1x6x128xi32, #tpu.memory_space<hbm>>
        %dma_wait3A_2009 = tpu.memref_squeeze %dma_wait3A_2008 : memref<1x6x128xi32, #tpu.memory_space<hbm>> -> memref<6x128xi32, #tpu.memory_space<hbm>>
        %dma_wait3A_2010 = arith.constant 0 : i32
        %dma_wait3A_2011 = arith.constant 0 : i32
        %dma_wait3A_2012 = tpu.memref_slice %arg7[%sub3A_1056, %dma_wait3A_2010, %dma_wait3A_2011] : memref<2x6x128xi32, #tpu.memory_space<vmem>> -> memref<1x6x128xi32, #tpu.memory_space<vmem>>
        %dma_wait3A_2013 = tpu.memref_squeeze %dma_wait3A_2012 : memref<1x6x128xi32, #tpu.memory_space<vmem>> -> memref<6x128xi32, #tpu.memory_space<vmem>>
        %dma_wait3A_2014 = arith.constant 0 : i32
        %dma_wait3A_2015 = tpu.memref_slice %arg3[%run_scoped3A_1063, %add3A_1061, %dma_wait3A_2014] : memref<2x2500x128xi32, #tpu.memory_space<hbm>> -> memref<1x6x128xi32, #tpu.memory_space<hbm>>
        %dma_wait3A_2016 = tpu.memref_squeeze %dma_wait3A_2015 : memref<1x6x128xi32, #tpu.memory_space<hbm>> -> memref<6x128xi32, #tpu.memory_space<hbm>>
        tpu.wait_dma2 semaphore(%run_scoped3A_1988 : memref<!tpu.dma_semaphore, #tpu.memory_space<semaphore_mem>>) src(%dma_wait3A_2016 : memref<6x128xi32, #tpu.memory_space<hbm>>) dst(%dma_wait3A_2013 : memref<6x128xi32, #tpu.memory_space<vmem>>)
        tpu.yield
      }) : () -> ()
      %get3A_1064 = arith.constant 0 : i32
      %get3A_1065 = arith.index_cast %sub3A_1056 : i32 to index
      %get3A_1066 = arith.index_cast %get3A_1064 : i32 to index
      %get3A_1067 = arith.constant 0 : index
      %get3A_1068 = tpu.vector_load %arg6[%get3A_1065, %get3A_1066, %get3A_1067] {strides = array<i32>} : memref<2x6x128xi32, #tpu.memory_space<vmem>>, vector<1x1x16xi32>,
      %get3A_1069 = vector.shape_cast %get3A_1068 : vector<1x1x16xi32> to vector<16xi32>
      %mul3A_1070 = arith.constant 2 : i32
      %mul3A_1071 = vector.broadcast %mul3A_1070 : i32 to vector<16xi32>
      %mul3A_1072 = arith.muli %get3A_1069, %mul3A_1071 : vector<16xi32>
      %swap3A_1073 = arith.constant 0 : i32
      %swap3A_1074 = arith.index_cast %sub3A_1056 : i32 to index
      %swap3A_1075 = arith.index_cast %swap3A_1073 : i32 to index
      %swap3A_1076 = arith.constant 0 : index
      %swap3A_1077 = tpu.vector_load %arg6[%swap3A_1074, %swap3A_1075, %swap3A_1076] {strides = array<i32>} : memref<2x6x128xi32, #tpu.memory_space<vmem>>, vector<1x1x16xi32>,
      %swap3A_1078 = vector.shape_cast %swap3A_1077 : vector<1x1x16xi32> to vector<16xi32>
      %swap3A_1079 = vector.shape_cast %mul3A_1072 : vector<16xi32> to vector<1x1x16xi32>
      tpu.vector_store %arg6[%swap3A_1074, %swap3A_1075, %swap3A_1076], %swap3A_1079 {strides = array<i32>} : memref<2x6x128xi32, #tpu.memory_space<vmem>>, vector<1x1x16xi32>,
      %get3A_1080 = arith.constant 0 : i32
      %get3A_1081 = arith.index_cast %sub3A_1056 : i32 to index
      %get3A_1082 = arith.index_cast %get3A_1080 : i32 to index
      %get3A_1083 = arith.constant 16 : index
      %get3A_1084 = tpu.vector_load %arg6[%get3A_1081, %get3A_1082, %get3A_1083] {strides = array<i32>} : memref<2x6x128xi32, #tpu.memory_space<vmem>>, vector<1x1x16xi32>,
      %get3A_1085 = vector.shape_cast %get3A_1084 : vector<1x1x16xi32> to vector<16xi32>
      %mul3A_1086 = arith.constant 2 : i32
      %mul3A_1087 = vector.broadcast %mul3A_1086 : i32 to vector<16xi32>
      %mul3A_1088 = arith.muli %get3A_1085, %mul3A_1087 : vector<16xi32>
      %swap3A_1089 = arith.constant 0 : i32
      %swap3A_1090 = arith.index_cast %sub3A_1056 : i32 to index
      %swap3A_1091 = arith.index_cast %swap3A_1089 : i32 to index
      %swap3A_1092 = arith.constant 16 : index
      %swap3A_1093 = tpu.vector_load %arg6[%swap3A_1090, %swap3A_1091, %swap3A_1092] {strides = array<i32>} : memref<2x6x128xi32, #tpu.memory_space<vmem>>, vector<1x1x16xi32>,
      %swap3A_1094 = vector.shape_cast %swap3A_1093 : vector<1x1x16xi32> to vector<16xi32>
      %swap3A_1095 = vector.shape_cast %mul3A_1088 : vector<16xi32> to vector<1x1x16xi32>
      tpu.vector_store %arg6[%swap3A_1090, %swap3A_1091, %swap3A_1092], %swap3A_1095 {strides = array<i32>} : memref<2x6x128xi32, #tpu.memory_space<vmem>>, vector<1x1x16xi32>,
      %get3A_1096 = arith.constant 0 : i32
      %get3A_1097 = arith.index_cast %sub3A_1056 : i32 to index
      %get3A_1098 = arith.index_cast %get3A_1096 : i32 to index
      %get3A_1099 = arith.constant 32 : index
      %get3A_1100 = tpu.vector_load %arg6[%get3A_1097, %get3A_1098, %get3A_1099] {strides = array<i32>} : memref<2x6x128xi32, #tpu.memory_space<vmem>>, vector<1x1x16xi32>,
      %get3A_1101 = vector.shape_cast %get3A_1100 : vector<1x1x16xi32> to vector<16xi32>
      %mul3A_1102 = arith.constant 2 : i32
      %mul3A_1103 = vector.broadcast %mul3A_1102 : i32 to vector<16xi32>
      %mul3A_1104 = arith.muli %get3A_1101, %mul3A_1103 : vector<16xi32>
      %swap3A_1105 = arith.constant 0 : i32
      %swap3A_1106 = arith.index_cast %sub3A_1056 : i32 to index
      %swap3A_1107 = arith.index_cast %swap3A_1105 : i32 to index
      %swap3A_1108 = arith.constant 32 : index
      %swap3A_1109 = tpu.vector_load %arg6[%swap3A_1106, %swap3A_1107, %swap3A_1108] {strides = array<i32>} : memref<2x6x128xi32, #tpu.memory_space<vmem>>, vector<1x1x16xi32>,
      %swap3A_1110 = vector.shape_cast %swap3A_1109 : vector<1x1x16xi32> to vector<16xi32>
      %swap3A_1111 = vector.shape_cast %mul3A_1104 : vector<16xi32> to vector<1x1x16xi32>
      tpu.vector_store %arg6[%swap3A_1106, %swap3A_1107, %swap3A_1108], %swap3A_1111 {strides = array<i32>} : memref<2x6x128xi32, #tpu.memory_space<vmem>>, vector<1x1x16xi32>,
      %get3A_1112 = arith.constant 0 : i32
      %get3A_1113 = arith.index_cast %sub3A_1056 : i32 to index
      %get3A_1114 = arith.index_cast %get3A_1112 : i32 to index
      %get3A_1115 = arith.constant 48 : index
      %get3A_1116 = tpu.vector_load %arg6[%get3A_1113, %get3A_1114, %get3A_1115] {strides = array<i32>} : memref<2x6x128xi32, #tpu.memory_space<vmem>>, vector<1x1x16xi32>,
      %get3A_1117 = vector.shape_cast %get3A_1116 : vector<1x1x16xi32> to vector<16xi32>
      %mul3A_1118 = arith.constant 2 : i32
      %mul3A_1119 = vector.broadcast %mul3A_1118 : i32 to vector<16xi32>
      %mul3A_1120 = arith.muli %get3A_1117, %mul3A_1119 : vector<16xi32>
      %swap3A_1121 = arith.constant 0 : i32
      %swap3A_1122 = arith.index_cast %sub3A_1056 : i32 to index
      %swap3A_1123 = arith.index_cast %swap3A_1121 : i32 to index
      %swap3A_1124 = arith.constant 48 : index
      %swap3A_1125 = tpu.vector_load %arg6[%swap3A_1122, %swap3A_1123, %swap3A_1124] {strides = array<i32>} : memref<2x6x128xi32, #tpu.memory_space<vmem>>, vector<1x1x16xi32>,
      %swap3A_1126 = vector.shape_cast %swap3A_1125 : vector<1x1x16xi32> to vector<16xi32>
      %swap3A_1127 = vector.shape_cast %mul3A_1120 : vector<16xi32> to vector<1x1x16xi32>
      tpu.vector_store %arg6[%swap3A_1122, %swap3A_1123, %swap3A_1124], %swap3A_1127 {strides = array<i32>} : memref<2x6x128xi32, #tpu.memory_space<vmem>>, vector<1x1x16xi32>,
      %get3A_1128 = arith.constant 0 : i32
      %get3A_1129 = arith.index_cast %sub3A_1056 : i32 to index
      %get3A_1130 = arith.index_cast %get3A_1128 : i32 to index
      %get3A_1131 = arith.constant 64 : index
      %get3A_1132 = tpu.vector_load %arg6[%get3A_1129, %get3A_1130, %get3A_1131] {strides = array<i32>} : memref<2x6x128xi32, #tpu.memory_space<vmem>>, vector<1x1x16xi32>,
      %get3A_1133 = vector.shape_cast %get3A_1132 : vector<1x1x16xi32> to vector<16xi32>
      %mul3A_1134 = arith.constant 2 : i32
      %mul3A_1135 = vector.broadcast %mul3A_1134 : i32 to vector<16xi32>
      %mul3A_1136 = arith.muli %get3A_1133, %mul3A_1135 : vector<16xi32>
      %swap3A_1137 = arith.constant 0 : i32
      %swap3A_1138 = arith.index_cast %sub3A_1056 : i32 to index
      %swap3A_1139 = arith.index_cast %swap3A_1137 : i32 to index
      %swap3A_1140 = arith.constant 64 : index
      %swap3A_1141 = tpu.vector_load %arg6[%swap3A_1138, %swap3A_1139, %swap3A_1140] {strides = array<i32>} : memref<2x6x128xi32, #tpu.memory_space<vmem>>, vector<1x1x16xi32>,
      %swap3A_1142 = vector.shape_cast %swap3A_1141 : vector<1x1x16xi32> to vector<16xi32>
      %swap3A_1143 = vector.shape_cast %mul3A_1136 : vector<16xi32> to vector<1x1x16xi32>
      tpu.vector_store %arg6[%swap3A_1138, %swap3A_1139, %swap3A_1140], %swap3A_1143 {strides = array<i32>} : memref<2x6x128xi32, #tpu.memory_space<vmem>>, vector<1x1x16xi32>,
      %get3A_1144 = arith.constant 0 : i32
      %get3A_1145 = arith.index_cast %sub3A_1056 : i32 to index
      %get3A_1146 = arith.index_cast %get3A_1144 : i32 to index
      %get3A_1147 = arith.constant 80 : index
      %get3A_1148 = tpu.vector_load %arg6[%get3A_1145, %get3A_1146, %get3A_1147] {strides = array<i32>} : memref<2x6x128xi32, #tpu.memory_space<vmem>>, vector<1x1x16xi32>,
      %get3A_1149 = vector.shape_cast %get3A_1148 : vector<1x1x16xi32> to vector<16xi32>
      %mul3A_1150 = arith.constant 2 : i32
      %mul3A_1151 = vector.broadcast %mul3A_1150 : i32 to vector<16xi32>
      %mul3A_1152 = arith.muli %get3A_1149, %mul3A_1151 : vector<16xi32>
      %swap3A_1153 = arith.constant 0 : i32
      %swap3A_1154 = arith.index_cast %sub3A_1056 : i32 to index
      %swap3A_1155 = arith.index_cast %swap3A_1153 : i32 to index
      %swap3A_1156 = arith.constant 80 : index
      %swap3A_1157 = tpu.vector_load %arg6[%swap3A_1154, %swap3A_1155, %swap3A_1156] {strides = array<i32>} : memref<2x6x128xi32, #tpu.memory_space<vmem>>, vector<1x1x16xi32>,
      %swap3A_1158 = vector.shape_cast %swap3A_1157 : vector<1x1x16xi32> to vector<16xi32>
      %swap3A_1159 = vector.shape_cast %mul3A_1152 : vector<16xi32> to vector<1x1x16xi32>
      tpu.vector_store %arg6[%swap3A_1154, %swap3A_1155, %swap3A_1156], %swap3A_1159 {strides = array<i32>} : memref<2x6x128xi32, #tpu.memory_space<vmem>>, vector<1x1x16xi32>,
      %get3A_1160 = arith.constant 0 : i32
      %get3A_1161 = arith.index_cast %sub3A_1056 : i32 to index
      %get3A_1162 = arith.index_cast %get3A_1160 : i32 to index
      %get3A_1163 = arith.constant 96 : index
      %get3A_1164 = tpu.vector_load %arg6[%get3A_1161, %get3A_1162, %get3A_1163] {strides = array<i32>} : memref<2x6x128xi32, #tpu.memory_space<vmem>>, vector<1x1x16xi32>,
      %get3A_1165 = vector.shape_cast %get3A_1164 : vector<1x1x16xi32> to vector<16xi32>
      %mul3A_1166 = arith.constant 2 : i32
      %mul3A_1167 = vector.broadcast %mul3A_1166 : i32 to vector<16xi32>
      %mul3A_1168 = arith.muli %get3A_1165, %mul3A_1167 : vector<16xi32>
      %swap3A_1169 = arith.constant 0 : i32
      %swap3A_1170 = arith.index_cast %sub3A_1056 : i32 to index
      %swap3A_1171 = arith.index_cast %swap3A_1169 : i32 to index
      %swap3A_1172 = arith.constant 96 : index
      %swap3A_1173 = tpu.vector_load %arg6[%swap3A_1170, %swap3A_1171, %swap3A_1172] {strides = array<i32>} : memref<2x6x128xi32, #tpu.memory_space<vmem>>, vector<1x1x16xi32>,
      %swap3A_1174 = vector.shape_cast %swap3A_1173 : vector<1x1x16xi32> to vector<16xi32>
      %swap3A_1175 = vector.shape_cast %mul3A_1168 : vector<16xi32> to vector<1x1x16xi32>
      tpu.vector_store %arg6[%swap3A_1170, %swap3A_1171, %swap3A_1172], %swap3A_1175 {strides = array<i32>} : memref<2x6x128xi32, #tpu.memory_space<vmem>>, vector<1x1x16xi32>,
      %get3A_1176 = arith.constant 0 : i32
      %get3A_1177 = arith.index_cast %sub3A_1056 : i32 to index
      %get3A_1178 = arith.index_cast %get3A_1176 : i32 to index
      %get3A_1179 = arith.constant 112 : index
      %get3A_1180 = tpu.vector_load %arg6[%get3A_1177, %get3A_1178, %get3A_1179] {strides = array<i32>} : memref<2x6x128xi32, #tpu.memory_space<vmem>>, vector<1x1x16xi32>,
      %get3A_1181 = vector.shape_cast %get3A_1180 : vector<1x1x16xi32> to vector<16xi32>
      %mul3A_1182 = arith.constant 2 : i32
      %mul3A_1183 = vector.broadcast %mul3A_1182 : i32 to vector<16xi32>
      %mul3A_1184 = arith.muli %get3A_1181, %mul3A_1183 : vector<16xi32>
      %swap3A_1185 = arith.constant 0 : i32
      %swap3A_1186 = arith.index_cast %sub3A_1056 : i32 to index
      %swap3A_1187 = arith.index_cast %swap3A_1185 : i32 to index
      %swap3A_1188 = arith.constant 112 : index
      %swap3A_1189 = tpu.vector_load %arg6[%swap3A_1186, %swap3A_1187, %swap3A_1188] {strides = array<i32>} : memref<2x6x128xi32, #tpu.memory_space<vmem>>, vector<1x1x16xi32>,
      %swap3A_1190 = vector.shape_cast %swap3A_1189 : vector<1x1x16xi32> to vector<16xi32>
      %swap3A_1191 = vector.shape_cast %mul3A_1184 : vector<16xi32> to vector<1x1x16xi32>
      tpu.vector_store %arg6[%swap3A_1186, %swap3A_1187, %swap3A_1188], %swap3A_1191 {strides = array<i32>} : memref<2x6x128xi32, #tpu.memory_space<vmem>>, vector<1x1x16xi32>,
      %get3A_1192 = arith.constant 1 : i32
      %get3A_1193 = arith.index_cast %sub3A_1056 : i32 to index
      %get3A_1194 = arith.index_cast %get3A_1192 : i32 to index
      %get3A_1195 = arith.constant 0 : index
      %get3A_1196 = tpu.vector_load %arg6[%get3A_1193, %get3A_1194, %get3A_1195] {strides = array<i32>} : memref<2x6x128xi32, #tpu.memory_space<vmem>>, vector<1x1x16xi32>,
      %get3A_1197 = vector.shape_cast %get3A_1196 : vector<1x1x16xi32> to vector<16xi32>
      %mul3A_1198 = arith.constant 2 : i32
      %mul3A_1199 = vector.broadcast %mul3A_1198 : i32 to vector<16xi32>
      %mul3A_1200 = arith.muli %get3A_1197, %mul3A_1199 : vector<16xi32>
      %swap3A_1201 = arith.constant 1 : i32
      %swap3A_1202 = arith.index_cast %sub3A_1056 : i32 to index
      %swap3A_1203 = arith.index_cast %swap3A_1201 : i32 to index
      %swap3A_1204 = arith.constant 0 : index
      %swap3A_1205 = tpu.vector_load %arg6[%swap3A_1202, %swap3A_1203, %swap3A_1204] {strides = array<i32>} : memref<2x6x128xi32, #tpu.memory_space<vmem>>, vector<1x1x16xi32>,
      %swap3A_1206 = vector.shape_cast %swap3A_1205 : vector<1x1x16xi32> to vector<16xi32>
      %swap3A_1207 = vector.shape_cast %mul3A_1200 : vector<16xi32> to vector<1x1x16xi32>
      tpu.vector_store %arg6[%swap3A_1202, %swap3A_1203, %swap3A_1204], %swap3A_1207 {strides = array<i32>} : memref<2x6x128xi32, #tpu.memory_space<vmem>>, vector<1x1x16xi32>,
      %get3A_1208 = arith.constant 1 : i32
      %get3A_1209 = arith.index_cast %sub3A_1056 : i32 to index
      %get3A_1210 = arith.index_cast %get3A_1208 : i32 to index
      %get3A_1211 = arith.constant 16 : index
      %get3A_1212 = tpu.vector_load %arg6[%get3A_1209, %get3A_1210, %get3A_1211] {strides = array<i32>} : memref<2x6x128xi32, #tpu.memory_space<vmem>>, vector<1x1x16xi32>,
      %get3A_1213 = vector.shape_cast %get3A_1212 : vector<1x1x16xi32> to vector<16xi32>
      %mul3A_1214 = arith.constant 2 : i32
      %mul3A_1215 = vector.broadcast %mul3A_1214 : i32 to vector<16xi32>
      %mul3A_1216 = arith.muli %get3A_1213, %mul3A_1215 : vector<16xi32>
      %swap3A_1217 = arith.constant 1 : i32
      %swap3A_1218 = arith.index_cast %sub3A_1056 : i32 to index
      %swap3A_1219 = arith.index_cast %swap3A_1217 : i32 to index
      %swap3A_1220 = arith.constant 16 : index
      %swap3A_1221 = tpu.vector_load %arg6[%swap3A_1218, %swap3A_1219, %swap3A_1220] {strides = array<i32>} : memref<2x6x128xi32, #tpu.memory_space<vmem>>, vector<1x1x16xi32>,
      %swap3A_1222 = vector.shape_cast %swap3A_1221 : vector<1x1x16xi32> to vector<16xi32>
      %swap3A_1223 = vector.shape_cast %mul3A_1216 : vector<16xi32> to vector<1x1x16xi32>
      tpu.vector_store %arg6[%swap3A_1218, %swap3A_1219, %swap3A_1220], %swap3A_1223 {strides = array<i32>} : memref<2x6x128xi32, #tpu.memory_space<vmem>>, vector<1x1x16xi32>,
      %get3A_1224 = arith.constant 1 : i32
      %get3A_1225 = arith.index_cast %sub3A_1056 : i32 to index
      %get3A_1226 = arith.index_cast %get3A_1224 : i32 to index
      %get3A_1227 = arith.constant 32 : index
      %get3A_1228 = tpu.vector_load %arg6[%get3A_1225, %get3A_1226, %get3A_1227] {strides = array<i32>} : memref<2x6x128xi32, #tpu.memory_space<vmem>>, vector<1x1x16xi32>,
      %get3A_1229 = vector.shape_cast %get3A_1228 : vector<1x1x16xi32> to vector<16xi32>
      %mul3A_1230 = arith.constant 2 : i32
      %mul3A_1231 = vector.broadcast %mul3A_1230 : i32 to vector<16xi32>
      %mul3A_1232 = arith.muli %get3A_1229, %mul3A_1231 : vector<16xi32>
      %swap3A_1233 = arith.constant 1 : i32
      %swap3A_1234 = arith.index_cast %sub3A_1056 : i32 to index
      %swap3A_1235 = arith.index_cast %swap3A_1233 : i32 to index
      %swap3A_1236 = arith.constant 32 : index
      %swap3A_1237 = tpu.vector_load %arg6[%swap3A_1234, %swap3A_1235, %swap3A_1236] {strides = array<i32>} : memref<2x6x128xi32, #tpu.memory_space<vmem>>, vector<1x1x16xi32>,
      %swap3A_1238 = vector.shape_cast %swap3A_1237 : vector<1x1x16xi32> to vector<16xi32>
      %swap3A_1239 = vector.shape_cast %mul3A_1232 : vector<16xi32> to vector<1x1x16xi32>
      tpu.vector_store %arg6[%swap3A_1234, %swap3A_1235, %swap3A_1236], %swap3A_1239 {strides = array<i32>} : memref<2x6x128xi32, #tpu.memory_space<vmem>>, vector<1x1x16xi32>,
      %get3A_1240 = arith.constant 1 : i32
      %get3A_1241 = arith.index_cast %sub3A_1056 : i32 to index
      %get3A_1242 = arith.index_cast %get3A_1240 : i32 to index
      %get3A_1243 = arith.constant 48 : index
      %get3A_1244 = tpu.vector_load %arg6[%get3A_1241, %get3A_1242, %get3A_1243] {strides = array<i32>} : memref<2x6x128xi32, #tpu.memory_space<vmem>>, vector<1x1x16xi32>,
      %get3A_1245 = vector.shape_cast %get3A_1244 : vector<1x1x16xi32> to vector<16xi32>
      %mul3A_1246 = arith.constant 2 : i32
      %mul3A_1247 = vector.broadcast %mul3A_1246 : i32 to vector<16xi32>
      %mul3A_1248 = arith.muli %get3A_1245, %mul3A_1247 : vector<16xi32>
      %swap3A_1249 = arith.constant 1 : i32
      %swap3A_1250 = arith.index_cast %sub3A_1056 : i32 to index
      %swap3A_1251 = arith.index_cast %swap3A_1249 : i32 to index
      %swap3A_1252 = arith.constant 48 : index
      %swap3A_1253 = tpu.vector_load %arg6[%swap3A_1250, %swap3A_1251, %swap3A_1252] {strides = array<i32>} : memref<2x6x128xi32, #tpu.memory_space<vmem>>, vector<1x1x16xi32>,
      %swap3A_1254 = vector.shape_cast %swap3A_1253 : vector<1x1x16xi32> to vector<16xi32>
      %swap3A_1255 = vector.shape_cast %mul3A_1248 : vector<16xi32> to vector<1x1x16xi32>
      tpu.vector_store %arg6[%swap3A_1250, %swap3A_1251, %swap3A_1252], %swap3A_1255 {strides = array<i32>} : memref<2x6x128xi32, #tpu.memory_space<vmem>>, vector<1x1x16xi32>,
      %get3A_1256 = arith.constant 1 : i32
      %get3A_1257 = arith.index_cast %sub3A_1056 : i32 to index
      %get3A_1258 = arith.index_cast %get3A_1256 : i32 to index
      %get3A_1259 = arith.constant 64 : index
      %get3A_1260 = tpu.vector_load %arg6[%get3A_1257, %get3A_1258, %get3A_1259] {strides = array<i32>} : memref<2x6x128xi32, #tpu.memory_space<vmem>>, vector<1x1x16xi32>,
      %get3A_1261 = vector.shape_cast %get3A_1260 : vector<1x1x16xi32> to vector<16xi32>
      %mul3A_1262 = arith.constant 2 : i32
      %mul3A_1263 = vector.broadcast %mul3A_1262 : i32 to vector<16xi32>
      %mul3A_1264 = arith.muli %get3A_1261, %mul3A_1263 : vector<16xi32>
      %swap3A_1265 = arith.constant 1 : i32
      %swap3A_1266 = arith.index_cast %sub3A_1056 : i32 to index
      %swap3A_1267 = arith.index_cast %swap3A_1265 : i32 to index
      %swap3A_1268 = arith.constant 64 : index
      %swap3A_1269 = tpu.vector_load %arg6[%swap3A_1266, %swap3A_1267, %swap3A_1268] {strides = array<i32>} : memref<2x6x128xi32, #tpu.memory_space<vmem>>, vector<1x1x16xi32>,
      %swap3A_1270 = vector.shape_cast %swap3A_1269 : vector<1x1x16xi32> to vector<16xi32>
      %swap3A_1271 = vector.shape_cast %mul3A_1264 : vector<16xi32> to vector<1x1x16xi32>
      tpu.vector_store %arg6[%swap3A_1266, %swap3A_1267, %swap3A_1268], %swap3A_1271 {strides = array<i32>} : memref<2x6x128xi32, #tpu.memory_space<vmem>>, vector<1x1x16xi32>,
      %get3A_1272 = arith.constant 1 : i32
      %get3A_1273 = arith.index_cast %sub3A_1056 : i32 to index
      %get3A_1274 = arith.index_cast %get3A_1272 : i32 to index
      %get3A_1275 = arith.constant 80 : index
      %get3A_1276 = tpu.vector_load %arg6[%get3A_1273, %get3A_1274, %get3A_1275] {strides = array<i32>} : memref<2x6x128xi32, #tpu.memory_space<vmem>>, vector<1x1x16xi32>,
      %get3A_1277 = vector.shape_cast %get3A_1276 : vector<1x1x16xi32> to vector<16xi32>
      %mul3A_1278 = arith.constant 2 : i32
      %mul3A_1279 = vector.broadcast %mul3A_1278 : i32 to vector<16xi32>
      %mul3A_1280 = arith.muli %get3A_1277, %mul3A_1279 : vector<16xi32>
      %swap3A_1281 = arith.constant 1 : i32
      %swap3A_1282 = arith.index_cast %sub3A_1056 : i32 to index
      %swap3A_1283 = arith.index_cast %swap3A_1281 : i32 to index
      %swap3A_1284 = arith.constant 80 : index
      %swap3A_1285 = tpu.vector_load %arg6[%swap3A_1282, %swap3A_1283, %swap3A_1284] {strides = array<i32>} : memref<2x6x128xi32, #tpu.memory_space<vmem>>, vector<1x1x16xi32>,
      %swap3A_1286 = vector.shape_cast %swap3A_1285 : vector<1x1x16xi32> to vector<16xi32>
      %swap3A_1287 = vector.shape_cast %mul3A_1280 : vector<16xi32> to vector<1x1x16xi32>
      tpu.vector_store %arg6[%swap3A_1282, %swap3A_1283, %swap3A_1284], %swap3A_1287 {strides = array<i32>} : memref<2x6x128xi32, #tpu.memory_space<vmem>>, vector<1x1x16xi32>,
      %get3A_1288 = arith.constant 1 : i32
      %get3A_1289 = arith.index_cast %sub3A_1056 : i32 to index
      %get3A_1290 = arith.index_cast %get3A_1288 : i32 to index
      %get3A_1291 = arith.constant 96 : index
      %get3A_1292 = tpu.vector_load %arg6[%get3A_1289, %get3A_1290, %get3A_1291] {strides = array<i32>} : memref<2x6x128xi32, #tpu.memory_space<vmem>>, vector<1x1x16xi32>,
      %get3A_1293 = vector.shape_cast %get3A_1292 : vector<1x1x16xi32> to vector<16xi32>
      %mul3A_1294 = arith.constant 2 : i32
      %mul3A_1295 = vector.broadcast %mul3A_1294 : i32 to vector<16xi32>
      %mul3A_1296 = arith.muli %get3A_1293, %mul3A_1295 : vector<16xi32>
      %swap3A_1297 = arith.constant 1 : i32
      %swap3A_1298 = arith.index_cast %sub3A_1056 : i32 to index
      %swap3A_1299 = arith.index_cast %swap3A_1297 : i32 to index
      %swap3A_1300 = arith.constant 96 : index
      %swap3A_1301 = tpu.vector_load %arg6[%swap3A_1298, %swap3A_1299, %swap3A_1300] {strides = array<i32>} : memref<2x6x128xi32, #tpu.memory_space<vmem>>, vector<1x1x16xi32>,
      %swap3A_1302 = vector.shape_cast %swap3A_1301 : vector<1x1x16xi32> to vector<16xi32>
      %swap3A_1303 = vector.shape_cast %mul3A_1296 : vector<16xi32> to vector<1x1x16xi32>
      tpu.vector_store %arg6[%swap3A_1298, %swap3A_1299, %swap3A_1300], %swap3A_1303 {strides = array<i32>} : memref<2x6x128xi32, #tpu.memory_space<vmem>>, vector<1x1x16xi32>,
      %get3A_1304 = arith.constant 1 : i32
      %get3A_1305 = arith.index_cast %sub3A_1056 : i32 to index
      %get3A_1306 = arith.index_cast %get3A_1304 : i32 to index
      %get3A_1307 = arith.constant 112 : index
      %get3A_1308 = tpu.vector_load %arg6[%get3A_1305, %get3A_1306, %get3A_1307] {strides = array<i32>} : memref<2x6x128xi32, #tpu.memory_space<vmem>>, vector<1x1x16xi32>,
      %get3A_1309 = vector.shape_cast %get3A_1308 : vector<1x1x16xi32> to vector<16xi32>
      %mul3A_1310 = arith.constant 2 : i32
      %mul3A_1311 = vector.broadcast %mul3A_1310 : i32 to vector<16xi32>
      %mul3A_1312 = arith.muli %get3A_1309, %mul3A_1311 : vector<16xi32>
      %swap3A_1313 = arith.constant 1 : i32
      %swap3A_1314 = arith.index_cast %sub3A_1056 : i32 to index
      %swap3A_1315 = arith.index_cast %swap3A_1313 : i32 to index
      %swap3A_1316 = arith.constant 112 : index
      %swap3A_1317 = tpu.vector_load %arg6[%swap3A_1314, %swap3A_1315, %swap3A_1316] {strides = array<i32>} : memref<2x6x128xi32, #tpu.memory_space<vmem>>, vector<1x1x16xi32>,
      %swap3A_1318 = vector.shape_cast %swap3A_1317 : vector<1x1x16xi32> to vector<16xi32>
      %swap3A_1319 = vector.shape_cast %mul3A_1312 : vector<16xi32> to vector<1x1x16xi32>
      tpu.vector_store %arg6[%swap3A_1314, %swap3A_1315, %swap3A_1316], %swap3A_1319 {strides = array<i32>} : memref<2x6x128xi32, #tpu.memory_space<vmem>>, vector<1x1x16xi32>,
      %get3A_1320 = arith.constant 2 : i32
      %get3A_1321 = arith.index_cast %sub3A_1056 : i32 to index
      %get3A_1322 = arith.index_cast %get3A_1320 : i32 to index
      %get3A_1323 = arith.constant 0 : index
      %get3A_1324 = tpu.vector_load %arg6[%get3A_1321, %get3A_1322, %get3A_1323] {strides = array<i32>} : memref<2x6x128xi32, #tpu.memory_space<vmem>>, vector<1x1x16xi32>,
      %get3A_1325 = vector.shape_cast %get3A_1324 : vector<1x1x16xi32> to vector<16xi32>
      %mul3A_1326 = arith.constant 2 : i32
      %mul3A_1327 = vector.broadcast %mul3A_1326 : i32 to vector<16xi32>
      %mul3A_1328 = arith.muli %get3A_1325, %mul3A_1327 : vector<16xi32>
      %swap3A_1329 = arith.constant 2 : i32
      %swap3A_1330 = arith.index_cast %sub3A_1056 : i32 to index
      %swap3A_1331 = arith.index_cast %swap3A_1329 : i32 to index
      %swap3A_1332 = arith.constant 0 : index
      %swap3A_1333 = tpu.vector_load %arg6[%swap3A_1330, %swap3A_1331, %swap3A_1332] {strides = array<i32>} : memref<2x6x128xi32, #tpu.memory_space<vmem>>, vector<1x1x16xi32>,
      %swap3A_1334 = vector.shape_cast %swap3A_1333 : vector<1x1x16xi32> to vector<16xi32>
      %swap3A_1335 = vector.shape_cast %mul3A_1328 : vector<16xi32> to vector<1x1x16xi32>
      tpu.vector_store %arg6[%swap3A_1330, %swap3A_1331, %swap3A_1332], %swap3A_1335 {strides = array<i32>} : memref<2x6x128xi32, #tpu.memory_space<vmem>>, vector<1x1x16xi32>,
      %get3A_1336 = arith.constant 2 : i32
      %get3A_1337 = arith.index_cast %sub3A_1056 : i32 to index
      %get3A_1338 = arith.index_cast %get3A_1336 : i32 to index
      %get3A_1339 = arith.constant 16 : index
      %get3A_1340 = tpu.vector_load %arg6[%get3A_1337, %get3A_1338, %get3A_1339] {strides = array<i32>} : memref<2x6x128xi32, #tpu.memory_space<vmem>>, vector<1x1x16xi32>,
      %get3A_1341 = vector.shape_cast %get3A_1340 : vector<1x1x16xi32> to vector<16xi32>
      %mul3A_1342 = arith.constant 2 : i32
      %mul3A_1343 = vector.broadcast %mul3A_1342 : i32 to vector<16xi32>
      %mul3A_1344 = arith.muli %get3A_1341, %mul3A_1343 : vector<16xi32>
      %swap3A_1345 = arith.constant 2 : i32
      %swap3A_1346 = arith.index_cast %sub3A_1056 : i32 to index
      %swap3A_1347 = arith.index_cast %swap3A_1345 : i32 to index
      %swap3A_1348 = arith.constant 16 : index
      %swap3A_1349 = tpu.vector_load %arg6[%swap3A_1346, %swap3A_1347, %swap3A_1348] {strides = array<i32>} : memref<2x6x128xi32, #tpu.memory_space<vmem>>, vector<1x1x16xi32>,
      %swap3A_1350 = vector.shape_cast %swap3A_1349 : vector<1x1x16xi32> to vector<16xi32>
      %swap3A_1351 = vector.shape_cast %mul3A_1344 : vector<16xi32> to vector<1x1x16xi32>
      tpu.vector_store %arg6[%swap3A_1346, %swap3A_1347, %swap3A_1348], %swap3A_1351 {strides = array<i32>} : memref<2x6x128xi32, #tpu.memory_space<vmem>>, vector<1x1x16xi32>,
      %get3A_1352 = arith.constant 2 : i32
      %get3A_1353 = arith.index_cast %sub3A_1056 : i32 to index
      %get3A_1354 = arith.index_cast %get3A_1352 : i32 to index
      %get3A_1355 = arith.constant 32 : index
      %get3A_1356 = tpu.vector_load %arg6[%get3A_1353, %get3A_1354, %get3A_1355] {strides = array<i32>} : memref<2x6x128xi32, #tpu.memory_space<vmem>>, vector<1x1x16xi32>,
      %get3A_1357 = vector.shape_cast %get3A_1356 : vector<1x1x16xi32> to vector<16xi32>
      %mul3A_1358 = arith.constant 2 : i32
      %mul3A_1359 = vector.broadcast %mul3A_1358 : i32 to vector<16xi32>
      %mul3A_1360 = arith.muli %get3A_1357, %mul3A_1359 : vector<16xi32>
      %swap3A_1361 = arith.constant 2 : i32
      %swap3A_1362 = arith.index_cast %sub3A_1056 : i32 to index
      %swap3A_1363 = arith.index_cast %swap3A_1361 : i32 to index
      %swap3A_1364 = arith.constant 32 : index
      %swap3A_1365 = tpu.vector_load %arg6[%swap3A_1362, %swap3A_1363, %swap3A_1364] {strides = array<i32>} : memref<2x6x128xi32, #tpu.memory_space<vmem>>, vector<1x1x16xi32>,
      %swap3A_1366 = vector.shape_cast %swap3A_1365 : vector<1x1x16xi32> to vector<16xi32>
      %swap3A_1367 = vector.shape_cast %mul3A_1360 : vector<16xi32> to vector<1x1x16xi32>
      tpu.vector_store %arg6[%swap3A_1362, %swap3A_1363, %swap3A_1364], %swap3A_1367 {strides = array<i32>} : memref<2x6x128xi32, #tpu.memory_space<vmem>>, vector<1x1x16xi32>,
      %get3A_1368 = arith.constant 2 : i32
      %get3A_1369 = arith.index_cast %sub3A_1056 : i32 to index
      %get3A_1370 = arith.index_cast %get3A_1368 : i32 to index
      %get3A_1371 = arith.constant 48 : index
      %get3A_1372 = tpu.vector_load %arg6[%get3A_1369, %get3A_1370, %get3A_1371] {strides = array<i32>} : memref<2x6x128xi32, #tpu.memory_space<vmem>>, vector<1x1x16xi32>,
      %get3A_1373 = vector.shape_cast %get3A_1372 : vector<1x1x16xi32> to vector<16xi32>
      %mul3A_1374 = arith.constant 2 : i32
      %mul3A_1375 = vector.broadcast %mul3A_1374 : i32 to vector<16xi32>
      %mul3A_1376 = arith.muli %get3A_1373, %mul3A_1375 : vector<16xi32>
      %swap3A_1377 = arith.constant 2 : i32
      %swap3A_1378 = arith.index_cast %sub3A_1056 : i32 to index
      %swap3A_1379 = arith.index_cast %swap3A_1377 : i32 to index
      %swap3A_1380 = arith.constant 48 : index
      %swap3A_1381 = tpu.vector_load %arg6[%swap3A_1378, %swap3A_1379, %swap3A_1380] {strides = array<i32>} : memref<2x6x128xi32, #tpu.memory_space<vmem>>, vector<1x1x16xi32>,
      %swap3A_1382 = vector.shape_cast %swap3A_1381 : vector<1x1x16xi32> to vector<16xi32>
      %swap3A_1383 = vector.shape_cast %mul3A_1376 : vector<16xi32> to vector<1x1x16xi32>
      tpu.vector_store %arg6[%swap3A_1378, %swap3A_1379, %swap3A_1380], %swap3A_1383 {strides = array<i32>} : memref<2x6x128xi32, #tpu.memory_space<vmem>>, vector<1x1x16xi32>,
      %get3A_1384 = arith.constant 2 : i32
      %get3A_1385 = arith.index_cast %sub3A_1056 : i32 to index
      %get3A_1386 = arith.index_cast %get3A_1384 : i32 to index
      %get3A_1387 = arith.constant 64 : index
      %get3A_1388 = tpu.vector_load %arg6[%get3A_1385, %get3A_1386, %get3A_1387] {strides = array<i32>} : memref<2x6x128xi32, #tpu.memory_space<vmem>>, vector<1x1x16xi32>,
      %get3A_1389 = vector.shape_cast %get3A_1388 : vector<1x1x16xi32> to vector<16xi32>
      %mul3A_1390 = arith.constant 2 : i32
      %mul3A_1391 = vector.broadcast %mul3A_1390 : i32 to vector<16xi32>
      %mul3A_1392 = arith.muli %get3A_1389, %mul3A_1391 : vector<16xi32>
      %swap3A_1393 = arith.constant 2 : i32
      %swap3A_1394 = arith.index_cast %sub3A_1056 : i32 to index
      %swap3A_1395 = arith.index_cast %swap3A_1393 : i32 to index
      %swap3A_1396 = arith.constant 64 : index
      %swap3A_1397 = tpu.vector_load %arg6[%swap3A_1394, %swap3A_1395, %swap3A_1396] {strides = array<i32>} : memref<2x6x128xi32, #tpu.memory_space<vmem>>, vector<1x1x16xi32>,
      %swap3A_1398 = vector.shape_cast %swap3A_1397 : vector<1x1x16xi32> to vector<16xi32>
      %swap3A_1399 = vector.shape_cast %mul3A_1392 : vector<16xi32> to vector<1x1x16xi32>
      tpu.vector_store %arg6[%swap3A_1394, %swap3A_1395, %swap3A_1396], %swap3A_1399 {strides = array<i32>} : memref<2x6x128xi32, #tpu.memory_space<vmem>>, vector<1x1x16xi32>,
      %get3A_1400 = arith.constant 2 : i32
      %get3A_1401 = arith.index_cast %sub3A_1056 : i32 to index
      %get3A_1402 = arith.index_cast %get3A_1400 : i32 to index
      %get3A_1403 = arith.constant 80 : index
      %get3A_1404 = tpu.vector_load %arg6[%get3A_1401, %get3A_1402, %get3A_1403] {strides = array<i32>} : memref<2x6x128xi32, #tpu.memory_space<vmem>>, vector<1x1x16xi32>,
      %get3A_1405 = vector.shape_cast %get3A_1404 : vector<1x1x16xi32> to vector<16xi32>
      %mul3A_1406 = arith.constant 2 : i32
      %mul3A_1407 = vector.broadcast %mul3A_1406 : i32 to vector<16xi32>
      %mul3A_1408 = arith.muli %get3A_1405, %mul3A_1407 : vector<16xi32>
      %swap3A_1409 = arith.constant 2 : i32
      %swap3A_1410 = arith.index_cast %sub3A_1056 : i32 to index
      %swap3A_1411 = arith.index_cast %swap3A_1409 : i32 to index
      %swap3A_1412 = arith.constant 80 : index
      %swap3A_1413 = tpu.vector_load %arg6[%swap3A_1410, %swap3A_1411, %swap3A_1412] {strides = array<i32>} : memref<2x6x128xi32, #tpu.memory_space<vmem>>, vector<1x1x16xi32>,
      %swap3A_1414 = vector.shape_cast %swap3A_1413 : vector<1x1x16xi32> to vector<16xi32>
      %swap3A_1415 = vector.shape_cast %mul3A_1408 : vector<16xi32> to vector<1x1x16xi32>
      tpu.vector_store %arg6[%swap3A_1410, %swap3A_1411, %swap3A_1412], %swap3A_1415 {strides = array<i32>} : memref<2x6x128xi32, #tpu.memory_space<vmem>>, vector<1x1x16xi32>,
      %get3A_1416 = arith.constant 2 : i32
      %get3A_1417 = arith.index_cast %sub3A_1056 : i32 to index
      %get3A_1418 = arith.index_cast %get3A_1416 : i32 to index
      %get3A_1419 = arith.constant 96 : index
      %get3A_1420 = tpu.vector_load %arg6[%get3A_1417, %get3A_1418, %get3A_1419] {strides = array<i32>} : memref<2x6x128xi32, #tpu.memory_space<vmem>>, vector<1x1x16xi32>,
      %get3A_1421 = vector.shape_cast %get3A_1420 : vector<1x1x16xi32> to vector<16xi32>
      %mul3A_1422 = arith.constant 2 : i32
      %mul3A_1423 = vector.broadcast %mul3A_1422 : i32 to vector<16xi32>
      %mul3A_1424 = arith.muli %get3A_1421, %mul3A_1423 : vector<16xi32>
      %swap3A_1425 = arith.constant 2 : i32
      %swap3A_1426 = arith.index_cast %sub3A_1056 : i32 to index
      %swap3A_1427 = arith.index_cast %swap3A_1425 : i32 to index
      %swap3A_1428 = arith.constant 96 : index
      %swap3A_1429 = tpu.vector_load %arg6[%swap3A_1426, %swap3A_1427, %swap3A_1428] {strides = array<i32>} : memref<2x6x128xi32, #tpu.memory_space<vmem>>, vector<1x1x16xi32>,
      %swap3A_1430 = vector.shape_cast %swap3A_1429 : vector<1x1x16xi32> to vector<16xi32>
      %swap3A_1431 = vector.shape_cast %mul3A_1424 : vector<16xi32> to vector<1x1x16xi32>
      tpu.vector_store %arg6[%swap3A_1426, %swap3A_1427, %swap3A_1428], %swap3A_1431 {strides = array<i32>} : memref<2x6x128xi32, #tpu.memory_space<vmem>>, vector<1x1x16xi32>,
      %get3A_1432 = arith.constant 2 : i32
      %get3A_1433 = arith.index_cast %sub3A_1056 : i32 to index
      %get3A_1434 = arith.index_cast %get3A_1432 : i32 to index
      %get3A_1435 = arith.constant 112 : index
      %get3A_1436 = tpu.vector_load %arg6[%get3A_1433, %get3A_1434, %get3A_1435] {strides = array<i32>} : memref<2x6x128xi32, #tpu.memory_space<vmem>>, vector<1x1x16xi32>,
      %get3A_1437 = vector.shape_cast %get3A_1436 : vector<1x1x16xi32> to vector<16xi32>
      %mul3A_1438 = arith.constant 2 : i32
      %mul3A_1439 = vector.broadcast %mul3A_1438 : i32 to vector<16xi32>
      %mul3A_1440 = arith.muli %get3A_1437, %mul3A_1439 : vector<16xi32>
      %swap3A_1441 = arith.constant 2 : i32
      %swap3A_1442 = arith.index_cast %sub3A_1056 : i32 to index
      %swap3A_1443 = arith.index_cast %swap3A_1441 : i32 to index
      %swap3A_1444 = arith.constant 112 : index
      %swap3A_1445 = tpu.vector_load %arg6[%swap3A_1442, %swap3A_1443, %swap3A_1444] {strides = array<i32>} : memref<2x6x128xi32, #tpu.memory_space<vmem>>, vector<1x1x16xi32>,
      %swap3A_1446 = vector.shape_cast %swap3A_1445 : vector<1x1x16xi32> to vector<16xi32>
      %swap3A_1447 = vector.shape_cast %mul3A_1440 : vector<16xi32> to vector<1x1x16xi32>
      tpu.vector_store %arg6[%swap3A_1442, %swap3A_1443, %swap3A_1444], %swap3A_1447 {strides = array<i32>} : memref<2x6x128xi32, #tpu.memory_space<vmem>>, vector<1x1x16xi32>,
      %get3A_1448 = arith.constant 3 : i32
      %get3A_1449 = arith.index_cast %sub3A_1056 : i32 to index
      %get3A_1450 = arith.index_cast %get3A_1448 : i32 to index
      %get3A_1451 = arith.constant 0 : index
      %get3A_1452 = tpu.vector_load %arg6[%get3A_1449, %get3A_1450, %get3A_1451] {strides = array<i32>} : memref<2x6x128xi32, #tpu.memory_space<vmem>>, vector<1x1x16xi32>,
      %get3A_1453 = vector.shape_cast %get3A_1452 : vector<1x1x16xi32> to vector<16xi32>
      %mul3A_1454 = arith.constant 2 : i32
      %mul3A_1455 = vector.broadcast %mul3A_1454 : i32 to vector<16xi32>
      %mul3A_1456 = arith.muli %get3A_1453, %mul3A_1455 : vector<16xi32>
      %swap3A_1457 = arith.constant 3 : i32
      %swap3A_1458 = arith.index_cast %sub3A_1056 : i32 to index
      %swap3A_1459 = arith.index_cast %swap3A_1457 : i32 to index
      %swap3A_1460 = arith.constant 0 : index
      %swap3A_1461 = tpu.vector_load %arg6[%swap3A_1458, %swap3A_1459, %swap3A_1460] {strides = array<i32>} : memref<2x6x128xi32, #tpu.memory_space<vmem>>, vector<1x1x16xi32>,
      %swap3A_1462 = vector.shape_cast %swap3A_1461 : vector<1x1x16xi32> to vector<16xi32>
      %swap3A_1463 = vector.shape_cast %mul3A_1456 : vector<16xi32> to vector<1x1x16xi32>
      tpu.vector_store %arg6[%swap3A_1458, %swap3A_1459, %swap3A_1460], %swap3A_1463 {strides = array<i32>} : memref<2x6x128xi32, #tpu.memory_space<vmem>>, vector<1x1x16xi32>,
      %get3A_1464 = arith.constant 3 : i32
      %get3A_1465 = arith.index_cast %sub3A_1056 : i32 to index
      %get3A_1466 = arith.index_cast %get3A_1464 : i32 to index
      %get3A_1467 = arith.constant 16 : index
      %get3A_1468 = tpu.vector_load %arg6[%get3A_1465, %get3A_1466, %get3A_1467] {strides = array<i32>} : memref<2x6x128xi32, #tpu.memory_space<vmem>>, vector<1x1x16xi32>,
      %get3A_1469 = vector.shape_cast %get3A_1468 : vector<1x1x16xi32> to vector<16xi32>
      %mul3A_1470 = arith.constant 2 : i32
      %mul3A_1471 = vector.broadcast %mul3A_1470 : i32 to vector<16xi32>
      %mul3A_1472 = arith.muli %get3A_1469, %mul3A_1471 : vector<16xi32>
      %swap3A_1473 = arith.constant 3 : i32
      %swap3A_1474 = arith.index_cast %sub3A_1056 : i32 to index
      %swap3A_1475 = arith.index_cast %swap3A_1473 : i32 to index
      %swap3A_1476 = arith.constant 16 : index
      %swap3A_1477 = tpu.vector_load %arg6[%swap3A_1474, %swap3A_1475, %swap3A_1476] {strides = array<i32>} : memref<2x6x128xi32, #tpu.memory_space<vmem>>, vector<1x1x16xi32>,
      %swap3A_1478 = vector.shape_cast %swap3A_1477 : vector<1x1x16xi32> to vector<16xi32>
      %swap3A_1479 = vector.shape_cast %mul3A_1472 : vector<16xi32> to vector<1x1x16xi32>
      tpu.vector_store %arg6[%swap3A_1474, %swap3A_1475, %swap3A_1476], %swap3A_1479 {strides = array<i32>} : memref<2x6x128xi32, #tpu.memory_space<vmem>>, vector<1x1x16xi32>,
      %get3A_1480 = arith.constant 3 : i32
      %get3A_1481 = arith.index_cast %sub3A_1056 : i32 to index
      %get3A_1482 = arith.index_cast %get3A_1480 : i32 to index
      %get3A_1483 = arith.constant 32 : index
      %get3A_1484 = tpu.vector_load %arg6[%get3A_1481, %get3A_1482, %get3A_1483] {strides = array<i32>} : memref<2x6x128xi32, #tpu.memory_space<vmem>>, vector<1x1x16xi32>,
      %get3A_1485 = vector.shape_cast %get3A_1484 : vector<1x1x16xi32> to vector<16xi32>
      %mul3A_1486 = arith.constant 2 : i32
      %mul3A_1487 = vector.broadcast %mul3A_1486 : i32 to vector<16xi32>
      %mul3A_1488 = arith.muli %get3A_1485, %mul3A_1487 : vector<16xi32>
      %swap3A_1489 = arith.constant 3 : i32
      %swap3A_1490 = arith.index_cast %sub3A_1056 : i32 to index
      %swap3A_1491 = arith.index_cast %swap3A_1489 : i32 to index
      %swap3A_1492 = arith.constant 32 : index
      %swap3A_1493 = tpu.vector_load %arg6[%swap3A_1490, %swap3A_1491, %swap3A_1492] {strides = array<i32>} : memref<2x6x128xi32, #tpu.memory_space<vmem>>, vector<1x1x16xi32>,
      %swap3A_1494 = vector.shape_cast %swap3A_1493 : vector<1x1x16xi32> to vector<16xi32>
      %swap3A_1495 = vector.shape_cast %mul3A_1488 : vector<16xi32> to vector<1x1x16xi32>
      tpu.vector_store %arg6[%swap3A_1490, %swap3A_1491, %swap3A_1492], %swap3A_1495 {strides = array<i32>} : memref<2x6x128xi32, #tpu.memory_space<vmem>>, vector<1x1x16xi32>,
      %get3A_1496 = arith.constant 3 : i32
      %get3A_1497 = arith.index_cast %sub3A_1056 : i32 to index
      %get3A_1498 = arith.index_cast %get3A_1496 : i32 to index
      %get3A_1499 = arith.constant 48 : index
      %get3A_1500 = tpu.vector_load %arg6[%get3A_1497, %get3A_1498, %get3A_1499] {strides = array<i32>} : memref<2x6x128xi32, #tpu.memory_space<vmem>>, vector<1x1x16xi32>,
      %get3A_1501 = vector.shape_cast %get3A_1500 : vector<1x1x16xi32> to vector<16xi32>
      %mul3A_1502 = arith.constant 2 : i32
      %mul3A_1503 = vector.broadcast %mul3A_1502 : i32 to vector<16xi32>
      %mul3A_1504 = arith.muli %get3A_1501, %mul3A_1503 : vector<16xi32>
      %swap3A_1505 = arith.constant 3 : i32
      %swap3A_1506 = arith.index_cast %sub3A_1056 : i32 to index
      %swap3A_1507 = arith.index_cast %swap3A_1505 : i32 to index
      %swap3A_1508 = arith.constant 48 : index
      %swap3A_1509 = tpu.vector_load %arg6[%swap3A_1506, %swap3A_1507, %swap3A_1508] {strides = array<i32>} : memref<2x6x128xi32, #tpu.memory_space<vmem>>, vector<1x1x16xi32>,
      %swap3A_1510 = vector.shape_cast %swap3A_1509 : vector<1x1x16xi32> to vector<16xi32>
      %swap3A_1511 = vector.shape_cast %mul3A_1504 : vector<16xi32> to vector<1x1x16xi32>
      tpu.vector_store %arg6[%swap3A_1506, %swap3A_1507, %swap3A_1508], %swap3A_1511 {strides = array<i32>} : memref<2x6x128xi32, #tpu.memory_space<vmem>>, vector<1x1x16xi32>,
      %get3A_1512 = arith.constant 3 : i32
      %get3A_1513 = arith.index_cast %sub3A_1056 : i32 to index
      %get3A_1514 = arith.index_cast %get3A_1512 : i32 to index
      %get3A_1515 = arith.constant 64 : index
      %get3A_1516 = tpu.vector_load %arg6[%get3A_1513, %get3A_1514, %get3A_1515] {strides = array<i32>} : memref<2x6x128xi32, #tpu.memory_space<vmem>>, vector<1x1x16xi32>,
      %get3A_1517 = vector.shape_cast %get3A_1516 : vector<1x1x16xi32> to vector<16xi32>
      %mul3A_1518 = arith.constant 2 : i32
      %mul3A_1519 = vector.broadcast %mul3A_1518 : i32 to vector<16xi32>
      %mul3A_1520 = arith.muli %get3A_1517, %mul3A_1519 : vector<16xi32>
      %swap3A_1521 = arith.constant 3 : i32
      %swap3A_1522 = arith.index_cast %sub3A_1056 : i32 to index
      %swap3A_1523 = arith.index_cast %swap3A_1521 : i32 to index
      %swap3A_1524 = arith.constant 64 : index
      %swap3A_1525 = tpu.vector_load %arg6[%swap3A_1522, %swap3A_1523, %swap3A_1524] {strides = array<i32>} : memref<2x6x128xi32, #tpu.memory_space<vmem>>, vector<1x1x16xi32>,
      %swap3A_1526 = vector.shape_cast %swap3A_1525 : vector<1x1x16xi32> to vector<16xi32>
      %swap3A_1527 = vector.shape_cast %mul3A_1520 : vector<16xi32> to vector<1x1x16xi32>
      tpu.vector_store %arg6[%swap3A_1522, %swap3A_1523, %swap3A_1524], %swap3A_1527 {strides = array<i32>} : memref<2x6x128xi32, #tpu.memory_space<vmem>>, vector<1x1x16xi32>,
      %get3A_1528 = arith.constant 3 : i32
      %get3A_1529 = arith.index_cast %sub3A_1056 : i32 to index
      %get3A_1530 = arith.index_cast %get3A_1528 : i32 to index
      %get3A_1531 = arith.constant 80 : index
      %get3A_1532 = tpu.vector_load %arg6[%get3A_1529, %get3A_1530, %get3A_1531] {strides = array<i32>} : memref<2x6x128xi32, #tpu.memory_space<vmem>>, vector<1x1x16xi32>,
      %get3A_1533 = vector.shape_cast %get3A_1532 : vector<1x1x16xi32> to vector<16xi32>
      %mul3A_1534 = arith.constant 2 : i32
      %mul3A_1535 = vector.broadcast %mul3A_1534 : i32 to vector<16xi32>
      %mul3A_1536 = arith.muli %get3A_1533, %mul3A_1535 : vector<16xi32>
      %swap3A_1537 = arith.constant 3 : i32
      %swap3A_1538 = arith.index_cast %sub3A_1056 : i32 to index
      %swap3A_1539 = arith.index_cast %swap3A_1537 : i32 to index
      %swap3A_1540 = arith.constant 80 : index
      %swap3A_1541 = tpu.vector_load %arg6[%swap3A_1538, %swap3A_1539, %swap3A_1540] {strides = array<i32>} : memref<2x6x128xi32, #tpu.memory_space<vmem>>, vector<1x1x16xi32>,
      %swap3A_1542 = vector.shape_cast %swap3A_1541 : vector<1x1x16xi32> to vector<16xi32>
      %swap3A_1543 = vector.shape_cast %mul3A_1536 : vector<16xi32> to vector<1x1x16xi32>
      tpu.vector_store %arg6[%swap3A_1538, %swap3A_1539, %swap3A_1540], %swap3A_1543 {strides = array<i32>} : memref<2x6x128xi32, #tpu.memory_space<vmem>>, vector<1x1x16xi32>,
      %get3A_1544 = arith.constant 3 : i32
      %get3A_1545 = arith.index_cast %sub3A_1056 : i32 to index
      %get3A_1546 = arith.index_cast %get3A_1544 : i32 to index
      %get3A_1547 = arith.constant 96 : index
      %get3A_1548 = tpu.vector_load %arg6[%get3A_1545, %get3A_1546, %get3A_1547] {strides = array<i32>} : memref<2x6x128xi32, #tpu.memory_space<vmem>>, vector<1x1x16xi32>,
      %get3A_1549 = vector.shape_cast %get3A_1548 : vector<1x1x16xi32> to vector<16xi32>
      %mul3A_1550 = arith.constant 2 : i32
      %mul3A_1551 = vector.broadcast %mul3A_1550 : i32 to vector<16xi32>
      %mul3A_1552 = arith.muli %get3A_1549, %mul3A_1551 : vector<16xi32>
      %swap3A_1553 = arith.constant 3 : i32
      %swap3A_1554 = arith.index_cast %sub3A_1056 : i32 to index
      %swap3A_1555 = arith.index_cast %swap3A_1553 : i32 to index
      %swap3A_1556 = arith.constant 96 : index
      %swap3A_1557 = tpu.vector_load %arg6[%swap3A_1554, %swap3A_1555, %swap3A_1556] {strides = array<i32>} : memref<2x6x128xi32, #tpu.memory_space<vmem>>, vector<1x1x16xi32>,
      %swap3A_1558 = vector.shape_cast %swap3A_1557 : vector<1x1x16xi32> to vector<16xi32>
      %swap3A_1559 = vector.shape_cast %mul3A_1552 : vector<16xi32> to vector<1x1x16xi32>
      tpu.vector_store %arg6[%swap3A_1554, %swap3A_1555, %swap3A_1556], %swap3A_1559 {strides = array<i32>} : memref<2x6x128xi32, #tpu.memory_space<vmem>>, vector<1x1x16xi32>,
      %get3A_1560 = arith.constant 3 : i32
      %get3A_1561 = arith.index_cast %sub3A_1056 : i32 to index
      %get3A_1562 = arith.index_cast %get3A_1560 : i32 to index
      %get3A_1563 = arith.constant 112 : index
      %get3A_1564 = tpu.vector_load %arg6[%get3A_1561, %get3A_1562, %get3A_1563] {strides = array<i32>} : memref<2x6x128xi32, #tpu.memory_space<vmem>>, vector<1x1x16xi32>,
      %get3A_1565 = vector.shape_cast %get3A_1564 : vector<1x1x16xi32> to vector<16xi32>
      %mul3A_1566 = arith.constant 2 : i32
      %mul3A_1567 = vector.broadcast %mul3A_1566 : i32 to vector<16xi32>
      %mul3A_1568 = arith.muli %get3A_1565, %mul3A_1567 : vector<16xi32>
      %swap3A_1569 = arith.constant 3 : i32
      %swap3A_1570 = arith.index_cast %sub3A_1056 : i32 to index
      %swap3A_1571 = arith.index_cast %swap3A_1569 : i32 to index
      %swap3A_1572 = arith.constant 112 : index
      %swap3A_1573 = tpu.vector_load %arg6[%swap3A_1570, %swap3A_1571, %swap3A_1572] {strides = array<i32>} : memref<2x6x128xi32, #tpu.memory_space<vmem>>, vector<1x1x16xi32>,
      %swap3A_1574 = vector.shape_cast %swap3A_1573 : vector<1x1x16xi32> to vector<16xi32>
      %swap3A_1575 = vector.shape_cast %mul3A_1568 : vector<16xi32> to vector<1x1x16xi32>
      tpu.vector_store %arg6[%swap3A_1570, %swap3A_1571, %swap3A_1572], %swap3A_1575 {strides = array<i32>} : memref<2x6x128xi32, #tpu.memory_space<vmem>>, vector<1x1x16xi32>,
      %get3A_1576 = arith.constant 4 : i32
      %get3A_1577 = arith.index_cast %sub3A_1056 : i32 to index
      %get3A_1578 = arith.index_cast %get3A_1576 : i32 to index
      %get3A_1579 = arith.constant 0 : index
      %get3A_1580 = tpu.vector_load %arg6[%get3A_1577, %get3A_1578, %get3A_1579] {strides = array<i32>} : memref<2x6x128xi32, #tpu.memory_space<vmem>>, vector<1x1x16xi32>,
      %get3A_1581 = vector.shape_cast %get3A_1580 : vector<1x1x16xi32> to vector<16xi32>
      %mul3A_1582 = arith.constant 2 : i32
      %mul3A_1583 = vector.broadcast %mul3A_1582 : i32 to vector<16xi32>
      %mul3A_1584 = arith.muli %get3A_1581, %mul3A_1583 : vector<16xi32>
      %swap3A_1585 = arith.constant 4 : i32
      %swap3A_1586 = arith.index_cast %sub3A_1056 : i32 to index
      %swap3A_1587 = arith.index_cast %swap3A_1585 : i32 to index
      %swap3A_1588 = arith.constant 0 : index
      %swap3A_1589 = tpu.vector_load %arg6[%swap3A_1586, %swap3A_1587, %swap3A_1588] {strides = array<i32>} : memref<2x6x128xi32, #tpu.memory_space<vmem>>, vector<1x1x16xi32>,
      %swap3A_1590 = vector.shape_cast %swap3A_1589 : vector<1x1x16xi32> to vector<16xi32>
      %swap3A_1591 = vector.shape_cast %mul3A_1584 : vector<16xi32> to vector<1x1x16xi32>
      tpu.vector_store %arg6[%swap3A_1586, %swap3A_1587, %swap3A_1588], %swap3A_1591 {strides = array<i32>} : memref<2x6x128xi32, #tpu.memory_space<vmem>>, vector<1x1x16xi32>,
      %get3A_1592 = arith.constant 4 : i32
      %get3A_1593 = arith.index_cast %sub3A_1056 : i32 to index
      %get3A_1594 = arith.index_cast %get3A_1592 : i32 to index
      %get3A_1595 = arith.constant 16 : index
      %get3A_1596 = tpu.vector_load %arg6[%get3A_1593, %get3A_1594, %get3A_1595] {strides = array<i32>} : memref<2x6x128xi32, #tpu.memory_space<vmem>>, vector<1x1x16xi32>,
      %get3A_1597 = vector.shape_cast %get3A_1596 : vector<1x1x16xi32> to vector<16xi32>
      %mul3A_1598 = arith.constant 2 : i32
      %mul3A_1599 = vector.broadcast %mul3A_1598 : i32 to vector<16xi32>
      %mul3A_1600 = arith.muli %get3A_1597, %mul3A_1599 : vector<16xi32>
      %swap3A_1601 = arith.constant 4 : i32
      %swap3A_1602 = arith.index_cast %sub3A_1056 : i32 to index
      %swap3A_1603 = arith.index_cast %swap3A_1601 : i32 to index
      %swap3A_1604 = arith.constant 16 : index
      %swap3A_1605 = tpu.vector_load %arg6[%swap3A_1602, %swap3A_1603, %swap3A_1604] {strides = array<i32>} : memref<2x6x128xi32, #tpu.memory_space<vmem>>, vector<1x1x16xi32>,
      %swap3A_1606 = vector.shape_cast %swap3A_1605 : vector<1x1x16xi32> to vector<16xi32>
      %swap3A_1607 = vector.shape_cast %mul3A_1600 : vector<16xi32> to vector<1x1x16xi32>
      tpu.vector_store %arg6[%swap3A_1602, %swap3A_1603, %swap3A_1604], %swap3A_1607 {strides = array<i32>} : memref<2x6x128xi32, #tpu.memory_space<vmem>>, vector<1x1x16xi32>,
      %get3A_1608 = arith.constant 4 : i32
      %get3A_1609 = arith.index_cast %sub3A_1056 : i32 to index
      %get3A_1610 = arith.index_cast %get3A_1608 : i32 to index
      %get3A_1611 = arith.constant 32 : index
      %get3A_1612 = tpu.vector_load %arg6[%get3A_1609, %get3A_1610, %get3A_1611] {strides = array<i32>} : memref<2x6x128xi32, #tpu.memory_space<vmem>>, vector<1x1x16xi32>,
      %get3A_1613 = vector.shape_cast %get3A_1612 : vector<1x1x16xi32> to vector<16xi32>
      %mul3A_1614 = arith.constant 2 : i32
      %mul3A_1615 = vector.broadcast %mul3A_1614 : i32 to vector<16xi32>
      %mul3A_1616 = arith.muli %get3A_1613, %mul3A_1615 : vector<16xi32>
      %swap3A_1617 = arith.constant 4 : i32
      %swap3A_1618 = arith.index_cast %sub3A_1056 : i32 to index
      %swap3A_1619 = arith.index_cast %swap3A_1617 : i32 to index
      %swap3A_1620 = arith.constant 32 : index
      %swap3A_1621 = tpu.vector_load %arg6[%swap3A_1618, %swap3A_1619, %swap3A_1620] {strides = array<i32>} : memref<2x6x128xi32, #tpu.memory_space<vmem>>, vector<1x1x16xi32>,
      %swap3A_1622 = vector.shape_cast %swap3A_1621 : vector<1x1x16xi32> to vector<16xi32>
      %swap3A_1623 = vector.shape_cast %mul3A_1616 : vector<16xi32> to vector<1x1x16xi32>
      tpu.vector_store %arg6[%swap3A_1618, %swap3A_1619, %swap3A_1620], %swap3A_1623 {strides = array<i32>} : memref<2x6x128xi32, #tpu.memory_space<vmem>>, vector<1x1x16xi32>,
      %get3A_1624 = arith.constant 4 : i32
      %get3A_1625 = arith.index_cast %sub3A_1056 : i32 to index
      %get3A_1626 = arith.index_cast %get3A_1624 : i32 to index
      %get3A_1627 = arith.constant 48 : index
      %get3A_1628 = tpu.vector_load %arg6[%get3A_1625, %get3A_1626, %get3A_1627] {strides = array<i32>} : memref<2x6x128xi32, #tpu.memory_space<vmem>>, vector<1x1x16xi32>,
      %get3A_1629 = vector.shape_cast %get3A_1628 : vector<1x1x16xi32> to vector<16xi32>
      %mul3A_1630 = arith.constant 2 : i32
      %mul3A_1631 = vector.broadcast %mul3A_1630 : i32 to vector<16xi32>
      %mul3A_1632 = arith.muli %get3A_1629, %mul3A_1631 : vector<16xi32>
      %swap3A_1633 = arith.constant 4 : i32
      %swap3A_1634 = arith.index_cast %sub3A_1056 : i32 to index
      %swap3A_1635 = arith.index_cast %swap3A_1633 : i32 to index
      %swap3A_1636 = arith.constant 48 : index
      %swap3A_1637 = tpu.vector_load %arg6[%swap3A_1634, %swap3A_1635, %swap3A_1636] {strides = array<i32>} : memref<2x6x128xi32, #tpu.memory_space<vmem>>, vector<1x1x16xi32>,
      %swap3A_1638 = vector.shape_cast %swap3A_1637 : vector<1x1x16xi32> to vector<16xi32>
      %swap3A_1639 = vector.shape_cast %mul3A_1632 : vector<16xi32> to vector<1x1x16xi32>
      tpu.vector_store %arg6[%swap3A_1634, %swap3A_1635, %swap3A_1636], %swap3A_1639 {strides = array<i32>} : memref<2x6x128xi32, #tpu.memory_space<vmem>>, vector<1x1x16xi32>,
      %get3A_1640 = arith.constant 4 : i32
      %get3A_1641 = arith.index_cast %sub3A_1056 : i32 to index
      %get3A_1642 = arith.index_cast %get3A_1640 : i32 to index
      %get3A_1643 = arith.constant 64 : index
      %get3A_1644 = tpu.vector_load %arg6[%get3A_1641, %get3A_1642, %get3A_1643] {strides = array<i32>} : memref<2x6x128xi32, #tpu.memory_space<vmem>>, vector<1x1x16xi32>,
      %get3A_1645 = vector.shape_cast %get3A_1644 : vector<1x1x16xi32> to vector<16xi32>
      %mul3A_1646 = arith.constant 2 : i32
      %mul3A_1647 = vector.broadcast %mul3A_1646 : i32 to vector<16xi32>
      %mul3A_1648 = arith.muli %get3A_1645, %mul3A_1647 : vector<16xi32>
      %swap3A_1649 = arith.constant 4 : i32
      %swap3A_1650 = arith.index_cast %sub3A_1056 : i32 to index
      %swap3A_1651 = arith.index_cast %swap3A_1649 : i32 to index
      %swap3A_1652 = arith.constant 64 : index
      %swap3A_1653 = tpu.vector_load %arg6[%swap3A_1650, %swap3A_1651, %swap3A_1652] {strides = array<i32>} : memref<2x6x128xi32, #tpu.memory_space<vmem>>, vector<1x1x16xi32>,
      %swap3A_1654 = vector.shape_cast %swap3A_1653 : vector<1x1x16xi32> to vector<16xi32>
      %swap3A_1655 = vector.shape_cast %mul3A_1648 : vector<16xi32> to vector<1x1x16xi32>
      tpu.vector_store %arg6[%swap3A_1650, %swap3A_1651, %swap3A_1652], %swap3A_1655 {strides = array<i32>} : memref<2x6x128xi32, #tpu.memory_space<vmem>>, vector<1x1x16xi32>,
      %get3A_1656 = arith.constant 4 : i32
      %get3A_1657 = arith.index_cast %sub3A_1056 : i32 to index
      %get3A_1658 = arith.index_cast %get3A_1656 : i32 to index
      %get3A_1659 = arith.constant 80 : index
      %get3A_1660 = tpu.vector_load %arg6[%get3A_1657, %get3A_1658, %get3A_1659] {strides = array<i32>} : memref<2x6x128xi32, #tpu.memory_space<vmem>>, vector<1x1x16xi32>,
      %get3A_1661 = vector.shape_cast %get3A_1660 : vector<1x1x16xi32> to vector<16xi32>
      %mul3A_1662 = arith.constant 2 : i32
      %mul3A_1663 = vector.broadcast %mul3A_1662 : i32 to vector<16xi32>
      %mul3A_1664 = arith.muli %get3A_1661, %mul3A_1663 : vector<16xi32>
      %swap3A_1665 = arith.constant 4 : i32
      %swap3A_1666 = arith.index_cast %sub3A_1056 : i32 to index
      %swap3A_1667 = arith.index_cast %swap3A_1665 : i32 to index
      %swap3A_1668 = arith.constant 80 : index
      %swap3A_1669 = tpu.vector_load %arg6[%swap3A_1666, %swap3A_1667, %swap3A_1668] {strides = array<i32>} : memref<2x6x128xi32, #tpu.memory_space<vmem>>, vector<1x1x16xi32>,
      %swap3A_1670 = vector.shape_cast %swap3A_1669 : vector<1x1x16xi32> to vector<16xi32>
      %swap3A_1671 = vector.shape_cast %mul3A_1664 : vector<16xi32> to vector<1x1x16xi32>
      tpu.vector_store %arg6[%swap3A_1666, %swap3A_1667, %swap3A_1668], %swap3A_1671 {strides = array<i32>} : memref<2x6x128xi32, #tpu.memory_space<vmem>>, vector<1x1x16xi32>,
      %get3A_1672 = arith.constant 4 : i32
      %get3A_1673 = arith.index_cast %sub3A_1056 : i32 to index
      %get3A_1674 = arith.index_cast %get3A_1672 : i32 to index
      %get3A_1675 = arith.constant 96 : index
      %get3A_1676 = tpu.vector_load %arg6[%get3A_1673, %get3A_1674, %get3A_1675] {strides = array<i32>} : memref<2x6x128xi32, #tpu.memory_space<vmem>>, vector<1x1x16xi32>,
      %get3A_1677 = vector.shape_cast %get3A_1676 : vector<1x1x16xi32> to vector<16xi32>
      %mul3A_1678 = arith.constant 2 : i32
      %mul3A_1679 = vector.broadcast %mul3A_1678 : i32 to vector<16xi32>
      %mul3A_1680 = arith.muli %get3A_1677, %mul3A_1679 : vector<16xi32>
      %swap3A_1681 = arith.constant 4 : i32
      %swap3A_1682 = arith.index_cast %sub3A_1056 : i32 to index
      %swap3A_1683 = arith.index_cast %swap3A_1681 : i32 to index
      %swap3A_1684 = arith.constant 96 : index
      %swap3A_1685 = tpu.vector_load %arg6[%swap3A_1682, %swap3A_1683, %swap3A_1684] {strides = array<i32>} : memref<2x6x128xi32, #tpu.memory_space<vmem>>, vector<1x1x16xi32>,
      %swap3A_1686 = vector.shape_cast %swap3A_1685 : vector<1x1x16xi32> to vector<16xi32>
      %swap3A_1687 = vector.shape_cast %mul3A_1680 : vector<16xi32> to vector<1x1x16xi32>
      tpu.vector_store %arg6[%swap3A_1682, %swap3A_1683, %swap3A_1684], %swap3A_1687 {strides = array<i32>} : memref<2x6x128xi32, #tpu.memory_space<vmem>>, vector<1x1x16xi32>,
      %get3A_1688 = arith.constant 4 : i32
      %get3A_1689 = arith.index_cast %sub3A_1056 : i32 to index
      %get3A_1690 = arith.index_cast %get3A_1688 : i32 to index
      %get3A_1691 = arith.constant 112 : index
      %get3A_1692 = tpu.vector_load %arg6[%get3A_1689, %get3A_1690, %get3A_1691] {strides = array<i32>} : memref<2x6x128xi32, #tpu.memory_space<vmem>>, vector<1x1x16xi32>,
      %get3A_1693 = vector.shape_cast %get3A_1692 : vector<1x1x16xi32> to vector<16xi32>
      %mul3A_1694 = arith.constant 2 : i32
      %mul3A_1695 = vector.broadcast %mul3A_1694 : i32 to vector<16xi32>
      %mul3A_1696 = arith.muli %get3A_1693, %mul3A_1695 : vector<16xi32>
      %swap3A_1697 = arith.constant 4 : i32
      %swap3A_1698 = arith.index_cast %sub3A_1056 : i32 to index
      %swap3A_1699 = arith.index_cast %swap3A_1697 : i32 to index
      %swap3A_1700 = arith.constant 112 : index
      %swap3A_1701 = tpu.vector_load %arg6[%swap3A_1698, %swap3A_1699, %swap3A_1700] {strides = array<i32>} : memref<2x6x128xi32, #tpu.memory_space<vmem>>, vector<1x1x16xi32>,
      %swap3A_1702 = vector.shape_cast %swap3A_1701 : vector<1x1x16xi32> to vector<16xi32>
      %swap3A_1703 = vector.shape_cast %mul3A_1696 : vector<16xi32> to vector<1x1x16xi32>
      tpu.vector_store %arg6[%swap3A_1698, %swap3A_1699, %swap3A_1700], %swap3A_1703 {strides = array<i32>} : memref<2x6x128xi32, #tpu.memory_space<vmem>>, vector<1x1x16xi32>,
      %get3A_1704 = arith.constant 5 : i32
      %get3A_1705 = arith.index_cast %sub3A_1056 : i32 to index
      %get3A_1706 = arith.index_cast %get3A_1704 : i32 to index
      %get3A_1707 = arith.constant 0 : index
      %get3A_1708 = tpu.vector_load %arg6[%get3A_1705, %get3A_1706, %get3A_1707] {strides = array<i32>} : memref<2x6x128xi32, #tpu.memory_space<vmem>>, vector<1x1x16xi32>,
      %get3A_1709 = vector.shape_cast %get3A_1708 : vector<1x1x16xi32> to vector<16xi32>
      %mul3A_1710 = arith.constant 2 : i32
      %mul3A_1711 = vector.broadcast %mul3A_1710 : i32 to vector<16xi32>
      %mul3A_1712 = arith.muli %get3A_1709, %mul3A_1711 : vector<16xi32>
      %swap3A_1713 = arith.constant 5 : i32
      %swap3A_1714 = arith.index_cast %sub3A_1056 : i32 to index
      %swap3A_1715 = arith.index_cast %swap3A_1713 : i32 to index
      %swap3A_1716 = arith.constant 0 : index
      %swap3A_1717 = tpu.vector_load %arg6[%swap3A_1714, %swap3A_1715, %swap3A_1716] {strides = array<i32>} : memref<2x6x128xi32, #tpu.memory_space<vmem>>, vector<1x1x16xi32>,
      %swap3A_1718 = vector.shape_cast %swap3A_1717 : vector<1x1x16xi32> to vector<16xi32>
      %swap3A_1719 = vector.shape_cast %mul3A_1712 : vector<16xi32> to vector<1x1x16xi32>
      tpu.vector_store %arg6[%swap3A_1714, %swap3A_1715, %swap3A_1716], %swap3A_1719 {strides = array<i32>} : memref<2x6x128xi32, #tpu.memory_space<vmem>>, vector<1x1x16xi32>,
      %get3A_1720 = arith.constant 5 : i32
      %get3A_1721 = arith.index_cast %sub3A_1056 : i32 to index
      %get3A_1722 = arith.index_cast %get3A_1720 : i32 to index
      %get3A_1723 = arith.constant 16 : index
      %get3A_1724 = tpu.vector_load %arg6[%get3A_1721, %get3A_1722, %get3A_1723] {strides = array<i32>} : memref<2x6x128xi32, #tpu.memory_space<vmem>>, vector<1x1x16xi32>,
      %get3A_1725 = vector.shape_cast %get3A_1724 : vector<1x1x16xi32> to vector<16xi32>
      %mul3A_1726 = arith.constant 2 : i32
      %mul3A_1727 = vector.broadcast %mul3A_1726 : i32 to vector<16xi32>
      %mul3A_1728 = arith.muli %get3A_1725, %mul3A_1727 : vector<16xi32>
      %swap3A_1729 = arith.constant 5 : i32
      %swap3A_1730 = arith.index_cast %sub3A_1056 : i32 to index
      %swap3A_1731 = arith.index_cast %swap3A_1729 : i32 to index
      %swap3A_1732 = arith.constant 16 : index
      %swap3A_1733 = tpu.vector_load %arg6[%swap3A_1730, %swap3A_1731, %swap3A_1732] {strides = array<i32>} : memref<2x6x128xi32, #tpu.memory_space<vmem>>, vector<1x1x16xi32>,
      %swap3A_1734 = vector.shape_cast %swap3A_1733 : vector<1x1x16xi32> to vector<16xi32>
      %swap3A_1735 = vector.shape_cast %mul3A_1728 : vector<16xi32> to vector<1x1x16xi32>
      tpu.vector_store %arg6[%swap3A_1730, %swap3A_1731, %swap3A_1732], %swap3A_1735 {strides = array<i32>} : memref<2x6x128xi32, #tpu.memory_space<vmem>>, vector<1x1x16xi32>,
      %get3A_1736 = arith.constant 5 : i32
      %get3A_1737 = arith.index_cast %sub3A_1056 : i32 to index
      %get3A_1738 = arith.index_cast %get3A_1736 : i32 to index
      %get3A_1739 = arith.constant 32 : index
      %get3A_1740 = tpu.vector_load %arg6[%get3A_1737, %get3A_1738, %get3A_1739] {strides = array<i32>} : memref<2x6x128xi32, #tpu.memory_space<vmem>>, vector<1x1x16xi32>,
      %get3A_1741 = vector.shape_cast %get3A_1740 : vector<1x1x16xi32> to vector<16xi32>
      %mul3A_1742 = arith.constant 2 : i32
      %mul3A_1743 = vector.broadcast %mul3A_1742 : i32 to vector<16xi32>
      %mul3A_1744 = arith.muli %get3A_1741, %mul3A_1743 : vector<16xi32>
      %swap3A_1745 = arith.constant 5 : i32
      %swap3A_1746 = arith.index_cast %sub3A_1056 : i32 to index
      %swap3A_1747 = arith.index_cast %swap3A_1745 : i32 to index
      %swap3A_1748 = arith.constant 32 : index
      %swap3A_1749 = tpu.vector_load %arg6[%swap3A_1746, %swap3A_1747, %swap3A_1748] {strides = array<i32>} : memref<2x6x128xi32, #tpu.memory_space<vmem>>, vector<1x1x16xi32>,
      %swap3A_1750 = vector.shape_cast %swap3A_1749 : vector<1x1x16xi32> to vector<16xi32>
      %swap3A_1751 = vector.shape_cast %mul3A_1744 : vector<16xi32> to vector<1x1x16xi32>
      tpu.vector_store %arg6[%swap3A_1746, %swap3A_1747, %swap3A_1748], %swap3A_1751 {strides = array<i32>} : memref<2x6x128xi32, #tpu.memory_space<vmem>>, vector<1x1x16xi32>,
      %get3A_1752 = arith.constant 5 : i32
      %get3A_1753 = arith.index_cast %sub3A_1056 : i32 to index
      %get3A_1754 = arith.index_cast %get3A_1752 : i32 to index
      %get3A_1755 = arith.constant 48 : index
      %get3A_1756 = tpu.vector_load %arg6[%get3A_1753, %get3A_1754, %get3A_1755] {strides = array<i32>} : memref<2x6x128xi32, #tpu.memory_space<vmem>>, vector<1x1x16xi32>,
      %get3A_1757 = vector.shape_cast %get3A_1756 : vector<1x1x16xi32> to vector<16xi32>
      %mul3A_1758 = arith.constant 2 : i32
      %mul3A_1759 = vector.broadcast %mul3A_1758 : i32 to vector<16xi32>
      %mul3A_1760 = arith.muli %get3A_1757, %mul3A_1759 : vector<16xi32>
      %swap3A_1761 = arith.constant 5 : i32
      %swap3A_1762 = arith.index_cast %sub3A_1056 : i32 to index
      %swap3A_1763 = arith.index_cast %swap3A_1761 : i32 to index
      %swap3A_1764 = arith.constant 48 : index
      %swap3A_1765 = tpu.vector_load %arg6[%swap3A_1762, %swap3A_1763, %swap3A_1764] {strides = array<i32>} : memref<2x6x128xi32, #tpu.memory_space<vmem>>, vector<1x1x16xi32>,
      %swap3A_1766 = vector.shape_cast %swap3A_1765 : vector<1x1x16xi32> to vector<16xi32>
      %swap3A_1767 = vector.shape_cast %mul3A_1760 : vector<16xi32> to vector<1x1x16xi32>
      tpu.vector_store %arg6[%swap3A_1762, %swap3A_1763, %swap3A_1764], %swap3A_1767 {strides = array<i32>} : memref<2x6x128xi32, #tpu.memory_space<vmem>>, vector<1x1x16xi32>,
      %get3A_1768 = arith.constant 5 : i32
      %get3A_1769 = arith.index_cast %sub3A_1056 : i32 to index
      %get3A_1770 = arith.index_cast %get3A_1768 : i32 to index
      %get3A_1771 = arith.constant 64 : index
      %get3A_1772 = tpu.vector_load %arg6[%get3A_1769, %get3A_1770, %get3A_1771] {strides = array<i32>} : memref<2x6x128xi32, #tpu.memory_space<vmem>>, vector<1x1x16xi32>,
      %get3A_1773 = vector.shape_cast %get3A_1772 : vector<1x1x16xi32> to vector<16xi32>
      %mul3A_1774 = arith.constant 2 : i32
      %mul3A_1775 = vector.broadcast %mul3A_1774 : i32 to vector<16xi32>
      %mul3A_1776 = arith.muli %get3A_1773, %mul3A_1775 : vector<16xi32>
      %swap3A_1777 = arith.constant 5 : i32
      %swap3A_1778 = arith.index_cast %sub3A_1056 : i32 to index
      %swap3A_1779 = arith.index_cast %swap3A_1777 : i32 to index
      %swap3A_1780 = arith.constant 64 : index
      %swap3A_1781 = tpu.vector_load %arg6[%swap3A_1778, %swap3A_1779, %swap3A_1780] {strides = array<i32>} : memref<2x6x128xi32, #tpu.memory_space<vmem>>, vector<1x1x16xi32>,
      %swap3A_1782 = vector.shape_cast %swap3A_1781 : vector<1x1x16xi32> to vector<16xi32>
      %swap3A_1783 = vector.shape_cast %mul3A_1776 : vector<16xi32> to vector<1x1x16xi32>
      tpu.vector_store %arg6[%swap3A_1778, %swap3A_1779, %swap3A_1780], %swap3A_1783 {strides = array<i32>} : memref<2x6x128xi32, #tpu.memory_space<vmem>>, vector<1x1x16xi32>,
      %get3A_1784 = arith.constant 5 : i32
      %get3A_1785 = arith.index_cast %sub3A_1056 : i32 to index
      %get3A_1786 = arith.index_cast %get3A_1784 : i32 to index
      %get3A_1787 = arith.constant 80 : index
      %get3A_1788 = tpu.vector_load %arg6[%get3A_1785, %get3A_1786, %get3A_1787] {strides = array<i32>} : memref<2x6x128xi32, #tpu.memory_space<vmem>>, vector<1x1x16xi32>,
      %get3A_1789 = vector.shape_cast %get3A_1788 : vector<1x1x16xi32> to vector<16xi32>
      %mul3A_1790 = arith.constant 2 : i32
      %mul3A_1791 = vector.broadcast %mul3A_1790 : i32 to vector<16xi32>
      %mul3A_1792 = arith.muli %get3A_1789, %mul3A_1791 : vector<16xi32>
      %swap3A_1793 = arith.constant 5 : i32
      %swap3A_1794 = arith.index_cast %sub3A_1056 : i32 to index
      %swap3A_1795 = arith.index_cast %swap3A_1793 : i32 to index
      %swap3A_1796 = arith.constant 80 : index
      %swap3A_1797 = tpu.vector_load %arg6[%swap3A_1794, %swap3A_1795, %swap3A_1796] {strides = array<i32>} : memref<2x6x128xi32, #tpu.memory_space<vmem>>, vector<1x1x16xi32>,
      %swap3A_1798 = vector.shape_cast %swap3A_1797 : vector<1x1x16xi32> to vector<16xi32>
      %swap3A_1799 = vector.shape_cast %mul3A_1792 : vector<16xi32> to vector<1x1x16xi32>
      tpu.vector_store %arg6[%swap3A_1794, %swap3A_1795, %swap3A_1796], %swap3A_1799 {strides = array<i32>} : memref<2x6x128xi32, #tpu.memory_space<vmem>>, vector<1x1x16xi32>,
      %get3A_1800 = arith.constant 5 : i32
      %get3A_1801 = arith.index_cast %sub3A_1056 : i32 to index
      %get3A_1802 = arith.index_cast %get3A_1800 : i32 to index
      %get3A_1803 = arith.constant 96 : index
      %get3A_1804 = tpu.vector_load %arg6[%get3A_1801, %get3A_1802, %get3A_1803] {strides = array<i32>} : memref<2x6x128xi32, #tpu.memory_space<vmem>>, vector<1x1x16xi32>,
      %get3A_1805 = vector.shape_cast %get3A_1804 : vector<1x1x16xi32> to vector<16xi32>
      %mul3A_1806 = arith.constant 2 : i32
      %mul3A_1807 = vector.broadcast %mul3A_1806 : i32 to vector<16xi32>
      %mul3A_1808 = arith.muli %get3A_1805, %mul3A_1807 : vector<16xi32>
      %swap3A_1809 = arith.constant 5 : i32
      %swap3A_1810 = arith.index_cast %sub3A_1056 : i32 to index
      %swap3A_1811 = arith.index_cast %swap3A_1809 : i32 to index
      %swap3A_1812 = arith.constant 96 : index
      %swap3A_1813 = tpu.vector_load %arg6[%swap3A_1810, %swap3A_1811, %swap3A_1812] {strides = array<i32>} : memref<2x6x128xi32, #tpu.memory_space<vmem>>, vector<1x1x16xi32>,
      %swap3A_1814 = vector.shape_cast %swap3A_1813 : vector<1x1x16xi32> to vector<16xi32>
      %swap3A_1815 = vector.shape_cast %mul3A_1808 : vector<16xi32> to vector<1x1x16xi32>
      tpu.vector_store %arg6[%swap3A_1810, %swap3A_1811, %swap3A_1812], %swap3A_1815 {strides = array<i32>} : memref<2x6x128xi32, #tpu.memory_space<vmem>>, vector<1x1x16xi32>,
      %get3A_1816 = arith.constant 5 : i32
      %get3A_1817 = arith.index_cast %sub3A_1056 : i32 to index
      %get3A_1818 = arith.index_cast %get3A_1816 : i32 to index
      %get3A_1819 = arith.constant 112 : index
      %get3A_1820 = tpu.vector_load %arg6[%get3A_1817, %get3A_1818, %get3A_1819] {strides = array<i32>} : memref<2x6x128xi32, #tpu.memory_space<vmem>>, vector<1x1x16xi32>,
      %get3A_1821 = vector.shape_cast %get3A_1820 : vector<1x1x16xi32> to vector<16xi32>
      %mul3A_1822 = arith.constant 2 : i32
      %mul3A_1823 = vector.broadcast %mul3A_1822 : i32 to vector<16xi32>
      %mul3A_1824 = arith.muli %get3A_1821, %mul3A_1823 : vector<16xi32>
      %swap3A_1825 = arith.constant 5 : i32
      %swap3A_1826 = arith.index_cast %sub3A_1056 : i32 to index
      %swap3A_1827 = arith.index_cast %swap3A_1825 : i32 to index
      %swap3A_1828 = arith.constant 112 : index
      %swap3A_1829 = tpu.vector_load %arg6[%swap3A_1826, %swap3A_1827, %swap3A_1828] {strides = array<i32>} : memref<2x6x128xi32, #tpu.memory_space<vmem>>, vector<1x1x16xi32>,
      %swap3A_1830 = vector.shape_cast %swap3A_1829 : vector<1x1x16xi32> to vector<16xi32>
      %swap3A_1831 = vector.shape_cast %mul3A_1824 : vector<16xi32> to vector<1x1x16xi32>
      tpu.vector_store %arg6[%swap3A_1826, %swap3A_1827, %swap3A_1828], %swap3A_1831 {strides = array<i32>} : memref<2x6x128xi32, #tpu.memory_space<vmem>>, vector<1x1x16xi32>,
      %dma_start3A_1832 = arith.constant 4 : i32
      %dma_start3A_1833 = arith.constant 4 : i32
      %dma_start3A_1834 = arith.constant 0 : i32
      %dma_start3A_1835 = arith.constant 0 : i32
      %dma_start3A_1836 = tpu.memref_slice %arg8[%dma_start3A_1833, %dma_start3A_1834, %dma_start3A_1835] : memref<6x128x64xf32, #tpu.memory_space<vmem>> -> memref<1x128x64xf32, #tpu.memory_space<vmem>>
      %dma_start3A_1837 = tpu.memref_squeeze %dma_start3A_1836 : memref<1x128x64xf32, #tpu.memory_space<vmem>> -> memref<128x64xf32, #tpu.memory_space<vmem>>
      %dma_start3A_1838 = arith.constant 0 : i32
      %dma_start3A_1839 = tpu.memref_slice %arg6[%rem3A_1055, %dma_start3A_1832, %dma_start3A_1838] : memref<2x6x128xi32, #tpu.memory_space<vmem>> -> memref<1x1x128xi32, #tpu.memory_space<vmem>>
      %dma_start3A_1840 = tpu.memref_squeeze %dma_start3A_1839 : memref<1x1x128xi32, #tpu.memory_space<vmem>> -> memref<128xi32, #tpu.memory_space<vmem>>
      %dma_start3A_1841 = arith.constant 0 : i32
      %dma_start3A_1842 = arith.constant 0 : i32
      %dma_start3A_1843 = tpu.memref_slice %arg2[%dma_start3A_1841, %dma_start3A_1842] : memref<20000x64xf32, #tpu.memory_space<hbm>> -> memref<20000x64xf32, #tpu.memory_space<hbm>>
      tpu.enqueue_indirect_dma source(%dma_start3A_1843 : memref<20000x64xf32, #tpu.memory_space<hbm>>) target(%dma_start3A_1837 : memref<128x64xf32, #tpu.memory_space<vmem>>) offsets(%dma_start3A_1840 : memref<128xi32, #tpu.memory_space<vmem>>) semaphore(%arg10 : memref<!tpu.dma_semaphore, #tpu.memory_space<semaphore_mem>>)
      %dma_wait3A_1844 = arith.constant 0 : i32
      %dma_wait3A_1845 = arith.constant 0 : i32
      %dma_wait3A_1846 = arith.constant 0 : i32
      %dma_wait3A_1847 = arith.constant 0 : i32
      %dma_wait3A_1848 = tpu.memref_slice %arg8[%dma_wait3A_1845, %dma_wait3A_1846, %dma_wait3A_1847] : memref<6x128x64xf32, #tpu.memory_space<vmem>> -> memref<1x128x64xf32, #tpu.memory_space<vmem>>
      %dma_wait3A_1849 = tpu.memref_squeeze %dma_wait3A_1848 : memref<1x128x64xf32, #tpu.memory_space<vmem>> -> memref<128x64xf32, #tpu.memory_space<vmem>>
      %dma_wait3A_1850 = arith.constant 0 : i32
      %dma_wait3A_1851 = tpu.memref_slice %arg6[%rem3A_1055, %dma_wait3A_1844, %dma_wait3A_1850] : memref<2x6x128xi32, #tpu.memory_space<vmem>> -> memref<1x1x128xi32, #tpu.memory_space<vmem>>
      %dma_wait3A_1852 = tpu.memref_squeeze %dma_wait3A_1851 : memref<1x1x128xi32, #tpu.memory_space<vmem>> -> memref<128xi32, #tpu.memory_space<vmem>>
      %dma_wait3A_1853 = arith.constant 0 : i32
      %dma_wait3A_1854 = arith.constant 0 : i32
      %dma_wait3A_1855 = tpu.memref_slice %arg2[%dma_wait3A_1853, %dma_wait3A_1854] : memref<20000x64xf32, #tpu.memory_space<hbm>> -> memref<20000x64xf32, #tpu.memory_space<hbm>>
      tpu.wait_indirect_dma semaphore(%arg10 : memref<!tpu.dma_semaphore, #tpu.memory_space<semaphore_mem>>) src(%dma_wait3A_1855 : memref<20000x64xf32, #tpu.memory_space<hbm>>) dst(%dma_wait3A_1849 : memref<128x64xf32, #tpu.memory_space<vmem>>)
      %run_scoped3A_1856 = arith.constant 0 : i32
      %run_scoped3A_1857 = arith.constant 0 : i32
      "tpu.region"() ({
        %run_scoped3A_1988 = tpu.sem_alloc : memref<!tpu.dma_semaphore, #tpu.memory_space<semaphore_mem>>
        %dma_start3A_1989 = arith.constant 0 : i32
        %dma_start3A_1990 = arith.constant 0 : i32
        %dma_start3A_1991 = tpu.memref_slice %arg8[%run_scoped3A_1856, %dma_start3A_1989, %dma_start3A_1990] : memref<6x128x64xf32, #tpu.memory_space<vmem>> -> memref<1x128x64xf32, #tpu.memory_space<vmem>>
        %dma_start3A_1992 = tpu.memref_squeeze %dma_start3A_1991 : memref<1x128x64xf32, #tpu.memory_space<vmem>> -> memref<128x64xf32, #tpu.memory_space<vmem>>
        %dma_start3A_1993 = arith.constant 0 : i32
        %dma_start3A_1994 = tpu.memref_slice %arg7[%rem3A_1055, %run_scoped3A_1857, %dma_start3A_1993] : memref<2x6x128xi32, #tpu.memory_space<vmem>> -> memref<1x1x128xi32, #tpu.memory_space<vmem>>
        %dma_start3A_1995 = tpu.memref_squeeze %dma_start3A_1994 : memref<1x1x128xi32, #tpu.memory_space<vmem>> -> memref<128xi32, #tpu.memory_space<vmem>>
        %dma_start3A_1996 = arith.constant 0 : i32
        %dma_start3A_1997 = arith.constant 0 : i32
        %dma_start3A_1998 = tpu.memref_slice %arg9[%dma_start3A_1996, %dma_start3A_1997] : memref<10240x64xf32, #tpu.memory_space<vmem_shared>> -> memref<10240x64xf32, #tpu.memory_space<vmem_shared>>
        tpu.enqueue_indirect_dma source(%dma_start3A_1992 : memref<128x64xf32, #tpu.memory_space<vmem>>) target(%dma_start3A_1998 : memref<10240x64xf32, #tpu.memory_space<vmem_shared>>) offsets(%dma_start3A_1995 : memref<128xi32, #tpu.memory_space<vmem>>) semaphore(%run_scoped3A_1988 : memref<!tpu.dma_semaphore, #tpu.memory_space<semaphore_mem>>) {add = true}
        %dma_wait3A_1999 = arith.constant 0 : i32
        %dma_wait3A_2000 = arith.constant 0 : i32
        %dma_wait3A_2001 = tpu.memref_slice %arg8[%run_scoped3A_1856, %dma_wait3A_1999, %dma_wait3A_2000] : memref<6x128x64xf32, #tpu.memory_space<vmem>> -> memref<1x128x64xf32, #tpu.memory_space<vmem>>
        %dma_wait3A_2002 = tpu.memref_squeeze %dma_wait3A_2001 : memref<1x128x64xf32, #tpu.memory_space<vmem>> -> memref<128x64xf32, #tpu.memory_space<vmem>>
        %dma_wait3A_2003 = arith.constant 0 : i32
        %dma_wait3A_2004 = tpu.memref_slice %arg7[%rem3A_1055, %run_scoped3A_1857, %dma_wait3A_2003] : memref<2x6x128xi32, #tpu.memory_space<vmem>> -> memref<1x1x128xi32, #tpu.memory_space<vmem>>
        %dma_wait3A_2005 = tpu.memref_squeeze %dma_wait3A_2004 : memref<1x1x128xi32, #tpu.memory_space<vmem>> -> memref<128xi32, #tpu.memory_space<vmem>>
        %dma_wait3A_2006 = arith.constant 0 : i32
        %dma_wait3A_2007 = arith.constant 0 : i32
        %dma_wait3A_2008 = tpu.memref_slice %arg9[%dma_wait3A_2006, %dma_wait3A_2007] : memref<10240x64xf32, #tpu.memory_space<vmem_shared>> -> memref<10240x64xf32, #tpu.memory_space<vmem_shared>>
        tpu.wait_indirect_dma semaphore(%run_scoped3A_1988 : memref<!tpu.dma_semaphore, #tpu.memory_space<semaphore_mem>>) src(%dma_wait3A_2002 : memref<128x64xf32, #tpu.memory_space<vmem>>) dst(%dma_wait3A_2008 : memref<10240x64xf32, #tpu.memory_space<vmem_shared>>)
        tpu.yield
      }) : () -> ()
      %dma_start3A_1858 = arith.constant 5 : i32
      %dma_start3A_1859 = arith.constant 5 : i32
      %dma_start3A_1860 = arith.constant 0 : i32
      %dma_start3A_1861 = arith.constant 0 : i32
      %dma_start3A_1862 = tpu.memref_slice %arg8[%dma_start3A_1859, %dma_start3A_1860, %dma_start3A_1861] : memref<6x128x64xf32, #tpu.memory_space<vmem>> -> memref<1x128x64xf32, #tpu.memory_space<vmem>>
      %dma_start3A_1863 = tpu.memref_squeeze %dma_start3A_1862 : memref<1x128x64xf32, #tpu.memory_space<vmem>> -> memref<128x64xf32, #tpu.memory_space<vmem>>
      %dma_start3A_1864 = arith.constant 0 : i32
      %dma_start3A_1865 = tpu.memref_slice %arg6[%rem3A_1055, %dma_start3A_1858, %dma_start3A_1864] : memref<2x6x128xi32, #tpu.memory_space<vmem>> -> memref<1x1x128xi32, #tpu.memory_space<vmem>>
      %dma_start3A_1866 = tpu.memref_squeeze %dma_start3A_1865 : memref<1x1x128xi32, #tpu.memory_space<vmem>> -> memref<128xi32, #tpu.memory_space<vmem>>
      %dma_start3A_1867 = arith.constant 0 : i32
      %dma_start3A_1868 = arith.constant 0 : i32
      %dma_start3A_1869 = tpu.memref_slice %arg2[%dma_start3A_1867, %dma_start3A_1868] : memref<20000x64xf32, #tpu.memory_space<hbm>> -> memref<20000x64xf32, #tpu.memory_space<hbm>>
      tpu.enqueue_indirect_dma source(%dma_start3A_1869 : memref<20000x64xf32, #tpu.memory_space<hbm>>) target(%dma_start3A_1863 : memref<128x64xf32, #tpu.memory_space<vmem>>) offsets(%dma_start3A_1866 : memref<128xi32, #tpu.memory_space<vmem>>) semaphore(%arg10 : memref<!tpu.dma_semaphore, #tpu.memory_space<semaphore_mem>>)
      %dma_wait3A_1870 = arith.constant 1 : i32
      %dma_wait3A_1871 = arith.constant 1 : i32
      %dma_wait3A_1872 = arith.constant 0 : i32
      %dma_wait3A_1873 = arith.constant 0 : i32
      %dma_wait3A_1874 = tpu.memref_slice %arg8[%dma_wait3A_1871, %dma_wait3A_1872, %dma_wait3A_1873] : memref<6x128x64xf32, #tpu.memory_space<vmem>> -> memref<1x128x64xf32, #tpu.memory_space<vmem>>
      %dma_wait3A_1875 = tpu.memref_squeeze %dma_wait3A_1874 : memref<1x128x64xf32, #tpu.memory_space<vmem>> -> memref<128x64xf32, #tpu.memory_space<vmem>>
      %dma_wait3A_1876 = arith.constant 0 : i32
      %dma_wait3A_1877 = tpu.memref_slice %arg6[%rem3A_1055, %dma_wait3A_1870, %dma_wait3A_1876] : memref<2x6x128xi32, #tpu.memory_space<vmem>> -> memref<1x1x128xi32, #tpu.memory_space<vmem>>
      %dma_wait3A_1878 = tpu.memref_squeeze %dma_wait3A_1877 : memref<1x1x128xi32, #tpu.memory_space<vmem>> -> memref<128xi32, #tpu.memory_space<vmem>>
      %dma_wait3A_1879 = arith.constant 0 : i32
      %dma_wait3A_1880 = arith.constant 0 : i32
      %dma_wait3A_1881 = tpu.memref_slice %arg2[%dma_wait3A_1879, %dma_wait3A_1880] : memref<20000x64xf32, #tpu.memory_space<hbm>> -> memref<20000x64xf32, #tpu.memory_space<hbm>>
      tpu.wait_indirect_dma semaphore(%arg10 : memref<!tpu.dma_semaphore, #tpu.memory_space<semaphore_mem>>) src(%dma_wait3A_1881 : memref<20000x64xf32, #tpu.memory_space<hbm>>) dst(%dma_wait3A_1875 : memref<128x64xf32, #tpu.memory_space<vmem>>)
      %run_scoped3A_1882 = arith.constant 1 : i32
      %run_scoped3A_1883 = arith.constant 1 : i32
      "tpu.region"() ({
        %run_scoped3A_1988 = tpu.sem_alloc : memref<!tpu.dma_semaphore, #tpu.memory_space<semaphore_mem>>
        %dma_start3A_1989 = arith.constant 0 : i32
        %dma_start3A_1990 = arith.constant 0 : i32
        %dma_start3A_1991 = tpu.memref_slice %arg8[%run_scoped3A_1882, %dma_start3A_1989, %dma_start3A_1990] : memref<6x128x64xf32, #tpu.memory_space<vmem>> -> memref<1x128x64xf32, #tpu.memory_space<vmem>>
        %dma_start3A_1992 = tpu.memref_squeeze %dma_start3A_1991 : memref<1x128x64xf32, #tpu.memory_space<vmem>> -> memref<128x64xf32, #tpu.memory_space<vmem>>
        %dma_start3A_1993 = arith.constant 0 : i32
        %dma_start3A_1994 = tpu.memref_slice %arg7[%rem3A_1055, %run_scoped3A_1883, %dma_start3A_1993] : memref<2x6x128xi32, #tpu.memory_space<vmem>> -> memref<1x1x128xi32, #tpu.memory_space<vmem>>
        %dma_start3A_1995 = tpu.memref_squeeze %dma_start3A_1994 : memref<1x1x128xi32, #tpu.memory_space<vmem>> -> memref<128xi32, #tpu.memory_space<vmem>>
        %dma_start3A_1996 = arith.constant 0 : i32
        %dma_start3A_1997 = arith.constant 0 : i32
        %dma_start3A_1998 = tpu.memref_slice %arg9[%dma_start3A_1996, %dma_start3A_1997] : memref<10240x64xf32, #tpu.memory_space<vmem_shared>> -> memref<10240x64xf32, #tpu.memory_space<vmem_shared>>
        tpu.enqueue_indirect_dma source(%dma_start3A_1992 : memref<128x64xf32, #tpu.memory_space<vmem>>) target(%dma_start3A_1998 : memref<10240x64xf32, #tpu.memory_space<vmem_shared>>) offsets(%dma_start3A_1995 : memref<128xi32, #tpu.memory_space<vmem>>) semaphore(%run_scoped3A_1988 : memref<!tpu.dma_semaphore, #tpu.memory_space<semaphore_mem>>) {add = true}
        %dma_wait3A_1999 = arith.constant 0 : i32
        %dma_wait3A_2000 = arith.constant 0 : i32
        %dma_wait3A_2001 = tpu.memref_slice %arg8[%run_scoped3A_1882, %dma_wait3A_1999, %dma_wait3A_2000] : memref<6x128x64xf32, #tpu.memory_space<vmem>> -> memref<1x128x64xf32, #tpu.memory_space<vmem>>
        %dma_wait3A_2002 = tpu.memref_squeeze %dma_wait3A_2001 : memref<1x128x64xf32, #tpu.memory_space<vmem>> -> memref<128x64xf32, #tpu.memory_space<vmem>>
        %dma_wait3A_2003 = arith.constant 0 : i32
        %dma_wait3A_2004 = tpu.memref_slice %arg7[%rem3A_1055, %run_scoped3A_1883, %dma_wait3A_2003] : memref<2x6x128xi32, #tpu.memory_space<vmem>> -> memref<1x1x128xi32, #tpu.memory_space<vmem>>
        %dma_wait3A_2005 = tpu.memref_squeeze %dma_wait3A_2004 : memref<1x1x128xi32, #tpu.memory_space<vmem>> -> memref<128xi32, #tpu.memory_space<vmem>>
        %dma_wait3A_2006 = arith.constant 0 : i32
        %dma_wait3A_2007 = arith.constant 0 : i32
        %dma_wait3A_2008 = tpu.memref_slice %arg9[%dma_wait3A_2006, %dma_wait3A_2007] : memref<10240x64xf32, #tpu.memory_space<vmem_shared>> -> memref<10240x64xf32, #tpu.memory_space<vmem_shared>>
        tpu.wait_indirect_dma semaphore(%run_scoped3A_1988 : memref<!tpu.dma_semaphore, #tpu.memory_space<semaphore_mem>>) src(%dma_wait3A_2002 : memref<128x64xf32, #tpu.memory_space<vmem>>) dst(%dma_wait3A_2008 : memref<10240x64xf32, #tpu.memory_space<vmem_shared>>)
        tpu.yield
      }) : () -> ()
      %dma_start3A_1884 = arith.constant 0 : i32
      %dma_start3A_1885 = arith.constant 0 : i32
      %dma_start3A_1886 = arith.constant 0 : i32
      %dma_start3A_1887 = arith.constant 0 : i32
      %dma_start3A_1888 = tpu.memref_slice %arg8[%dma_start3A_1885, %dma_start3A_1886, %dma_start3A_1887] : memref<6x128x64xf32, #tpu.memory_space<vmem>> -> memref<1x128x64xf32, #tpu.memory_space<vmem>>
      %dma_start3A_1889 = tpu.memref_squeeze %dma_start3A_1888 : memref<1x128x64xf32, #tpu.memory_space<vmem>> -> memref<128x64xf32, #tpu.memory_space<vmem>>
      %dma_start3A_1890 = arith.constant 0 : i32
      %dma_start3A_1891 = tpu.memref_slice %arg6[%sub3A_1056, %dma_start3A_1884, %dma_start3A_1890] : memref<2x6x128xi32, #tpu.memory_space<vmem>> -> memref<1x1x128xi32, #tpu.memory_space<vmem>>
      %dma_start3A_1892 = tpu.memref_squeeze %dma_start3A_1891 : memref<1x1x128xi32, #tpu.memory_space<vmem>> -> memref<128xi32, #tpu.memory_space<vmem>>
      %dma_start3A_1893 = arith.constant 0 : i32
      %dma_start3A_1894 = arith.constant 0 : i32
      %dma_start3A_1895 = tpu.memref_slice %arg2[%dma_start3A_1893, %dma_start3A_1894] : memref<20000x64xf32, #tpu.memory_space<hbm>> -> memref<20000x64xf32, #tpu.memory_space<hbm>>
      tpu.enqueue_indirect_dma source(%dma_start3A_1895 : memref<20000x64xf32, #tpu.memory_space<hbm>>) target(%dma_start3A_1889 : memref<128x64xf32, #tpu.memory_space<vmem>>) offsets(%dma_start3A_1892 : memref<128xi32, #tpu.memory_space<vmem>>) semaphore(%arg10 : memref<!tpu.dma_semaphore, #tpu.memory_space<semaphore_mem>>)
      %dma_wait3A_1896 = arith.constant 2 : i32
      %dma_wait3A_1897 = arith.constant 2 : i32
      %dma_wait3A_1898 = arith.constant 0 : i32
      %dma_wait3A_1899 = arith.constant 0 : i32
      %dma_wait3A_1900 = tpu.memref_slice %arg8[%dma_wait3A_1897, %dma_wait3A_1898, %dma_wait3A_1899] : memref<6x128x64xf32, #tpu.memory_space<vmem>> -> memref<1x128x64xf32, #tpu.memory_space<vmem>>
      %dma_wait3A_1901 = tpu.memref_squeeze %dma_wait3A_1900 : memref<1x128x64xf32, #tpu.memory_space<vmem>> -> memref<128x64xf32, #tpu.memory_space<vmem>>
      %dma_wait3A_1902 = arith.constant 0 : i32
      %dma_wait3A_1903 = tpu.memref_slice %arg6[%rem3A_1055, %dma_wait3A_1896, %dma_wait3A_1902] : memref<2x6x128xi32, #tpu.memory_space<vmem>> -> memref<1x1x128xi32, #tpu.memory_space<vmem>>
      %dma_wait3A_1904 = tpu.memref_squeeze %dma_wait3A_1903 : memref<1x1x128xi32, #tpu.memory_space<vmem>> -> memref<128xi32, #tpu.memory_space<vmem>>
      %dma_wait3A_1905 = arith.constant 0 : i32
      %dma_wait3A_1906 = arith.constant 0 : i32
      %dma_wait3A_1907 = tpu.memref_slice %arg2[%dma_wait3A_1905, %dma_wait3A_1906] : memref<20000x64xf32, #tpu.memory_space<hbm>> -> memref<20000x64xf32, #tpu.memory_space<hbm>>
      tpu.wait_indirect_dma semaphore(%arg10 : memref<!tpu.dma_semaphore, #tpu.memory_space<semaphore_mem>>) src(%dma_wait3A_1907 : memref<20000x64xf32, #tpu.memory_space<hbm>>) dst(%dma_wait3A_1901 : memref<128x64xf32, #tpu.memory_space<vmem>>)
      %run_scoped3A_1908 = arith.constant 2 : i32
      %run_scoped3A_1909 = arith.constant 2 : i32
      "tpu.region"() ({
        %run_scoped3A_1988 = tpu.sem_alloc : memref<!tpu.dma_semaphore, #tpu.memory_space<semaphore_mem>>
        %dma_start3A_1989 = arith.constant 0 : i32
        %dma_start3A_1990 = arith.constant 0 : i32
        %dma_start3A_1991 = tpu.memref_slice %arg8[%run_scoped3A_1908, %dma_start3A_1989, %dma_start3A_1990] : memref<6x128x64xf32, #tpu.memory_space<vmem>> -> memref<1x128x64xf32, #tpu.memory_space<vmem>>
        %dma_start3A_1992 = tpu.memref_squeeze %dma_start3A_1991 : memref<1x128x64xf32, #tpu.memory_space<vmem>> -> memref<128x64xf32, #tpu.memory_space<vmem>>
        %dma_start3A_1993 = arith.constant 0 : i32
        %dma_start3A_1994 = tpu.memref_slice %arg7[%rem3A_1055, %run_scoped3A_1909, %dma_start3A_1993] : memref<2x6x128xi32, #tpu.memory_space<vmem>> -> memref<1x1x128xi32, #tpu.memory_space<vmem>>
        %dma_start3A_1995 = tpu.memref_squeeze %dma_start3A_1994 : memref<1x1x128xi32, #tpu.memory_space<vmem>> -> memref<128xi32, #tpu.memory_space<vmem>>
        %dma_start3A_1996 = arith.constant 0 : i32
        %dma_start3A_1997 = arith.constant 0 : i32
        %dma_start3A_1998 = tpu.memref_slice %arg9[%dma_start3A_1996, %dma_start3A_1997] : memref<10240x64xf32, #tpu.memory_space<vmem_shared>> -> memref<10240x64xf32, #tpu.memory_space<vmem_shared>>
        tpu.enqueue_indirect_dma source(%dma_start3A_1992 : memref<128x64xf32, #tpu.memory_space<vmem>>) target(%dma_start3A_1998 : memref<10240x64xf32, #tpu.memory_space<vmem_shared>>) offsets(%dma_start3A_1995 : memref<128xi32, #tpu.memory_space<vmem>>) semaphore(%run_scoped3A_1988 : memref<!tpu.dma_semaphore, #tpu.memory_space<semaphore_mem>>) {add = true}
        %dma_wait3A_1999 = arith.constant 0 : i32
        %dma_wait3A_2000 = arith.constant 0 : i32
        %dma_wait3A_2001 = tpu.memref_slice %arg8[%run_scoped3A_1908, %dma_wait3A_1999, %dma_wait3A_2000] : memref<6x128x64xf32, #tpu.memory_space<vmem>> -> memref<1x128x64xf32, #tpu.memory_space<vmem>>
        %dma_wait3A_2002 = tpu.memref_squeeze %dma_wait3A_2001 : memref<1x128x64xf32, #tpu.memory_space<vmem>> -> memref<128x64xf32, #tpu.memory_space<vmem>>
        %dma_wait3A_2003 = arith.constant 0 : i32
        %dma_wait3A_2004 = tpu.memref_slice %arg7[%rem3A_1055, %run_scoped3A_1909, %dma_wait3A_2003] : memref<2x6x128xi32, #tpu.memory_space<vmem>> -> memref<1x1x128xi32, #tpu.memory_space<vmem>>
        %dma_wait3A_2005 = tpu.memref_squeeze %dma_wait3A_2004 : memref<1x1x128xi32, #tpu.memory_space<vmem>> -> memref<128xi32, #tpu.memory_space<vmem>>
        %dma_wait3A_2006 = arith.constant 0 : i32
        %dma_wait3A_2007 = arith.constant 0 : i32
        %dma_wait3A_2008 = tpu.memref_slice %arg9[%dma_wait3A_2006, %dma_wait3A_2007] : memref<10240x64xf32, #tpu.memory_space<vmem_shared>> -> memref<10240x64xf32, #tpu.memory_space<vmem_shared>>
        tpu.wait_indirect_dma semaphore(%run_scoped3A_1988 : memref<!tpu.dma_semaphore, #tpu.memory_space<semaphore_mem>>) src(%dma_wait3A_2002 : memref<128x64xf32, #tpu.memory_space<vmem>>) dst(%dma_wait3A_2008 : memref<10240x64xf32, #tpu.memory_space<vmem_shared>>)
        tpu.yield
      }) : () -> ()
      %dma_start3A_1910 = arith.constant 1 : i32
      %dma_start3A_1911 = arith.constant 1 : i32
      %dma_start3A_1912 = arith.constant 0 : i32
      %dma_start3A_1913 = arith.constant 0 : i32
      %dma_start3A_1914 = tpu.memref_slice %arg8[%dma_start3A_1911, %dma_start3A_1912, %dma_start3A_1913] : memref<6x128x64xf32, #tpu.memory_space<vmem>> -> memref<1x128x64xf32, #tpu.memory_space<vmem>>
      %dma_start3A_1915 = tpu.memref_squeeze %dma_start3A_1914 : memref<1x128x64xf32, #tpu.memory_space<vmem>> -> memref<128x64xf32, #tpu.memory_space<vmem>>
      %dma_start3A_1916 = arith.constant 0 : i32
      %dma_start3A_1917 = tpu.memref_slice %arg6[%sub3A_1056, %dma_start3A_1910, %dma_start3A_1916] : memref<2x6x128xi32, #tpu.memory_space<vmem>> -> memref<1x1x128xi32, #tpu.memory_space<vmem>>
      %dma_start3A_1918 = tpu.memref_squeeze %dma_start3A_1917 : memref<1x1x128xi32, #tpu.memory_space<vmem>> -> memref<128xi32, #tpu.memory_space<vmem>>
      %dma_start3A_1919 = arith.constant 0 : i32
      %dma_start3A_1920 = arith.constant 0 : i32
      %dma_start3A_1921 = tpu.memref_slice %arg2[%dma_start3A_1919, %dma_start3A_1920] : memref<20000x64xf32, #tpu.memory_space<hbm>> -> memref<20000x64xf32, #tpu.memory_space<hbm>>
      tpu.enqueue_indirect_dma source(%dma_start3A_1921 : memref<20000x64xf32, #tpu.memory_space<hbm>>) target(%dma_start3A_1915 : memref<128x64xf32, #tpu.memory_space<vmem>>) offsets(%dma_start3A_1918 : memref<128xi32, #tpu.memory_space<vmem>>) semaphore(%arg10 : memref<!tpu.dma_semaphore, #tpu.memory_space<semaphore_mem>>)
      %dma_wait3A_1922 = arith.constant 3 : i32
      %dma_wait3A_1923 = arith.constant 3 : i32
      %dma_wait3A_1924 = arith.constant 0 : i32
      %dma_wait3A_1925 = arith.constant 0 : i32
      %dma_wait3A_1926 = tpu.memref_slice %arg8[%dma_wait3A_1923, %dma_wait3A_1924, %dma_wait3A_1925] : memref<6x128x64xf32, #tpu.memory_space<vmem>> -> memref<1x128x64xf32, #tpu.memory_space<vmem>>
      %dma_wait3A_1927 = tpu.memref_squeeze %dma_wait3A_1926 : memref<1x128x64xf32, #tpu.memory_space<vmem>> -> memref<128x64xf32, #tpu.memory_space<vmem>>
      %dma_wait3A_1928 = arith.constant 0 : i32
      %dma_wait3A_1929 = tpu.memref_slice %arg6[%rem3A_1055, %dma_wait3A_1922, %dma_wait3A_1928] : memref<2x6x128xi32, #tpu.memory_space<vmem>> -> memref<1x1x128xi32, #tpu.memory_space<vmem>>
      %dma_wait3A_1930 = tpu.memref_squeeze %dma_wait3A_1929 : memref<1x1x128xi32, #tpu.memory_space<vmem>> -> memref<128xi32, #tpu.memory_space<vmem>>
      %dma_wait3A_1931 = arith.constant 0 : i32
      %dma_wait3A_1932 = arith.constant 0 : i32
      %dma_wait3A_1933 = tpu.memref_slice %arg2[%dma_wait3A_1931, %dma_wait3A_1932] : memref<20000x64xf32, #tpu.memory_space<hbm>> -> memref<20000x64xf32, #tpu.memory_space<hbm>>
      tpu.wait_indirect_dma semaphore(%arg10 : memref<!tpu.dma_semaphore, #tpu.memory_space<semaphore_mem>>) src(%dma_wait3A_1933 : memref<20000x64xf32, #tpu.memory_space<hbm>>) dst(%dma_wait3A_1927 : memref<128x64xf32, #tpu.memory_space<vmem>>)
      %run_scoped3A_1934 = arith.constant 3 : i32
      %run_scoped3A_1935 = arith.constant 3 : i32
      "tpu.region"() ({
        %run_scoped3A_1988 = tpu.sem_alloc : memref<!tpu.dma_semaphore, #tpu.memory_space<semaphore_mem>>
        %dma_start3A_1989 = arith.constant 0 : i32
        %dma_start3A_1990 = arith.constant 0 : i32
        %dma_start3A_1991 = tpu.memref_slice %arg8[%run_scoped3A_1934, %dma_start3A_1989, %dma_start3A_1990] : memref<6x128x64xf32, #tpu.memory_space<vmem>> -> memref<1x128x64xf32, #tpu.memory_space<vmem>>
        %dma_start3A_1992 = tpu.memref_squeeze %dma_start3A_1991 : memref<1x128x64xf32, #tpu.memory_space<vmem>> -> memref<128x64xf32, #tpu.memory_space<vmem>>
        %dma_start3A_1993 = arith.constant 0 : i32
        %dma_start3A_1994 = tpu.memref_slice %arg7[%rem3A_1055, %run_scoped3A_1935, %dma_start3A_1993] : memref<2x6x128xi32, #tpu.memory_space<vmem>> -> memref<1x1x128xi32, #tpu.memory_space<vmem>>
        %dma_start3A_1995 = tpu.memref_squeeze %dma_start3A_1994 : memref<1x1x128xi32, #tpu.memory_space<vmem>> -> memref<128xi32, #tpu.memory_space<vmem>>
        %dma_start3A_1996 = arith.constant 0 : i32
        %dma_start3A_1997 = arith.constant 0 : i32
        %dma_start3A_1998 = tpu.memref_slice %arg9[%dma_start3A_1996, %dma_start3A_1997] : memref<10240x64xf32, #tpu.memory_space<vmem_shared>> -> memref<10240x64xf32, #tpu.memory_space<vmem_shared>>
        tpu.enqueue_indirect_dma source(%dma_start3A_1992 : memref<128x64xf32, #tpu.memory_space<vmem>>) target(%dma_start3A_1998 : memref<10240x64xf32, #tpu.memory_space<vmem_shared>>) offsets(%dma_start3A_1995 : memref<128xi32, #tpu.memory_space<vmem>>) semaphore(%run_scoped3A_1988 : memref<!tpu.dma_semaphore, #tpu.memory_space<semaphore_mem>>) {add = true}
        %dma_wait3A_1999 = arith.constant 0 : i32
        %dma_wait3A_2000 = arith.constant 0 : i32
        %dma_wait3A_2001 = tpu.memref_slice %arg8[%run_scoped3A_1934, %dma_wait3A_1999, %dma_wait3A_2000] : memref<6x128x64xf32, #tpu.memory_space<vmem>> -> memref<1x128x64xf32, #tpu.memory_space<vmem>>
        %dma_wait3A_2002 = tpu.memref_squeeze %dma_wait3A_2001 : memref<1x128x64xf32, #tpu.memory_space<vmem>> -> memref<128x64xf32, #tpu.memory_space<vmem>>
        %dma_wait3A_2003 = arith.constant 0 : i32
        %dma_wait3A_2004 = tpu.memref_slice %arg7[%rem3A_1055, %run_scoped3A_1935, %dma_wait3A_2003] : memref<2x6x128xi32, #tpu.memory_space<vmem>> -> memref<1x1x128xi32, #tpu.memory_space<vmem>>
        %dma_wait3A_2005 = tpu.memref_squeeze %dma_wait3A_2004 : memref<1x1x128xi32, #tpu.memory_space<vmem>> -> memref<128xi32, #tpu.memory_space<vmem>>
        %dma_wait3A_2006 = arith.constant 0 : i32
        %dma_wait3A_2007 = arith.constant 0 : i32
        %dma_wait3A_2008 = tpu.memref_slice %arg9[%dma_wait3A_2006, %dma_wait3A_2007] : memref<10240x64xf32, #tpu.memory_space<vmem_shared>> -> memref<10240x64xf32, #tpu.memory_space<vmem_shared>>
        tpu.wait_indirect_dma semaphore(%run_scoped3A_1988 : memref<!tpu.dma_semaphore, #tpu.memory_space<semaphore_mem>>) src(%dma_wait3A_2002 : memref<128x64xf32, #tpu.memory_space<vmem>>) dst(%dma_wait3A_2008 : memref<10240x64xf32, #tpu.memory_space<vmem_shared>>)
        tpu.yield
      }) : () -> ()
      %dma_start3A_1936 = arith.constant 2 : i32
      %dma_start3A_1937 = arith.constant 2 : i32
      %dma_start3A_1938 = arith.constant 0 : i32
      %dma_start3A_1939 = arith.constant 0 : i32
      %dma_start3A_1940 = tpu.memref_slice %arg8[%dma_start3A_1937, %dma_start3A_1938, %dma_start3A_1939] : memref<6x128x64xf32, #tpu.memory_space<vmem>> -> memref<1x128x64xf32, #tpu.memory_space<vmem>>
      %dma_start3A_1941 = tpu.memref_squeeze %dma_start3A_1940 : memref<1x128x64xf32, #tpu.memory_space<vmem>> -> memref<128x64xf32, #tpu.memory_space<vmem>>
      %dma_start3A_1942 = arith.constant 0 : i32
      %dma_start3A_1943 = tpu.memref_slice %arg6[%sub3A_1056, %dma_start3A_1936, %dma_start3A_1942] : memref<2x6x128xi32, #tpu.memory_space<vmem>> -> memref<1x1x128xi32, #tpu.memory_space<vmem>>
      %dma_start3A_1944 = tpu.memref_squeeze %dma_start3A_1943 : memref<1x1x128xi32, #tpu.memory_space<vmem>> -> memref<128xi32, #tpu.memory_space<vmem>>
      %dma_start3A_1945 = arith.constant 0 : i32
      %dma_start3A_1946 = arith.constant 0 : i32
      %dma_start3A_1947 = tpu.memref_slice %arg2[%dma_start3A_1945, %dma_start3A_1946] : memref<20000x64xf32, #tpu.memory_space<hbm>> -> memref<20000x64xf32, #tpu.memory_space<hbm>>
      tpu.enqueue_indirect_dma source(%dma_start3A_1947 : memref<20000x64xf32, #tpu.memory_space<hbm>>) target(%dma_start3A_1941 : memref<128x64xf32, #tpu.memory_space<vmem>>) offsets(%dma_start3A_1944 : memref<128xi32, #tpu.memory_space<vmem>>) semaphore(%arg10 : memref<!tpu.dma_semaphore, #tpu.memory_space<semaphore_mem>>)
      %dma_wait3A_1948 = arith.constant 4 : i32
      %dma_wait3A_1949 = arith.constant 4 : i32
      %dma_wait3A_1950 = arith.constant 0 : i32
      %dma_wait3A_1951 = arith.constant 0 : i32
      %dma_wait3A_1952 = tpu.memref_slice %arg8[%dma_wait3A_1949, %dma_wait3A_1950, %dma_wait3A_1951] : memref<6x128x64xf32, #tpu.memory_space<vmem>> -> memref<1x128x64xf32, #tpu.memory_space<vmem>>
      %dma_wait3A_1953 = tpu.memref_squeeze %dma_wait3A_1952 : memref<1x128x64xf32, #tpu.memory_space<vmem>> -> memref<128x64xf32, #tpu.memory_space<vmem>>
      %dma_wait3A_1954 = arith.constant 0 : i32
      %dma_wait3A_1955 = tpu.memref_slice %arg6[%rem3A_1055, %dma_wait3A_1948, %dma_wait3A_1954] : memref<2x6x128xi32, #tpu.memory_space<vmem>> -> memref<1x1x128xi32, #tpu.memory_space<vmem>>
      %dma_wait3A_1956 = tpu.memref_squeeze %dma_wait3A_1955 : memref<1x1x128xi32, #tpu.memory_space<vmem>> -> memref<128xi32, #tpu.memory_space<vmem>>
      %dma_wait3A_1957 = arith.constant 0 : i32
      %dma_wait3A_1958 = arith.constant 0 : i32
      %dma_wait3A_1959 = tpu.memref_slice %arg2[%dma_wait3A_1957, %dma_wait3A_1958] : memref<20000x64xf32, #tpu.memory_space<hbm>> -> memref<20000x64xf32, #tpu.memory_space<hbm>>
      tpu.wait_indirect_dma semaphore(%arg10 : memref<!tpu.dma_semaphore, #tpu.memory_space<semaphore_mem>>) src(%dma_wait3A_1959 : memref<20000x64xf32, #tpu.memory_space<hbm>>) dst(%dma_wait3A_1953 : memref<128x64xf32, #tpu.memory_space<vmem>>)
      %run_scoped3A_1960 = arith.constant 4 : i32
      %run_scoped3A_1961 = arith.constant 4 : i32
      "tpu.region"() ({
        %run_scoped3A_1988 = tpu.sem_alloc : memref<!tpu.dma_semaphore, #tpu.memory_space<semaphore_mem>>
        %dma_start3A_1989 = arith.constant 0 : i32
        %dma_start3A_1990 = arith.constant 0 : i32
        %dma_start3A_1991 = tpu.memref_slice %arg8[%run_scoped3A_1960, %dma_start3A_1989, %dma_start3A_1990] : memref<6x128x64xf32, #tpu.memory_space<vmem>> -> memref<1x128x64xf32, #tpu.memory_space<vmem>>
        %dma_start3A_1992 = tpu.memref_squeeze %dma_start3A_1991 : memref<1x128x64xf32, #tpu.memory_space<vmem>> -> memref<128x64xf32, #tpu.memory_space<vmem>>
        %dma_start3A_1993 = arith.constant 0 : i32
        %dma_start3A_1994 = tpu.memref_slice %arg7[%rem3A_1055, %run_scoped3A_1961, %dma_start3A_1993] : memref<2x6x128xi32, #tpu.memory_space<vmem>> -> memref<1x1x128xi32, #tpu.memory_space<vmem>>
        %dma_start3A_1995 = tpu.memref_squeeze %dma_start3A_1994 : memref<1x1x128xi32, #tpu.memory_space<vmem>> -> memref<128xi32, #tpu.memory_space<vmem>>
        %dma_start3A_1996 = arith.constant 0 : i32
        %dma_start3A_1997 = arith.constant 0 : i32
        %dma_start3A_1998 = tpu.memref_slice %arg9[%dma_start3A_1996, %dma_start3A_1997] : memref<10240x64xf32, #tpu.memory_space<vmem_shared>> -> memref<10240x64xf32, #tpu.memory_space<vmem_shared>>
        tpu.enqueue_indirect_dma source(%dma_start3A_1992 : memref<128x64xf32, #tpu.memory_space<vmem>>) target(%dma_start3A_1998 : memref<10240x64xf32, #tpu.memory_space<vmem_shared>>) offsets(%dma_start3A_1995 : memref<128xi32, #tpu.memory_space<vmem>>) semaphore(%run_scoped3A_1988 : memref<!tpu.dma_semaphore, #tpu.memory_space<semaphore_mem>>) {add = true}
        %dma_wait3A_1999 = arith.constant 0 : i32
        %dma_wait3A_2000 = arith.constant 0 : i32
        %dma_wait3A_2001 = tpu.memref_slice %arg8[%run_scoped3A_1960, %dma_wait3A_1999, %dma_wait3A_2000] : memref<6x128x64xf32, #tpu.memory_space<vmem>> -> memref<1x128x64xf32, #tpu.memory_space<vmem>>
        %dma_wait3A_2002 = tpu.memref_squeeze %dma_wait3A_2001 : memref<1x128x64xf32, #tpu.memory_space<vmem>> -> memref<128x64xf32, #tpu.memory_space<vmem>>
        %dma_wait3A_2003 = arith.constant 0 : i32
        %dma_wait3A_2004 = tpu.memref_slice %arg7[%rem3A_1055, %run_scoped3A_1961, %dma_wait3A_2003] : memref<2x6x128xi32, #tpu.memory_space<vmem>> -> memref<1x1x128xi32, #tpu.memory_space<vmem>>
        %dma_wait3A_2005 = tpu.memref_squeeze %dma_wait3A_2004 : memref<1x1x128xi32, #tpu.memory_space<vmem>> -> memref<128xi32, #tpu.memory_space<vmem>>
        %dma_wait3A_2006 = arith.constant 0 : i32
        %dma_wait3A_2007 = arith.constant 0 : i32
        %dma_wait3A_2008 = tpu.memref_slice %arg9[%dma_wait3A_2006, %dma_wait3A_2007] : memref<10240x64xf32, #tpu.memory_space<vmem_shared>> -> memref<10240x64xf32, #tpu.memory_space<vmem_shared>>
        tpu.wait_indirect_dma semaphore(%run_scoped3A_1988 : memref<!tpu.dma_semaphore, #tpu.memory_space<semaphore_mem>>) src(%dma_wait3A_2002 : memref<128x64xf32, #tpu.memory_space<vmem>>) dst(%dma_wait3A_2008 : memref<10240x64xf32, #tpu.memory_space<vmem_shared>>)
        tpu.yield
      }) : () -> ()
      %dma_start3A_1962 = arith.constant 3 : i32
      %dma_start3A_1963 = arith.constant 3 : i32
      %dma_start3A_1964 = arith.constant 0 : i32
      %dma_start3A_1965 = arith.constant 0 : i32
      %dma_start3A_1966 = tpu.memref_slice %arg8[%dma_start3A_1963, %dma_start3A_1964, %dma_start3A_1965] : memref<6x128x64xf32, #tpu.memory_space<vmem>> -> memref<1x128x64xf32, #tpu.memory_space<vmem>>
      %dma_start3A_1967 = tpu.memref_squeeze %dma_start3A_1966 : memref<1x128x64xf32, #tpu.memory_space<vmem>> -> memref<128x64xf32, #tpu.memory_space<vmem>>
      %dma_start3A_1968 = arith.constant 0 : i32
      %dma_start3A_1969 = tpu.memref_slice %arg6[%sub3A_1056, %dma_start3A_1962, %dma_start3A_1968] : memref<2x6x128xi32, #tpu.memory_space<vmem>> -> memref<1x1x128xi32, #tpu.memory_space<vmem>>
      %dma_start3A_1970 = tpu.memref_squeeze %dma_start3A_1969 : memref<1x1x128xi32, #tpu.memory_space<vmem>> -> memref<128xi32, #tpu.memory_space<vmem>>
      %dma_start3A_1971 = arith.constant 0 : i32
      %dma_start3A_1972 = arith.constant 0 : i32
      %dma_start3A_1973 = tpu.memref_slice %arg2[%dma_start3A_1971, %dma_start3A_1972] : memref<20000x64xf32, #tpu.memory_space<hbm>> -> memref<20000x64xf32, #tpu.memory_space<hbm>>
      tpu.enqueue_indirect_dma source(%dma_start3A_1973 : memref<20000x64xf32, #tpu.memory_space<hbm>>) target(%dma_start3A_1967 : memref<128x64xf32, #tpu.memory_space<vmem>>) offsets(%dma_start3A_1970 : memref<128xi32, #tpu.memory_space<vmem>>) semaphore(%arg10 : memref<!tpu.dma_semaphore, #tpu.memory_space<semaphore_mem>>)
      %dma_wait3A_1974 = arith.constant 5 : i32
      %dma_wait3A_1975 = arith.constant 5 : i32
      %dma_wait3A_1976 = arith.constant 0 : i32
      %dma_wait3A_1977 = arith.constant 0 : i32
      %dma_wait3A_1978 = tpu.memref_slice %arg8[%dma_wait3A_1975, %dma_wait3A_1976, %dma_wait3A_1977] : memref<6x128x64xf32, #tpu.memory_space<vmem>> -> memref<1x128x64xf32, #tpu.memory_space<vmem>>
      %dma_wait3A_1979 = tpu.memref_squeeze %dma_wait3A_1978 : memref<1x128x64xf32, #tpu.memory_space<vmem>> -> memref<128x64xf32, #tpu.memory_space<vmem>>
      %dma_wait3A_1980 = arith.constant 0 : i32
      %dma_wait3A_1981 = tpu.memref_slice %arg6[%rem3A_1055, %dma_wait3A_1974, %dma_wait3A_1980] : memref<2x6x128xi32, #tpu.memory_space<vmem>> -> memref<1x1x128xi32, #tpu.memory_space<vmem>>
      %dma_wait3A_1982 = tpu.memref_squeeze %dma_wait3A_1981 : memref<1x1x128xi32, #tpu.memory_space<vmem>> -> memref<128xi32, #tpu.memory_space<vmem>>
      %dma_wait3A_1983 = arith.constant 0 : i32
      %dma_wait3A_1984 = arith.constant 0 : i32
      %dma_wait3A_1985 = tpu.memref_slice %arg2[%dma_wait3A_1983, %dma_wait3A_1984] : memref<20000x64xf32, #tpu.memory_space<hbm>> -> memref<20000x64xf32, #tpu.memory_space<hbm>>
      tpu.wait_indirect_dma semaphore(%arg10 : memref<!tpu.dma_semaphore, #tpu.memory_space<semaphore_mem>>) src(%dma_wait3A_1985 : memref<20000x64xf32, #tpu.memory_space<hbm>>) dst(%dma_wait3A_1979 : memref<128x64xf32, #tpu.memory_space<vmem>>)
      %run_scoped3A_1986 = arith.constant 5 : i32
      %run_scoped3A_1987 = arith.constant 5 : i32
      "tpu.region"() ({
        %run_scoped3A_1988 = tpu.sem_alloc : memref<!tpu.dma_semaphore, #tpu.memory_space<semaphore_mem>>
        %dma_start3A_1989 = arith.constant 0 : i32
        %dma_start3A_1990 = arith.constant 0 : i32
        %dma_start3A_1991 = tpu.memref_slice %arg8[%run_scoped3A_1986, %dma_start3A_1989, %dma_start3A_1990] : memref<6x128x64xf32, #tpu.memory_space<vmem>> -> memref<1x128x64xf32, #tpu.memory_space<vmem>>
        %dma_start3A_1992 = tpu.memref_squeeze %dma_start3A_1991 : memref<1x128x64xf32, #tpu.memory_space<vmem>> -> memref<128x64xf32, #tpu.memory_space<vmem>>
        %dma_start3A_1993 = arith.constant 0 : i32
        %dma_start3A_1994 = tpu.memref_slice %arg7[%rem3A_1055, %run_scoped3A_1987, %dma_start3A_1993] : memref<2x6x128xi32, #tpu.memory_space<vmem>> -> memref<1x1x128xi32, #tpu.memory_space<vmem>>
        %dma_start3A_1995 = tpu.memref_squeeze %dma_start3A_1994 : memref<1x1x128xi32, #tpu.memory_space<vmem>> -> memref<128xi32, #tpu.memory_space<vmem>>
        %dma_start3A_1996 = arith.constant 0 : i32
        %dma_start3A_1997 = arith.constant 0 : i32
        %dma_start3A_1998 = tpu.memref_slice %arg9[%dma_start3A_1996, %dma_start3A_1997] : memref<10240x64xf32, #tpu.memory_space<vmem_shared>> -> memref<10240x64xf32, #tpu.memory_space<vmem_shared>>
        tpu.enqueue_indirect_dma source(%dma_start3A_1992 : memref<128x64xf32, #tpu.memory_space<vmem>>) target(%dma_start3A_1998 : memref<10240x64xf32, #tpu.memory_space<vmem_shared>>) offsets(%dma_start3A_1995 : memref<128xi32, #tpu.memory_space<vmem>>) semaphore(%run_scoped3A_1988 : memref<!tpu.dma_semaphore, #tpu.memory_space<semaphore_mem>>) {add = true}
        %dma_wait3A_1999 = arith.constant 0 : i32
        %dma_wait3A_2000 = arith.constant 0 : i32
        %dma_wait3A_2001 = tpu.memref_slice %arg8[%run_scoped3A_1986, %dma_wait3A_1999, %dma_wait3A_2000] : memref<6x128x64xf32, #tpu.memory_space<vmem>> -> memref<1x128x64xf32, #tpu.memory_space<vmem>>
        %dma_wait3A_2002 = tpu.memref_squeeze %dma_wait3A_2001 : memref<1x128x64xf32, #tpu.memory_space<vmem>> -> memref<128x64xf32, #tpu.memory_space<vmem>>
        %dma_wait3A_2003 = arith.constant 0 : i32
        %dma_wait3A_2004 = tpu.memref_slice %arg7[%rem3A_1055, %run_scoped3A_1987, %dma_wait3A_2003] : memref<2x6x128xi32, #tpu.memory_space<vmem>> -> memref<1x1x128xi32, #tpu.memory_space<vmem>>
        %dma_wait3A_2005 = tpu.memref_squeeze %dma_wait3A_2004 : memref<1x1x128xi32, #tpu.memory_space<vmem>> -> memref<128xi32, #tpu.memory_space<vmem>>
        %dma_wait3A_2006 = arith.constant 0 : i32
        %dma_wait3A_2007 = arith.constant 0 : i32
        %dma_wait3A_2008 = tpu.memref_slice %arg9[%dma_wait3A_2006, %dma_wait3A_2007] : memref<10240x64xf32, #tpu.memory_space<vmem_shared>> -> memref<10240x64xf32, #tpu.memory_space<vmem_shared>>
        tpu.wait_indirect_dma semaphore(%run_scoped3A_1988 : memref<!tpu.dma_semaphore, #tpu.memory_space<semaphore_mem>>) src(%dma_wait3A_2002 : memref<128x64xf32, #tpu.memory_space<vmem>>) dst(%dma_wait3A_2008 : memref<10240x64xf32, #tpu.memory_space<vmem_shared>>)
        tpu.yield
      }) : () -> ()
    }
    %scan3A_929 = arith.constant 12 : i32
    %dma_start3A_930 = arith.constant 0 : i32
    %dma_start3A_931 = arith.constant 4 : i32
    %dma_start3A_932 = arith.constant 4 : i32
    %dma_start3A_933 = arith.constant 0 : i32
    %dma_start3A_934 = arith.constant 0 : i32
    %dma_start3A_935 = tpu.memref_slice %arg8[%dma_start3A_932, %dma_start3A_933, %dma_start3A_934] : memref<6x128x64xf32, #tpu.memory_space<vmem>> -> memref<1x128x64xf32, #tpu.memory_space<vmem>>
    %dma_start3A_936 = tpu.memref_squeeze %dma_start3A_935 : memref<1x128x64xf32, #tpu.memory_space<vmem>> -> memref<128x64xf32, #tpu.memory_space<vmem>>
    %dma_start3A_937 = arith.constant 0 : i32
    %dma_start3A_938 = tpu.memref_slice %arg6[%dma_start3A_930, %dma_start3A_931, %dma_start3A_937] : memref<2x6x128xi32, #tpu.memory_space<vmem>> -> memref<1x1x128xi32, #tpu.memory_space<vmem>>
    %dma_start3A_939 = tpu.memref_squeeze %dma_start3A_938 : memref<1x1x128xi32, #tpu.memory_space<vmem>> -> memref<128xi32, #tpu.memory_space<vmem>>
    %dma_start3A_940 = arith.constant 0 : i32
    %dma_start3A_941 = arith.constant 0 : i32
    %dma_start3A_942 = tpu.memref_slice %arg2[%dma_start3A_940, %dma_start3A_941] : memref<20000x64xf32, #tpu.memory_space<hbm>> -> memref<20000x64xf32, #tpu.memory_space<hbm>>
    tpu.enqueue_indirect_dma source(%dma_start3A_942 : memref<20000x64xf32, #tpu.memory_space<hbm>>) target(%dma_start3A_936 : memref<128x64xf32, #tpu.memory_space<vmem>>) offsets(%dma_start3A_939 : memref<128xi32, #tpu.memory_space<vmem>>) semaphore(%arg10 : memref<!tpu.dma_semaphore, #tpu.memory_space<semaphore_mem>>)
    %dma_wait3A = arith.constant 0 : i32
    %dma_wait3A_943 = arith.constant 0 : i32
    %dma_wait3A_944 = arith.constant 0 : i32
    %dma_wait3A_945 = arith.constant 0 : i32
    %dma_wait3A_946 = arith.constant 0 : i32
    %dma_wait3A_947 = tpu.memref_slice %arg8[%dma_wait3A_944, %dma_wait3A_945, %dma_wait3A_946] : memref<6x128x64xf32, #tpu.memory_space<vmem>> -> memref<1x128x64xf32, #tpu.memory_space<vmem>>
    %dma_wait3A_948 = tpu.memref_squeeze %dma_wait3A_947 : memref<1x128x64xf32, #tpu.memory_space<vmem>> -> memref<128x64xf32, #tpu.memory_space<vmem>>
    %dma_wait3A_949 = arith.constant 0 : i32
    %dma_wait3A_950 = tpu.memref_slice %arg6[%dma_wait3A, %dma_wait3A_943, %dma_wait3A_949] : memref<2x6x128xi32, #tpu.memory_space<vmem>> -> memref<1x1x128xi32, #tpu.memory_space<vmem>>
    %dma_wait3A_951 = tpu.memref_squeeze %dma_wait3A_950 : memref<1x1x128xi32, #tpu.memory_space<vmem>> -> memref<128xi32, #tpu.memory_space<vmem>>
    %dma_wait3A_952 = arith.constant 0 : i32
    %dma_wait3A_953 = arith.constant 0 : i32
    %dma_wait3A_954 = tpu.memref_slice %arg2[%dma_wait3A_952, %dma_wait3A_953] : memref<20000x64xf32, #tpu.memory_space<hbm>> -> memref<20000x64xf32, #tpu.memory_space<hbm>>
    tpu.wait_indirect_dma semaphore(%arg10 : memref<!tpu.dma_semaphore, #tpu.memory_space<semaphore_mem>>) src(%dma_wait3A_954 : memref<20000x64xf32, #tpu.memory_space<hbm>>) dst(%dma_wait3A_948 : memref<128x64xf32, #tpu.memory_space<vmem>>)
    %run_scoped3A_955 = arith.constant 0 : i32
    %run_scoped3A_956 = arith.constant 0 : i32
    %run_scoped3A_957 = arith.constant 0 : i32
    "tpu.region"() ({
      %run_scoped3A_1054 = tpu.sem_alloc : memref<!tpu.dma_semaphore, #tpu.memory_space<semaphore_mem>>
      %dma_start3A_1055 = arith.constant 0 : i32
      %dma_start3A_1056 = arith.constant 0 : i32
      %dma_start3A_1057 = tpu.memref_slice %arg8[%run_scoped3A_955, %dma_start3A_1055, %dma_start3A_1056] : memref<6x128x64xf32, #tpu.memory_space<vmem>> -> memref<1x128x64xf32, #tpu.memory_space<vmem>>
      %dma_start3A_1058 = tpu.memref_squeeze %dma_start3A_1057 : memref<1x128x64xf32, #tpu.memory_space<vmem>> -> memref<128x64xf32, #tpu.memory_space<vmem>>
      %dma_start3A_1059 = arith.constant 0 : i32
      %dma_start3A_1060 = tpu.memref_slice %arg7[%run_scoped3A_956, %run_scoped3A_957, %dma_start3A_1059] : memref<2x6x128xi32, #tpu.memory_space<vmem>> -> memref<1x1x128xi32, #tpu.memory_space<vmem>>
      %dma_start3A_1061 = tpu.memref_squeeze %dma_start3A_1060 : memref<1x1x128xi32, #tpu.memory_space<vmem>> -> memref<128xi32, #tpu.memory_space<vmem>>
      %dma_start3A_1062 = arith.constant 0 : i32
      %dma_start3A_1063 = arith.constant 0 : i32
      %dma_start3A_1064 = tpu.memref_slice %arg9[%dma_start3A_1062, %dma_start3A_1063] : memref<10240x64xf32, #tpu.memory_space<vmem_shared>> -> memref<10240x64xf32, #tpu.memory_space<vmem_shared>>
      tpu.enqueue_indirect_dma source(%dma_start3A_1058 : memref<128x64xf32, #tpu.memory_space<vmem>>) target(%dma_start3A_1064 : memref<10240x64xf32, #tpu.memory_space<vmem_shared>>) offsets(%dma_start3A_1061 : memref<128xi32, #tpu.memory_space<vmem>>) semaphore(%run_scoped3A_1054 : memref<!tpu.dma_semaphore, #tpu.memory_space<semaphore_mem>>) {add = true}
      %dma_wait3A_1065 = arith.constant 0 : i32
      %dma_wait3A_1066 = arith.constant 0 : i32
      %dma_wait3A_1067 = tpu.memref_slice %arg8[%run_scoped3A_955, %dma_wait3A_1065, %dma_wait3A_1066] : memref<6x128x64xf32, #tpu.memory_space<vmem>> -> memref<1x128x64xf32, #tpu.memory_space<vmem>>
      %dma_wait3A_1068 = tpu.memref_squeeze %dma_wait3A_1067 : memref<1x128x64xf32, #tpu.memory_space<vmem>> -> memref<128x64xf32, #tpu.memory_space<vmem>>
      %dma_wait3A_1069 = arith.constant 0 : i32
      %dma_wait3A_1070 = tpu.memref_slice %arg7[%run_scoped3A_956, %run_scoped3A_957, %dma_wait3A_1069] : memref<2x6x128xi32, #tpu.memory_space<vmem>> -> memref<1x1x128xi32, #tpu.memory_space<vmem>>
      %dma_wait3A_1071 = tpu.memref_squeeze %dma_wait3A_1070 : memref<1x1x128xi32, #tpu.memory_space<vmem>> -> memref<128xi32, #tpu.memory_space<vmem>>
      %dma_wait3A_1072 = arith.constant 0 : i32
      %dma_wait3A_1073 = arith.constant 0 : i32
      %dma_wait3A_1074 = tpu.memref_slice %arg9[%dma_wait3A_1072, %dma_wait3A_1073] : memref<10240x64xf32, #tpu.memory_space<vmem_shared>> -> memref<10240x64xf32, #tpu.memory_space<vmem_shared>>
      tpu.wait_indirect_dma semaphore(%run_scoped3A_1054 : memref<!tpu.dma_semaphore, #tpu.memory_space<semaphore_mem>>) src(%dma_wait3A_1068 : memref<128x64xf32, #tpu.memory_space<vmem>>) dst(%dma_wait3A_1074 : memref<10240x64xf32, #tpu.memory_space<vmem_shared>>)
      tpu.yield
    }) : () -> ()
    %dma_start3A_958 = arith.constant 0 : i32
    %dma_start3A_959 = arith.constant 5 : i32
    %dma_start3A_960 = arith.constant 5 : i32
    %dma_start3A_961 = arith.constant 0 : i32
    %dma_start3A_962 = arith.constant 0 : i32
    %dma_start3A_963 = tpu.memref_slice %arg8[%dma_start3A_960, %dma_start3A_961, %dma_start3A_962] : memref<6x128x64xf32, #tpu.memory_space<vmem>> -> memref<1x128x64xf32, #tpu.memory_space<vmem>>
    %dma_start3A_964 = tpu.memref_squeeze %dma_start3A_963 : memref<1x128x64xf32, #tpu.memory_space<vmem>> -> memref<128x64xf32, #tpu.memory_space<vmem>>
    %dma_start3A_965 = arith.constant 0 : i32
    %dma_start3A_966 = tpu.memref_slice %arg6[%dma_start3A_958, %dma_start3A_959, %dma_start3A_965] : memref<2x6x128xi32, #tpu.memory_space<vmem>> -> memref<1x1x128xi32, #tpu.memory_space<vmem>>
    %dma_start3A_967 = tpu.memref_squeeze %dma_start3A_966 : memref<1x1x128xi32, #tpu.memory_space<vmem>> -> memref<128xi32, #tpu.memory_space<vmem>>
    %dma_start3A_968 = arith.constant 0 : i32
    %dma_start3A_969 = arith.constant 0 : i32
    %dma_start3A_970 = tpu.memref_slice %arg2[%dma_start3A_968, %dma_start3A_969] : memref<20000x64xf32, #tpu.memory_space<hbm>> -> memref<20000x64xf32, #tpu.memory_space<hbm>>
    tpu.enqueue_indirect_dma source(%dma_start3A_970 : memref<20000x64xf32, #tpu.memory_space<hbm>>) target(%dma_start3A_964 : memref<128x64xf32, #tpu.memory_space<vmem>>) offsets(%dma_start3A_967 : memref<128xi32, #tpu.memory_space<vmem>>) semaphore(%arg10 : memref<!tpu.dma_semaphore, #tpu.memory_space<semaphore_mem>>)
    %dma_wait3A_971 = arith.constant 0 : i32
    %dma_wait3A_972 = arith.constant 1 : i32
    %dma_wait3A_973 = arith.constant 1 : i32
    %dma_wait3A_974 = arith.constant 0 : i32
    %dma_wait3A_975 = arith.constant 0 : i32
    %dma_wait3A_976 = tpu.memref_slice %arg8[%dma_wait3A_973, %dma_wait3A_974, %dma_wait3A_975] : memref<6x128x64xf32, #tpu.memory_space<vmem>> -> memref<1x128x64xf32, #tpu.memory_space<vmem>>
    %dma_wait3A_977 = tpu.memref_squeeze %dma_wait3A_976 : memref<1x128x64xf32, #tpu.memory_space<vmem>> -> memref<128x64xf32, #tpu.memory_space<vmem>>
    %dma_wait3A_978 = arith.constant 0 : i32
    %dma_wait3A_979 = tpu.memref_slice %arg6[%dma_wait3A_971, %dma_wait3A_972, %dma_wait3A_978] : memref<2x6x128xi32, #tpu.memory_space<vmem>> -> memref<1x1x128xi32, #tpu.memory_space<vmem>>
    %dma_wait3A_980 = tpu.memref_squeeze %dma_wait3A_979 : memref<1x1x128xi32, #tpu.memory_space<vmem>> -> memref<128xi32, #tpu.memory_space<vmem>>
    %dma_wait3A_981 = arith.constant 0 : i32
    %dma_wait3A_982 = arith.constant 0 : i32
    %dma_wait3A_983 = tpu.memref_slice %arg2[%dma_wait3A_981, %dma_wait3A_982] : memref<20000x64xf32, #tpu.memory_space<hbm>> -> memref<20000x64xf32, #tpu.memory_space<hbm>>
    tpu.wait_indirect_dma semaphore(%arg10 : memref<!tpu.dma_semaphore, #tpu.memory_space<semaphore_mem>>) src(%dma_wait3A_983 : memref<20000x64xf32, #tpu.memory_space<hbm>>) dst(%dma_wait3A_977 : memref<128x64xf32, #tpu.memory_space<vmem>>)
    %run_scoped3A_984 = arith.constant 1 : i32
    %run_scoped3A_985 = arith.constant 0 : i32
    %run_scoped3A_986 = arith.constant 1 : i32
    "tpu.region"() ({
      %run_scoped3A_1054 = tpu.sem_alloc : memref<!tpu.dma_semaphore, #tpu.memory_space<semaphore_mem>>
      %dma_start3A_1055 = arith.constant 0 : i32
      %dma_start3A_1056 = arith.constant 0 : i32
      %dma_start3A_1057 = tpu.memref_slice %arg8[%run_scoped3A_984, %dma_start3A_1055, %dma_start3A_1056] : memref<6x128x64xf32, #tpu.memory_space<vmem>> -> memref<1x128x64xf32, #tpu.memory_space<vmem>>
      %dma_start3A_1058 = tpu.memref_squeeze %dma_start3A_1057 : memref<1x128x64xf32, #tpu.memory_space<vmem>> -> memref<128x64xf32, #tpu.memory_space<vmem>>
      %dma_start3A_1059 = arith.constant 0 : i32
      %dma_start3A_1060 = tpu.memref_slice %arg7[%run_scoped3A_985, %run_scoped3A_986, %dma_start3A_1059] : memref<2x6x128xi32, #tpu.memory_space<vmem>> -> memref<1x1x128xi32, #tpu.memory_space<vmem>>
      %dma_start3A_1061 = tpu.memref_squeeze %dma_start3A_1060 : memref<1x1x128xi32, #tpu.memory_space<vmem>> -> memref<128xi32, #tpu.memory_space<vmem>>
      %dma_start3A_1062 = arith.constant 0 : i32
      %dma_start3A_1063 = arith.constant 0 : i32
      %dma_start3A_1064 = tpu.memref_slice %arg9[%dma_start3A_1062, %dma_start3A_1063] : memref<10240x64xf32, #tpu.memory_space<vmem_shared>> -> memref<10240x64xf32, #tpu.memory_space<vmem_shared>>
      tpu.enqueue_indirect_dma source(%dma_start3A_1058 : memref<128x64xf32, #tpu.memory_space<vmem>>) target(%dma_start3A_1064 : memref<10240x64xf32, #tpu.memory_space<vmem_shared>>) offsets(%dma_start3A_1061 : memref<128xi32, #tpu.memory_space<vmem>>) semaphore(%run_scoped3A_1054 : memref<!tpu.dma_semaphore, #tpu.memory_space<semaphore_mem>>) {add = true}
      %dma_wait3A_1065 = arith.constant 0 : i32
      %dma_wait3A_1066 = arith.constant 0 : i32
      %dma_wait3A_1067 = tpu.memref_slice %arg8[%run_scoped3A_984, %dma_wait3A_1065, %dma_wait3A_1066] : memref<6x128x64xf32, #tpu.memory_space<vmem>> -> memref<1x128x64xf32, #tpu.memory_space<vmem>>
      %dma_wait3A_1068 = tpu.memref_squeeze %dma_wait3A_1067 : memref<1x128x64xf32, #tpu.memory_space<vmem>> -> memref<128x64xf32, #tpu.memory_space<vmem>>
      %dma_wait3A_1069 = arith.constant 0 : i32
      %dma_wait3A_1070 = tpu.memref_slice %arg7[%run_scoped3A_985, %run_scoped3A_986, %dma_wait3A_1069] : memref<2x6x128xi32, #tpu.memory_space<vmem>> -> memref<1x1x128xi32, #tpu.memory_space<vmem>>
      %dma_wait3A_1071 = tpu.memref_squeeze %dma_wait3A_1070 : memref<1x1x128xi32, #tpu.memory_space<vmem>> -> memref<128xi32, #tpu.memory_space<vmem>>
      %dma_wait3A_1072 = arith.constant 0 : i32
      %dma_wait3A_1073 = arith.constant 0 : i32
      %dma_wait3A_1074 = tpu.memref_slice %arg9[%dma_wait3A_1072, %dma_wait3A_1073] : memref<10240x64xf32, #tpu.memory_space<vmem_shared>> -> memref<10240x64xf32, #tpu.memory_space<vmem_shared>>
      tpu.wait_indirect_dma semaphore(%run_scoped3A_1054 : memref<!tpu.dma_semaphore, #tpu.memory_space<semaphore_mem>>) src(%dma_wait3A_1068 : memref<128x64xf32, #tpu.memory_space<vmem>>) dst(%dma_wait3A_1074 : memref<10240x64xf32, #tpu.memory_space<vmem_shared>>)
      tpu.yield
    }) : () -> ()
    %dma_wait3A_987 = arith.constant 0 : i32
    %dma_wait3A_988 = arith.constant 2 : i32
    %dma_wait3A_989 = arith.constant 2 : i32
    %dma_wait3A_990 = arith.constant 0 : i32
    %dma_wait3A_991 = arith.constant 0 : i32
    %dma_wait3A_992 = tpu.memref_slice %arg8[%dma_wait3A_989, %dma_wait3A_990, %dma_wait3A_991] : memref<6x128x64xf32, #tpu.memory_space<vmem>> -> memref<1x128x64xf32, #tpu.memory_space<vmem>>
    %dma_wait3A_993 = tpu.memref_squeeze %dma_wait3A_992 : memref<1x128x64xf32, #tpu.memory_space<vmem>> -> memref<128x64xf32, #tpu.memory_space<vmem>>
    %dma_wait3A_994 = arith.constant 0 : i32
    %dma_wait3A_995 = tpu.memref_slice %arg6[%dma_wait3A_987, %dma_wait3A_988, %dma_wait3A_994] : memref<2x6x128xi32, #tpu.memory_space<vmem>> -> memref<1x1x128xi32, #tpu.memory_space<vmem>>
    %dma_wait3A_996 = tpu.memref_squeeze %dma_wait3A_995 : memref<1x1x128xi32, #tpu.memory_space<vmem>> -> memref<128xi32, #tpu.memory_space<vmem>>
    %dma_wait3A_997 = arith.constant 0 : i32
    %dma_wait3A_998 = arith.constant 0 : i32
    %dma_wait3A_999 = tpu.memref_slice %arg2[%dma_wait3A_997, %dma_wait3A_998] : memref<20000x64xf32, #tpu.memory_space<hbm>> -> memref<20000x64xf32, #tpu.memory_space<hbm>>
    tpu.wait_indirect_dma semaphore(%arg10 : memref<!tpu.dma_semaphore, #tpu.memory_space<semaphore_mem>>) src(%dma_wait3A_999 : memref<20000x64xf32, #tpu.memory_space<hbm>>) dst(%dma_wait3A_993 : memref<128x64xf32, #tpu.memory_space<vmem>>)
    %run_scoped3A_1000 = arith.constant 2 : i32
    %run_scoped3A_1001 = arith.constant 0 : i32
    %run_scoped3A_1002 = arith.constant 2 : i32
    "tpu.region"() ({
      %run_scoped3A_1054 = tpu.sem_alloc : memref<!tpu.dma_semaphore, #tpu.memory_space<semaphore_mem>>
      %dma_start3A_1055 = arith.constant 0 : i32
      %dma_start3A_1056 = arith.constant 0 : i32
      %dma_start3A_1057 = tpu.memref_slice %arg8[%run_scoped3A_1000, %dma_start3A_1055, %dma_start3A_1056] : memref<6x128x64xf32, #tpu.memory_space<vmem>> -> memref<1x128x64xf32, #tpu.memory_space<vmem>>
      %dma_start3A_1058 = tpu.memref_squeeze %dma_start3A_1057 : memref<1x128x64xf32, #tpu.memory_space<vmem>> -> memref<128x64xf32, #tpu.memory_space<vmem>>
      %dma_start3A_1059 = arith.constant 0 : i32
      %dma_start3A_1060 = tpu.memref_slice %arg7[%run_scoped3A_1001, %run_scoped3A_1002, %dma_start3A_1059] : memref<2x6x128xi32, #tpu.memory_space<vmem>> -> memref<1x1x128xi32, #tpu.memory_space<vmem>>
      %dma_start3A_1061 = tpu.memref_squeeze %dma_start3A_1060 : memref<1x1x128xi32, #tpu.memory_space<vmem>> -> memref<128xi32, #tpu.memory_space<vmem>>
      %dma_start3A_1062 = arith.constant 0 : i32
      %dma_start3A_1063 = arith.constant 0 : i32
      %dma_start3A_1064 = tpu.memref_slice %arg9[%dma_start3A_1062, %dma_start3A_1063] : memref<10240x64xf32, #tpu.memory_space<vmem_shared>> -> memref<10240x64xf32, #tpu.memory_space<vmem_shared>>
      tpu.enqueue_indirect_dma source(%dma_start3A_1058 : memref<128x64xf32, #tpu.memory_space<vmem>>) target(%dma_start3A_1064 : memref<10240x64xf32, #tpu.memory_space<vmem_shared>>) offsets(%dma_start3A_1061 : memref<128xi32, #tpu.memory_space<vmem>>) semaphore(%run_scoped3A_1054 : memref<!tpu.dma_semaphore, #tpu.memory_space<semaphore_mem>>) {add = true}
      %dma_wait3A_1065 = arith.constant 0 : i32
      %dma_wait3A_1066 = arith.constant 0 : i32
      %dma_wait3A_1067 = tpu.memref_slice %arg8[%run_scoped3A_1000, %dma_wait3A_1065, %dma_wait3A_1066] : memref<6x128x64xf32, #tpu.memory_space<vmem>> -> memref<1x128x64xf32, #tpu.memory_space<vmem>>
      %dma_wait3A_1068 = tpu.memref_squeeze %dma_wait3A_1067 : memref<1x128x64xf32, #tpu.memory_space<vmem>> -> memref<128x64xf32, #tpu.memory_space<vmem>>
      %dma_wait3A_1069 = arith.constant 0 : i32
      %dma_wait3A_1070 = tpu.memref_slice %arg7[%run_scoped3A_1001, %run_scoped3A_1002, %dma_wait3A_1069] : memref<2x6x128xi32, #tpu.memory_space<vmem>> -> memref<1x1x128xi32, #tpu.memory_space<vmem>>
      %dma_wait3A_1071 = tpu.memref_squeeze %dma_wait3A_1070 : memref<1x1x128xi32, #tpu.memory_space<vmem>> -> memref<128xi32, #tpu.memory_space<vmem>>
      %dma_wait3A_1072 = arith.constant 0 : i32
      %dma_wait3A_1073 = arith.constant 0 : i32
      %dma_wait3A_1074 = tpu.memref_slice %arg9[%dma_wait3A_1072, %dma_wait3A_1073] : memref<10240x64xf32, #tpu.memory_space<vmem_shared>> -> memref<10240x64xf32, #tpu.memory_space<vmem_shared>>
      tpu.wait_indirect_dma semaphore(%run_scoped3A_1054 : memref<!tpu.dma_semaphore, #tpu.memory_space<semaphore_mem>>) src(%dma_wait3A_1068 : memref<128x64xf32, #tpu.memory_space<vmem>>) dst(%dma_wait3A_1074 : memref<10240x64xf32, #tpu.memory_space<vmem_shared>>)
      tpu.yield
    }) : () -> ()
    %dma_wait3A_1003 = arith.constant 0 : i32
    %dma_wait3A_1004 = arith.constant 3 : i32
    %dma_wait3A_1005 = arith.constant 3 : i32
    %dma_wait3A_1006 = arith.constant 0 : i32
    %dma_wait3A_1007 = arith.constant 0 : i32
    %dma_wait3A_1008 = tpu.memref_slice %arg8[%dma_wait3A_1005, %dma_wait3A_1006, %dma_wait3A_1007] : memref<6x128x64xf32, #tpu.memory_space<vmem>> -> memref<1x128x64xf32, #tpu.memory_space<vmem>>
    %dma_wait3A_1009 = tpu.memref_squeeze %dma_wait3A_1008 : memref<1x128x64xf32, #tpu.memory_space<vmem>> -> memref<128x64xf32, #tpu.memory_space<vmem>>
    %dma_wait3A_1010 = arith.constant 0 : i32
    %dma_wait3A_1011 = tpu.memref_slice %arg6[%dma_wait3A_1003, %dma_wait3A_1004, %dma_wait3A_1010] : memref<2x6x128xi32, #tpu.memory_space<vmem>> -> memref<1x1x128xi32, #tpu.memory_space<vmem>>
    %dma_wait3A_1012 = tpu.memref_squeeze %dma_wait3A_1011 : memref<1x1x128xi32, #tpu.memory_space<vmem>> -> memref<128xi32, #tpu.memory_space<vmem>>
    %dma_wait3A_1013 = arith.constant 0 : i32
    %dma_wait3A_1014 = arith.constant 0 : i32
    %dma_wait3A_1015 = tpu.memref_slice %arg2[%dma_wait3A_1013, %dma_wait3A_1014] : memref<20000x64xf32, #tpu.memory_space<hbm>> -> memref<20000x64xf32, #tpu.memory_space<hbm>>
    tpu.wait_indirect_dma semaphore(%arg10 : memref<!tpu.dma_semaphore, #tpu.memory_space<semaphore_mem>>) src(%dma_wait3A_1015 : memref<20000x64xf32, #tpu.memory_space<hbm>>) dst(%dma_wait3A_1009 : memref<128x64xf32, #tpu.memory_space<vmem>>)
    %run_scoped3A_1016 = arith.constant 3 : i32
    %run_scoped3A_1017 = arith.constant 0 : i32
    %run_scoped3A_1018 = arith.constant 3 : i32
    "tpu.region"() ({
      %run_scoped3A_1054 = tpu.sem_alloc : memref<!tpu.dma_semaphore, #tpu.memory_space<semaphore_mem>>
      %dma_start3A_1055 = arith.constant 0 : i32
      %dma_start3A_1056 = arith.constant 0 : i32
      %dma_start3A_1057 = tpu.memref_slice %arg8[%run_scoped3A_1016, %dma_start3A_1055, %dma_start3A_1056] : memref<6x128x64xf32, #tpu.memory_space<vmem>> -> memref<1x128x64xf32, #tpu.memory_space<vmem>>
      %dma_start3A_1058 = tpu.memref_squeeze %dma_start3A_1057 : memref<1x128x64xf32, #tpu.memory_space<vmem>> -> memref<128x64xf32, #tpu.memory_space<vmem>>
      %dma_start3A_1059 = arith.constant 0 : i32
      %dma_start3A_1060 = tpu.memref_slice %arg7[%run_scoped3A_1017, %run_scoped3A_1018, %dma_start3A_1059] : memref<2x6x128xi32, #tpu.memory_space<vmem>> -> memref<1x1x128xi32, #tpu.memory_space<vmem>>
      %dma_start3A_1061 = tpu.memref_squeeze %dma_start3A_1060 : memref<1x1x128xi32, #tpu.memory_space<vmem>> -> memref<128xi32, #tpu.memory_space<vmem>>
      %dma_start3A_1062 = arith.constant 0 : i32
      %dma_start3A_1063 = arith.constant 0 : i32
      %dma_start3A_1064 = tpu.memref_slice %arg9[%dma_start3A_1062, %dma_start3A_1063] : memref<10240x64xf32, #tpu.memory_space<vmem_shared>> -> memref<10240x64xf32, #tpu.memory_space<vmem_shared>>
      tpu.enqueue_indirect_dma source(%dma_start3A_1058 : memref<128x64xf32, #tpu.memory_space<vmem>>) target(%dma_start3A_1064 : memref<10240x64xf32, #tpu.memory_space<vmem_shared>>) offsets(%dma_start3A_1061 : memref<128xi32, #tpu.memory_space<vmem>>) semaphore(%run_scoped3A_1054 : memref<!tpu.dma_semaphore, #tpu.memory_space<semaphore_mem>>) {add = true}
      %dma_wait3A_1065 = arith.constant 0 : i32
      %dma_wait3A_1066 = arith.constant 0 : i32
      %dma_wait3A_1067 = tpu.memref_slice %arg8[%run_scoped3A_1016, %dma_wait3A_1065, %dma_wait3A_1066] : memref<6x128x64xf32, #tpu.memory_space<vmem>> -> memref<1x128x64xf32, #tpu.memory_space<vmem>>
      %dma_wait3A_1068 = tpu.memref_squeeze %dma_wait3A_1067 : memref<1x128x64xf32, #tpu.memory_space<vmem>> -> memref<128x64xf32, #tpu.memory_space<vmem>>
      %dma_wait3A_1069 = arith.constant 0 : i32
      %dma_wait3A_1070 = tpu.memref_slice %arg7[%run_scoped3A_1017, %run_scoped3A_1018, %dma_wait3A_1069] : memref<2x6x128xi32, #tpu.memory_space<vmem>> -> memref<1x1x128xi32, #tpu.memory_space<vmem>>
      %dma_wait3A_1071 = tpu.memref_squeeze %dma_wait3A_1070 : memref<1x1x128xi32, #tpu.memory_space<vmem>> -> memref<128xi32, #tpu.memory_space<vmem>>
      %dma_wait3A_1072 = arith.constant 0 : i32
      %dma_wait3A_1073 = arith.constant 0 : i32
      %dma_wait3A_1074 = tpu.memref_slice %arg9[%dma_wait3A_1072, %dma_wait3A_1073] : memref<10240x64xf32, #tpu.memory_space<vmem_shared>> -> memref<10240x64xf32, #tpu.memory_space<vmem_shared>>
      tpu.wait_indirect_dma semaphore(%run_scoped3A_1054 : memref<!tpu.dma_semaphore, #tpu.memory_space<semaphore_mem>>) src(%dma_wait3A_1068 : memref<128x64xf32, #tpu.memory_space<vmem>>) dst(%dma_wait3A_1074 : memref<10240x64xf32, #tpu.memory_space<vmem_shared>>)
      tpu.yield
    }) : () -> ()
    %dma_wait3A_1019 = arith.constant 0 : i32
    %dma_wait3A_1020 = arith.constant 4 : i32
    %dma_wait3A_1021 = arith.constant 4 : i32
    %dma_wait3A_1022 = arith.constant 0 : i32
    %dma_wait3A_1023 = arith.constant 0 : i32
    %dma_wait3A_1024 = tpu.memref_slice %arg8[%dma_wait3A_1021, %dma_wait3A_1022, %dma_wait3A_1023] : memref<6x128x64xf32, #tpu.memory_space<vmem>> -> memref<1x128x64xf32, #tpu.memory_space<vmem>>
    %dma_wait3A_1025 = tpu.memref_squeeze %dma_wait3A_1024 : memref<1x128x64xf32, #tpu.memory_space<vmem>> -> memref<128x64xf32, #tpu.memory_space<vmem>>
    %dma_wait3A_1026 = arith.constant 0 : i32
    %dma_wait3A_1027 = tpu.memref_slice %arg6[%dma_wait3A_1019, %dma_wait3A_1020, %dma_wait3A_1026] : memref<2x6x128xi32, #tpu.memory_space<vmem>> -> memref<1x1x128xi32, #tpu.memory_space<vmem>>
    %dma_wait3A_1028 = tpu.memref_squeeze %dma_wait3A_1027 : memref<1x1x128xi32, #tpu.memory_space<vmem>> -> memref<128xi32, #tpu.memory_space<vmem>>
    %dma_wait3A_1029 = arith.constant 0 : i32
    %dma_wait3A_1030 = arith.constant 0 : i32
    %dma_wait3A_1031 = tpu.memref_slice %arg2[%dma_wait3A_1029, %dma_wait3A_1030] : memref<20000x64xf32, #tpu.memory_space<hbm>> -> memref<20000x64xf32, #tpu.memory_space<hbm>>
    tpu.wait_indirect_dma semaphore(%arg10 : memref<!tpu.dma_semaphore, #tpu.memory_space<semaphore_mem>>) src(%dma_wait3A_1031 : memref<20000x64xf32, #tpu.memory_space<hbm>>) dst(%dma_wait3A_1025 : memref<128x64xf32, #tpu.memory_space<vmem>>)
    %run_scoped3A_1032 = arith.constant 4 : i32
    %run_scoped3A_1033 = arith.constant 0 : i32
    %run_scoped3A_1034 = arith.constant 4 : i32
    "tpu.region"() ({
      %run_scoped3A_1054 = tpu.sem_alloc : memref<!tpu.dma_semaphore, #tpu.memory_space<semaphore_mem>>
      %dma_start3A_1055 = arith.constant 0 : i32
      %dma_start3A_1056 = arith.constant 0 : i32
      %dma_start3A_1057 = tpu.memref_slice %arg8[%run_scoped3A_1032, %dma_start3A_1055, %dma_start3A_1056] : memref<6x128x64xf32, #tpu.memory_space<vmem>> -> memref<1x128x64xf32, #tpu.memory_space<vmem>>
      %dma_start3A_1058 = tpu.memref_squeeze %dma_start3A_1057 : memref<1x128x64xf32, #tpu.memory_space<vmem>> -> memref<128x64xf32, #tpu.memory_space<vmem>>
      %dma_start3A_1059 = arith.constant 0 : i32
      %dma_start3A_1060 = tpu.memref_slice %arg7[%run_scoped3A_1033, %run_scoped3A_1034, %dma_start3A_1059] : memref<2x6x128xi32, #tpu.memory_space<vmem>> -> memref<1x1x128xi32, #tpu.memory_space<vmem>>
      %dma_start3A_1061 = tpu.memref_squeeze %dma_start3A_1060 : memref<1x1x128xi32, #tpu.memory_space<vmem>> -> memref<128xi32, #tpu.memory_space<vmem>>
      %dma_start3A_1062 = arith.constant 0 : i32
      %dma_start3A_1063 = arith.constant 0 : i32
      %dma_start3A_1064 = tpu.memref_slice %arg9[%dma_start3A_1062, %dma_start3A_1063] : memref<10240x64xf32, #tpu.memory_space<vmem_shared>> -> memref<10240x64xf32, #tpu.memory_space<vmem_shared>>
      tpu.enqueue_indirect_dma source(%dma_start3A_1058 : memref<128x64xf32, #tpu.memory_space<vmem>>) target(%dma_start3A_1064 : memref<10240x64xf32, #tpu.memory_space<vmem_shared>>) offsets(%dma_start3A_1061 : memref<128xi32, #tpu.memory_space<vmem>>) semaphore(%run_scoped3A_1054 : memref<!tpu.dma_semaphore, #tpu.memory_space<semaphore_mem>>) {add = true}
      %dma_wait3A_1065 = arith.constant 0 : i32
      %dma_wait3A_1066 = arith.constant 0 : i32
      %dma_wait3A_1067 = tpu.memref_slice %arg8[%run_scoped3A_1032, %dma_wait3A_1065, %dma_wait3A_1066] : memref<6x128x64xf32, #tpu.memory_space<vmem>> -> memref<1x128x64xf32, #tpu.memory_space<vmem>>
      %dma_wait3A_1068 = tpu.memref_squeeze %dma_wait3A_1067 : memref<1x128x64xf32, #tpu.memory_space<vmem>> -> memref<128x64xf32, #tpu.memory_space<vmem>>
      %dma_wait3A_1069 = arith.constant 0 : i32
      %dma_wait3A_1070 = tpu.memref_slice %arg7[%run_scoped3A_1033, %run_scoped3A_1034, %dma_wait3A_1069] : memref<2x6x128xi32, #tpu.memory_space<vmem>> -> memref<1x1x128xi32, #tpu.memory_space<vmem>>
      %dma_wait3A_1071 = tpu.memref_squeeze %dma_wait3A_1070 : memref<1x1x128xi32, #tpu.memory_space<vmem>> -> memref<128xi32, #tpu.memory_space<vmem>>
      %dma_wait3A_1072 = arith.constant 0 : i32
      %dma_wait3A_1073 = arith.constant 0 : i32
      %dma_wait3A_1074 = tpu.memref_slice %arg9[%dma_wait3A_1072, %dma_wait3A_1073] : memref<10240x64xf32, #tpu.memory_space<vmem_shared>> -> memref<10240x64xf32, #tpu.memory_space<vmem_shared>>
      tpu.wait_indirect_dma semaphore(%run_scoped3A_1054 : memref<!tpu.dma_semaphore, #tpu.memory_space<semaphore_mem>>) src(%dma_wait3A_1068 : memref<128x64xf32, #tpu.memory_space<vmem>>) dst(%dma_wait3A_1074 : memref<10240x64xf32, #tpu.memory_space<vmem_shared>>)
      tpu.yield
    }) : () -> ()
    %dma_wait3A_1035 = arith.constant 0 : i32
    %dma_wait3A_1036 = arith.constant 5 : i32
    %dma_wait3A_1037 = arith.constant 5 : i32
    %dma_wait3A_1038 = arith.constant 0 : i32
    %dma_wait3A_1039 = arith.constant 0 : i32
    %dma_wait3A_1040 = tpu.memref_slice %arg8[%dma_wait3A_1037, %dma_wait3A_1038, %dma_wait3A_1039] : memref<6x128x64xf32, #tpu.memory_space<vmem>> -> memref<1x128x64xf32, #tpu.memory_space<vmem>>
    %dma_wait3A_1041 = tpu.memref_squeeze %dma_wait3A_1040 : memref<1x128x64xf32, #tpu.memory_space<vmem>> -> memref<128x64xf32, #tpu.memory_space<vmem>>
    %dma_wait3A_1042 = arith.constant 0 : i32
    %dma_wait3A_1043 = tpu.memref_slice %arg6[%dma_wait3A_1035, %dma_wait3A_1036, %dma_wait3A_1042] : memref<2x6x128xi32, #tpu.memory_space<vmem>> -> memref<1x1x128xi32, #tpu.memory_space<vmem>>
    %dma_wait3A_1044 = tpu.memref_squeeze %dma_wait3A_1043 : memref<1x1x128xi32, #tpu.memory_space<vmem>> -> memref<128xi32, #tpu.memory_space<vmem>>
    %dma_wait3A_1045 = arith.constant 0 : i32
    %dma_wait3A_1046 = arith.constant 0 : i32
    %dma_wait3A_1047 = tpu.memref_slice %arg2[%dma_wait3A_1045, %dma_wait3A_1046] : memref<20000x64xf32, #tpu.memory_space<hbm>> -> memref<20000x64xf32, #tpu.memory_space<hbm>>
    tpu.wait_indirect_dma semaphore(%arg10 : memref<!tpu.dma_semaphore, #tpu.memory_space<semaphore_mem>>) src(%dma_wait3A_1047 : memref<20000x64xf32, #tpu.memory_space<hbm>>) dst(%dma_wait3A_1041 : memref<128x64xf32, #tpu.memory_space<vmem>>)
    %run_scoped3A_1048 = arith.constant 5 : i32
    %run_scoped3A_1049 = arith.constant 0 : i32
    %run_scoped3A_1050 = arith.constant 5 : i32
    "tpu.region"() ({
      %run_scoped3A_1054 = tpu.sem_alloc : memref<!tpu.dma_semaphore, #tpu.memory_space<semaphore_mem>>
      %dma_start3A_1055 = arith.constant 0 : i32
      %dma_start3A_1056 = arith.constant 0 : i32
      %dma_start3A_1057 = tpu.memref_slice %arg8[%run_scoped3A_1048, %dma_start3A_1055, %dma_start3A_1056] : memref<6x128x64xf32, #tpu.memory_space<vmem>> -> memref<1x128x64xf32, #tpu.memory_space<vmem>>
      %dma_start3A_1058 = tpu.memref_squeeze %dma_start3A_1057 : memref<1x128x64xf32, #tpu.memory_space<vmem>> -> memref<128x64xf32, #tpu.memory_space<vmem>>
      %dma_start3A_1059 = arith.constant 0 : i32
      %dma_start3A_1060 = tpu.memref_slice %arg7[%run_scoped3A_1049, %run_scoped3A_1050, %dma_start3A_1059] : memref<2x6x128xi32, #tpu.memory_space<vmem>> -> memref<1x1x128xi32, #tpu.memory_space<vmem>>
      %dma_start3A_1061 = tpu.memref_squeeze %dma_start3A_1060 : memref<1x1x128xi32, #tpu.memory_space<vmem>> -> memref<128xi32, #tpu.memory_space<vmem>>
      %dma_start3A_1062 = arith.constant 0 : i32
      %dma_start3A_1063 = arith.constant 0 : i32
      %dma_start3A_1064 = tpu.memref_slice %arg9[%dma_start3A_1062, %dma_start3A_1063] : memref<10240x64xf32, #tpu.memory_space<vmem_shared>> -> memref<10240x64xf32, #tpu.memory_space<vmem_shared>>
      tpu.enqueue_indirect_dma source(%dma_start3A_1058 : memref<128x64xf32, #tpu.memory_space<vmem>>) target(%dma_start3A_1064 : memref<10240x64xf32, #tpu.memory_space<vmem_shared>>) offsets(%dma_start3A_1061 : memref<128xi32, #tpu.memory_space<vmem>>) semaphore(%run_scoped3A_1054 : memref<!tpu.dma_semaphore, #tpu.memory_space<semaphore_mem>>) {add = true}
      %dma_wait3A_1065 = arith.constant 0 : i32
      %dma_wait3A_1066 = arith.constant 0 : i32
      %dma_wait3A_1067 = tpu.memref_slice %arg8[%run_scoped3A_1048, %dma_wait3A_1065, %dma_wait3A_1066] : memref<6x128x64xf32, #tpu.memory_space<vmem>> -> memref<1x128x64xf32, #tpu.memory_space<vmem>>
      %dma_wait3A_1068 = tpu.memref_squeeze %dma_wait3A_1067 : memref<1x128x64xf32, #tpu.memory_space<vmem>> -> memref<128x64xf32, #tpu.memory_space<vmem>>
      %dma_wait3A_1069 = arith.constant 0 : i32
      %dma_wait3A_1070 = tpu.memref_slice %arg7[%run_scoped3A_1049, %run_scoped3A_1050, %dma_wait3A_1069] : memref<2x6x128xi32, #tpu.memory_space<vmem>> -> memref<1x1x128xi32, #tpu.memory_space<vmem>>
      %dma_wait3A_1071 = tpu.memref_squeeze %dma_wait3A_1070 : memref<1x1x128xi32, #tpu.memory_space<vmem>> -> memref<128xi32, #tpu.memory_space<vmem>>
      %dma_wait3A_1072 = arith.constant 0 : i32
      %dma_wait3A_1073 = arith.constant 0 : i32
      %dma_wait3A_1074 = tpu.memref_slice %arg9[%dma_wait3A_1072, %dma_wait3A_1073] : memref<10240x64xf32, #tpu.memory_space<vmem_shared>> -> memref<10240x64xf32, #tpu.memory_space<vmem_shared>>
      tpu.wait_indirect_dma semaphore(%run_scoped3A_1054 : memref<!tpu.dma_semaphore, #tpu.memory_space<semaphore_mem>>) src(%dma_wait3A_1068 : memref<128x64xf32, #tpu.memory_space<vmem>>) dst(%dma_wait3A_1074 : memref<10240x64xf32, #tpu.memory_space<vmem_shared>>)
      tpu.yield
    }) : () -> ()
    %lt3A = arith.constant 4 : i32
    %lt3A_1051 = arith.cmpi slt, %add3A, %lt3A : i32
    %convert_element_type3A = arith.extui %lt3A_1051 : i1 to i32
    %cond3A = arith.constant 0 : i32
    %cond3A_1052 = arith.cmpi ne, %convert_element_type3A, %cond3A : i32
    scf.if %cond3A_1052 {
      %add3A_1054 = arith.constant 78 : i32
      %add3A_1055 = arith.addi %add3A_6, %add3A_1054 : i32
      %run_scoped3A_1056 = arith.constant 0 : i32
      %run_scoped3A_1057 = arith.constant 0 : i32
      %run_scoped3A_1058 = arith.constant 0 : i32
      "tpu.region"() ({
        %run_scoped3A_1235 = tpu.sem_alloc : memref<!tpu.dma_semaphore, #tpu.memory_space<semaphore_mem>>
        %dma_start3A_1236 = arith.constant 0 : i32
        %dma_start3A_1237 = tpu.memref_slice %arg6[%run_scoped3A_1057, %run_scoped3A_1058, %dma_start3A_1236] : memref<2x6x128xi32, #tpu.memory_space<vmem>> -> memref<1x1x128xi32, #tpu.memory_space<vmem>>
        %dma_start3A_1238 = tpu.memref_squeeze %dma_start3A_1237 : memref<1x1x128xi32, #tpu.memory_space<vmem>> -> memref<128xi32, #tpu.memory_space<vmem>>
        %dma_start3A_1239 = arith.constant 0 : i32
        %dma_start3A_1240 = tpu.memref_slice %arg3[%run_scoped3A_1056, %add3A_1055, %dma_start3A_1239] : memref<2x2500x128xi32, #tpu.memory_space<hbm>> -> memref<1x1x128xi32, #tpu.memory_space<hbm>>
        %dma_start3A_1241 = tpu.memref_squeeze %dma_start3A_1240 : memref<1x1x128xi32, #tpu.memory_space<hbm>> -> memref<128xi32, #tpu.memory_space<hbm>>
        %dma_start3A_1242 = arith.constant 0 : i32
        %dma_start3A_1243 = tpu.memref_slice %arg6[%run_scoped3A_1057, %run_scoped3A_1058, %dma_start3A_1242] : memref<2x6x128xi32, #tpu.memory_space<vmem>> -> memref<1x1x128xi32, #tpu.memory_space<vmem>>
        %dma_start3A_1244 = tpu.memref_squeeze %dma_start3A_1243 : memref<1x1x128xi32, #tpu.memory_space<vmem>> -> memref<128xi32, #tpu.memory_space<vmem>>
        %dma_start3A_1245 = arith.constant 0 : i32
        %dma_start3A_1246 = tpu.memref_slice %arg3[%run_scoped3A_1056, %add3A_1055, %dma_start3A_1245] : memref<2x2500x128xi32, #tpu.memory_space<hbm>> -> memref<1x1x128xi32, #tpu.memory_space<hbm>>
        %dma_start3A_1247 = tpu.memref_squeeze %dma_start3A_1246 : memref<1x1x128xi32, #tpu.memory_space<hbm>> -> memref<128xi32, #tpu.memory_space<hbm>>
        tpu.enqueue_dma source(%dma_start3A_1247 : memref<128xi32, #tpu.memory_space<hbm>>) target(%dma_start3A_1244 : memref<128xi32, #tpu.memory_space<vmem>>) target_semaphore(%run_scoped3A_1235 : memref<!tpu.dma_semaphore, #tpu.memory_space<semaphore_mem>>)
        %dma_wait3A_1248 = arith.constant 0 : i32
        %dma_wait3A_1249 = tpu.memref_slice %arg6[%run_scoped3A_1057, %run_scoped3A_1058, %dma_wait3A_1248] : memref<2x6x128xi32, #tpu.memory_space<vmem>> -> memref<1x1x128xi32, #tpu.memory_space<vmem>>
        %dma_wait3A_1250 = tpu.memref_squeeze %dma_wait3A_1249 : memref<1x1x128xi32, #tpu.memory_space<vmem>> -> memref<128xi32, #tpu.memory_space<vmem>>
        %dma_wait3A_1251 = arith.constant 0 : i32
        %dma_wait3A_1252 = tpu.memref_slice %arg3[%run_scoped3A_1056, %add3A_1055, %dma_wait3A_1251] : memref<2x2500x128xi32, #tpu.memory_space<hbm>> -> memref<1x1x128xi32, #tpu.memory_space<hbm>>
        %dma_wait3A_1253 = tpu.memref_squeeze %dma_wait3A_1252 : memref<1x1x128xi32, #tpu.memory_space<hbm>> -> memref<128xi32, #tpu.memory_space<hbm>>
        %dma_wait3A_1254 = arith.constant 0 : i32
        %dma_wait3A_1255 = tpu.memref_slice %arg6[%run_scoped3A_1057, %run_scoped3A_1058, %dma_wait3A_1254] : memref<2x6x128xi32, #tpu.memory_space<vmem>> -> memref<1x1x128xi32, #tpu.memory_space<vmem>>
        %dma_wait3A_1256 = tpu.memref_squeeze %dma_wait3A_1255 : memref<1x1x128xi32, #tpu.memory_space<vmem>> -> memref<128xi32, #tpu.memory_space<vmem>>
        %dma_wait3A_1257 = arith.constant 0 : i32
        %dma_wait3A_1258 = tpu.memref_slice %arg3[%run_scoped3A_1056, %add3A_1055, %dma_wait3A_1257] : memref<2x2500x128xi32, #tpu.memory_space<hbm>> -> memref<1x1x128xi32, #tpu.memory_space<hbm>>
        %dma_wait3A_1259 = tpu.memref_squeeze %dma_wait3A_1258 : memref<1x1x128xi32, #tpu.memory_space<hbm>> -> memref<128xi32, #tpu.memory_space<hbm>>
        tpu.wait_dma2 semaphore(%run_scoped3A_1235 : memref<!tpu.dma_semaphore, #tpu.memory_space<semaphore_mem>>) src(%dma_wait3A_1259 : memref<128xi32, #tpu.memory_space<hbm>>) dst(%dma_wait3A_1256 : memref<128xi32, #tpu.memory_space<vmem>>)
        tpu.yield
      }) : () -> ()
      %run_scoped3A_1059 = arith.constant 1 : i32
      %run_scoped3A_1060 = arith.constant 0 : i32
      %run_scoped3A_1061 = arith.constant 0 : i32
      "tpu.region"() ({
        %run_scoped3A_1235 = tpu.sem_alloc : memref<!tpu.dma_semaphore, #tpu.memory_space<semaphore_mem>>
        %dma_start3A_1236 = arith.constant 0 : i32
        %dma_start3A_1237 = tpu.memref_slice %arg7[%run_scoped3A_1060, %run_scoped3A_1061, %dma_start3A_1236] : memref<2x6x128xi32, #tpu.memory_space<vmem>> -> memref<1x1x128xi32, #tpu.memory_space<vmem>>
        %dma_start3A_1238 = tpu.memref_squeeze %dma_start3A_1237 : memref<1x1x128xi32, #tpu.memory_space<vmem>> -> memref<128xi32, #tpu.memory_space<vmem>>
        %dma_start3A_1239 = arith.constant 0 : i32
        %dma_start3A_1240 = tpu.memref_slice %arg3[%run_scoped3A_1059, %add3A_1055, %dma_start3A_1239] : memref<2x2500x128xi32, #tpu.memory_space<hbm>> -> memref<1x1x128xi32, #tpu.memory_space<hbm>>
        %dma_start3A_1241 = tpu.memref_squeeze %dma_start3A_1240 : memref<1x1x128xi32, #tpu.memory_space<hbm>> -> memref<128xi32, #tpu.memory_space<hbm>>
        %dma_start3A_1242 = arith.constant 0 : i32
        %dma_start3A_1243 = tpu.memref_slice %arg7[%run_scoped3A_1060, %run_scoped3A_1061, %dma_start3A_1242] : memref<2x6x128xi32, #tpu.memory_space<vmem>> -> memref<1x1x128xi32, #tpu.memory_space<vmem>>
        %dma_start3A_1244 = tpu.memref_squeeze %dma_start3A_1243 : memref<1x1x128xi32, #tpu.memory_space<vmem>> -> memref<128xi32, #tpu.memory_space<vmem>>
        %dma_start3A_1245 = arith.constant 0 : i32
        %dma_start3A_1246 = tpu.memref_slice %arg3[%run_scoped3A_1059, %add3A_1055, %dma_start3A_1245] : memref<2x2500x128xi32, #tpu.memory_space<hbm>> -> memref<1x1x128xi32, #tpu.memory_space<hbm>>
        %dma_start3A_1247 = tpu.memref_squeeze %dma_start3A_1246 : memref<1x1x128xi32, #tpu.memory_space<hbm>> -> memref<128xi32, #tpu.memory_space<hbm>>
        tpu.enqueue_dma source(%dma_start3A_1247 : memref<128xi32, #tpu.memory_space<hbm>>) target(%dma_start3A_1244 : memref<128xi32, #tpu.memory_space<vmem>>) target_semaphore(%run_scoped3A_1235 : memref<!tpu.dma_semaphore, #tpu.memory_space<semaphore_mem>>)
        %dma_wait3A_1248 = arith.constant 0 : i32
        %dma_wait3A_1249 = tpu.memref_slice %arg7[%run_scoped3A_1060, %run_scoped3A_1061, %dma_wait3A_1248] : memref<2x6x128xi32, #tpu.memory_space<vmem>> -> memref<1x1x128xi32, #tpu.memory_space<vmem>>
        %dma_wait3A_1250 = tpu.memref_squeeze %dma_wait3A_1249 : memref<1x1x128xi32, #tpu.memory_space<vmem>> -> memref<128xi32, #tpu.memory_space<vmem>>
        %dma_wait3A_1251 = arith.constant 0 : i32
        %dma_wait3A_1252 = tpu.memref_slice %arg3[%run_scoped3A_1059, %add3A_1055, %dma_wait3A_1251] : memref<2x2500x128xi32, #tpu.memory_space<hbm>> -> memref<1x1x128xi32, #tpu.memory_space<hbm>>
        %dma_wait3A_1253 = tpu.memref_squeeze %dma_wait3A_1252 : memref<1x1x128xi32, #tpu.memory_space<hbm>> -> memref<128xi32, #tpu.memory_space<hbm>>
        %dma_wait3A_1254 = arith.constant 0 : i32
        %dma_wait3A_1255 = tpu.memref_slice %arg7[%run_scoped3A_1060, %run_scoped3A_1061, %dma_wait3A_1254] : memref<2x6x128xi32, #tpu.memory_space<vmem>> -> memref<1x1x128xi32, #tpu.memory_space<vmem>>
        %dma_wait3A_1256 = tpu.memref_squeeze %dma_wait3A_1255 : memref<1x1x128xi32, #tpu.memory_space<vmem>> -> memref<128xi32, #tpu.memory_space<vmem>>
        %dma_wait3A_1257 = arith.constant 0 : i32
        %dma_wait3A_1258 = tpu.memref_slice %arg3[%run_scoped3A_1059, %add3A_1055, %dma_wait3A_1257] : memref<2x2500x128xi32, #tpu.memory_space<hbm>> -> memref<1x1x128xi32, #tpu.memory_space<hbm>>
        %dma_wait3A_1259 = tpu.memref_squeeze %dma_wait3A_1258 : memref<1x1x128xi32, #tpu.memory_space<hbm>> -> memref<128xi32, #tpu.memory_space<hbm>>
        tpu.wait_dma2 semaphore(%run_scoped3A_1235 : memref<!tpu.dma_semaphore, #tpu.memory_space<semaphore_mem>>) src(%dma_wait3A_1259 : memref<128xi32, #tpu.memory_space<hbm>>) dst(%dma_wait3A_1256 : memref<128xi32, #tpu.memory_space<vmem>>)
        tpu.yield
      }) : () -> ()
      %get3A_1062 = arith.constant 0 : i32
      %get3A_1063 = arith.constant 0 : i32
      %get3A_1064 = arith.index_cast %get3A_1062 : i32 to index
      %get3A_1065 = arith.index_cast %get3A_1063 : i32 to index
      %get3A_1066 = arith.constant 0 : index
      %get3A_1067 = tpu.vector_load %arg6[%get3A_1064, %get3A_1065, %get3A_1066] {strides = array<i32>} : memref<2x6x128xi32, #tpu.memory_space<vmem>>, vector<1x1x16xi32>,
      %get3A_1068 = vector.shape_cast %get3A_1067 : vector<1x1x16xi32> to vector<16xi32>
      %mul3A_1069 = arith.constant 2 : i32
      %mul3A_1070 = vector.broadcast %mul3A_1069 : i32 to vector<16xi32>
      %mul3A_1071 = arith.muli %get3A_1068, %mul3A_1070 : vector<16xi32>
      %swap3A_1072 = arith.constant 0 : i32
      %swap3A_1073 = arith.constant 0 : i32
      %swap3A_1074 = arith.index_cast %swap3A_1072 : i32 to index
      %swap3A_1075 = arith.index_cast %swap3A_1073 : i32 to index
      %swap3A_1076 = arith.constant 0 : index
      %swap3A_1077 = tpu.vector_load %arg6[%swap3A_1074, %swap3A_1075, %swap3A_1076] {strides = array<i32>} : memref<2x6x128xi32, #tpu.memory_space<vmem>>, vector<1x1x16xi32>,
      %swap3A_1078 = vector.shape_cast %swap3A_1077 : vector<1x1x16xi32> to vector<16xi32>
      %swap3A_1079 = vector.shape_cast %mul3A_1071 : vector<16xi32> to vector<1x1x16xi32>
      tpu.vector_store %arg6[%swap3A_1074, %swap3A_1075, %swap3A_1076], %swap3A_1079 {strides = array<i32>} : memref<2x6x128xi32, #tpu.memory_space<vmem>>, vector<1x1x16xi32>,
      %get3A_1080 = arith.constant 0 : i32
      %get3A_1081 = arith.constant 0 : i32
      %get3A_1082 = arith.index_cast %get3A_1080 : i32 to index
      %get3A_1083 = arith.index_cast %get3A_1081 : i32 to index
      %get3A_1084 = arith.constant 16 : index
      %get3A_1085 = tpu.vector_load %arg6[%get3A_1082, %get3A_1083, %get3A_1084] {strides = array<i32>} : memref<2x6x128xi32, #tpu.memory_space<vmem>>, vector<1x1x16xi32>,
      %get3A_1086 = vector.shape_cast %get3A_1085 : vector<1x1x16xi32> to vector<16xi32>
      %mul3A_1087 = arith.constant 2 : i32
      %mul3A_1088 = vector.broadcast %mul3A_1087 : i32 to vector<16xi32>
      %mul3A_1089 = arith.muli %get3A_1086, %mul3A_1088 : vector<16xi32>
      %swap3A_1090 = arith.constant 0 : i32
      %swap3A_1091 = arith.constant 0 : i32
      %swap3A_1092 = arith.index_cast %swap3A_1090 : i32 to index
      %swap3A_1093 = arith.index_cast %swap3A_1091 : i32 to index
      %swap3A_1094 = arith.constant 16 : index
      %swap3A_1095 = tpu.vector_load %arg6[%swap3A_1092, %swap3A_1093, %swap3A_1094] {strides = array<i32>} : memref<2x6x128xi32, #tpu.memory_space<vmem>>, vector<1x1x16xi32>,
      %swap3A_1096 = vector.shape_cast %swap3A_1095 : vector<1x1x16xi32> to vector<16xi32>
      %swap3A_1097 = vector.shape_cast %mul3A_1089 : vector<16xi32> to vector<1x1x16xi32>
      tpu.vector_store %arg6[%swap3A_1092, %swap3A_1093, %swap3A_1094], %swap3A_1097 {strides = array<i32>} : memref<2x6x128xi32, #tpu.memory_space<vmem>>, vector<1x1x16xi32>,
      %get3A_1098 = arith.constant 0 : i32
      %get3A_1099 = arith.constant 0 : i32
      %get3A_1100 = arith.index_cast %get3A_1098 : i32 to index
      %get3A_1101 = arith.index_cast %get3A_1099 : i32 to index
      %get3A_1102 = arith.constant 32 : index
      %get3A_1103 = tpu.vector_load %arg6[%get3A_1100, %get3A_1101, %get3A_1102] {strides = array<i32>} : memref<2x6x128xi32, #tpu.memory_space<vmem>>, vector<1x1x16xi32>,
      %get3A_1104 = vector.shape_cast %get3A_1103 : vector<1x1x16xi32> to vector<16xi32>
      %mul3A_1105 = arith.constant 2 : i32
      %mul3A_1106 = vector.broadcast %mul3A_1105 : i32 to vector<16xi32>
      %mul3A_1107 = arith.muli %get3A_1104, %mul3A_1106 : vector<16xi32>
      %swap3A_1108 = arith.constant 0 : i32
      %swap3A_1109 = arith.constant 0 : i32
      %swap3A_1110 = arith.index_cast %swap3A_1108 : i32 to index
      %swap3A_1111 = arith.index_cast %swap3A_1109 : i32 to index
      %swap3A_1112 = arith.constant 32 : index
      %swap3A_1113 = tpu.vector_load %arg6[%swap3A_1110, %swap3A_1111, %swap3A_1112] {strides = array<i32>} : memref<2x6x128xi32, #tpu.memory_space<vmem>>, vector<1x1x16xi32>,
      %swap3A_1114 = vector.shape_cast %swap3A_1113 : vector<1x1x16xi32> to vector<16xi32>
      %swap3A_1115 = vector.shape_cast %mul3A_1107 : vector<16xi32> to vector<1x1x16xi32>
      tpu.vector_store %arg6[%swap3A_1110, %swap3A_1111, %swap3A_1112], %swap3A_1115 {strides = array<i32>} : memref<2x6x128xi32, #tpu.memory_space<vmem>>, vector<1x1x16xi32>,
      %get3A_1116 = arith.constant 0 : i32
      %get3A_1117 = arith.constant 0 : i32
      %get3A_1118 = arith.index_cast %get3A_1116 : i32 to index
      %get3A_1119 = arith.index_cast %get3A_1117 : i32 to index
      %get3A_1120 = arith.constant 48 : index
      %get3A_1121 = tpu.vector_load %arg6[%get3A_1118, %get3A_1119, %get3A_1120] {strides = array<i32>} : memref<2x6x128xi32, #tpu.memory_space<vmem>>, vector<1x1x16xi32>,
      %get3A_1122 = vector.shape_cast %get3A_1121 : vector<1x1x16xi32> to vector<16xi32>
      %mul3A_1123 = arith.constant 2 : i32
      %mul3A_1124 = vector.broadcast %mul3A_1123 : i32 to vector<16xi32>
      %mul3A_1125 = arith.muli %get3A_1122, %mul3A_1124 : vector<16xi32>
      %swap3A_1126 = arith.constant 0 : i32
      %swap3A_1127 = arith.constant 0 : i32
      %swap3A_1128 = arith.index_cast %swap3A_1126 : i32 to index
      %swap3A_1129 = arith.index_cast %swap3A_1127 : i32 to index
      %swap3A_1130 = arith.constant 48 : index
      %swap3A_1131 = tpu.vector_load %arg6[%swap3A_1128, %swap3A_1129, %swap3A_1130] {strides = array<i32>} : memref<2x6x128xi32, #tpu.memory_space<vmem>>, vector<1x1x16xi32>,
      %swap3A_1132 = vector.shape_cast %swap3A_1131 : vector<1x1x16xi32> to vector<16xi32>
      %swap3A_1133 = vector.shape_cast %mul3A_1125 : vector<16xi32> to vector<1x1x16xi32>
      tpu.vector_store %arg6[%swap3A_1128, %swap3A_1129, %swap3A_1130], %swap3A_1133 {strides = array<i32>} : memref<2x6x128xi32, #tpu.memory_space<vmem>>, vector<1x1x16xi32>,
      %get3A_1134 = arith.constant 0 : i32
      %get3A_1135 = arith.constant 0 : i32
      %get3A_1136 = arith.index_cast %get3A_1134 : i32 to index
      %get3A_1137 = arith.index_cast %get3A_1135 : i32 to index
      %get3A_1138 = arith.constant 64 : index
      %get3A_1139 = tpu.vector_load %arg6[%get3A_1136, %get3A_1137, %get3A_1138] {strides = array<i32>} : memref<2x6x128xi32, #tpu.memory_space<vmem>>, vector<1x1x16xi32>,
      %get3A_1140 = vector.shape_cast %get3A_1139 : vector<1x1x16xi32> to vector<16xi32>
      %mul3A_1141 = arith.constant 2 : i32
      %mul3A_1142 = vector.broadcast %mul3A_1141 : i32 to vector<16xi32>
      %mul3A_1143 = arith.muli %get3A_1140, %mul3A_1142 : vector<16xi32>
      %swap3A_1144 = arith.constant 0 : i32
      %swap3A_1145 = arith.constant 0 : i32
      %swap3A_1146 = arith.index_cast %swap3A_1144 : i32 to index
      %swap3A_1147 = arith.index_cast %swap3A_1145 : i32 to index
      %swap3A_1148 = arith.constant 64 : index
      %swap3A_1149 = tpu.vector_load %arg6[%swap3A_1146, %swap3A_1147, %swap3A_1148] {strides = array<i32>} : memref<2x6x128xi32, #tpu.memory_space<vmem>>, vector<1x1x16xi32>,
      %swap3A_1150 = vector.shape_cast %swap3A_1149 : vector<1x1x16xi32> to vector<16xi32>
      %swap3A_1151 = vector.shape_cast %mul3A_1143 : vector<16xi32> to vector<1x1x16xi32>
      tpu.vector_store %arg6[%swap3A_1146, %swap3A_1147, %swap3A_1148], %swap3A_1151 {strides = array<i32>} : memref<2x6x128xi32, #tpu.memory_space<vmem>>, vector<1x1x16xi32>,
      %get3A_1152 = arith.constant 0 : i32
      %get3A_1153 = arith.constant 0 : i32
      %get3A_1154 = arith.index_cast %get3A_1152 : i32 to index
      %get3A_1155 = arith.index_cast %get3A_1153 : i32 to index
      %get3A_1156 = arith.constant 80 : index
      %get3A_1157 = tpu.vector_load %arg6[%get3A_1154, %get3A_1155, %get3A_1156] {strides = array<i32>} : memref<2x6x128xi32, #tpu.memory_space<vmem>>, vector<1x1x16xi32>,
      %get3A_1158 = vector.shape_cast %get3A_1157 : vector<1x1x16xi32> to vector<16xi32>
      %mul3A_1159 = arith.constant 2 : i32
      %mul3A_1160 = vector.broadcast %mul3A_1159 : i32 to vector<16xi32>
      %mul3A_1161 = arith.muli %get3A_1158, %mul3A_1160 : vector<16xi32>
      %swap3A_1162 = arith.constant 0 : i32
      %swap3A_1163 = arith.constant 0 : i32
      %swap3A_1164 = arith.index_cast %swap3A_1162 : i32 to index
      %swap3A_1165 = arith.index_cast %swap3A_1163 : i32 to index
      %swap3A_1166 = arith.constant 80 : index
      %swap3A_1167 = tpu.vector_load %arg6[%swap3A_1164, %swap3A_1165, %swap3A_1166] {strides = array<i32>} : memref<2x6x128xi32, #tpu.memory_space<vmem>>, vector<1x1x16xi32>,
      %swap3A_1168 = vector.shape_cast %swap3A_1167 : vector<1x1x16xi32> to vector<16xi32>
      %swap3A_1169 = vector.shape_cast %mul3A_1161 : vector<16xi32> to vector<1x1x16xi32>
      tpu.vector_store %arg6[%swap3A_1164, %swap3A_1165, %swap3A_1166], %swap3A_1169 {strides = array<i32>} : memref<2x6x128xi32, #tpu.memory_space<vmem>>, vector<1x1x16xi32>,
      %get3A_1170 = arith.constant 0 : i32
      %get3A_1171 = arith.constant 0 : i32
      %get3A_1172 = arith.index_cast %get3A_1170 : i32 to index
      %get3A_1173 = arith.index_cast %get3A_1171 : i32 to index
      %get3A_1174 = arith.constant 96 : index
      %get3A_1175 = tpu.vector_load %arg6[%get3A_1172, %get3A_1173, %get3A_1174] {strides = array<i32>} : memref<2x6x128xi32, #tpu.memory_space<vmem>>, vector<1x1x16xi32>,
      %get3A_1176 = vector.shape_cast %get3A_1175 : vector<1x1x16xi32> to vector<16xi32>
      %mul3A_1177 = arith.constant 2 : i32
      %mul3A_1178 = vector.broadcast %mul3A_1177 : i32 to vector<16xi32>
      %mul3A_1179 = arith.muli %get3A_1176, %mul3A_1178 : vector<16xi32>
      %swap3A_1180 = arith.constant 0 : i32
      %swap3A_1181 = arith.constant 0 : i32
      %swap3A_1182 = arith.index_cast %swap3A_1180 : i32 to index
      %swap3A_1183 = arith.index_cast %swap3A_1181 : i32 to index
      %swap3A_1184 = arith.constant 96 : index
      %swap3A_1185 = tpu.vector_load %arg6[%swap3A_1182, %swap3A_1183, %swap3A_1184] {strides = array<i32>} : memref<2x6x128xi32, #tpu.memory_space<vmem>>, vector<1x1x16xi32>,
      %swap3A_1186 = vector.shape_cast %swap3A_1185 : vector<1x1x16xi32> to vector<16xi32>
      %swap3A_1187 = vector.shape_cast %mul3A_1179 : vector<16xi32> to vector<1x1x16xi32>
      tpu.vector_store %arg6[%swap3A_1182, %swap3A_1183, %swap3A_1184], %swap3A_1187 {strides = array<i32>} : memref<2x6x128xi32, #tpu.memory_space<vmem>>, vector<1x1x16xi32>,
      %get3A_1188 = arith.constant 0 : i32
      %get3A_1189 = arith.constant 0 : i32
      %get3A_1190 = arith.index_cast %get3A_1188 : i32 to index
      %get3A_1191 = arith.index_cast %get3A_1189 : i32 to index
      %get3A_1192 = arith.constant 112 : index
      %get3A_1193 = tpu.vector_load %arg6[%get3A_1190, %get3A_1191, %get3A_1192] {strides = array<i32>} : memref<2x6x128xi32, #tpu.memory_space<vmem>>, vector<1x1x16xi32>,
      %get3A_1194 = vector.shape_cast %get3A_1193 : vector<1x1x16xi32> to vector<16xi32>
      %mul3A_1195 = arith.constant 2 : i32
      %mul3A_1196 = vector.broadcast %mul3A_1195 : i32 to vector<16xi32>
      %mul3A_1197 = arith.muli %get3A_1194, %mul3A_1196 : vector<16xi32>
      %swap3A_1198 = arith.constant 0 : i32
      %swap3A_1199 = arith.constant 0 : i32
      %swap3A_1200 = arith.index_cast %swap3A_1198 : i32 to index
      %swap3A_1201 = arith.index_cast %swap3A_1199 : i32 to index
      %swap3A_1202 = arith.constant 112 : index
      %swap3A_1203 = tpu.vector_load %arg6[%swap3A_1200, %swap3A_1201, %swap3A_1202] {strides = array<i32>} : memref<2x6x128xi32, #tpu.memory_space<vmem>>, vector<1x1x16xi32>,
      %swap3A_1204 = vector.shape_cast %swap3A_1203 : vector<1x1x16xi32> to vector<16xi32>
      %swap3A_1205 = vector.shape_cast %mul3A_1197 : vector<16xi32> to vector<1x1x16xi32>
      tpu.vector_store %arg6[%swap3A_1200, %swap3A_1201, %swap3A_1202], %swap3A_1205 {strides = array<i32>} : memref<2x6x128xi32, #tpu.memory_space<vmem>>, vector<1x1x16xi32>,
      %dma_start3A_1206 = arith.constant 0 : i32
      %dma_start3A_1207 = arith.constant 0 : i32
      %dma_start3A_1208 = arith.constant 0 : i32
      %dma_start3A_1209 = arith.constant 0 : i32
      %dma_start3A_1210 = arith.constant 0 : i32
      %dma_start3A_1211 = tpu.memref_slice %arg8[%dma_start3A_1208, %dma_start3A_1209, %dma_start3A_1210] : memref<6x128x64xf32, #tpu.memory_space<vmem>> -> memref<1x128x64xf32, #tpu.memory_space<vmem>>
      %dma_start3A_1212 = tpu.memref_squeeze %dma_start3A_1211 : memref<1x128x64xf32, #tpu.memory_space<vmem>> -> memref<128x64xf32, #tpu.memory_space<vmem>>
      %dma_start3A_1213 = arith.constant 0 : i32
      %dma_start3A_1214 = tpu.memref_slice %arg6[%dma_start3A_1206, %dma_start3A_1207, %dma_start3A_1213] : memref<2x6x128xi32, #tpu.memory_space<vmem>> -> memref<1x1x128xi32, #tpu.memory_space<vmem>>
      %dma_start3A_1215 = tpu.memref_squeeze %dma_start3A_1214 : memref<1x1x128xi32, #tpu.memory_space<vmem>> -> memref<128xi32, #tpu.memory_space<vmem>>
      %dma_start3A_1216 = arith.constant 0 : i32
      %dma_start3A_1217 = arith.constant 0 : i32
      %dma_start3A_1218 = tpu.memref_slice %arg2[%dma_start3A_1216, %dma_start3A_1217] : memref<20000x64xf32, #tpu.memory_space<hbm>> -> memref<20000x64xf32, #tpu.memory_space<hbm>>
      tpu.enqueue_indirect_dma source(%dma_start3A_1218 : memref<20000x64xf32, #tpu.memory_space<hbm>>) target(%dma_start3A_1212 : memref<128x64xf32, #tpu.memory_space<vmem>>) offsets(%dma_start3A_1215 : memref<128xi32, #tpu.memory_space<vmem>>) semaphore(%arg10 : memref<!tpu.dma_semaphore, #tpu.memory_space<semaphore_mem>>)
      %dma_wait3A_1219 = arith.constant 0 : i32
      %dma_wait3A_1220 = arith.constant 0 : i32
      %dma_wait3A_1221 = arith.constant 0 : i32
      %dma_wait3A_1222 = arith.constant 0 : i32
      %dma_wait3A_1223 = arith.constant 0 : i32
      %dma_wait3A_1224 = tpu.memref_slice %arg8[%dma_wait3A_1221, %dma_wait3A_1222, %dma_wait3A_1223] : memref<6x128x64xf32, #tpu.memory_space<vmem>> -> memref<1x128x64xf32, #tpu.memory_space<vmem>>
      %dma_wait3A_1225 = tpu.memref_squeeze %dma_wait3A_1224 : memref<1x128x64xf32, #tpu.memory_space<vmem>> -> memref<128x64xf32, #tpu.memory_space<vmem>>
      %dma_wait3A_1226 = arith.constant 0 : i32
      %dma_wait3A_1227 = tpu.memref_slice %arg6[%dma_wait3A_1219, %dma_wait3A_1220, %dma_wait3A_1226] : memref<2x6x128xi32, #tpu.memory_space<vmem>> -> memref<1x1x128xi32, #tpu.memory_space<vmem>>
      %dma_wait3A_1228 = tpu.memref_squeeze %dma_wait3A_1227 : memref<1x1x128xi32, #tpu.memory_space<vmem>> -> memref<128xi32, #tpu.memory_space<vmem>>
      %dma_wait3A_1229 = arith.constant 0 : i32
      %dma_wait3A_1230 = arith.constant 0 : i32
      %dma_wait3A_1231 = tpu.memref_slice %arg2[%dma_wait3A_1229, %dma_wait3A_1230] : memref<20000x64xf32, #tpu.memory_space<hbm>> -> memref<20000x64xf32, #tpu.memory_space<hbm>>
      tpu.wait_indirect_dma semaphore(%arg10 : memref<!tpu.dma_semaphore, #tpu.memory_space<semaphore_mem>>) src(%dma_wait3A_1231 : memref<20000x64xf32, #tpu.memory_space<hbm>>) dst(%dma_wait3A_1225 : memref<128x64xf32, #tpu.memory_space<vmem>>)
      %run_scoped3A_1232 = arith.constant 0 : i32
      %run_scoped3A_1233 = arith.constant 0 : i32
      %run_scoped3A_1234 = arith.constant 0 : i32
      "tpu.region"() ({
        %run_scoped3A_1235 = tpu.sem_alloc : memref<!tpu.dma_semaphore, #tpu.memory_space<semaphore_mem>>
        %dma_start3A_1236 = arith.constant 0 : i32
        %dma_start3A_1237 = arith.constant 0 : i32
        %dma_start3A_1238 = tpu.memref_slice %arg8[%run_scoped3A_1232, %dma_start3A_1236, %dma_start3A_1237] : memref<6x128x64xf32, #tpu.memory_space<vmem>> -> memref<1x128x64xf32, #tpu.memory_space<vmem>>
        %dma_start3A_1239 = tpu.memref_squeeze %dma_start3A_1238 : memref<1x128x64xf32, #tpu.memory_space<vmem>> -> memref<128x64xf32, #tpu.memory_space<vmem>>
        %dma_start3A_1240 = arith.constant 0 : i32
        %dma_start3A_1241 = tpu.memref_slice %arg7[%run_scoped3A_1233, %run_scoped3A_1234, %dma_start3A_1240] : memref<2x6x128xi32, #tpu.memory_space<vmem>> -> memref<1x1x128xi32, #tpu.memory_space<vmem>>
        %dma_start3A_1242 = tpu.memref_squeeze %dma_start3A_1241 : memref<1x1x128xi32, #tpu.memory_space<vmem>> -> memref<128xi32, #tpu.memory_space<vmem>>
        %dma_start3A_1243 = arith.constant 0 : i32
        %dma_start3A_1244 = arith.constant 0 : i32
        %dma_start3A_1245 = tpu.memref_slice %arg9[%dma_start3A_1243, %dma_start3A_1244] : memref<10240x64xf32, #tpu.memory_space<vmem_shared>> -> memref<10240x64xf32, #tpu.memory_space<vmem_shared>>
        tpu.enqueue_indirect_dma source(%dma_start3A_1239 : memref<128x64xf32, #tpu.memory_space<vmem>>) target(%dma_start3A_1245 : memref<10240x64xf32, #tpu.memory_space<vmem_shared>>) offsets(%dma_start3A_1242 : memref<128xi32, #tpu.memory_space<vmem>>) semaphore(%run_scoped3A_1235 : memref<!tpu.dma_semaphore, #tpu.memory_space<semaphore_mem>>) {add = true}
        %dma_wait3A_1246 = arith.constant 0 : i32
        %dma_wait3A_1247 = arith.constant 0 : i32
        %dma_wait3A_1248 = tpu.memref_slice %arg8[%run_scoped3A_1232, %dma_wait3A_1246, %dma_wait3A_1247] : memref<6x128x64xf32, #tpu.memory_space<vmem>> -> memref<1x128x64xf32, #tpu.memory_space<vmem>>
        %dma_wait3A_1249 = tpu.memref_squeeze %dma_wait3A_1248 : memref<1x128x64xf32, #tpu.memory_space<vmem>> -> memref<128x64xf32, #tpu.memory_space<vmem>>
        %dma_wait3A_1250 = arith.constant 0 : i32
        %dma_wait3A_1251 = tpu.memref_slice %arg7[%run_scoped3A_1233, %run_scoped3A_1234, %dma_wait3A_1250] : memref<2x6x128xi32, #tpu.memory_space<vmem>> -> memref<1x1x128xi32, #tpu.memory_space<vmem>>
        %dma_wait3A_1252 = tpu.memref_squeeze %dma_wait3A_1251 : memref<1x1x128xi32, #tpu.memory_space<vmem>> -> memref<128xi32, #tpu.memory_space<vmem>>
        %dma_wait3A_1253 = arith.constant 0 : i32
        %dma_wait3A_1254 = arith.constant 0 : i32
        %dma_wait3A_1255 = tpu.memref_slice %arg9[%dma_wait3A_1253, %dma_wait3A_1254] : memref<10240x64xf32, #tpu.memory_space<vmem_shared>> -> memref<10240x64xf32, #tpu.memory_space<vmem_shared>>
        tpu.wait_indirect_dma semaphore(%run_scoped3A_1235 : memref<!tpu.dma_semaphore, #tpu.memory_space<semaphore_mem>>) src(%dma_wait3A_1249 : memref<128x64xf32, #tpu.memory_space<vmem>>) dst(%dma_wait3A_1255 : memref<10240x64xf32, #tpu.memory_space<vmem_shared>>)
        tpu.yield
      }) : () -> ()
    } else {
    }
    %barrier3A_1053 = arith.constant 0 : index
    tpu.barrier barrier_id(%barrier3A_1053)
    "tpu.region"() ({
      %run_scoped3A_1054 = tpu.sem_alloc : memref<!tpu.dma_semaphore, #tpu.memory_space<semaphore_mem>>
      %dma_start3A_1055 = arith.constant 0 : i32
      %dma_start3A_1056 = tpu.memref_slice %arg5[%arg0, %mul3A_0, %dma_start3A_1055] : memref<2x10240x64xf32, #tpu.memory_space<hbm>> -> memref<1x640x64xf32, #tpu.memory_space<hbm>>
      %dma_start3A_1057 = tpu.memref_squeeze %dma_start3A_1056 : memref<1x640x64xf32, #tpu.memory_space<hbm>> -> memref<640x64xf32, #tpu.memory_space<hbm>>
      %dma_start3A_1058 = arith.constant 0 : i32
      %dma_start3A_1059 = tpu.memref_slice %arg9[%mul3A_0, %dma_start3A_1058] : memref<10240x64xf32, #tpu.memory_space<vmem_shared>> -> memref<640x64xf32, #tpu.memory_space<vmem_shared>>
      tpu.enqueue_dma source(%dma_start3A_1059 : memref<640x64xf32, #tpu.memory_space<vmem_shared>>) target(%dma_start3A_1057 : memref<640x64xf32, #tpu.memory_space<hbm>>) target_semaphore(%run_scoped3A_1054 : memref<!tpu.dma_semaphore, #tpu.memory_space<semaphore_mem>>)
      %dma_wait3A_1060 = arith.constant 0 : i32
      %dma_wait3A_1061 = tpu.memref_slice %arg5[%arg0, %mul3A_0, %dma_wait3A_1060] : memref<2x10240x64xf32, #tpu.memory_space<hbm>> -> memref<1x640x64xf32, #tpu.memory_space<hbm>>
      %dma_wait3A_1062 = tpu.memref_squeeze %dma_wait3A_1061 : memref<1x640x64xf32, #tpu.memory_space<hbm>> -> memref<640x64xf32, #tpu.memory_space<hbm>>
      %dma_wait3A_1063 = arith.constant 0 : i32
      %dma_wait3A_1064 = tpu.memref_slice %arg9[%mul3A_0, %dma_wait3A_1063] : memref<10240x64xf32, #tpu.memory_space<vmem_shared>> -> memref<640x64xf32, #tpu.memory_space<vmem_shared>>
      tpu.wait_dma2 semaphore(%run_scoped3A_1054 : memref<!tpu.dma_semaphore, #tpu.memory_space<semaphore_mem>>) src(%dma_wait3A_1064 : memref<640x64xf32, #tpu.memory_space<vmem_shared>>) dst(%dma_wait3A_1062 : memref<640x64xf32, #tpu.memory_space<hbm>>)
      tpu.yield
    }) : () -> ()
    return
  }
}

module attributes {stable_mosaic.version = 14 : i64} {
  func.func @body(%arg0: i32, %arg1: memref<1000x128xf32, #tpu.memory_space<vmem>>, %arg2: memref<128x64xf32, #tpu.memory_space<vmem>>, %arg3: memref<1000x128xf32, #tpu.memory_space<vmem>>, %arg4: memref<512x128xf32, #tpu.memory_space<vmem>>) attributes {dimension_semantics = [#tpu.dimension_semantics<arbitrary>], iteration_bounds = array<i64: 10>, scalar_prefetch = 0 : i64, scratch_operands = 0 : i64, tpu.core_type = #tpu.core_type<tc>, window_params = [{transform_indices = @transform_0, window_bounds = array<i64: 1000, 128>}, {pipeline_mode = #tpu.pipeline_mode<synchronous>, transform_indices = @transform_1, window_bounds = array<i64: 128, 64>}, {transform_indices = @transform_2, window_bounds = array<i64: 1000, 128>}, {transform_indices = @transform_3, window_bounds = array<i64: 512, 128>}]} {
    %get3A = arith.constant 0 : index
    %get3A_0 = arith.constant 0 : index
    %get3A_1 = vector.load %arg1[%get3A, %get3A_0] : memref<1000x128xf32, #tpu.memory_space<vmem>>, vector<1000x128xf32>
    %get3A_2 = arith.constant 0 : index
    %get3A_3 = arith.constant 0 : index
    %get3A_4 = vector.load %arg2[%get3A_2, %get3A_3] : memref<128x64xf32, #tpu.memory_space<vmem>>, vector<128x64xf32>
    %dot_general3A = arith.constant dense<0.000000e+00> : vector<1000x64xf32>
    %dot_general3A_5 = tpu.matmul %get3A_1, %get3A_4, %dot_general3A {dimension_numbers = #tpu.dot_dimension_numbers<[1], [0], [0], [1], [0, 0, 1, 1], [], []>, transpose_lhs_hint = false} : vector<1000x128xf32>, vector<128x64xf32>, vector<1000x64xf32> -> vector<1000x64xf32>
    %concatenate3A = tpu.concatenate %dot_general3A_5, %dot_general3A_5 in 1 : vector<1000x64xf32>, vector<1000x64xf32> -> vector<1000x128xf32>
    %swap3A = arith.constant 0 : index
    %swap3A_6 = arith.constant 0 : index
    %swap3A_7 = vector.load %arg3[%swap3A, %swap3A_6] : memref<1000x128xf32, #tpu.memory_space<vmem>>, vector<1000x128xf32>
    tpu.vector_store %arg3[%swap3A, %swap3A_6], %concatenate3A {strides = array<i32>} : memref<1000x128xf32, #tpu.memory_space<vmem>>, vector<1000x128xf32>,
    %broadcast_in_dim3A = arith.constant 0.000000e+00 : f32
    %broadcast_in_dim3A_8 = vector.broadcast %broadcast_in_dim3A : f32 to vector<512x128xf32>
    %swap3A_9 = arith.constant 0 : index
    %swap3A_10 = arith.constant 0 : index
    %swap3A_11 = vector.load %arg4[%swap3A_9, %swap3A_10] : memref<512x128xf32, #tpu.memory_space<vmem>>, vector<512x128xf32>
    tpu.vector_store %arg4[%swap3A_9, %swap3A_10], %broadcast_in_dim3A_8 {strides = array<i32>} : memref<512x128xf32, #tpu.memory_space<vmem>>, vector<512x128xf32>,
    return
  }
  func.func @transform_0(%arg0: i32) -> (i32, i32) {
    %c0_i32 = arith.constant 0 : i32
    %c0_i32_0 = arith.constant 0 : i32
    return %arg0, %c0_i32 : i32, i32
  }
  func.func @transform_1(%arg0: i32) -> (i32, i32) {
    %c0_i32 = arith.constant 0 : i32
    %c0_i32_0 = arith.constant 0 : i32
    %c0_i32_1 = arith.constant 0 : i32
    return %c0_i32, %c0_i32_0 : i32, i32
  }
  func.func @transform_2(%arg0: i32) -> (i32, i32) {
    %c0_i32 = arith.constant 0 : i32
    %c0_i32_0 = arith.constant 0 : i32
    return %arg0, %c0_i32 : i32, i32
  }
  func.func @transform_3(%arg0: i32) -> (i32, i32) {
    %c0_i32 = arith.constant 0 : i32
    %c0_i32_0 = arith.constant 0 : i32
    return %arg0, %c0_i32 : i32, i32
  }
}

module attributes {stable_mosaic.version = 14 : i64} {
  func.func @body(%arg0: i32, %arg1: memref<1000x256xf32, #tpu.memory_space<vmem>>, %arg2: memref<256x128xf32, #tpu.memory_space<vmem>>, %arg3: memref<1x128xf32, #tpu.memory_space<vmem>>, %arg4: memref<1000x128xf32, #tpu.memory_space<vmem>>) attributes {dimension_semantics = [#tpu.dimension_semantics<arbitrary>], iteration_bounds = array<i64: 5>, scalar_prefetch = 0 : i64, scratch_operands = 0 : i64, tpu.core_type = #tpu.core_type<tc>, window_params = [{transform_indices = @transform_0, window_bounds = array<i64: 1000, 256>}, {pipeline_mode = #tpu.pipeline_mode<synchronous>, transform_indices = @transform_1, window_bounds = array<i64: 256, 128>}, {pipeline_mode = #tpu.pipeline_mode<synchronous>, transform_indices = @transform_2, window_bounds = array<i64: 1, 128>}, {transform_indices = @transform_3, window_bounds = array<i64: 1000, 128>}]} {
    %get3A = arith.constant 0 : index
    %get3A_0 = arith.constant 0 : index
    %get3A_1 = vector.load %arg1[%get3A, %get3A_0] : memref<1000x256xf32, #tpu.memory_space<vmem>>, vector<1000x256xf32>
    %get3A_2 = arith.constant 0 : index
    %get3A_3 = arith.constant 0 : index
    %get3A_4 = vector.load %arg2[%get3A_2, %get3A_3] : memref<256x128xf32, #tpu.memory_space<vmem>>, vector<256x128xf32>
    %dot_general3A = arith.constant dense<0.000000e+00> : vector<1000x128xf32>
    %dot_general3A_5 = tpu.matmul %get3A_1, %get3A_4, %dot_general3A {dimension_numbers = #tpu.dot_dimension_numbers<[1], [0], [0], [1], [0, 0, 1, 1], [], []>, transpose_lhs_hint = false} : vector<1000x256xf32>, vector<256x128xf32>, vector<1000x128xf32> -> vector<1000x128xf32>
    %get3A_6 = arith.constant 0 : index
    %get3A_7 = arith.constant 0 : index
    %get3A_8 = vector.load %arg3[%get3A_6, %get3A_7] : memref<1x128xf32, #tpu.memory_space<vmem>>, vector<1x128xf32>
    %add3A = vector.broadcast %get3A_8 : vector<1x128xf32> to vector<1000x128xf32>
    %add3A_9 = arith.addf %dot_general3A_5, %add3A : vector<1000x128xf32>
    %swap3A = arith.constant 0 : index
    %swap3A_10 = arith.constant 0 : index
    %swap3A_11 = vector.load %arg4[%swap3A, %swap3A_10] : memref<1000x128xf32, #tpu.memory_space<vmem>>, vector<1000x128xf32>
    tpu.vector_store %arg4[%swap3A, %swap3A_10], %add3A_9 {strides = array<i32>} : memref<1000x128xf32, #tpu.memory_space<vmem>>, vector<1000x128xf32>,
    return
  }
  func.func @transform_0(%arg0: i32) -> (i32, i32) {
    %c0_i32 = arith.constant 0 : i32
    %c0_i32_0 = arith.constant 0 : i32
    return %arg0, %c0_i32 : i32, i32
  }
  func.func @transform_1(%arg0: i32) -> (i32, i32) {
    %c0_i32 = arith.constant 0 : i32
    %c0_i32_0 = arith.constant 0 : i32
    %c0_i32_1 = arith.constant 0 : i32
    return %c0_i32, %c0_i32_0 : i32, i32
  }
  func.func @transform_2(%arg0: i32) -> (i32, i32) {
    %c0_i32 = arith.constant 0 : i32
    %c0_i32_0 = arith.constant 0 : i32
    %c0_i32_1 = arith.constant 0 : i32
    return %c0_i32, %c0_i32_0 : i32, i32
  }
  func.func @transform_3(%arg0: i32) -> (i32, i32) {
    %c0_i32 = arith.constant 0 : i32
    %c0_i32_0 = arith.constant 0 : i32
    return %arg0, %c0_i32 : i32, i32
  }
}

module attributes {stable_mosaic.version = 14 : i64} {
  func.func @body(%arg0: i32, %arg1: memref<1000x128xf32, #tpu.memory_space<vmem>>, %arg2: memref<2x1000x128xf32, #tpu.memory_space<vmem>>, %arg3: memref<1x1x1000xi32, #tpu.memory_space<vmem>>, %arg4: memref<1x1x1000xi32, #tpu.memory_space<vmem>>, %arg5: memref<64x512xf32, #tpu.memory_space<vmem>>, %arg6: memref<1x512xf32, #tpu.memory_space<vmem>>, %arg7: memref<512x256xf32, #tpu.memory_space<vmem>>, %arg8: memref<1x256xf32, #tpu.memory_space<vmem>>, %arg9: memref<256x256xf32, #tpu.memory_space<vmem>>, %arg10: memref<1x256xf32, #tpu.memory_space<vmem>>, %arg11: memref<256x10xf32, #tpu.memory_space<vmem>>, %arg12: memref<1x10xf32, #tpu.memory_space<vmem>>, %arg13: memref<64x10xf32, #tpu.memory_space<vmem>>, %arg14: memref<64x64xf32, #tpu.memory_space<vmem>>, %arg15: memref<64x64xf32, #tpu.memory_space<vmem>>) attributes {dimension_semantics = [#tpu.dimension_semantics<arbitrary>], iteration_bounds = array<i64: 5>, scalar_prefetch = 0 : i64, scratch_operands = 2 : i64, tpu.core_type = #tpu.core_type<tc>, window_params = [{transform_indices = @transform_0, window_bounds = array<i64: 1000, 128>}, {transform_indices = @transform_1, window_bounds = array<i64: 2, 1000, 128>}, {transform_indices = @transform_2, window_bounds = array<i64: 1, 1, 1000>}, {transform_indices = @transform_3, window_bounds = array<i64: 1, 1, 1000>}, {pipeline_mode = #tpu.pipeline_mode<synchronous>, transform_indices = @transform_4, window_bounds = array<i64: 64, 512>}, {pipeline_mode = #tpu.pipeline_mode<synchronous>, transform_indices = @transform_5, window_bounds = array<i64: 1, 512>}, {pipeline_mode = #tpu.pipeline_mode<synchronous>, transform_indices = @transform_6, window_bounds = array<i64: 512, 256>}, {pipeline_mode = #tpu.pipeline_mode<synchronous>, transform_indices = @transform_7, window_bounds = array<i64: 1, 256>}, {pipeline_mode = #tpu.pipeline_mode<synchronous>, transform_indices = @transform_8, window_bounds = array<i64: 256, 256>}, {pipeline_mode = #tpu.pipeline_mode<synchronous>, transform_indices = @transform_9, window_bounds = array<i64: 1, 256>}, {pipeline_mode = #tpu.pipeline_mode<synchronous>, transform_indices = @transform_10, window_bounds = array<i64: 256, 10>}, {pipeline_mode = #tpu.pipeline_mode<synchronous>, transform_indices = @transform_11, window_bounds = array<i64: 1, 10>}, {pipeline_mode = #tpu.pipeline_mode<synchronous>, transform_indices = @transform_12, window_bounds = array<i64: 64, 10>}]} {
    %eq3A = arith.constant 0 : i32
    %eq3A_0 = arith.cmpi eq, %arg0, %eq3A : i32
    %convert_element_type3A = arith.extui %eq3A_0 : i1 to i32
    %cond3A = arith.constant 0 : i32
    %cond3A_1 = arith.cmpi ne, %convert_element_type3A, %cond3A : i32
    scf.if %cond3A_1 {
      %broadcast_in_dim3A_63 = arith.constant 0.000000e+00 : f32
      %broadcast_in_dim3A_64 = vector.broadcast %broadcast_in_dim3A_63 : f32 to vector<64x64xf32>
      %swap3A_65 = arith.constant 0 : index
      %swap3A_66 = arith.constant 0 : index
      %swap3A_67 = vector.load %arg14[%swap3A_65, %swap3A_66] : memref<64x64xf32, #tpu.memory_space<vmem>>, vector<64x64xf32>
      tpu.vector_store %arg14[%swap3A_65, %swap3A_66], %broadcast_in_dim3A_64 {strides = array<i32>} : memref<64x64xf32, #tpu.memory_space<vmem>>, vector<64x64xf32>,
      %broadcast_in_dim3A_68 = arith.constant 0.000000e+00 : f32
      %broadcast_in_dim3A_69 = vector.broadcast %broadcast_in_dim3A_68 : f32 to vector<64x64xf32>
      %swap3A_70 = arith.constant 0 : index
      %swap3A_71 = arith.constant 0 : index
      %swap3A_72 = vector.load %arg15[%swap3A_70, %swap3A_71] : memref<64x64xf32, #tpu.memory_space<vmem>>, vector<64x64xf32>
      tpu.vector_store %arg15[%swap3A_70, %swap3A_71], %broadcast_in_dim3A_69 {strides = array<i32>} : memref<64x64xf32, #tpu.memory_space<vmem>>, vector<64x64xf32>,
    } else {
    }
    %get3A = arith.constant 0 : index
    %get3A_2 = arith.constant 0 : index
    %get3A_3 = vector.load %arg1[%get3A, %get3A_2] : memref<1000x128xf32, #tpu.memory_space<vmem>>, vector<1000x128xf32>
    %get3A_4 = arith.constant 0 : index
    %get3A_5 = arith.constant 0 : index
    %get3A_6 = arith.constant 0 : index
    %get3A_7 = vector.load %arg2[%get3A_4, %get3A_5, %get3A_6] : memref<2x1000x128xf32, #tpu.memory_space<vmem>>, vector<1x1000x128xf32>
    %get3A_8 = vector.shape_cast %get3A_7 : vector<1x1000x128xf32> to vector<1000x128xf32>
    %add3A = arith.addf %get3A_3, %get3A_8 : vector<1000x128xf32>
    %get3A_9 = arith.constant 1 : index
    %get3A_10 = arith.constant 0 : index
    %get3A_11 = arith.constant 0 : index
    %get3A_12 = vector.load %arg2[%get3A_9, %get3A_10, %get3A_11] : memref<2x1000x128xf32, #tpu.memory_space<vmem>>, vector<1x1000x128xf32>
    %get3A_13 = vector.shape_cast %get3A_12 : vector<1x1000x128xf32> to vector<1000x128xf32>
    %add3A_14 = arith.addf %add3A, %get3A_13 : vector<1000x128xf32>
    %tanh3A = math.tanh %add3A_14 : vector<1000x128xf32>
    %get3A_15 = arith.constant 0 : index
    %get3A_16 = arith.constant 0 : index
    %get3A_17 = arith.constant 0 : index
    %get3A_18 = vector.load %arg3[%get3A_15, %get3A_16, %get3A_17] : memref<1x1x1000xi32, #tpu.memory_space<vmem>>, vector<1x1x1000xi32>
    %get3A_19 = vector.shape_cast %get3A_18 : vector<1x1x1000xi32> to vector<1x1000xi32>
    %iota3A = tpu.iota {dimensions = array<i32: 0>} : vector<64x1000xi32>
    %eq3A_20 = vector.broadcast %get3A_19 : vector<1x1000xi32> to vector<64x1000xi32>
    %eq3A_21 = arith.cmpi eq, %eq3A_20, %iota3A : vector<64x1000xi32>
    %convert_element_type3A_22 = arith.extui %eq3A_21 : vector<64x1000xi1> to vector<64x1000xi32>
    %convert_element_type3A_23 = arith.sitofp %convert_element_type3A_22 : vector<64x1000xi32> to vector<64x1000xf32>
    %get3A_24 = arith.constant 0 : index
    %get3A_25 = arith.constant 0 : index
    %get3A_26 = arith.constant 0 : index
    %get3A_27 = vector.load %arg4[%get3A_24, %get3A_25, %get3A_26] : memref<1x1x1000xi32, #tpu.memory_space<vmem>>, vector<1x1x1000xi32>
    %get3A_28 = vector.shape_cast %get3A_27 : vector<1x1x1000xi32> to vector<1x1000xi32>
    %iota3A_29 = tpu.iota {dimensions = array<i32: 0>} : vector<64x1000xi32>
    %eq3A_30 = vector.broadcast %get3A_28 : vector<1x1000xi32> to vector<64x1000xi32>
    %eq3A_31 = arith.cmpi eq, %eq3A_30, %iota3A_29 : vector<64x1000xi32>
    %convert_element_type3A_32 = arith.extui %eq3A_31 : vector<64x1000xi1> to vector<64x1000xi32>
    %convert_element_type3A_33 = arith.sitofp %convert_element_type3A_32 : vector<64x1000xi32> to vector<64x1000xf32>
    %get3A_34 = arith.constant 0 : index
    %get3A_35 = arith.constant 0 : index
    %get3A_36 = vector.load %arg14[%get3A_34, %get3A_35] : memref<64x64xf32, #tpu.memory_space<vmem>>, vector<64x64xf32>
    %slice3A = vector.extract_strided_slice %tanh3A {offsets = [0, 0], sizes = [1000, 64], strides = [1, 1]} : vector<1000x128xf32> to vector<1000x64xf32>
    %dot_general3A = arith.constant dense<0.000000e+00> : vector<64x64xf32>
    %dot_general3A_37 = tpu.matmul %convert_element_type3A_23, %slice3A, %dot_general3A {dimension_numbers = #tpu.dot_dimension_numbers<[1], [0], [0], [1], [0, 0, 1, 1], [], []>, transpose_lhs_hint = false} : vector<64x1000xf32>, vector<1000x64xf32>, vector<64x64xf32> -> vector<64x64xf32>
    %slice3A_38 = vector.extract_strided_slice %tanh3A {offsets = [0, 64], sizes = [1000, 64], strides = [1, 1]} : vector<1000x128xf32> to vector<1000x64xf32>
    %dot_general3A_39 = arith.constant dense<0.000000e+00> : vector<64x64xf32>
    %dot_general3A_40 = tpu.matmul %convert_element_type3A_33, %slice3A_38, %dot_general3A_39 {dimension_numbers = #tpu.dot_dimension_numbers<[1], [0], [0], [1], [0, 0, 1, 1], [], []>, transpose_lhs_hint = false} : vector<64x1000xf32>, vector<1000x64xf32>, vector<64x64xf32> -> vector<64x64xf32>
    %add3A_41 = arith.addf %dot_general3A_37, %dot_general3A_40 : vector<64x64xf32>
    %add3A_42 = arith.addf %get3A_36, %add3A_41 : vector<64x64xf32>
    %swap3A = arith.constant 0 : index
    %swap3A_43 = arith.constant 0 : index
    %swap3A_44 = vector.load %arg14[%swap3A, %swap3A_43] : memref<64x64xf32, #tpu.memory_space<vmem>>, vector<64x64xf32>
    tpu.vector_store %arg14[%swap3A, %swap3A_43], %add3A_42 {strides = array<i32>} : memref<64x64xf32, #tpu.memory_space<vmem>>, vector<64x64xf32>,
    %get3A_45 = arith.constant 0 : index
    %get3A_46 = arith.constant 0 : index
    %get3A_47 = vector.load %arg15[%get3A_45, %get3A_46] : memref<64x64xf32, #tpu.memory_space<vmem>>, vector<64x64xf32>
    %reduce_sum3A = arith.constant dense<0.000000e+00> : vector<64xf32>
    %reduce_sum3A_48 = vector.multi_reduction <add>, %convert_element_type3A_23, %reduce_sum3A [1] : vector<64x1000xf32> to vector<64xf32>
    %broadcast_in_dim3A = vector.shape_cast %reduce_sum3A_48 : vector<64xf32> to vector<64x1xf32>
    %reduce_sum3A_49 = arith.constant dense<0.000000e+00> : vector<64xf32>
    %reduce_sum3A_50 = vector.multi_reduction <add>, %convert_element_type3A_33, %reduce_sum3A_49 [1] : vector<64x1000xf32> to vector<64xf32>
    %broadcast_in_dim3A_51 = vector.shape_cast %reduce_sum3A_50 : vector<64xf32> to vector<64x1xf32>
    %add3A_52 = arith.addf %broadcast_in_dim3A, %broadcast_in_dim3A_51 : vector<64x1xf32>
    %add3A_53 = vector.broadcast %add3A_52 : vector<64x1xf32> to vector<64x64xf32>
    %add3A_54 = arith.addf %get3A_47, %add3A_53 : vector<64x64xf32>
    %swap3A_55 = arith.constant 0 : index
    %swap3A_56 = arith.constant 0 : index
    %swap3A_57 = vector.load %arg15[%swap3A_55, %swap3A_56] : memref<64x64xf32, #tpu.memory_space<vmem>>, vector<64x64xf32>
    tpu.vector_store %arg15[%swap3A_55, %swap3A_56], %add3A_54 {strides = array<i32>} : memref<64x64xf32, #tpu.memory_space<vmem>>, vector<64x64xf32>,
    %eq3A_58 = arith.constant 4 : i32
    %eq3A_59 = arith.cmpi eq, %arg0, %eq3A_58 : i32
    %convert_element_type3A_60 = arith.extui %eq3A_59 : i1 to i32
    %cond3A_61 = arith.constant 0 : i32
    %cond3A_62 = arith.cmpi ne, %convert_element_type3A_60, %cond3A_61 : i32
    scf.if %cond3A_62 {
      %get3A_63 = arith.constant 0 : index
      %get3A_64 = arith.constant 0 : index
      %get3A_65 = vector.load %arg14[%get3A_63, %get3A_64] : memref<64x64xf32, #tpu.memory_space<vmem>>, vector<64x64xf32>
      %get3A_66 = arith.constant 0 : index
      %get3A_67 = arith.constant 0 : index
      %get3A_68 = vector.load %arg15[%get3A_66, %get3A_67] : memref<64x64xf32, #tpu.memory_space<vmem>>, vector<64x64xf32>
      %max3A = arith.constant 1.000000e+00 : f32
      %max3A_69 = vector.broadcast %max3A : f32 to vector<64x64xf32>
      %max3A_70 = arith.maximumf %get3A_68, %max3A_69 : vector<64x64xf32>
      %div3A = arith.divf %get3A_65, %max3A_70 : vector<64x64xf32>
      %get3A_71 = arith.constant 0 : index
      %get3A_72 = arith.constant 0 : index
      %get3A_73 = vector.load %arg5[%get3A_71, %get3A_72] : memref<64x512xf32, #tpu.memory_space<vmem>>, vector<64x512xf32>
      %dot_general3A_74 = arith.constant dense<0.000000e+00> : vector<64x512xf32>
      %dot_general3A_75 = tpu.matmul %div3A, %get3A_73, %dot_general3A_74 {dimension_numbers = #tpu.dot_dimension_numbers<[1], [0], [0], [1], [0, 0, 1, 1], [], []>, transpose_lhs_hint = false} : vector<64x64xf32>, vector<64x512xf32>, vector<64x512xf32> -> vector<64x512xf32>
      %get3A_76 = arith.constant 0 : index
      %get3A_77 = arith.constant 0 : index
      %get3A_78 = vector.load %arg6[%get3A_76, %get3A_77] : memref<1x512xf32, #tpu.memory_space<vmem>>, vector<1x512xf32>
      %add3A_79 = vector.broadcast %get3A_78 : vector<1x512xf32> to vector<64x512xf32>
      %add3A_80 = arith.addf %dot_general3A_75, %add3A_79 : vector<64x512xf32>
      %max3A_81 = arith.constant 0.000000e+00 : f32
      %max3A_82 = vector.broadcast %max3A_81 : f32 to vector<64x512xf32>
      %max3A_83 = arith.maximumf %add3A_80, %max3A_82 : vector<64x512xf32>
      %get3A_84 = arith.constant 0 : index
      %get3A_85 = arith.constant 0 : index
      %get3A_86 = vector.load %arg7[%get3A_84, %get3A_85] : memref<512x256xf32, #tpu.memory_space<vmem>>, vector<512x256xf32>
      %dot_general3A_87 = arith.constant dense<0.000000e+00> : vector<64x256xf32>
      %dot_general3A_88 = tpu.matmul %max3A_83, %get3A_86, %dot_general3A_87 {dimension_numbers = #tpu.dot_dimension_numbers<[1], [0], [0], [1], [0, 0, 1, 1], [], []>, transpose_lhs_hint = false} : vector<64x512xf32>, vector<512x256xf32>, vector<64x256xf32> -> vector<64x256xf32>
      %get3A_89 = arith.constant 0 : index
      %get3A_90 = arith.constant 0 : index
      %get3A_91 = vector.load %arg8[%get3A_89, %get3A_90] : memref<1x256xf32, #tpu.memory_space<vmem>>, vector<1x256xf32>
      %add3A_92 = vector.broadcast %get3A_91 : vector<1x256xf32> to vector<64x256xf32>
      %add3A_93 = arith.addf %dot_general3A_88, %add3A_92 : vector<64x256xf32>
      %max3A_94 = arith.constant 0.000000e+00 : f32
      %max3A_95 = vector.broadcast %max3A_94 : f32 to vector<64x256xf32>
      %max3A_96 = arith.maximumf %add3A_93, %max3A_95 : vector<64x256xf32>
      %get3A_97 = arith.constant 0 : index
      %get3A_98 = arith.constant 0 : index
      %get3A_99 = vector.load %arg9[%get3A_97, %get3A_98] : memref<256x256xf32, #tpu.memory_space<vmem>>, vector<256x256xf32>
      %dot_general3A_100 = arith.constant dense<0.000000e+00> : vector<64x256xf32>
      %dot_general3A_101 = tpu.matmul %max3A_96, %get3A_99, %dot_general3A_100 {dimension_numbers = #tpu.dot_dimension_numbers<[1], [0], [0], [1], [0, 0, 1, 1], [], []>, transpose_lhs_hint = false} : vector<64x256xf32>, vector<256x256xf32>, vector<64x256xf32> -> vector<64x256xf32>
      %get3A_102 = arith.constant 0 : index
      %get3A_103 = arith.constant 0 : index
      %get3A_104 = vector.load %arg10[%get3A_102, %get3A_103] : memref<1x256xf32, #tpu.memory_space<vmem>>, vector<1x256xf32>
      %add3A_105 = vector.broadcast %get3A_104 : vector<1x256xf32> to vector<64x256xf32>
      %add3A_106 = arith.addf %dot_general3A_101, %add3A_105 : vector<64x256xf32>
      %max3A_107 = arith.constant 0.000000e+00 : f32
      %max3A_108 = vector.broadcast %max3A_107 : f32 to vector<64x256xf32>
      %max3A_109 = arith.maximumf %add3A_106, %max3A_108 : vector<64x256xf32>
      %get3A_110 = arith.constant 0 : index
      %get3A_111 = arith.constant 0 : index
      %get3A_112 = vector.load %arg11[%get3A_110, %get3A_111] : memref<256x10xf32, #tpu.memory_space<vmem>>, vector<256x10xf32>
      %dot_general3A_113 = arith.constant dense<0.000000e+00> : vector<64x10xf32>
      %dot_general3A_114 = tpu.matmul %max3A_109, %get3A_112, %dot_general3A_113 {dimension_numbers = #tpu.dot_dimension_numbers<[1], [0], [0], [1], [0, 0, 1, 1], [], []>, transpose_lhs_hint = false} : vector<64x256xf32>, vector<256x10xf32>, vector<64x10xf32> -> vector<64x10xf32>
      %get3A_115 = arith.constant 0 : index
      %get3A_116 = arith.constant 0 : index
      %get3A_117 = vector.load %arg12[%get3A_115, %get3A_116] : memref<1x10xf32, #tpu.memory_space<vmem>>, vector<1x10xf32>
      %add3A_118 = vector.broadcast %get3A_117 : vector<1x10xf32> to vector<64x10xf32>
      %add3A_119 = arith.addf %dot_general3A_114, %add3A_118 : vector<64x10xf32>
      %swap3A_120 = arith.constant 0 : index
      %swap3A_121 = arith.constant 0 : index
      %swap3A_122 = vector.load %arg13[%swap3A_120, %swap3A_121] : memref<64x10xf32, #tpu.memory_space<vmem>>, vector<64x10xf32>
      tpu.vector_store %arg13[%swap3A_120, %swap3A_121], %add3A_119 {strides = array<i32>} : memref<64x10xf32, #tpu.memory_space<vmem>>, vector<64x10xf32>,
    } else {
    }
    return
  }
  func.func @transform_0(%arg0: i32) -> (i32, i32) {
    %c0_i32 = arith.constant 0 : i32
    %c0_i32_0 = arith.constant 0 : i32
    return %arg0, %c0_i32 : i32, i32
  }
  func.func @transform_1(%arg0: i32) -> (i32, i32, i32) {
    %c0_i32 = arith.constant 0 : i32
    %c0_i32_0 = arith.constant 0 : i32
    %c0_i32_1 = arith.constant 0 : i32
    return %c0_i32, %arg0, %c0_i32_0 : i32, i32, i32
  }
  func.func @transform_2(%arg0: i32) -> (i32, i32, i32) {
    %c0_i32 = arith.constant 0 : i32
    %c0_i32_0 = arith.constant 0 : i32
    %c0_i32_1 = arith.constant 0 : i32
    return %arg0, %c0_i32, %c0_i32_0 : i32, i32, i32
  }
  func.func @transform_3(%arg0: i32) -> (i32, i32, i32) {
    %c0_i32 = arith.constant 0 : i32
    %c0_i32_0 = arith.constant 0 : i32
    %c0_i32_1 = arith.constant 0 : i32
    return %arg0, %c0_i32, %c0_i32_0 : i32, i32, i32
  }
  func.func @transform_4(%arg0: i32) -> (i32, i32) {
    %c0_i32 = arith.constant 0 : i32
    %c0_i32_0 = arith.constant 0 : i32
    %c0_i32_1 = arith.constant 0 : i32
    return %c0_i32, %c0_i32_0 : i32, i32
  }
  func.func @transform_5(%arg0: i32) -> (i32, i32) {
    %c0_i32 = arith.constant 0 : i32
    %c0_i32_0 = arith.constant 0 : i32
    %c0_i32_1 = arith.constant 0 : i32
    return %c0_i32, %c0_i32_0 : i32, i32
  }
  func.func @transform_6(%arg0: i32) -> (i32, i32) {
    %c0_i32 = arith.constant 0 : i32
    %c0_i32_0 = arith.constant 0 : i32
    %c0_i32_1 = arith.constant 0 : i32
    return %c0_i32, %c0_i32_0 : i32, i32
  }
  func.func @transform_7(%arg0: i32) -> (i32, i32) {
    %c0_i32 = arith.constant 0 : i32
    %c0_i32_0 = arith.constant 0 : i32
    %c0_i32_1 = arith.constant 0 : i32
    return %c0_i32, %c0_i32_0 : i32, i32
  }
  func.func @transform_8(%arg0: i32) -> (i32, i32) {
    %c0_i32 = arith.constant 0 : i32
    %c0_i32_0 = arith.constant 0 : i32
    %c0_i32_1 = arith.constant 0 : i32
    return %c0_i32, %c0_i32_0 : i32, i32
  }
  func.func @transform_9(%arg0: i32) -> (i32, i32) {
    %c0_i32 = arith.constant 0 : i32
    %c0_i32_0 = arith.constant 0 : i32
    %c0_i32_1 = arith.constant 0 : i32
    return %c0_i32, %c0_i32_0 : i32, i32
  }
  func.func @transform_10(%arg0: i32) -> (i32, i32) {
    %c0_i32 = arith.constant 0 : i32
    %c0_i32_0 = arith.constant 0 : i32
    %c0_i32_1 = arith.constant 0 : i32
    return %c0_i32, %c0_i32_0 : i32, i32
  }
  func.func @transform_11(%arg0: i32) -> (i32, i32) {
    %c0_i32 = arith.constant 0 : i32
    %c0_i32_0 = arith.constant 0 : i32
    %c0_i32_1 = arith.constant 0 : i32
    return %c0_i32, %c0_i32_0 : i32, i32
  }
  func.func @transform_12(%arg0: i32) -> (i32, i32) {
    %c0_i32 = arith.constant 0 : i32
    %c0_i32_0 = arith.constant 0 : i32
    %c0_i32_1 = arith.constant 0 : i32
    return %c0_i32, %c0_i32_0 : i32, i32
  }
}

</mosaic_0001>

<sc_bundles>
// kernel: kernel.6.cloned.1.call-start
scs
__scs_entry_jumppad:
0x0: {  	(pc) =	sbr.rel $0x88, $3  }
0x1: {  	(tag) =	ssettag $0x0;
	lr =	simm.s32 $0x1  }
0x2: {  	[smem:$0x3F93] =	sst lr;
	_ =	strace $0xD0000000  }
0x3: {  	_ = 	snop  }
0x4: {  	_ = 	snop  }
0x5: {  	_ = 	snop  }
0x6: {  	_ = 	snop  }
0x7: {  	_ = 	snop  }
__scs_overlays_trampoline_lowered:
0x8: {  	[smem:$0x3FA2] =	sst s0  }
0x9: {  	[smem:$0x3FA3] =	sst s1  }
0xa: {  	[smem:$0x3FA4] =	sst s2  }
0xb: {  	[smem:$0x3FA5] =	sst s3  }
0xc: {  	[smem:$0x3FA6] =	sst s4  }
0xd: {  	[smem:$0x3FA7] =	sst s5  }
0xe: {  	[smem:$0x3FA8] =	sst s6  }
0xf: {  	[smem:$0x3FA9] =	sst s7  }
0x10: {  	[smem:$0x3FAA] =	sst s8  }
0x11: {  	[smem:$0x3FAB] =	sst s9;
	s0 =	simm.s32 @!p0 $0x0  }
0x12: {  	s1 =	sld [smem:$0x3F91];
	s0 =	simm.s32 @p0 $0x1  }
0x13: {  	[smem:$0x3FAC] =	sst s0;
	s0 =	simm.s32 @!p1 $0x0  }
0x14: {  	s2 =	sld [smem:$0x3F90];
	s0 =	simm.s32 @p1 $0x1  }
0x15: {  	[smem:$0x3FAD] =	sst s0;
	s0 =	simm.s32 @!p2 $0x0  }
0x16: {  	s3 =	sld [smem:$0x3FDB];
	s0 =	simm.s32 @p2 $0x1  }
0x17: {  	s4 =	simm.s32 $0x1BF5;
	[smem:$0x3FAF] =	sst s0  }
0x18: {  	s0 =	sld [smem:$0x3F92];
	_ =	swait.ge [sflag:s4], $0x0  }
0x19: {  	s7 =	sld [smem:$0x3F93]  }
0x1a: {  	s8 =	sadd.s32 $0xFFFFE003, lr  }
0x1b: {  	s9 =	sadd.s32 $0xFFFFFEF7, lr;
	s5 =	simm.s32 $0xFFFFFFFF;
	p2 =	slt.u32 s8, $0xFFFFF086  }
0x1c: {  	p1 =	slt.u32 s9, $0xF7A;
	s5 =	simm.s32 @!p2 $0x0  }
0x1d: {  	s5 =	simm.s32 @p1 $0x1;
	p0 =	seq.s32 s7, s2  }
0x1e: {  	s7 =	smul.u32 @!p0 $0xF7A, s2;
	p2 =	seq.s32 @!p0 s5, $0x0  }
0x1f: {  	s9 =	smul.u32 $0xF7A, s1;
	s8 =	simm.s32 @!p0 $0x1BF5;
	p2 =	por !p2, p0  }
0x20: {  	[sflag:s8] =	ssyncset.s32 @!p0 $0xFFFFF086;
	s6 =	sadd.s32 @!p0 s3, s7;
	s7 =	simm.s32 @!p0 $0x108  }
0x21: {  	s3 =	sadd.s32 s3, s9;
	s6 =	sadd.s32 @!p0 $0x88, s6;
	s7 =	simm.s32 @p2 $0x1082  }
0x22: {  	[simem:s7], [sflag:s8] =	dma.local @!p0 [hbm:s6], $0xF7A  }
0x23: {  	s9 =	sor.u32 $0xD0000000, s2;
	s6 =	simm.s32 $0x108;
	_ =	swait.ge @!p0 [sflag:s8], $0x0  }
0x24: {  	s3 =	sadd.s32 $0x88, s3;
	s6 =	simm.s32 @!p1 $0x1082;
	[sflag:s4] =	ssyncset.s32 $0xFFFFF086  }
0x25: {  	[simem:s6], [sflag:s4] =	dma.local [hbm:s3], $0xF7A  }
0x26: {  	[smem:$0x3F93] =	sst s1;
	(tag) =	ssettag s2;
	_ =	strace s9  }
0x27: {  	s1 =	sld [smem:$0x3FA3]  }
0x28: {  	s2 =	sld [smem:$0x3FA4]  }
0x29: {  	s4 =	sld [smem:$0x3FA6]  }
0x2a: {  	p0 =	seq.s32 s5, $0x0;
	s5 =	sld [smem:$0x3FA7]  }
0x2b: {  	s6 =	sld [smem:$0x3FA8]  }
0x2c: {  	s7 =	sld [smem:$0x3FA9]  }
0x2d: {  	s3 =	simm.s32 $0x108;
	s8 =	sld [smem:$0x3FAA]  }
0x2e: {  	s3 =	simm.s32 @!p0 $0x1082;
	s9 =	sld [smem:$0x3FAB]  }
0x2f: {  	lr =	sadd.s32 s0, s3;
	s0 =	sld [smem:$0x3FA2]  }
0x30: {  	s3 =	sld [smem:$0x3FA5]  }
0x31: {  	[smem:$0x3FAE] =	sst s10  }
0x32: {  	s10 =	sld [smem:$0x3FAC];
	_ =	sdelay $0x3  }
0x33: {  	p0 =	seq.s32 s10, $0x1;
	s10 =	sld [smem:$0x3FAE];
	_ =	sdelay $0x3  }
0x34: {  	[smem:$0x3FAE] =	sst s10  }
0x35: {  	s10 =	sld [smem:$0x3FAD];
	_ =	sdelay $0x3  }
0x36: {  	p1 =	seq.s32 s10, $0x1;
	s10 =	sld [smem:$0x3FAE];
	_ =	sdelay $0x3  }
0x37: {  	[smem:$0x3FAE] =	sst s10  }
0x38: {  	s10 =	sld [smem:$0x3FAF]  }
0x39: {  	_ = 	snop;
	(pc) =	sbr.ind lr, $3  }
0x3a: {  	_ = 	snop  }
0x3b: {  	_ = 	snop  }
0x3c: {  	p2 =	seq.s32 s10, $0x1;
	s10 =	sld [smem:$0x3FAE]  }
0x3d: {  	_ =	shalt  }
0x3e: {  	_ =	shalt  }
0x3f: {  	_ =	shalt  }
0x40: {  	_ =	shalt  }
0x41: {  	_ =	shalt  }
0x42: {  	_ =	shalt  }
0x43: {  	_ =	shalt  }
0x44: {  	_ =	shalt  }
0x45: {  	_ =	shalt  }
0x46: {  	_ =	shalt  }
0x47: {  	_ =	shalt  }
0x48: {  	_ =	shalt  }
0x49: {  	_ =	shalt  }
0x4a: {  	_ =	shalt  }
0x4b: {  	_ =	shalt  }
0x4c: {  	_ =	shalt  }
0x4d: {  	_ =	shalt  }
0x4e: {  	_ =	shalt  }
0x4f: {  	_ =	shalt  }
0x50: {  	_ =	shalt  }
0x51: {  	_ =	shalt  }
0x52: {  	_ =	shalt  }
0x53: {  	_ =	shalt  }
0x54: {  	_ =	shalt  }
0x55: {  	_ =	shalt  }
0x56: {  	_ =	shalt  }
0x57: {  	_ =	shalt  }
0x58: {  	_ =	shalt  }
0x59: {  	_ =	shalt  }
0x5a: {  	_ =	shalt  }
0x5b: {  	_ =	shalt  }
0x5c: {  	_ =	shalt  }
0x5d: {  	_ =	shalt  }
0x5e: {  	_ =	shalt  }
0x5f: {  	_ =	shalt  }
0x60: {  	_ =	shalt  }
0x61: {  	_ =	shalt  }
0x62: {  	_ =	shalt  }
0x63: {  	_ =	shalt  }
0x64: {  	_ =	shalt  }
0x65: {  	_ =	shalt  }
0x66: {  	_ =	shalt  }
0x67: {  	_ =	shalt  }
0x68: {  	_ =	shalt  }
0x69: {  	_ =	shalt  }
0x6a: {  	_ =	shalt  }
0x6b: {  	_ =	shalt  }
0x6c: {  	_ =	shalt  }
0x6d: {  	_ =	shalt  }
0x6e: {  	_ =	shalt  }
0x6f: {  	_ =	shalt  }
0x70: {  	_ =	shalt  }
0x71: {  	_ =	shalt  }
0x72: {  	_ =	shalt  }
0x73: {  	_ =	shalt  }
0x74: {  	_ =	shalt  }
0x75: {  	_ =	shalt  }
0x76: {  	_ =	shalt  }
0x77: {  	_ =	shalt  }
0x78: {  	_ =	shalt  }
0x79: {  	_ =	shalt  }
0x7a: {  	_ =	shalt  }
0x7b: {  	_ =	shalt  }
0x7c: {  	_ =	shalt  }
0x7d: {  	_ =	shalt  }
0x7e: {  	_ =	shalt  }
0x7f: {  	_ =	shalt  }
0x80: {  	_ =	shalt  }
0x81: {  	_ =	shalt  }
0x82: {  	_ =	shalt  }
0x83: {  	_ =	shalt  }
0x84: {  	_ =	shalt  }
0x85: {  	_ =	shalt  }
0x86: {  	_ =	shalt  }
0x87: {  	_ =	shalt  }
.Lfunc_end0:
.L_simem_size_0:
called_computation_lowered:
.L_overlay_start_0:
0x88: {  	s2 =	sld [smem:$0x3FD9]  }
0x89: {  	s3 =	sld [smem:$0x3FFE];
	_ =	sdelay $0x1  }
0x8a: {  	s1 =	srdreg.scid  }
0x8b: {  	s0 =	sand.u32 $0x1, s1  }
0x8c: {  	s16 =	sshll.u32 s0, $0xA;
	s2 =	sadd.s32 s3, s2  }
0x8d: {  	s2 =	sadd.s32 s2, s16  }
0x8e: {  	[smem:$0x3FBA] =	sst s2  }
0x8f: {  	_ = 	snop  }
0x90: {  	(tm) =	ssettm $0x1  }
0x91: {  	s17 =	sld [smem:$0x3FFB];
	_ =	sdelay $0x3  }
0x92: {  	_ =	strace s17  }
0x93: {  	s2 =	sld [smem:$0x3FFC];
	_ =	sdelay $0x3  }
0x94: {  	_ =	strace s2  }
0x95: {  	s2 =	sld [smem:$0x3FFD];
	_ =	sdelay $0x3  }
0x96: {  	_ =	strace s2  }
0x97: {  	_ =	strace $0x8FFFFFFF  }
0x98: {  	s18 =	sld [smem:$0x3FDB];
	_ =	sdelay $0x1  }
0x99: {  	s19 =	simm.s32 $_scs_section_size  }
0x9a: {  	s4 =	simm.s32 $_size__tile_overlayer_lowered;
	s5 =	simm.s32 $_tile_overlayer_lowered  }
0x9b: {  	s22 =	simm.s32 $0x1BFF;
	s21 =	sshll.u32 s5, $0x1;
	s2 =	sadd.s32 s19, s18  }
0x9c: {  	s6 =	simm.s32 $0x0;
	s20 =	sshll.u32 s4, $0x1;
	s4 =	sadd.s32 s21, s2  }
0x9d: {  	[timem:s6], [sflag:s22] =	dma.local [hbm:s4], s20  }
0x9e: {  	_ =	swait.ge [sflag:s22], s20  }
0x9f: {  	s3 =	ssub.s32 $0x0, s20;
	[sflag:s22] =	ssyncset.done $0x0  }
0xa0: {  	[sflag:s22] =	ssyncadd.s32 s3;
	_ =	sdelay $0x1  }
0xa1: {  	s23 =	simm.s32 $0x1B8B  }
0xa2: {  	_ =	swait.ge [sflag:s23], $0x1  }
0xa3: {  	[sflag:s23] =	ssyncset.done $0x0  }
0xa4: {  	s25 =	simm.s32 $0x1B8E;
	s24 =	sld [smem:$0x3FFE];
	[sflag:s23] =	ssyncadd.s32 $0xFFFFFFFF  }
0xa5: {  	s26 =	simm.s32 $execute0_lowered;
	[smem:$0x3FD2] =	sst s25  }
0xa6: {  	s4 =	sshll.u32 s26, $0x1;
	_ =	strace $0x80000046;
	[dreg:$0x1] =	wrdreg $0xFFFFFFFF  }
0xa7: {  	s28 =	simm.s32 $_size_execute0_lowered;
	s2 =	sadd.s32 s2, s4;
	[dreg:$0x0] =	wrdreg $0x0  }
0xa8: {  	s4 =	sshll.u32 s28, $0x1;
	[dreg:$0x2] =	wrdreg s2  }
0xa9: {  	[dreg:$0x3] =	wrdreg s4  }
0xaa: {  	[dreg:$0x4] =	wrdreg $0xC0  }
0xab: {  	_ =	task [dreg:s6], $0x5FFFF  }
0xac: {  	[dreg:$0x1] =	wrdreg $0xFFFFFFFF  }
0xad: {  	[dreg:$0x0] =	wrdreg $0x60  }
0xae: {  	[dreg:$0x2] =	wrdreg s24  }
0xaf: {  	[dreg:$0x3] =	wrdreg $0xCC000  }
0xb0: {  	[dreg:$0x4] =	wrdreg $0x9  }
0xb1: {  	_ =	task.clear_ibuf [dreg:s6], $0x5FFFF;
	_ =	strace $0x90000046  }
0xb2: {  	s29 =	simm.s32 $0x9;
	_ =	strace $0x80000048  }
0xb3: {  	_ =	swait.ge [sflag:s29], $0x1  }
0xb4: {  	[sflag:s29] =	ssyncadd.s32 $0xFFFFFFFF  }
0xb5: {  	_ =	strace $0x90000048  }
0xb6: {  	_ =	sfence  }
0xb7: {  	s30 =	sld [smem:$0x0];
	_ =	sdelay $0x2  }
0xb8: {  	s31 =	sshll.u32 s1, $0xD;
	s1 =	sshrl.u32 s1, $0x2  }
0xb9: {  	s3 =	sand.u32 $0x4000, s31;
	s1 =	sadd.s32 s1, s30  }
0xba: {  	s0 =	sor.u32 s3, s0;
	s1 =	sshll.u32 s1, $0x11  }
0xbb: {  	s0 =	sor.u32 s1, s0  }
0xbc: {  	s0 =	sadd.s32 $0x8F2B, s0  }
0xbd: {  	[sflag:s0] =	ssyncadd.remote.s32 $0x1  }
0xbe: {  	_ =	sfence.sel $0xFFFF  }
0xbf: {  	[dreg:$0x0] =	wrdreg $0xFFFFFFFF;
	(pc) =	sbr.abs _section_cstart, $3  }
0xc0: {  	[dreg:$0x1] =	wrdreg $0xFFFFFFFF  }
0xc1: {  	_ =	task.clear_ibuf [dreg:s6], $0x2FFFF;
	_ =	strace $0x9FFFFFFF  }
0xc2: {  	(tm) =	ssettm $0x7FFFFFFF  }
0xc3: {  	_ =	shalt  }
tec
execute0_lowered:
.L_overlay_start_1:
0x0: {  	(tag) =	ssettag $0x1  }
0x1: {  	s0 =	rddreg [dreg:$0x0]  }
0x2: {  	s2 =	rddreg [dreg:$0x1];
	s3 =	simm.s32 $0x0;
	s15 =	stileid.u32  }
0x3: {  	s1 =	srdreg.scid;
	s16 =	simm.s32 $0x600;
	s17 =	simm.s32 $0x80  }
0x4: {  	s18 =	simm.s32 $0xC00;
	s19 =	simm.s32 $0x2C00;
	s21 =	simm.s32 $0x4C00  }
0x5: {  	s20 =	simm.s32 $0x880;
	s22 =	simm.s32 $0x0;
	[smem:$0x7FF] =	sst s3  }
0x6: {  	s5 =	smul.u32 $0xA000, s15;
	s1 =	sand.u32 $0x1, s1;
	s4 =	sadd.s32 $0x15600, s0  }
0x7: {  	s9 =	sadd.s32 $0x1C00, s0;
	s26 =	sshll.u32 s15, $0x6;
	s29 =	smul.u32 $0x4E0, s15  }
0x8: {  	_ =	strace $0x80000047;
	s6 =	smul.u32 $0xA0000, s1;
	s8 =	sshll.u32 s1, $0x4  }
0x9: {  	s23 =	ssub.s32 $0x2, s1;
	s1 =	smul.u32 $0x4E00, s1;
	s7 =	sshrl.u32 s5, $0x3  }
0xa: {  	s13 =	sor.u32 s15, s8;
	s24 =	sshrl.u32 s23, $0x1;
	s14 =	sadd.s32 s5, s2  }
0xb: {  	s15 =	simm.s32 $0x2;
	s7 =	sadd.s32 s7, s0;
	s6 =	sadd.s32 s5, s6  }
0xc: {  	s10 =	smul.u32 $0x4E, s13;
	s11 =	smin.u32 s13, $0x4;
	s12 =	ssub.s32 s23, s24  }
0xd: {  	s1 =	sadd.s32 s1, s9;
	s14 =	sshrl.u32 s14, $0x3;
	s23 =	simm.s32 $0x6C00  }
0xe: {  	s24 =	simm.s32 $0x8C00;
	p0 =	sgt.u32 s13, $0x3;
	s6 =	sshrl.u32 s6, $0x3  }
0xf: {  	s5 =	sadd.s32 $0x3C800, s7;
	s7 =	sor.u32 $0x1C02, s26;
	s1 =	sadd.s32 s29, s1  }
0x10: {  	s30 =	sshll.u32 s11, $0x4;
	s12 =	smax.u32 s12, $0x1;
	s26 =	simm.s32 $0xAC00  }
0x11: {  	s0 =	sadd.s32 s6, s0;
	s25 =	sadd.s32 s11, s10;
	s31 =	sadd.s32 s30, s1  }
0x12: {  	s1 =	simm.s32 $0x800;
	s6 =	sshll.u32 s25, $0x4;
	s11 =	sadd.s32 $0x50800, s0  }
0x13: {  	s28 =	sadd.s32 $0x9CA0, s31;
	s25 =	simm.s32 $0x1;
	s6 =	sadd.s32 s9, s6  }
0x14: {  	s8 =	sadd.s32 $0x9C40, s6;
	s9 =	sadd.s32 $0x4E0, s6;
	s10 =	sadd.s32 $0xA120, s6  }
.LBB2_1:
0x15: {  	[spmem:s14], [sflag:s7] =	dma.local [hbm:s5], $0x1400  }
0x16: {  	_ =	swait.ge [sflag:s15], $0x1400  }
0x17: {  	[sflag:s15] =	ssyncset.done $0x0  }
0x18: {  	[sflag:s15] =	ssyncadd.s32 $0xFFFFEC00  }
0x19: {  	[bflag:$0x0] =	sbarrier.arrive $0xFFFF  }
0x1a: {  	[tilespmem:s3], [sflag:$0x2] =	stream.linear.gather [hbm4b:s6+s3], $0x300, $0x38;
	[tilespmem:$0x16C00] =	vst v63  }
0x1b: {  	_ =	swait.ge [sflag:s15], $0x300  }
0x1c: {  	[sflag:s15] =	ssyncset.done $0x0  }
0x1d: {  	[sflag:s15] =	ssyncadd.s32 $0xFFFFFD00  }
0x1e: {  	[tilespmem:s16], [sflag:$0x2] =	stream.linear.gather [hbm4b:s8+s3], $0x300, $0x38;
	[tilespmem:$0x16C00] =	vst v63  }
0x1f: {  	_ =	swait.ge [sflag:s15], $0x300  }
0x20: {  	[sflag:s15] =	ssyncset.done $0x0  }
0x21: {  	[sflag:s15] =	ssyncadd.s32 $0xFFFFFD00  }
0x22: {  	v0 =	vld [tilespmem:$0x0]  }
0x23: {  	v1 =	vld [tilespmem:$0x10]  }
0x24: {  	v2 =	vld [tilespmem:$0x20]  }
0x25: {  	v3 =	vld [tilespmem:$0x30]  }
0x26: {  	v4 =	vld [tilespmem:$0x40]  }
0x27: {  	v5 =	vld [tilespmem:$0x50];
	v0 =	vshll.u32 v0, $0x1  }
0x28: {  	v33 =	vld [tilespmem:$0x60];
	v32 =	vshll.u32 v1, $0x1;
	[tilespmem:$0x0] =	vst v0  }
0x29: {  	v35 =	vld [tilespmem:$0x70];
	v34 =	vshll.u32 v2, $0x1;
	[tilespmem:$0x10] =	vst v32  }
0x2a: {  	v37 =	vld [tilespmem:$0x80];
	v36 =	vshll.u32 v3, $0x1;
	[tilespmem:$0x20] =	vst v34  }
0x2b: {  	v39 =	vld [tilespmem:$0x90];
	v38 =	vshll.u32 v4, $0x1;
	[tilespmem:$0x30] =	vst v36  }
0x2c: {  	v41 =	vld [tilespmem:$0xA0];
	v40 =	vshll.u32 v5, $0x1;
	[tilespmem:$0x40] =	vst v38  }
0x2d: {  	v43 =	vld [tilespmem:$0xB0];
	v42 =	vshll.u32 v33, $0x1;
	[tilespmem:$0x50] =	vst v40  }
0x2e: {  	v45 =	vld [tilespmem:$0xC0];
	v44 =	vshll.u32 v35, $0x1;
	[tilespmem:$0x60] =	vst v42  }
0x2f: {  	v47 =	vld [tilespmem:$0xD0];
	v46 =	vshll.u32 v37, $0x1;
	[tilespmem:$0x70] =	vst v44  }
0x30: {  	v49 =	vld [tilespmem:$0xE0];
	v48 =	vshll.u32 v39, $0x1;
	[tilespmem:$0x80] =	vst v46  }
0x31: {  	v51 =	vld [tilespmem:$0xF0];
	v50 =	vshll.u32 v41, $0x1;
	[tilespmem:$0x90] =	vst v48  }
0x32: {  	v53 =	vld [tilespmem:$0x100];
	v52 =	vshll.u32 v43, $0x1;
	[tilespmem:$0xA0] =	vst v50  }
0x33: {  	v55 =	vld [tilespmem:$0x110];
	v54 =	vshll.u32 v45, $0x1;
	[tilespmem:$0xB0] =	vst v52  }
0x34: {  	v57 =	vld [tilespmem:$0x120];
	v56 =	vshll.u32 v47, $0x1;
	[tilespmem:$0xC0] =	vst v54  }
0x35: {  	v59 =	vld [tilespmem:$0x130];
	v58 =	vshll.u32 v49, $0x1;
	[tilespmem:$0xD0] =	vst v56  }
0x36: {  	v61 =	vld [tilespmem:$0x140];
	v60 =	vshll.u32 v51, $0x1;
	[tilespmem:$0xE0] =	vst v58  }
0x37: {  	v63 =	vld [tilespmem:$0x150];
	v62 =	vshll.u32 v53, $0x1;
	[tilespmem:$0xF0] =	vst v60  }
0x38: {  	v8 =	vld [tilespmem:$0x160];
	v7 =	vshll.u32 v55, $0x1;
	[tilespmem:$0x100] =	vst v62  }
0x39: {  	v10 =	vld [tilespmem:$0x170];
	v9 =	vshll.u32 v57, $0x1;
	[tilespmem:$0x110] =	vst v7  }
0x3a: {  	v12 =	vld [tilespmem:$0x180];
	v11 =	vshll.u32 v59, $0x1;
	[tilespmem:$0x120] =	vst v9  }
0x3b: {  	v14 =	vld [tilespmem:$0x190];
	v13 =	vshll.u32 v61, $0x1;
	[tilespmem:$0x130] =	vst v11  }
0x3c: {  	v16 =	vld [tilespmem:$0x1A0];
	v15 =	vshll.u32 v63, $0x1;
	[tilespmem:$0x140] =	vst v13  }
0x3d: {  	v18 =	vld [tilespmem:$0x1B0];
	v17 =	vshll.u32 v8, $0x1;
	[tilespmem:$0x150] =	vst v15  }
0x3e: {  	v20 =	vld [tilespmem:$0x1C0];
	v19 =	vshll.u32 v10, $0x1;
	[tilespmem:$0x160] =	vst v17  }
0x3f: {  	v22 =	vld [tilespmem:$0x1D0];
	v21 =	vshll.u32 v12, $0x1;
	[tilespmem:$0x170] =	vst v19  }
0x40: {  	v24 =	vld [tilespmem:$0x1E0];
	v23 =	vshll.u32 v14, $0x1;
	[tilespmem:$0x180] =	vst v21  }
0x41: {  	v26 =	vld [tilespmem:$0x1F0];
	v25 =	vshll.u32 v16, $0x1;
	[tilespmem:$0x190] =	vst v23  }
0x42: {  	v28 =	vld [tilespmem:$0x200];
	v27 =	vshll.u32 v18, $0x1;
	[tilespmem:$0x1A0] =	vst v25  }
0x43: {  	v30 =	vld [tilespmem:$0x210];
	v29 =	vshll.u32 v20, $0x1;
	[tilespmem:$0x1B0] =	vst v27  }
0x44: {  	v31 =	vshll.u32 v22, $0x1;
	[tilespmem:$0x1C0] =	vst v29;
	v32 =	vld [tilespmem:$0x220]  }
0x45: {  	v33 =	vshll.u32 v24, $0x1;
	[tilespmem:$0x1D0] =	vst v31;
	v34 =	vld [tilespmem:$0x230]  }
0x46: {  	v35 =	vshll.u32 v26, $0x1;
	[tilespmem:$0x1E0] =	vst v33;
	v36 =	vld [tilespmem:$0x240]  }
0x47: {  	v37 =	vshll.u32 v28, $0x1;
	[tilespmem:$0x1F0] =	vst v35;
	v38 =	vld [tilespmem:$0x250]  }
0x48: {  	v39 =	vshll.u32 v30, $0x1;
	[tilespmem:$0x200] =	vst v37;
	v40 =	vld [tilespmem:$0x260]  }
0x49: {  	[tilespmem:$0x210] =	vst v39;
	v42 =	vld [tilespmem:$0x270];
	v41 =	vshll.u32 v32, $0x1  }
0x4a: {  	v44 =	vld [tilespmem:$0x280];
	v43 =	vshll.u32 v34, $0x1;
	[tilespmem:$0x220] =	vst v41  }
0x4b: {  	v46 =	vld [tilespmem:$0x290];
	v45 =	vshll.u32 v36, $0x1;
	[tilespmem:$0x230] =	vst v43  }
0x4c: {  	v48 =	vld [tilespmem:$0x2A0];
	v47 =	vshll.u32 v38, $0x1;
	[tilespmem:$0x240] =	vst v45  }
0x4d: {  	v50 =	vld [tilespmem:$0x2B0];
	v49 =	vshll.u32 v40, $0x1;
	[tilespmem:$0x250] =	vst v47  }
0x4e: {  	v52 =	vld [tilespmem:$0x2C0];
	v51 =	vshll.u32 v42, $0x1;
	[tilespmem:$0x260] =	vst v49  }
0x4f: {  	v54 =	vld [tilespmem:$0x2D0];
	v53 =	vshll.u32 v44, $0x1;
	[tilespmem:$0x270] =	vst v51  }
0x50: {  	v56 =	vld [tilespmem:$0x2E0];
	v55 =	vshll.u32 v46, $0x1;
	[tilespmem:$0x280] =	vst v53  }
0x51: {  	v58 =	vld [tilespmem:$0x2F0];
	v57 =	vshll.u32 v48, $0x1;
	[tilespmem:$0x290] =	vst v55  }
0x52: {  	v59 =	vshll.u32 v50, $0x1;
	[tilespmem:$0x2A0] =	vst v57  }
0x53: {  	v60 =	vshll.u32 v52, $0x1;
	[tilespmem:$0x2B0] =	vst v59  }
0x54: {  	v61 =	vshll.u32 v54, $0x1;
	[tilespmem:$0x2C0] =	vst v60  }
0x55: {  	v62 =	vshll.u32 v56, $0x1;
	[tilespmem:$0x2D0] =	vst v61  }
0x56: {  	v63 =	vshll.u32 v58, $0x1;
	[tilespmem:$0x2E0] =	vst v62  }
0x57: {  	[tilespmem:$0x2F0] =	vst v63  }
0x58: {  	[tilespmem:s18], [sflag:$0x1] =	stream.indirect.gather [hbm4b:s4+s17], $0x40, s3, s17, $0xb8;
	[tilespmem:$0x16C00] =	vst v63  }
0x59: {  	_ = 	snop  }
0x5a: {  	[tilespmem:s19], [sflag:$0x1] =	stream.indirect.gather [hbm4b:s4+s17], $0x40, s17, s17, $0xb8;
	[tilespmem:$0x16C00] =	vst v63  }
0x5b: {  	s0 =	simm.s32 $0x100  }
0x5c: {  	[tilespmem:s21], [sflag:$0x1] =	stream.indirect.gather [hbm4b:s4+s17], $0x40, s0, s17, $0xb8;
	[tilespmem:$0x16C00] =	vst v63  }
0x5d: {  	s31 =	simm.s32 $0x180;
	s13 =	smov.u32 s28;
	s29 =	simm.s32 $0x0  }
0x5e: {  	[tilespmem:s23], [sflag:$0x1] =	stream.indirect.gather [hbm4b:s4+s17], $0x40, s31, s17, $0xb8;
	[tilespmem:$0x16C00] =	vst v63  }
.LBB2_2:
0x5f: {  	s31 =	sand.u32 $0x1, s29  }
0x60: {  	s30 =	sxor.u32 $0x1, s31  }
0x61: {  	s30 =	smul.u32 $0x300, s30  }
0x62: {  	s0 =	sadd.s32 $0xFFFF63C0, s13  }
0x63: {  	[tilespmem:s30], [sflag:$0x2] =	stream.linear.gather [hbm4b:s0+s3], $0x300, $0x38;
	[tilespmem:$0x16C00] =	vst v63  }
0x64: {  	_ =	swait.ge [sflag:s15], $0x300  }
0x65: {  	[sflag:s15] =	ssyncset.done $0x0  }
0x66: {  	s0 =	sadd.s32 $0x600, s30;
	[sflag:s15] =	ssyncadd.s32 $0xFFFFFD00  }
0x67: {  	[tilespmem:s0], [sflag:$0x2] =	stream.linear.gather [hbm4b:s13+s3], $0x300, $0x38;
	[tilespmem:$0x16C00] =	vst v63  }
0x68: {  	_ =	swait.ge [sflag:s15], $0x300  }
0x69: {  	[sflag:s15] =	ssyncset.done $0x0  }
0x6a: {  	[sflag:s15] =	ssyncadd.s32 $0xFFFFFD00  }
0x6b: {  	v0 =	vld [tilespmem:s30+$0x0]  }
0x6c: {  	v1 =	vld [tilespmem:s30+$0x10]  }
0x6d: {  	v2 =	vld [tilespmem:s30+$0x20]  }
0x6e: {  	v3 =	vld [tilespmem:s30+$0x30]  }
0x6f: {  	v4 =	vld [tilespmem:s30+$0x40]  }
0x70: {  	v5 =	vld [tilespmem:s30+$0x50];
	v0 =	vshll.u32 v0, $0x1  }
0x71: {  	v33 =	vld [tilespmem:s30+$0x60];
	v32 =	vshll.u32 v1, $0x1;
	[tilespmem:s30+$0x0] =	vst v0  }
0x72: {  	v35 =	vld [tilespmem:s30+$0x70];
	v34 =	vshll.u32 v2, $0x1;
	[tilespmem:s30+$0x10] =	vst v32  }
0x73: {  	v37 =	vld [tilespmem:s30+$0x80];
	v36 =	vshll.u32 v3, $0x1;
	[tilespmem:s30+$0x20] =	vst v34  }
0x74: {  	v39 =	vld [tilespmem:s30+$0x90];
	v38 =	vshll.u32 v4, $0x1;
	[tilespmem:s30+$0x30] =	vst v36  }
0x75: {  	v41 =	vld [tilespmem:s30+$0xA0];
	v40 =	vshll.u32 v5, $0x1;
	[tilespmem:s30+$0x40] =	vst v38  }
0x76: {  	v43 =	vld [tilespmem:s30+$0xB0];
	v42 =	vshll.u32 v33, $0x1;
	[tilespmem:s30+$0x50] =	vst v40  }
0x77: {  	v45 =	vld [tilespmem:s30+$0xC0];
	v44 =	vshll.u32 v35, $0x1;
	[tilespmem:s30+$0x60] =	vst v42  }
0x78: {  	v47 =	vld [tilespmem:s30+$0xD0];
	v46 =	vshll.u32 v37, $0x1;
	[tilespmem:s30+$0x70] =	vst v44  }
0x79: {  	v49 =	vld [tilespmem:s30+$0xE0];
	v48 =	vshll.u32 v39, $0x1;
	[tilespmem:s30+$0x80] =	vst v46  }
0x7a: {  	v51 =	vld [tilespmem:s30+$0xF0];
	v50 =	vshll.u32 v41, $0x1;
	[tilespmem:s30+$0x90] =	vst v48  }
0x7b: {  	v53 =	vld [tilespmem:s30+$0x100];
	v52 =	vshll.u32 v43, $0x1;
	[tilespmem:s30+$0xA0] =	vst v50  }
0x7c: {  	v55 =	vld [tilespmem:s30+$0x110];
	v54 =	vshll.u32 v45, $0x1;
	[tilespmem:s30+$0xB0] =	vst v52  }
0x7d: {  	v57 =	vld [tilespmem:s30+$0x120];
	v56 =	vshll.u32 v47, $0x1;
	[tilespmem:s30+$0xC0] =	vst v54  }
0x7e: {  	v59 =	vld [tilespmem:s30+$0x130];
	v58 =	vshll.u32 v49, $0x1;
	[tilespmem:s30+$0xD0] =	vst v56  }
0x7f: {  	v61 =	vld [tilespmem:s30+$0x140];
	v60 =	vshll.u32 v51, $0x1;
	[tilespmem:s30+$0xE0] =	vst v58  }
0x80: {  	v63 =	vld [tilespmem:s30+$0x150];
	v62 =	vshll.u32 v53, $0x1;
	[tilespmem:s30+$0xF0] =	vst v60  }
0x81: {  	v8 =	vld [tilespmem:s30+$0x160];
	v7 =	vshll.u32 v55, $0x1;
	[tilespmem:s30+$0x100] =	vst v62  }
0x82: {  	v10 =	vld [tilespmem:s30+$0x170];
	v9 =	vshll.u32 v57, $0x1;
	[tilespmem:s30+$0x110] =	vst v7  }
0x83: {  	v12 =	vld [tilespmem:s30+$0x180];
	v11 =	vshll.u32 v59, $0x1;
	[tilespmem:s30+$0x120] =	vst v9  }
0x84: {  	v14 =	vld [tilespmem:s30+$0x190];
	v13 =	vshll.u32 v61, $0x1;
	[tilespmem:s30+$0x130] =	vst v11  }
0x85: {  	v16 =	vld [tilespmem:s30+$0x1A0];
	v15 =	vshll.u32 v63, $0x1;
	[tilespmem:s30+$0x140] =	vst v13  }
0x86: {  	v18 =	vld [tilespmem:s30+$0x1B0];
	v17 =	vshll.u32 v8, $0x1;
	[tilespmem:s30+$0x150] =	vst v15  }
0x87: {  	v20 =	vld [tilespmem:s30+$0x1C0];
	v19 =	vshll.u32 v10, $0x1;
	[tilespmem:s30+$0x160] =	vst v17  }
0x88: {  	v22 =	vld [tilespmem:s30+$0x1D0];
	v21 =	vshll.u32 v12, $0x1;
	[tilespmem:s30+$0x170] =	vst v19  }
0x89: {  	v24 =	vld [tilespmem:s30+$0x1E0];
	v23 =	vshll.u32 v14, $0x1;
	[tilespmem:s30+$0x180] =	vst v21  }
0x8a: {  	v26 =	vld [tilespmem:s30+$0x1F0];
	v25 =	vshll.u32 v16, $0x1;
	[tilespmem:s30+$0x190] =	vst v23  }
0x8b: {  	v28 =	vld [tilespmem:s30+$0x200];
	v27 =	vshll.u32 v18, $0x1;
	[tilespmem:s30+$0x1A0] =	vst v25  }
0x8c: {  	v30 =	vld [tilespmem:s30+$0x210];
	v29 =	vshll.u32 v20, $0x1;
	[tilespmem:s30+$0x1B0] =	vst v27  }
0x8d: {  	v31 =	vshll.u32 v22, $0x1;
	[tilespmem:s30+$0x1C0] =	vst v29;
	v32 =	vld [tilespmem:s30+$0x220]  }
0x8e: {  	v33 =	vshll.u32 v24, $0x1;
	[tilespmem:s30+$0x1D0] =	vst v31;
	v34 =	vld [tilespmem:s30+$0x230]  }
0x8f: {  	v35 =	vshll.u32 v26, $0x1;
	[tilespmem:s30+$0x1E0] =	vst v33;
	v36 =	vld [tilespmem:s30+$0x240]  }
0x90: {  	v37 =	vshll.u32 v28, $0x1;
	[tilespmem:s30+$0x1F0] =	vst v35;
	v38 =	vld [tilespmem:s30+$0x250]  }
0x91: {  	v39 =	vshll.u32 v30, $0x1;
	[tilespmem:s30+$0x200] =	vst v37;
	v40 =	vld [tilespmem:s30+$0x260]  }
0x92: {  	[tilespmem:s30+$0x210] =	vst v39;
	v42 =	vld [tilespmem:s30+$0x270];
	v41 =	vshll.u32 v32, $0x1  }
0x93: {  	v44 =	vld [tilespmem:s30+$0x280];
	v43 =	vshll.u32 v34, $0x1;
	[tilespmem:s30+$0x220] =	vst v41  }
0x94: {  	v46 =	vld [tilespmem:s30+$0x290];
	v45 =	vshll.u32 v36, $0x1;
	[tilespmem:s30+$0x230] =	vst v43  }
0x95: {  	v48 =	vld [tilespmem:s30+$0x2A0];
	v47 =	vshll.u32 v38, $0x1;
	[tilespmem:s30+$0x240] =	vst v45  }
0x96: {  	v50 =	vld [tilespmem:s30+$0x2B0];
	v49 =	vshll.u32 v40, $0x1;
	[tilespmem:s30+$0x250] =	vst v47  }
0x97: {  	v52 =	vld [tilespmem:s30+$0x2C0];
	v51 =	vshll.u32 v42, $0x1;
	[tilespmem:s30+$0x260] =	vst v49  }
0x98: {  	v54 =	vld [tilespmem:s30+$0x2D0];
	v53 =	vshll.u32 v44, $0x1;
	[tilespmem:s30+$0x270] =	vst v51  }
0x99: {  	v56 =	vld [tilespmem:s30+$0x2E0];
	v55 =	vshll.u32 v46, $0x1;
	[tilespmem:s30+$0x280] =	vst v53  }
0x9a: {  	v58 =	vld [tilespmem:s30+$0x2F0];
	v57 =	vshll.u32 v48, $0x1;
	[tilespmem:s30+$0x290] =	vst v55  }
0x9b: {  	v59 =	vshll.u32 v50, $0x1;
	[tilespmem:s30+$0x2A0] =	vst v57  }
0x9c: {  	v60 =	vshll.u32 v52, $0x1;
	[tilespmem:s30+$0x2B0] =	vst v59  }
0x9d: {  	v61 =	vshll.u32 v54, $0x1;
	[tilespmem:s30+$0x2C0] =	vst v60  }
0x9e: {  	s0 =	smul.u32 $0x300, s31;
	v62 =	vshll.u32 v56, $0x1;
	[tilespmem:s30+$0x2D0] =	vst v61  }
0x9f: {  	v63 =	vshll.u32 v58, $0x1;
	[tilespmem:s30+$0x2E0] =	vst v62  }
0xa0: {  	s31 =	sadd.s32 $0x200, s0;
	[tilespmem:s30+$0x2F0] =	vst v63  }
0xa1: {  	[tilespmem:s24], [sflag:$0x1] =	stream.indirect.gather [hbm4b:s4+s17], $0x40, s31, s17, $0xb8;
	[tilespmem:$0x16C00] =	vst v63  }
0xa2: {  	_ =	swait.ge [sflag:s25], $0x2000  }
0xa3: {  	[sflag:s25] =	ssyncset.done $0x0  }
0xa4: {  	s31 =	sadd.s32 $0x600, s0;
	[sflag:s25] =	ssyncadd.s32 $0xFFFFE000  }
0xa5: {  	[spmem:s2] =	stream.indirect.scatter.add.f32 [tilespmem:s18], [sflag:$0x2], $0x40, s31, s17, $0xb8;
	[tilespmem:$0x16C00] =	vst v63  }
0xa6: {  	_ =	swait.ge [sflag:s15], $0x2000  }
0xa7: {  	[sflag:s15] =	ssyncset.done $0x0  }
0xa8: {  	s31 =	sadd.s32 $0x280, s0;
	[sflag:s15] =	ssyncadd.s32 $0xFFFFE000  }
0xa9: {  	[tilespmem:s26], [sflag:$0x1] =	stream.indirect.gather [hbm4b:s4+s17], $0x40, s31, s17, $0xb8;
	[tilespmem:$0x16C00] =	vst v63  }
0xaa: {  	_ =	swait.ge [sflag:s25], $0x2000  }
0xab: {  	[sflag:s25] =	ssyncset.done $0x0  }
0xac: {  	s31 =	sadd.s32 $0x680, s0;
	[sflag:s25] =	ssyncadd.s32 $0xFFFFE000  }
0xad: {  	[spmem:s2] =	stream.indirect.scatter.add.f32 [tilespmem:s19], [sflag:$0x2], $0x40, s31, s17, $0xb8;
	[tilespmem:$0x16C00] =	vst v63  }
0xae: {  	_ =	swait.ge [sflag:s15], $0x2000  }
0xaf: {  	[sflag:s15] =	ssyncset.done $0x0  }
0xb0: {  	[sflag:s15] =	ssyncadd.s32 $0xFFFFE000  }
0xb1: {  	[tilespmem:s18], [sflag:$0x1] =	stream.indirect.gather [hbm4b:s4+s17], $0x40, s30, s17, $0xb8;
	[tilespmem:$0x16C00] =	vst v63  }
0xb2: {  	_ =	swait.ge [sflag:s25], $0x2000  }
0xb3: {  	[sflag:s25] =	ssyncset.done $0x0  }
0xb4: {  	s31 =	sadd.s32 $0x700, s0;
	[sflag:s25] =	ssyncadd.s32 $0xFFFFE000  }
0xb5: {  	[spmem:s2] =	stream.indirect.scatter.add.f32 [tilespmem:s21], [sflag:$0x2], $0x40, s31, s17, $0xb8;
	[tilespmem:$0x16C00] =	vst v63  }
0xb6: {  	_ =	swait.ge [sflag:s15], $0x2000  }
0xb7: {  	[sflag:s15] =	ssyncset.done $0x0  }
0xb8: {  	s31 =	sor.u32 $0x80, s30;
	[sflag:s15] =	ssyncadd.s32 $0xFFFFE000  }
0xb9: {  	[tilespmem:s19], [sflag:$0x1] =	stream.indirect.gather [hbm4b:s4+s17], $0x40, s31, s17, $0xb8;
	[tilespmem:$0x16C00] =	vst v63  }
0xba: {  	_ =	swait.ge [sflag:s25], $0x2000  }
0xbb: {  	[sflag:s25] =	ssyncset.done $0x0  }
0xbc: {  	s31 =	sadd.s32 $0x780, s0;
	[sflag:s25] =	ssyncadd.s32 $0xFFFFE000  }
0xbd: {  	[spmem:s2] =	stream.indirect.scatter.add.f32 [tilespmem:s23], [sflag:$0x2], $0x40, s31, s17, $0xb8;
	[tilespmem:$0x16C00] =	vst v63  }
0xbe: {  	_ =	swait.ge [sflag:s15], $0x2000  }
0xbf: {  	[sflag:s15] =	ssyncset.done $0x0  }
0xc0: {  	s31 =	sadd.s32 $0x100, s30;
	[sflag:s15] =	ssyncadd.s32 $0xFFFFE000  }
0xc1: {  	[tilespmem:s21], [sflag:$0x1] =	stream.indirect.gather [hbm4b:s4+s17], $0x40, s31, s17, $0xb8;
	[tilespmem:$0x16C00] =	vst v63  }
0xc2: {  	_ =	swait.ge [sflag:s25], $0x2000  }
0xc3: {  	[sflag:s25] =	ssyncset.done $0x0  }
0xc4: {  	s31 =	sor.u32 $0x800, s0;
	[sflag:s25] =	ssyncadd.s32 $0xFFFFE000  }
0xc5: {  	[spmem:s2] =	stream.indirect.scatter.add.f32 [tilespmem:s24], [sflag:$0x2], $0x40, s31, s17, $0xb8;
	[tilespmem:$0x16C00] =	vst v63  }
0xc6: {  	_ =	swait.ge [sflag:s15], $0x2000  }
0xc7: {  	[sflag:s15] =	ssyncset.done $0x0  }
0xc8: {  	s30 =	sadd.s32 $0x180, s30;
	[sflag:s15] =	ssyncadd.s32 $0xFFFFE000  }
0xc9: {  	[tilespmem:s23], [sflag:$0x1] =	stream.indirect.gather [hbm4b:s4+s17], $0x40, s30, s17, $0xb8;
	[tilespmem:$0x16C00] =	vst v63  }
0xca: {  	_ =	swait.ge [sflag:s25], $0x2000  }
0xcb: {  	p1 =	sne.s32 s29, $0xB;
	[sflag:s25] =	ssyncset.done $0x0  }
.Ltmp0:
0xcc: {  	s0 =	sor.u32 $0x880, s0;
	[sflag:s25] =	ssyncadd.s32 $0xFFFFE000;
	(pc) =	sbr.rel @p1 .LBB2_2-.Ltmp0, $4  }
0xcd: {  	[spmem:s2] =	stream.indirect.scatter.add.f32 [tilespmem:s26], [sflag:$0x2], $0x40, s0, s17, $0xb8;
	[tilespmem:$0x16C00] =	vst v63  }
0xce: {  	_ =	swait.ge [sflag:s15], $0x2000  }
0xcf: {  	[sflag:s15] =	ssyncset.done $0x0  }
0xd0: {  	s29 =	sadd.s32 $0x1, s29;
	s13 =	sadd.s32 $0x60, s13;
	[sflag:s15] =	ssyncadd.s32 $0xFFFFE000  }
0xd1: {  	s0 =	simm.s32 $0x200  }
0xd2: {  	[tilespmem:s24], [sflag:$0x1] =	stream.indirect.gather [hbm4b:s4+s17], $0x40, s0, s17, $0xb8;
	[tilespmem:$0x16C00] =	vst v63  }
0xd3: {  	_ =	swait.ge [sflag:s25], $0x2000  }
0xd4: {  	[sflag:s25] =	ssyncset.done $0x0  }
0xd5: {  	[sflag:s25] =	ssyncadd.s32 $0xFFFFE000  }
0xd6: {  	[spmem:s2] =	stream.indirect.scatter.add.f32 [tilespmem:s18], [sflag:$0x2], $0x40, s16, s17, $0xb8;
	[tilespmem:$0x16C00] =	vst v63  }
0xd7: {  	_ =	swait.ge [sflag:s15], $0x2000  }
0xd8: {  	[sflag:s15] =	ssyncset.done $0x0  }
0xd9: {  	s13 =	simm.s32 $0x280;
	[sflag:s15] =	ssyncadd.s32 $0xFFFFE000  }
0xda: {  	[tilespmem:s26], [sflag:$0x1] =	stream.indirect.gather [hbm4b:s4+s17], $0x40, s13, s17, $0xb8;
	[tilespmem:$0x16C00] =	vst v63  }
0xdb: {  	_ =	swait.ge [sflag:s25], $0x2000  }
0xdc: {  	[sflag:s25] =	ssyncset.done $0x0  }
0xdd: {  	s29 =	simm.s32 $0x680;
	[sflag:s25] =	ssyncadd.s32 $0xFFFFE000  }
0xde: {  	[spmem:s2] =	stream.indirect.scatter.add.f32 [tilespmem:s19], [sflag:$0x2], $0x40, s29, s17, $0xb8;
	[tilespmem:$0x16C00] =	vst v63  }
0xdf: {  	_ =	swait.ge [sflag:s15], $0x2000  }
0xe0: {  	[sflag:s15] =	ssyncset.done $0x0  }
0xe1: {  	[sflag:s15] =	ssyncadd.s32 $0xFFFFE000  }
0xe2: {  	_ =	swait.ge [sflag:s25], $0x2000  }
0xe3: {  	[sflag:s25] =	ssyncset.done $0x0  }
0xe4: {  	s30 =	simm.s32 $0x700;
	[sflag:s25] =	ssyncadd.s32 $0xFFFFE000  }
0xe5: {  	[spmem:s2] =	stream.indirect.scatter.add.f32 [tilespmem:s21], [sflag:$0x2], $0x40, s30, s17, $0xb8;
	[tilespmem:$0x16C00] =	vst v63  }
0xe6: {  	_ =	swait.ge [sflag:s15], $0x2000  }
0xe7: {  	[sflag:s15] =	ssyncset.done $0x0  }
0xe8: {  	[sflag:s15] =	ssyncadd.s32 $0xFFFFE000  }
0xe9: {  	_ =	swait.ge [sflag:s25], $0x2000  }
0xea: {  	[sflag:s25] =	ssyncset.done $0x0  }
0xeb: {  	s31 =	simm.s32 $0x780;
	[sflag:s25] =	ssyncadd.s32 $0xFFFFE000  }
0xec: {  	[spmem:s2] =	stream.indirect.scatter.add.f32 [tilespmem:s23], [sflag:$0x2], $0x40, s31, s17, $0xb8;
	[tilespmem:$0x16C00] =	vst v63  }
0xed: {  	_ =	swait.ge [sflag:s15], $0x2000  }
0xee: {  	[sflag:s15] =	ssyncset.done $0x0  }
0xef: {  	[sflag:s15] =	ssyncadd.s32 $0xFFFFE000  }
0xf0: {  	_ =	swait.ge [sflag:s25], $0x2000  }
0xf1: {  	[sflag:s25] =	ssyncset.done $0x0  }
0xf2: {  	[sflag:s25] =	ssyncadd.s32 $0xFFFFE000  }
0xf3: {  	[spmem:s2] =	stream.indirect.scatter.add.f32 [tilespmem:s24], [sflag:$0x2], $0x40, s1, s17, $0xb8;
	[tilespmem:$0x16C00] =	vst v63  }
0xf4: {  	_ =	swait.ge [sflag:s15], $0x2000  }
0xf5: {  	[sflag:s15] =	ssyncset.done $0x0  }
0xf6: {  	[sflag:s15] =	ssyncadd.s32 $0xFFFFE000  }
0xf7: {  	_ =	swait.ge [sflag:s25], $0x2000  }
0xf8: {  	[sflag:s25] =	ssyncset.done $0x0  }
0xf9: {  	[sflag:s25] =	ssyncadd.s32 $0xFFFFE000  }
0xfa: {  	[spmem:s2] =	stream.indirect.scatter.add.f32 [tilespmem:s26], [sflag:$0x2], $0x40, s20, s17, $0xb8;
	[tilespmem:$0x16C00] =	vst v63  }
0xfb: {  	_ =	swait.ge [sflag:s15], $0x2000  }
0xfc: {  	[sflag:s15] =	ssyncset.done $0x0  }
0xfd: {  	s0 =	simm.s32 @!p0 $0x0;
	s13 =	simm.s32 @!p0 $0x2;
	[sflag:s15] =	ssyncadd.s32 $0xFFFFE000  }
0xfe: {  	[tilespmem:s0], [sflag:$0x2] =	stream.linear.gather @!p0 [hbm4b:s9+s0], $0x80, $0x38;
	[tilespmem:$0x16C00] =	vst v63  }
0xff: {  	_ =	swait.ge @!p0 [sflag:s13], $0x80  }
0x100: {  	[sflag:s13] =	ssyncset.done @!p0 $0x0  }
0x101: {  	s29 =	simm.s32 @!p0 $0x600;
	[sflag:s13] =	ssyncadd.s32 @!p0 $0xFFFFFF80  }
0x102: {  	[tilespmem:s29], [sflag:$0x2] =	stream.linear.gather @!p0 [hbm4b:s10+s0], $0x80, $0x38;
	[tilespmem:$0x16C00] =	vst v63  }
0x103: {  	_ =	swait.ge @!p0 [sflag:s13], $0x80  }
0x104: {  	[sflag:s13] =	ssyncset.done @!p0 $0x0  }
0x105: {  	[sflag:s13] =	ssyncadd.s32 @!p0 $0xFFFFFF80  }
0x106: {  	v0 =	vld @!p0 [tilespmem:$0x0]  }
0x107: {  	v1 =	vld @!p0 [tilespmem:$0x10]  }
0x108: {  	v2 =	vld @!p0 [tilespmem:$0x20]  }
0x109: {  	v3 =	vld @!p0 [tilespmem:$0x30]  }
0x10a: {  	v4 =	vld @!p0 [tilespmem:$0x40]  }
0x10b: {  	v5 =	vld @!p0 [tilespmem:$0x50];
	v0 =	vshll.u32 @!p0 v0, $0x1  }
0x10c: {  	[tilespmem:$0x0] =	vst @!p0 v0;
	v0 =	vshll.u32 @!p0 v1, $0x1;
	v1 =	vld @!p0 [tilespmem:$0x60]  }
0x10d: {  	[tilespmem:$0x10] =	vst @!p0 v0;
	v0 =	vshll.u32 @!p0 v2, $0x1;
	v2 =	vld @!p0 [tilespmem:$0x70]  }
0x10e: {  	[tilespmem:$0x20] =	vst @!p0 v0;
	v0 =	vshll.u32 @!p0 v3, $0x1  }
0x10f: {  	[tilespmem:$0x30] =	vst @!p0 v0;
	v0 =	vshll.u32 @!p0 v4, $0x1  }
0x110: {  	[tilespmem:$0x40] =	vst @!p0 v0;
	v0 =	vshll.u32 @!p0 v5, $0x1  }
0x111: {  	[tilespmem:$0x50] =	vst @!p0 v0;
	v0 =	vshll.u32 @!p0 v1, $0x1  }
0x112: {  	[tilespmem:$0x60] =	vst @!p0 v0;
	v0 =	vshll.u32 @!p0 v2, $0x1  }
0x113: {  	s30 =	simm.s32 @!p0 $0x80;
	s31 =	simm.s32 @!p0 $0xC00;
	[tilespmem:$0x70] =	vst @!p0 v0  }
0x114: {  	[tilespmem:s31], [sflag:$0x1] =	stream.indirect.gather @!p0 [hbm4b:s4+s30], $0x40, s0, s30, $0xb8;
	[tilespmem:$0x16C00] =	vst v63  }
0x115: {  	s0 =	simm.s32 @!p0 $0x1  }
0x116: {  	_ =	swait.ge @!p0 [sflag:s0], $0x2000  }
0x117: {  	[sflag:s0] =	ssyncset.done @!p0 $0x0  }
0x118: {  	[sflag:s0] =	ssyncadd.s32 @!p0 $0xFFFFE000  }
0x119: {  	[spmem:s2] =	stream.indirect.scatter.add.f32 @!p0 [tilespmem:s31], [sflag:$0x2], $0x40, s29, s30, $0xb8;
	[tilespmem:$0x16C00] =	vst v63  }
0x11a: {  	_ =	swait.ge @!p0 [sflag:s13], $0x2000  }
0x11b: {  	s22 =	sadd.s32 $0x1, s22;
	[sflag:s13] =	ssyncset.done @!p0 $0x0  }
0x11c: {  	p1 =	sne.s32 s22, s12;
	[sflag:s13] =	ssyncadd.s32 @!p0 $0xFFFFE000  }
.Ltmp1:
0x11d: {  	[bflag:$0x0] =	sbarrier.arrive $0xFFFF;
	(pc) =	sbr.rel @p1 .LBB2_1-.Ltmp1, $4  }
0x11e: {  	[hbm:s11], [sflag:s7] =	dma.local [spmem:s14], $0x1400  }
0x11f: {  	_ =	swait.ge [sflag:s15], $0x1400  }
0x120: {  	[sflag:s15] =	ssyncset.done $0x0  }
0x121: {  	[sflag:s15] =	ssyncadd.s32 $0xFFFFEC00  }
0x122: {  	_ =	sfence.sel $0x180000  }
0x123: {  	[bflag:$0x0] =	sbarrier.arrive $0xFFFF  }
0x124: {  	_ =	strace $0x90000047  }
0x125: {  	s0 =	stileid.u32;
	[bflag:$0x2] =	sbarrier.arrive $0xFFFF  }
0x126: {  	p0 =	sne.s32 s0, $0x0;
	s0 =	rddreg [dreg:$0x2]  }
0x127: {  	s0 =	sadd.s32 @!p0 $0x100000, s0  }
0x128: {  	[sflag:s0] =	ssyncadd.tile.s32 @!p0 $0x1;
	_ =	shalt  }
.Lfunc_end2:
_tile_overlayer_lowered:
.L_overlay_start_2:
0x129: {  	(tag) =	ssettag $0x2  }
0x12a: {  	s0 =	rddreg [dreg:$0x0];
	s2 =	stileid.u32  }
0x12b: {  	s1 =	rddreg [dreg:$0x1];
	p0 =	sne.s32 s2, $0x0  }
0x12c: {  	s3 =	rddreg [dreg:$0x2];
	[bflag:$0x3] =	sbarrier.arrive $0xFFFF;
	s2 =	simm.s32 @!p0 $0x1C02  }
0x12d: {  	[timem:s3], [sflag:s2] =	dma.local @!p0 [hbm:s0], s1  }
0x12e: {  	s0 =	simm.s32 @!p0 $0x2  }
0x12f: {  	_ =	swait.ge @!p0 [sflag:s0], s1  }
0x130: {  	s1 =	ssub.s32 @!p0 $0x0, s1;
	[sflag:s0] =	ssyncset.done @!p0 $0x0  }
0x131: {  	[sflag:s0] =	ssyncadd.s32 @!p0 s1  }
0x132: {  	[bflag:$0x3] =	sbarrier.arrive $0xFFFF  }
0x133: {  	_ =	shalt  }

</sc_bundles>
